<compile_context>
chip_gen: v7x
topology: tpu7x:2x2x1
jax: 0.10.2.dev20260603
libtpu: 0.0.44.dev20260713+nightly
codegen_flags: <defaults>
</compile_context>

<pallas_src>
import functools

import jax
import jax.numpy as jnp
from jax import lax
from jax.experimental import pallas as pl
from jax.experimental.pallas import tpu as pltpu
from jax.experimental.pallas import tpu_sc as plsc

H = 224
W = 224
C = 96
B = 8
NPIX = H * W
NPLANES = B * C
NLANES = 16
NWORKERS = 32
WORKERS_PER_IMAGE = NWORKERS // B
CH_PER_WORKER = C // WORKERS_PER_IMAGE
CHUNKS_PER_ROW = W // NLANES
BLK_ROWS = 16
NBLK = H // BLK_ROWS
NBUF = 4
BLK_PX = BLK_ROWS * W
FMAX = NPIX - W - 2
P_UNROLL = 8
PLANE_PAD = W + 2 * NLANES


def _splat(vec, lane):
    return jnp.full((NLANES,), vec[lane], dtype=jnp.float32)


def _bf16_round(v):
    u = plsc.bitcast(v, jnp.uint32)
    r = (u + jnp.uint32(0x7FFF) + ((u >> jnp.uint32(16)) & jnp.uint32(1))) \
        & jnp.uint32(0xFFFF0000)
    return plsc.bitcast(r, jnp.float32)


def _affine_body(x_hbm, t_hbm, out_hbm, tv, f_v, plane_v,
                 ob0, ob1, ob2, ob3, sem0, sem1, sem2, sem3):
    cid = lax.axis_index("c")
    sid = lax.axis_index("s")
    wid = sid * 2 + cid
    b = wid // WORKERS_PER_IMAGE
    sub = wid % WORKERS_PER_IMAGE

    pltpu.sync_copy(t_hbm.at[b], tv)
    tvec = tv[...]

    i00 = _bf16_round(_splat(tvec, 0))
    i01 = _bf16_round(_splat(tvec, 1))
    i10 = _bf16_round(_splat(tvec, 2))
    i11 = _bf16_round(_splat(tvec, 3))
    ntx = _bf16_round(-_splat(tvec, 4))
    nty = _bf16_round(-_splat(tvec, 5))
    tpx = ntx * i00 + nty * i10
    tpy = ntx * i01 + nty * i11

    lim = jnp.float32(H - 2)
    zero = jnp.float32(0.0)
    cx0 = jnp.clip(tpx, zero, lim)
    cy0 = jnp.clip(tpy, zero, lim)
    dx0 = cx0 - cx0.astype(jnp.int32).astype(jnp.float32)
    dy0 = cy0 - cy0.astype(jnp.int32).astype(jnp.float32)
    w00 = (1.0 - dx0) * (1.0 - dy0)
    w10 = dx0 * (1.0 - dy0)
    w01 = (1.0 - dx0) * dy0
    w11 = dx0 * dy0

    lanes_f = lax.iota(jnp.int32, NLANES).astype(jnp.float32)

    def idx_row(y, carry):
        yf = jnp.full((NLANES,), y, dtype=jnp.int32).astype(jnp.float32)
        js = range(CHUNKS_PER_ROW)
        xfs = [lanes_f + jnp.float32(j * NLANES) for j in js]
        cxs = [jnp.clip((xfs[j] * i00 + yf * i10) + tpx, zero, lim) for j in js]
        cys = [jnp.clip((xfs[j] * i01 + yf * i11) + tpy, zero, lim) for j in js]
        fs = [jnp.clip(cys[j].astype(jnp.int32) * W + cxs[j].astype(jnp.int32),
                       0, FMAX) for j in js]
        for j in js:
            f_v[pl.ds(y * W + j * NLANES, NLANES)] = fs[j]
        return carry

    lax.fori_loop(0, H, idx_row, 0)

    out_bufs = (ob0, ob1, ob2, ob3)
    sems = (sem0, sem1, sem2, sem3)

    def chan_body(k, carry):
        plane = b * C + sub * CH_PER_WORKER + k
        pltpu.sync_copy(x_hbm.at[pl.ds(plane * NPIX, NPIX)],
                        plane_v.at[pl.ds(0, NPIX)])

        def p_body(m, carry2):
            bases = [(m * P_UNROLL + u) * NLANES for u in range(P_UNROLL)]
            a = [plane_v[pl.ds(o2, NLANES)] for o2 in bases]
            bb = [plane_v[pl.ds(o2 + 1, NLANES)] for o2 in bases]
            cc = [plane_v[pl.ds(o2 + W, NLANES)] for o2 in bases]
            dd = [plane_v[pl.ds(o2 + W + 1, NLANES)] for o2 in bases]
            vals = [w00 * a[u] + w10 * bb[u] + w01 * cc[u] + w11 * dd[u]
                    for u in range(P_UNROLL)]
            for u in range(P_UNROLL):
                plane_v[pl.ds(bases[u], NLANES)] = vals[u]
            return carry2

        lax.fori_loop(0, NPIX // (NLANES * P_UNROLL), p_body, 0)

        copies = [None] * NBUF
        for blk in range(NBLK):
            p = blk % NBUF
            buf = out_bufs[p]
            if copies[p] is not None:
                copies[p].wait()

            def blk_row(r, carry2):
                o = (blk * BLK_ROWS + r) * W
                fs = [f_v[pl.ds(o + j * NLANES, NLANES)]
                      for j in range(CHUNKS_PER_ROW)]
                gs = [plsc.load_gather(plane_v, [fs[j]])
                      for j in range(CHUNKS_PER_ROW)]
                for j in range(CHUNKS_PER_ROW):
                    buf[pl.ds(r * W + j * NLANES, NLANES)] = gs[j]
                return carry2

            lax.fori_loop(0, BLK_ROWS, blk_row, 0)
            copies[p] = pltpu.async_copy(
                buf,
                out_hbm.at[pl.ds(plane * NPIX + blk * BLK_PX, BLK_PX)],
                sems[p])
        for cp in copies:
            cp.wait()
        return carry

    lax.fori_loop(0, CH_PER_WORKER, chan_body, 0)


_affine_sc = functools.partial(
    pl.kernel,
    mesh=plsc.VectorSubcoreMesh(core_axis_name="c", subcore_axis_name="s"),
    out_type=jax.ShapeDtypeStruct((NPLANES * NPIX,), jnp.float32),
    compiler_params=pltpu.CompilerParams(needs_layout_passes=False),
    scratch_types=[
        pltpu.VMEM((NLANES,), jnp.float32),
        pltpu.VMEM((NPIX,), jnp.int32),
        pltpu.VMEM((NPIX + PLANE_PAD,), jnp.float32),
        pltpu.VMEM((BLK_PX,), jnp.float32),
        pltpu.VMEM((BLK_PX,), jnp.float32),
        pltpu.VMEM((BLK_PX,), jnp.float32),
        pltpu.VMEM((BLK_PX,), jnp.float32),
        pltpu.SemaphoreType.DMA,
        pltpu.SemaphoreType.DMA,
        pltpu.SemaphoreType.DMA,
        pltpu.SemaphoreType.DMA,
    ],
)(_affine_body)


@jax.jit
def kernel(x, transform):
    x2 = x.reshape(NPLANES * NPIX)
    ainv = jnp.linalg.inv(transform[:, :4].reshape(B, 2, 2))
    params = jnp.concatenate([ainv.reshape(B, 4), transform[:, 4:6]], axis=1)
    params = jnp.pad(params, ((0, 0), (0, NLANES - 6)))
    out = _affine_sc(x2, params)
    return out.reshape(x.shape)

# --- scband reference (transcript-rebuilt; emitter-appended) ---
"""Pipeline reference for scband-affine-transform-layer-90168543412829 (READ-ONLY COPY).

The authoritative reference and input builder live on the scoring server;
editing this copy changes nothing except your own understanding.
"""

import jax, jax.numpy as jnp
import numpy as np


def setup_inputs(seed: int = 0):
    key = jax.random.key(seed)
    k1, k2 = jax.random.split(key)
    x = jax.random.normal(k1, (8, 96, 224, 224), dtype=jnp.float32)
    transform = jax.random.normal(k2, (8, 6), dtype=jnp.float32)
    return {"x": x, "transform": transform}


def reference(x, transform):
    B = x.shape[0]
    h = w = x.shape[-1]
    # Build A from transform entries (row-major, matches torch assignment) and invert
    A = transform[:, :4].reshape(B, 2, 2)
    t = transform[:, 4:].reshape(B, 1, 2)
    A = jnp.linalg.inv(A)
    t = jnp.matmul(-t, A)
    # pixels enumerated as (x_, y) for x_ in range(w) for y in range(h)
    xs = jnp.arange(w, dtype=jnp.float32)
    ys = jnp.arange(h, dtype=jnp.float32)
    px, py = jnp.meshgrid(xs, ys, indexing='ij')
    pixels = jnp.stack([px.reshape(-1), py.reshape(-1)], axis=-1)  # [N, 2]
    N = pixels.shape[0]
    pixels_b = jnp.broadcast_to(pixels[None], (B, N, 2))
    output_pixels = jnp.matmul(pixels_b, A) + t
    cx = jnp.clip(output_pixels[..., 0], 0.0, float(h - 2))
    cy = jnp.clip(output_pixels[..., 1], 0.0, float(w - 2))
    # .long() truncation (values are >= 0 so same as floor)
    ix = cx.astype(jnp.int32)
    iy = cy.astype(jnp.int32)
    dx = cx - ix.astype(jnp.float32)
    dy = cy - iy.astype(jnp.float32)
    tgt_x = pixels[:, 0].astype(jnp.int32)
    tgt_y = pixels[:, 1].astype(jnp.int32)

    def per_image(img_i, ix_i, iy_i, dx0, dy0):
        # gathers: img[:, y_idx, x_idx] for the 4 bilinear corners
        g00 = img_i[:, iy_i, ix_i]          # min_min -> (x, y)
        g10 = img_i[:, iy_i, ix_i + 1]      # max_min -> (x+1, y)
        g01 = img_i[:, iy_i + 1, ix_i]      # min_max -> (x, y+1)
        g11 = img_i[:, iy_i + 1, ix_i + 1]  # max_max -> (x+1, y+1)
        # NOTE: original torch code uses scalar dx[i, 0], dy[i, 0] (first pixel's
        # fractional offsets) as weights for ALL pixels -- kept faithful here.
        vals = ((1.0 - dx0) * (1.0 - dy0) * g00
                + dx0 * (1.0 - dy0) * g10
                + (1.0 - dx0) * dy0 * g01
                + dx0 * dy0 * g11)
        return jnp.zeros_like(img_i).at[:, tgt_y, tgt_x].add(vals)

    out = jax.vmap(per_image)(x, ix, iy, dx[:, 0], dy[:, 0])
    return out

if __name__ == "__main__":
    import jax
    _d = setup_inputs()
    print(jax.jit(kernel)(*tuple(_d.values())))

</pallas_src>

<mosaic_0001>
#map = affine_map<(d0, d1) -> (0)>
#map1 = affine_map<(d0, d1) -> (0, 0)>
module attributes {stable_mosaic.version = 14 : i64} {
  func.func @_affine_body(%arg0: i32, %arg1: i32, %arg2: memref<38535168xf32, #tpu.memory_space<hbm>>, %arg3: memref<8x16xf32, #tpu.memory_space<hbm>>, %arg4: memref<38535168xf32, #tpu.memory_space<hbm>>, %arg5: memref<16xf32, #tpu.memory_space<vmem>>, %arg6: memref<50176xi32, #tpu.memory_space<vmem>>, %arg7: memref<50432xf32, #tpu.memory_space<vmem>>, %arg8: memref<3584xf32, #tpu.memory_space<vmem>>, %arg9: memref<3584xf32, #tpu.memory_space<vmem>>, %arg10: memref<3584xf32, #tpu.memory_space<vmem>>, %arg11: memref<3584xf32, #tpu.memory_space<vmem>>, %arg12: memref<!tpu.dma_semaphore, #tpu.memory_space<semaphore_mem>>, %arg13: memref<!tpu.dma_semaphore, #tpu.memory_space<semaphore_mem>>, %arg14: memref<!tpu.dma_semaphore, #tpu.memory_space<semaphore_mem>>, %arg15: memref<!tpu.dma_semaphore, #tpu.memory_space<semaphore_mem>>) attributes {dimension_semantics = [#tpu.dimension_semantics<core_parallel>, #tpu.dimension_semantics<subcore_parallel>], iteration_bounds = array<i64: 2, 16>, scalar_prefetch = 0 : i64, scratch_operands = 11 : i64, tpu.core_type = #tpu.core_type<sc_vector_subcore>, window_params = [{transform_indices = #map}, {transform_indices = #map1}, {transform_indices = #map}]} {
    %mul3A = arith.constant 2 : i32
    %mul3A_0 = arith.muli %arg1, %mul3A : i32
    %add3A = arith.addi %mul3A_0, %arg0 : i32
    %jit3A = arith.constant 4 : i32
    %div3A = arith.divsi %add3A, %jit3A : i32
    %sign3A = arith.constant 0 : i32
    %sign3A_1 = arith.cmpi sgt, %add3A, %sign3A : i32
    %sign3A_2 = arith.extui %sign3A_1 : i1 to i32
    %sign3A_3 = arith.constant 0 : i32
    %sign3A_4 = arith.cmpi slt, %add3A, %sign3A_3 : i32
    %sign3A_5 = arith.extui %sign3A_4 : i1 to i32
    %sign3A_6 = arith.subi %sign3A_2, %sign3A_5 : i32
    %sign3A_7 = arith.constant 0 : i32
    %sign3A_8 = arith.cmpi sgt, %jit3A, %sign3A_7 : i32
    %sign3A_9 = arith.extui %sign3A_8 : i1 to i32
    %sign3A_10 = arith.constant 0 : i32
    %sign3A_11 = arith.cmpi slt, %jit3A, %sign3A_10 : i32
    %sign3A_12 = arith.extui %sign3A_11 : i1 to i32
    %sign3A_13 = arith.subi %sign3A_9, %sign3A_12 : i32
    %ne3A = arith.cmpi ne, %sign3A_6, %sign3A_13 : i32
    %rem3A = arith.remsi %add3A, %jit3A : i32
    %ne3A_14 = arith.constant 0 : i32
    %ne3A_15 = arith.cmpi ne, %rem3A, %ne3A_14 : i32
    %and3A = arith.andi %ne3A, %ne3A_15 : i1
    %sub3A = arith.constant 1 : i32
    %sub3A_16 = arith.subi %div3A, %sub3A : i32
    %select_n3A = arith.select %and3A, %sub3A_16, %div3A : i32
    %jit3A_17 = arith.constant 4 : i32
    %eq3A = arith.constant 0 : i32
    %eq3A_18 = arith.cmpi eq, %jit3A_17, %eq3A : i32
    %jit3A_19 = arith.constant 1 : i32
    %select_n3A_20 = arith.select %eq3A_18, %jit3A_19, %jit3A_17 : i32
    %rem3A_21 = arith.remsi %add3A, %select_n3A_20 : i32
    %ne3A_22 = arith.constant 0 : i32
    %ne3A_23 = arith.cmpi ne, %rem3A_21, %ne3A_22 : i32
    %lt3A = arith.constant 0 : i32
    %lt3A_24 = arith.cmpi slt, %rem3A_21, %lt3A : i32
    %lt3A_25 = arith.constant 0 : i32
    %lt3A_26 = arith.cmpi slt, %select_n3A_20, %lt3A_25 : i32
    %ne3A_27 = arith.xori %lt3A_24, %lt3A_26 : i1
    %and3A_28 = arith.andi %ne3A_27, %ne3A_23 : i1
    %add3A_29 = arith.addi %rem3A_21, %select_n3A_20 : i32
    %select_n3A_30 = arith.select %and3A_28, %add3A_29, %rem3A_21 : i32
    "tpu.region"() ({
      %run_scoped3A = tpu.sem_alloc : memref<!tpu.dma_semaphore, #tpu.memory_space<semaphore_mem>>
      %dma_start3A = arith.constant 0 : i32
      %dma_start3A_191 = tpu.memref_slice %arg3[%select_n3A, %dma_start3A] : memref<8x16xf32, #tpu.memory_space<hbm>> -> memref<1x16xf32, #tpu.memory_space<hbm>>
      %dma_start3A_192 = tpu.memref_squeeze %dma_start3A_191 : memref<1x16xf32, #tpu.memory_space<hbm>> -> memref<16xf32, #tpu.memory_space<hbm>>
      %dma_start3A_193 = arith.constant 0 : i32
      %dma_start3A_194 = tpu.memref_slice %arg3[%select_n3A, %dma_start3A_193] : memref<8x16xf32, #tpu.memory_space<hbm>> -> memref<1x16xf32, #tpu.memory_space<hbm>>
      %dma_start3A_195 = tpu.memref_squeeze %dma_start3A_194 : memref<1x16xf32, #tpu.memory_space<hbm>> -> memref<16xf32, #tpu.memory_space<hbm>>
      tpu.enqueue_dma source(%dma_start3A_195 : memref<16xf32, #tpu.memory_space<hbm>>) target(%arg5 : memref<16xf32, #tpu.memory_space<vmem>>) target_semaphore(%run_scoped3A : memref<!tpu.dma_semaphore, #tpu.memory_space<semaphore_mem>>)
      %dma_wait3A = arith.constant 0 : i32
      %dma_wait3A_196 = tpu.memref_slice %arg3[%select_n3A, %dma_wait3A] : memref<8x16xf32, #tpu.memory_space<hbm>> -> memref<1x16xf32, #tpu.memory_space<hbm>>
      %dma_wait3A_197 = tpu.memref_squeeze %dma_wait3A_196 : memref<1x16xf32, #tpu.memory_space<hbm>> -> memref<16xf32, #tpu.memory_space<hbm>>
      %dma_wait3A_198 = arith.constant 0 : i32
      %dma_wait3A_199 = tpu.memref_slice %arg3[%select_n3A, %dma_wait3A_198] : memref<8x16xf32, #tpu.memory_space<hbm>> -> memref<1x16xf32, #tpu.memory_space<hbm>>
      %dma_wait3A_200 = tpu.memref_squeeze %dma_wait3A_199 : memref<1x16xf32, #tpu.memory_space<hbm>> -> memref<16xf32, #tpu.memory_space<hbm>>
      tpu.wait_dma2 semaphore(%run_scoped3A : memref<!tpu.dma_semaphore, #tpu.memory_space<semaphore_mem>>) src(%dma_wait3A_200 : memref<16xf32, #tpu.memory_space<hbm>>) dst(%arg5 : memref<16xf32, #tpu.memory_space<vmem>>)
      tpu.yield
    }) : () -> ()
    %get3A = arith.constant 0 : index
    %get3A_31 = tpu.vector_load %arg5[%get3A] {strides = array<i32>} : memref<16xf32, #tpu.memory_space<vmem>>, vector<16xf32>,
    %slice3A = vector.extract_strided_slice %get3A_31 {offsets = [0], sizes = [1], strides = [1]} : vector<16xf32> to vector<1xf32>
    %squeeze3A = vector.extract %slice3A[0] : f32 from vector<1xf32>
    %broadcast_in_dim3A = vector.broadcast %squeeze3A : f32 to vector<16xf32>
    %bitcast3A = vector.bitcast %broadcast_in_dim3A : vector<16xf32> to vector<16xi32>
    %add3A_32 = arith.constant 32767 : i32
    %add3A_33 = vector.broadcast %add3A_32 : i32 to vector<16xi32>
    %add3A_34 = arith.addi %bitcast3A, %add3A_33 : vector<16xi32>
    %shift_right_logical3A = arith.constant 16 : i32
    %shift_right_logical3A_35 = vector.broadcast %shift_right_logical3A : i32 to vector<16xi32>
    %shift_right_logical3A_36 = arith.shrui %bitcast3A, %shift_right_logical3A_35 : vector<16xi32>
    %and3A_37 = arith.constant 1 : i32
    %and3A_38 = vector.broadcast %and3A_37 : i32 to vector<16xi32>
    %and3A_39 = arith.andi %shift_right_logical3A_36, %and3A_38 : vector<16xi32>
    %add3A_40 = arith.addi %add3A_34, %and3A_39 : vector<16xi32>
    %and3A_41 = arith.constant -65536 : i32
    %and3A_42 = vector.broadcast %and3A_41 : i32 to vector<16xi32>
    %and3A_43 = arith.andi %add3A_40, %and3A_42 : vector<16xi32>
    %bitcast3A_44 = vector.bitcast %and3A_43 : vector<16xi32> to vector<16xf32>
    %slice3A_45 = vector.extract_strided_slice %get3A_31 {offsets = [1], sizes = [1], strides = [1]} : vector<16xf32> to vector<1xf32>
    %squeeze3A_46 = vector.extract %slice3A_45[0] : f32 from vector<1xf32>
    %broadcast_in_dim3A_47 = vector.broadcast %squeeze3A_46 : f32 to vector<16xf32>
    %bitcast3A_48 = vector.bitcast %broadcast_in_dim3A_47 : vector<16xf32> to vector<16xi32>
    %add3A_49 = arith.constant 32767 : i32
    %add3A_50 = vector.broadcast %add3A_49 : i32 to vector<16xi32>
    %add3A_51 = arith.addi %bitcast3A_48, %add3A_50 : vector<16xi32>
    %shift_right_logical3A_52 = arith.constant 16 : i32
    %shift_right_logical3A_53 = vector.broadcast %shift_right_logical3A_52 : i32 to vector<16xi32>
    %shift_right_logical3A_54 = arith.shrui %bitcast3A_48, %shift_right_logical3A_53 : vector<16xi32>
    %and3A_55 = arith.constant 1 : i32
    %and3A_56 = vector.broadcast %and3A_55 : i32 to vector<16xi32>
    %and3A_57 = arith.andi %shift_right_logical3A_54, %and3A_56 : vector<16xi32>
    %add3A_58 = arith.addi %add3A_51, %and3A_57 : vector<16xi32>
    %and3A_59 = arith.constant -65536 : i32
    %and3A_60 = vector.broadcast %and3A_59 : i32 to vector<16xi32>
    %and3A_61 = arith.andi %add3A_58, %and3A_60 : vector<16xi32>
    %bitcast3A_62 = vector.bitcast %and3A_61 : vector<16xi32> to vector<16xf32>
    %slice3A_63 = vector.extract_strided_slice %get3A_31 {offsets = [2], sizes = [1], strides = [1]} : vector<16xf32> to vector<1xf32>
    %squeeze3A_64 = vector.extract %slice3A_63[0] : f32 from vector<1xf32>
    %broadcast_in_dim3A_65 = vector.broadcast %squeeze3A_64 : f32 to vector<16xf32>
    %bitcast3A_66 = vector.bitcast %broadcast_in_dim3A_65 : vector<16xf32> to vector<16xi32>
    %add3A_67 = arith.constant 32767 : i32
    %add3A_68 = vector.broadcast %add3A_67 : i32 to vector<16xi32>
    %add3A_69 = arith.addi %bitcast3A_66, %add3A_68 : vector<16xi32>
    %shift_right_logical3A_70 = arith.constant 16 : i32
    %shift_right_logical3A_71 = vector.broadcast %shift_right_logical3A_70 : i32 to vector<16xi32>
    %shift_right_logical3A_72 = arith.shrui %bitcast3A_66, %shift_right_logical3A_71 : vector<16xi32>
    %and3A_73 = arith.constant 1 : i32
    %and3A_74 = vector.broadcast %and3A_73 : i32 to vector<16xi32>
    %and3A_75 = arith.andi %shift_right_logical3A_72, %and3A_74 : vector<16xi32>
    %add3A_76 = arith.addi %add3A_69, %and3A_75 : vector<16xi32>
    %and3A_77 = arith.constant -65536 : i32
    %and3A_78 = vector.broadcast %and3A_77 : i32 to vector<16xi32>
    %and3A_79 = arith.andi %add3A_76, %and3A_78 : vector<16xi32>
    %bitcast3A_80 = vector.bitcast %and3A_79 : vector<16xi32> to vector<16xf32>
    %slice3A_81 = vector.extract_strided_slice %get3A_31 {offsets = [3], sizes = [1], strides = [1]} : vector<16xf32> to vector<1xf32>
    %squeeze3A_82 = vector.extract %slice3A_81[0] : f32 from vector<1xf32>
    %broadcast_in_dim3A_83 = vector.broadcast %squeeze3A_82 : f32 to vector<16xf32>
    %bitcast3A_84 = vector.bitcast %broadcast_in_dim3A_83 : vector<16xf32> to vector<16xi32>
    %add3A_85 = arith.constant 32767 : i32
    %add3A_86 = vector.broadcast %add3A_85 : i32 to vector<16xi32>
    %add3A_87 = arith.addi %bitcast3A_84, %add3A_86 : vector<16xi32>
    %shift_right_logical3A_88 = arith.constant 16 : i32
    %shift_right_logical3A_89 = vector.broadcast %shift_right_logical3A_88 : i32 to vector<16xi32>
    %shift_right_logical3A_90 = arith.shrui %bitcast3A_84, %shift_right_logical3A_89 : vector<16xi32>
    %and3A_91 = arith.constant 1 : i32
    %and3A_92 = vector.broadcast %and3A_91 : i32 to vector<16xi32>
    %and3A_93 = arith.andi %shift_right_logical3A_90, %and3A_92 : vector<16xi32>
    %add3A_94 = arith.addi %add3A_87, %and3A_93 : vector<16xi32>
    %and3A_95 = arith.constant -65536 : i32
    %and3A_96 = vector.broadcast %and3A_95 : i32 to vector<16xi32>
    %and3A_97 = arith.andi %add3A_94, %and3A_96 : vector<16xi32>
    %bitcast3A_98 = vector.bitcast %and3A_97 : vector<16xi32> to vector<16xf32>
    %slice3A_99 = vector.extract_strided_slice %get3A_31 {offsets = [4], sizes = [1], strides = [1]} : vector<16xf32> to vector<1xf32>
    %squeeze3A_100 = vector.extract %slice3A_99[0] : f32 from vector<1xf32>
    %broadcast_in_dim3A_101 = vector.broadcast %squeeze3A_100 : f32 to vector<16xf32>
    %neg3A = arith.constant 0.000000e+00 : f32
    %neg3A_102 = vector.broadcast %neg3A : f32 to vector<16xf32>
    %neg3A_103 = arith.subf %neg3A_102, %broadcast_in_dim3A_101 : vector<16xf32>
    %bitcast3A_104 = vector.bitcast %neg3A_103 : vector<16xf32> to vector<16xi32>
    %add3A_105 = arith.constant 32767 : i32
    %add3A_106 = vector.broadcast %add3A_105 : i32 to vector<16xi32>
    %add3A_107 = arith.addi %bitcast3A_104, %add3A_106 : vector<16xi32>
    %shift_right_logical3A_108 = arith.constant 16 : i32
    %shift_right_logical3A_109 = vector.broadcast %shift_right_logical3A_108 : i32 to vector<16xi32>
    %shift_right_logical3A_110 = arith.shrui %bitcast3A_104, %shift_right_logical3A_109 : vector<16xi32>
    %and3A_111 = arith.constant 1 : i32
    %and3A_112 = vector.broadcast %and3A_111 : i32 to vector<16xi32>
    %and3A_113 = arith.andi %shift_right_logical3A_110, %and3A_112 : vector<16xi32>
    %add3A_114 = arith.addi %add3A_107, %and3A_113 : vector<16xi32>
    %and3A_115 = arith.constant -65536 : i32
    %and3A_116 = vector.broadcast %and3A_115 : i32 to vector<16xi32>
    %and3A_117 = arith.andi %add3A_114, %and3A_116 : vector<16xi32>
    %bitcast3A_118 = vector.bitcast %and3A_117 : vector<16xi32> to vector<16xf32>
    %slice3A_119 = vector.extract_strided_slice %get3A_31 {offsets = [5], sizes = [1], strides = [1]} : vector<16xf32> to vector<1xf32>
    %squeeze3A_120 = vector.extract %slice3A_119[0] : f32 from vector<1xf32>
    %broadcast_in_dim3A_121 = vector.broadcast %squeeze3A_120 : f32 to vector<16xf32>
    %neg3A_122 = arith.constant 0.000000e+00 : f32
    %neg3A_123 = vector.broadcast %neg3A_122 : f32 to vector<16xf32>
    %neg3A_124 = arith.subf %neg3A_123, %broadcast_in_dim3A_121 : vector<16xf32>
    %bitcast3A_125 = vector.bitcast %neg3A_124 : vector<16xf32> to vector<16xi32>
    %add3A_126 = arith.constant 32767 : i32
    %add3A_127 = vector.broadcast %add3A_126 : i32 to vector<16xi32>
    %add3A_128 = arith.addi %bitcast3A_125, %add3A_127 : vector<16xi32>
    %shift_right_logical3A_129 = arith.constant 16 : i32
    %shift_right_logical3A_130 = vector.broadcast %shift_right_logical3A_129 : i32 to vector<16xi32>
    %shift_right_logical3A_131 = arith.shrui %bitcast3A_125, %shift_right_logical3A_130 : vector<16xi32>
    %and3A_132 = arith.constant 1 : i32
    %and3A_133 = vector.broadcast %and3A_132 : i32 to vector<16xi32>
    %and3A_134 = arith.andi %shift_right_logical3A_131, %and3A_133 : vector<16xi32>
    %add3A_135 = arith.addi %add3A_128, %and3A_134 : vector<16xi32>
    %and3A_136 = arith.constant -65536 : i32
    %and3A_137 = vector.broadcast %and3A_136 : i32 to vector<16xi32>
    %and3A_138 = arith.andi %add3A_135, %and3A_137 : vector<16xi32>
    %bitcast3A_139 = vector.bitcast %and3A_138 : vector<16xi32> to vector<16xf32>
    %mul3A_140 = arith.mulf %bitcast3A_118, %bitcast3A_44 : vector<16xf32>
    %mul3A_141 = arith.mulf %bitcast3A_139, %bitcast3A_80 : vector<16xf32>
    %add3A_142 = arith.addf %mul3A_140, %mul3A_141 : vector<16xf32>
    %mul3A_143 = arith.mulf %bitcast3A_118, %bitcast3A_62 : vector<16xf32>
    %mul3A_144 = arith.mulf %bitcast3A_139, %bitcast3A_98 : vector<16xf32>
    %add3A_145 = arith.addf %mul3A_143, %mul3A_144 : vector<16xf32>
    %jit3A_146 = arith.constant 0.000000e+00 : f32
    %jit3A_147 = arith.constant 2.220000e+02 : f32
    %max3A = vector.broadcast %jit3A_146 : f32 to vector<16xf32>
    %max3A_148 = arith.maximumf %max3A, %add3A_142 : vector<16xf32>
    %min3A = vector.broadcast %jit3A_147 : f32 to vector<16xf32>
    %min3A_149 = arith.minimumf %min3A, %max3A_148 : vector<16xf32>
    %jit3A_150 = arith.constant 0.000000e+00 : f32
    %jit3A_151 = arith.constant 2.220000e+02 : f32
    %max3A_152 = vector.broadcast %jit3A_150 : f32 to vector<16xf32>
    %max3A_153 = arith.maximumf %max3A_152, %add3A_145 : vector<16xf32>
    %min3A_154 = vector.broadcast %jit3A_151 : f32 to vector<16xf32>
    %min3A_155 = arith.minimumf %min3A_154, %max3A_153 : vector<16xf32>
    %convert_element_type3A = arith.fptosi %min3A_149 : vector<16xf32> to vector<16xi32>
    %convert_element_type3A_156 = arith.sitofp %convert_element_type3A : vector<16xi32> to vector<16xf32>
    %sub3A_157 = arith.subf %min3A_149, %convert_element_type3A_156 : vector<16xf32>
    %convert_element_type3A_158 = arith.fptosi %min3A_155 : vector<16xf32> to vector<16xi32>
    %convert_element_type3A_159 = arith.sitofp %convert_element_type3A_158 : vector<16xi32> to vector<16xf32>
    %sub3A_160 = arith.subf %min3A_155, %convert_element_type3A_159 : vector<16xf32>
    %sub3A_161 = arith.constant 1.000000e+00 : f32
    %sub3A_162 = vector.broadcast %sub3A_161 : f32 to vector<16xf32>
    %sub3A_163 = arith.subf %sub3A_162, %sub3A_157 : vector<16xf32>
    %sub3A_164 = arith.constant 1.000000e+00 : f32
    %sub3A_165 = vector.broadcast %sub3A_164 : f32 to vector<16xf32>
    %sub3A_166 = arith.subf %sub3A_165, %sub3A_160 : vector<16xf32>
    %mul3A_167 = arith.mulf %sub3A_163, %sub3A_166 : vector<16xf32>
    %sub3A_168 = arith.constant 1.000000e+00 : f32
    %sub3A_169 = vector.broadcast %sub3A_168 : f32 to vector<16xf32>
    %sub3A_170 = arith.subf %sub3A_169, %sub3A_160 : vector<16xf32>
    %mul3A_171 = arith.mulf %sub3A_157, %sub3A_170 : vector<16xf32>
    %sub3A_172 = arith.constant 1.000000e+00 : f32
    %sub3A_173 = vector.broadcast %sub3A_172 : f32 to vector<16xf32>
    %sub3A_174 = arith.subf %sub3A_173, %sub3A_157 : vector<16xf32>
    %mul3A_175 = arith.mulf %sub3A_174, %sub3A_160 : vector<16xf32>
    %mul3A_176 = arith.mulf %sub3A_157, %sub3A_160 : vector<16xf32>
    %iota3A = tpu.iota {dimensions = array<i32: 0>} : vector<16xi32>
    %convert_element_type3A_177 = arith.sitofp %iota3A : vector<16xi32> to vector<16xf32>
    %scan3A = arith.constant 0 : i32
    %scan3A_178 = arith.constant 0.000000e+00 : f32
    %scan3A_179 = arith.constant 2.220000e+02 : f32
    %scan3A_180 = arith.constant 0 : i32
    %scan3A_181 = arith.constant 224 : i32
    %scan3A_182 = arith.addi %scan3A_180, %scan3A_181 : i32
    %scan3A_183 = arith.constant 1 : i32
    scf.for %scan3A_191 = %scan3A_180 to %scan3A_182 step %scan3A_183  : i32 {
      %broadcast_in_dim3A_192 = vector.broadcast %scan3A_191 : i32 to vector<16xi32>
      %convert_element_type3A_193 = arith.sitofp %broadcast_in_dim3A_192 : vector<16xi32> to vector<16xf32>
      %add3A_194 = arith.constant 0.000000e+00 : f32
      %add3A_195 = vector.broadcast %add3A_194 : f32 to vector<16xf32>
      %add3A_196 = arith.addf %convert_element_type3A_177, %add3A_195 : vector<16xf32>
      %add3A_197 = arith.constant 1.600000e+01 : f32
      %add3A_198 = vector.broadcast %add3A_197 : f32 to vector<16xf32>
      %add3A_199 = arith.addf %convert_element_type3A_177, %add3A_198 : vector<16xf32>
      %add3A_200 = arith.constant 3.200000e+01 : f32
      %add3A_201 = vector.broadcast %add3A_200 : f32 to vector<16xf32>
      %add3A_202 = arith.addf %convert_element_type3A_177, %add3A_201 : vector<16xf32>
      %add3A_203 = arith.constant 4.800000e+01 : f32
      %add3A_204 = vector.broadcast %add3A_203 : f32 to vector<16xf32>
      %add3A_205 = arith.addf %convert_element_type3A_177, %add3A_204 : vector<16xf32>
      %add3A_206 = arith.constant 6.400000e+01 : f32
      %add3A_207 = vector.broadcast %add3A_206 : f32 to vector<16xf32>
      %add3A_208 = arith.addf %convert_element_type3A_177, %add3A_207 : vector<16xf32>
      %add3A_209 = arith.constant 8.000000e+01 : f32
      %add3A_210 = vector.broadcast %add3A_209 : f32 to vector<16xf32>
      %add3A_211 = arith.addf %convert_element_type3A_177, %add3A_210 : vector<16xf32>
      %add3A_212 = arith.constant 9.600000e+01 : f32
      %add3A_213 = vector.broadcast %add3A_212 : f32 to vector<16xf32>
      %add3A_214 = arith.addf %convert_element_type3A_177, %add3A_213 : vector<16xf32>
      %add3A_215 = arith.constant 1.120000e+02 : f32
      %add3A_216 = vector.broadcast %add3A_215 : f32 to vector<16xf32>
      %add3A_217 = arith.addf %convert_element_type3A_177, %add3A_216 : vector<16xf32>
      %add3A_218 = arith.constant 1.280000e+02 : f32
      %add3A_219 = vector.broadcast %add3A_218 : f32 to vector<16xf32>
      %add3A_220 = arith.addf %convert_element_type3A_177, %add3A_219 : vector<16xf32>
      %add3A_221 = arith.constant 1.440000e+02 : f32
      %add3A_222 = vector.broadcast %add3A_221 : f32 to vector<16xf32>
      %add3A_223 = arith.addf %convert_element_type3A_177, %add3A_222 : vector<16xf32>
      %add3A_224 = arith.constant 1.600000e+02 : f32
      %add3A_225 = vector.broadcast %add3A_224 : f32 to vector<16xf32>
      %add3A_226 = arith.addf %convert_element_type3A_177, %add3A_225 : vector<16xf32>
      %add3A_227 = arith.constant 1.760000e+02 : f32
      %add3A_228 = vector.broadcast %add3A_227 : f32 to vector<16xf32>
      %add3A_229 = arith.addf %convert_element_type3A_177, %add3A_228 : vector<16xf32>
      %add3A_230 = arith.constant 1.920000e+02 : f32
      %add3A_231 = vector.broadcast %add3A_230 : f32 to vector<16xf32>
      %add3A_232 = arith.addf %convert_element_type3A_177, %add3A_231 : vector<16xf32>
      %add3A_233 = arith.constant 2.080000e+02 : f32
      %add3A_234 = vector.broadcast %add3A_233 : f32 to vector<16xf32>
      %add3A_235 = arith.addf %convert_element_type3A_177, %add3A_234 : vector<16xf32>
      %mul3A_236 = arith.mulf %add3A_196, %bitcast3A_44 : vector<16xf32>
      %mul3A_237 = arith.mulf %convert_element_type3A_193, %bitcast3A_80 : vector<16xf32>
      %add3A_238 = arith.addf %mul3A_236, %mul3A_237 : vector<16xf32>
      %add3A_239 = arith.addf %add3A_238, %add3A_142 : vector<16xf32>
      %max3A_240 = vector.broadcast %scan3A_178 : f32 to vector<16xf32>
      %max3A_241 = arith.maximumf %max3A_240, %add3A_239 : vector<16xf32>
      %min3A_242 = vector.broadcast %scan3A_179 : f32 to vector<16xf32>
      %min3A_243 = arith.minimumf %min3A_242, %max3A_241 : vector<16xf32>
      %mul3A_244 = arith.mulf %add3A_199, %bitcast3A_44 : vector<16xf32>
      %mul3A_245 = arith.mulf %convert_element_type3A_193, %bitcast3A_80 : vector<16xf32>
      %add3A_246 = arith.addf %mul3A_244, %mul3A_245 : vector<16xf32>
      %add3A_247 = arith.addf %add3A_246, %add3A_142 : vector<16xf32>
      %max3A_248 = vector.broadcast %scan3A_178 : f32 to vector<16xf32>
      %max3A_249 = arith.maximumf %max3A_248, %add3A_247 : vector<16xf32>
      %min3A_250 = vector.broadcast %scan3A_179 : f32 to vector<16xf32>
      %min3A_251 = arith.minimumf %min3A_250, %max3A_249 : vector<16xf32>
      %mul3A_252 = arith.mulf %add3A_202, %bitcast3A_44 : vector<16xf32>
      %mul3A_253 = arith.mulf %convert_element_type3A_193, %bitcast3A_80 : vector<16xf32>
      %add3A_254 = arith.addf %mul3A_252, %mul3A_253 : vector<16xf32>
      %add3A_255 = arith.addf %add3A_254, %add3A_142 : vector<16xf32>
      %max3A_256 = vector.broadcast %scan3A_178 : f32 to vector<16xf32>
      %max3A_257 = arith.maximumf %max3A_256, %add3A_255 : vector<16xf32>
      %min3A_258 = vector.broadcast %scan3A_179 : f32 to vector<16xf32>
      %min3A_259 = arith.minimumf %min3A_258, %max3A_257 : vector<16xf32>
      %mul3A_260 = arith.mulf %add3A_205, %bitcast3A_44 : vector<16xf32>
      %mul3A_261 = arith.mulf %convert_element_type3A_193, %bitcast3A_80 : vector<16xf32>
      %add3A_262 = arith.addf %mul3A_260, %mul3A_261 : vector<16xf32>
      %add3A_263 = arith.addf %add3A_262, %add3A_142 : vector<16xf32>
      %max3A_264 = vector.broadcast %scan3A_178 : f32 to vector<16xf32>
      %max3A_265 = arith.maximumf %max3A_264, %add3A_263 : vector<16xf32>
      %min3A_266 = vector.broadcast %scan3A_179 : f32 to vector<16xf32>
      %min3A_267 = arith.minimumf %min3A_266, %max3A_265 : vector<16xf32>
      %mul3A_268 = arith.mulf %add3A_208, %bitcast3A_44 : vector<16xf32>
      %mul3A_269 = arith.mulf %convert_element_type3A_193, %bitcast3A_80 : vector<16xf32>
      %add3A_270 = arith.addf %mul3A_268, %mul3A_269 : vector<16xf32>
      %add3A_271 = arith.addf %add3A_270, %add3A_142 : vector<16xf32>
      %max3A_272 = vector.broadcast %scan3A_178 : f32 to vector<16xf32>
      %max3A_273 = arith.maximumf %max3A_272, %add3A_271 : vector<16xf32>
      %min3A_274 = vector.broadcast %scan3A_179 : f32 to vector<16xf32>
      %min3A_275 = arith.minimumf %min3A_274, %max3A_273 : vector<16xf32>
      %mul3A_276 = arith.mulf %add3A_211, %bitcast3A_44 : vector<16xf32>
      %mul3A_277 = arith.mulf %convert_element_type3A_193, %bitcast3A_80 : vector<16xf32>
      %add3A_278 = arith.addf %mul3A_276, %mul3A_277 : vector<16xf32>
      %add3A_279 = arith.addf %add3A_278, %add3A_142 : vector<16xf32>
      %max3A_280 = vector.broadcast %scan3A_178 : f32 to vector<16xf32>
      %max3A_281 = arith.maximumf %max3A_280, %add3A_279 : vector<16xf32>
      %min3A_282 = vector.broadcast %scan3A_179 : f32 to vector<16xf32>
      %min3A_283 = arith.minimumf %min3A_282, %max3A_281 : vector<16xf32>
      %mul3A_284 = arith.mulf %add3A_214, %bitcast3A_44 : vector<16xf32>
      %mul3A_285 = arith.mulf %convert_element_type3A_193, %bitcast3A_80 : vector<16xf32>
      %add3A_286 = arith.addf %mul3A_284, %mul3A_285 : vector<16xf32>
      %add3A_287 = arith.addf %add3A_286, %add3A_142 : vector<16xf32>
      %max3A_288 = vector.broadcast %scan3A_178 : f32 to vector<16xf32>
      %max3A_289 = arith.maximumf %max3A_288, %add3A_287 : vector<16xf32>
      %min3A_290 = vector.broadcast %scan3A_179 : f32 to vector<16xf32>
      %min3A_291 = arith.minimumf %min3A_290, %max3A_289 : vector<16xf32>
      %mul3A_292 = arith.mulf %add3A_217, %bitcast3A_44 : vector<16xf32>
      %mul3A_293 = arith.mulf %convert_element_type3A_193, %bitcast3A_80 : vector<16xf32>
      %add3A_294 = arith.addf %mul3A_292, %mul3A_293 : vector<16xf32>
      %add3A_295 = arith.addf %add3A_294, %add3A_142 : vector<16xf32>
      %max3A_296 = vector.broadcast %scan3A_178 : f32 to vector<16xf32>
      %max3A_297 = arith.maximumf %max3A_296, %add3A_295 : vector<16xf32>
      %min3A_298 = vector.broadcast %scan3A_179 : f32 to vector<16xf32>
      %min3A_299 = arith.minimumf %min3A_298, %max3A_297 : vector<16xf32>
      %mul3A_300 = arith.mulf %add3A_220, %bitcast3A_44 : vector<16xf32>
      %mul3A_301 = arith.mulf %convert_element_type3A_193, %bitcast3A_80 : vector<16xf32>
      %add3A_302 = arith.addf %mul3A_300, %mul3A_301 : vector<16xf32>
      %add3A_303 = arith.addf %add3A_302, %add3A_142 : vector<16xf32>
      %max3A_304 = vector.broadcast %scan3A_178 : f32 to vector<16xf32>
      %max3A_305 = arith.maximumf %max3A_304, %add3A_303 : vector<16xf32>
      %min3A_306 = vector.broadcast %scan3A_179 : f32 to vector<16xf32>
      %min3A_307 = arith.minimumf %min3A_306, %max3A_305 : vector<16xf32>
      %mul3A_308 = arith.mulf %add3A_223, %bitcast3A_44 : vector<16xf32>
      %mul3A_309 = arith.mulf %convert_element_type3A_193, %bitcast3A_80 : vector<16xf32>
      %add3A_310 = arith.addf %mul3A_308, %mul3A_309 : vector<16xf32>
      %add3A_311 = arith.addf %add3A_310, %add3A_142 : vector<16xf32>
      %max3A_312 = vector.broadcast %scan3A_178 : f32 to vector<16xf32>
      %max3A_313 = arith.maximumf %max3A_312, %add3A_311 : vector<16xf32>
      %min3A_314 = vector.broadcast %scan3A_179 : f32 to vector<16xf32>
      %min3A_315 = arith.minimumf %min3A_314, %max3A_313 : vector<16xf32>
      %mul3A_316 = arith.mulf %add3A_226, %bitcast3A_44 : vector<16xf32>
      %mul3A_317 = arith.mulf %convert_element_type3A_193, %bitcast3A_80 : vector<16xf32>
      %add3A_318 = arith.addf %mul3A_316, %mul3A_317 : vector<16xf32>
      %add3A_319 = arith.addf %add3A_318, %add3A_142 : vector<16xf32>
      %max3A_320 = vector.broadcast %scan3A_178 : f32 to vector<16xf32>
      %max3A_321 = arith.maximumf %max3A_320, %add3A_319 : vector<16xf32>
      %min3A_322 = vector.broadcast %scan3A_179 : f32 to vector<16xf32>
      %min3A_323 = arith.minimumf %min3A_322, %max3A_321 : vector<16xf32>
      %mul3A_324 = arith.mulf %add3A_229, %bitcast3A_44 : vector<16xf32>
      %mul3A_325 = arith.mulf %convert_element_type3A_193, %bitcast3A_80 : vector<16xf32>
      %add3A_326 = arith.addf %mul3A_324, %mul3A_325 : vector<16xf32>
      %add3A_327 = arith.addf %add3A_326, %add3A_142 : vector<16xf32>
      %max3A_328 = vector.broadcast %scan3A_178 : f32 to vector<16xf32>
      %max3A_329 = arith.maximumf %max3A_328, %add3A_327 : vector<16xf32>
      %min3A_330 = vector.broadcast %scan3A_179 : f32 to vector<16xf32>
      %min3A_331 = arith.minimumf %min3A_330, %max3A_329 : vector<16xf32>
      %mul3A_332 = arith.mulf %add3A_232, %bitcast3A_44 : vector<16xf32>
      %mul3A_333 = arith.mulf %convert_element_type3A_193, %bitcast3A_80 : vector<16xf32>
      %add3A_334 = arith.addf %mul3A_332, %mul3A_333 : vector<16xf32>
      %add3A_335 = arith.addf %add3A_334, %add3A_142 : vector<16xf32>
      %max3A_336 = vector.broadcast %scan3A_178 : f32 to vector<16xf32>
      %max3A_337 = arith.maximumf %max3A_336, %add3A_335 : vector<16xf32>
      %min3A_338 = vector.broadcast %scan3A_179 : f32 to vector<16xf32>
      %min3A_339 = arith.minimumf %min3A_338, %max3A_337 : vector<16xf32>
      %mul3A_340 = arith.mulf %add3A_235, %bitcast3A_44 : vector<16xf32>
      %mul3A_341 = arith.mulf %convert_element_type3A_193, %bitcast3A_80 : vector<16xf32>
      %add3A_342 = arith.addf %mul3A_340, %mul3A_341 : vector<16xf32>
      %add3A_343 = arith.addf %add3A_342, %add3A_142 : vector<16xf32>
      %max3A_344 = vector.broadcast %scan3A_178 : f32 to vector<16xf32>
      %max3A_345 = arith.maximumf %max3A_344, %add3A_343 : vector<16xf32>
      %min3A_346 = vector.broadcast %scan3A_179 : f32 to vector<16xf32>
      %min3A_347 = arith.minimumf %min3A_346, %max3A_345 : vector<16xf32>
      %mul3A_348 = arith.mulf %add3A_196, %bitcast3A_62 : vector<16xf32>
      %mul3A_349 = arith.mulf %convert_element_type3A_193, %bitcast3A_98 : vector<16xf32>
      %add3A_350 = arith.addf %mul3A_348, %mul3A_349 : vector<16xf32>
      %add3A_351 = arith.addf %add3A_350, %add3A_145 : vector<16xf32>
      %max3A_352 = vector.broadcast %scan3A_178 : f32 to vector<16xf32>
      %max3A_353 = arith.maximumf %max3A_352, %add3A_351 : vector<16xf32>
      %min3A_354 = vector.broadcast %scan3A_179 : f32 to vector<16xf32>
      %min3A_355 = arith.minimumf %min3A_354, %max3A_353 : vector<16xf32>
      %mul3A_356 = arith.mulf %add3A_199, %bitcast3A_62 : vector<16xf32>
      %mul3A_357 = arith.mulf %convert_element_type3A_193, %bitcast3A_98 : vector<16xf32>
      %add3A_358 = arith.addf %mul3A_356, %mul3A_357 : vector<16xf32>
      %add3A_359 = arith.addf %add3A_358, %add3A_145 : vector<16xf32>
      %max3A_360 = vector.broadcast %scan3A_178 : f32 to vector<16xf32>
      %max3A_361 = arith.maximumf %max3A_360, %add3A_359 : vector<16xf32>
      %min3A_362 = vector.broadcast %scan3A_179 : f32 to vector<16xf32>
      %min3A_363 = arith.minimumf %min3A_362, %max3A_361 : vector<16xf32>
      %mul3A_364 = arith.mulf %add3A_202, %bitcast3A_62 : vector<16xf32>
      %mul3A_365 = arith.mulf %convert_element_type3A_193, %bitcast3A_98 : vector<16xf32>
      %add3A_366 = arith.addf %mul3A_364, %mul3A_365 : vector<16xf32>
      %add3A_367 = arith.addf %add3A_366, %add3A_145 : vector<16xf32>
      %max3A_368 = vector.broadcast %scan3A_178 : f32 to vector<16xf32>
      %max3A_369 = arith.maximumf %max3A_368, %add3A_367 : vector<16xf32>
      %min3A_370 = vector.broadcast %scan3A_179 : f32 to vector<16xf32>
      %min3A_371 = arith.minimumf %min3A_370, %max3A_369 : vector<16xf32>
      %mul3A_372 = arith.mulf %add3A_205, %bitcast3A_62 : vector<16xf32>
      %mul3A_373 = arith.mulf %convert_element_type3A_193, %bitcast3A_98 : vector<16xf32>
      %add3A_374 = arith.addf %mul3A_372, %mul3A_373 : vector<16xf32>
      %add3A_375 = arith.addf %add3A_374, %add3A_145 : vector<16xf32>
      %max3A_376 = vector.broadcast %scan3A_178 : f32 to vector<16xf32>
      %max3A_377 = arith.maximumf %max3A_376, %add3A_375 : vector<16xf32>
      %min3A_378 = vector.broadcast %scan3A_179 : f32 to vector<16xf32>
      %min3A_379 = arith.minimumf %min3A_378, %max3A_377 : vector<16xf32>
      %mul3A_380 = arith.mulf %add3A_208, %bitcast3A_62 : vector<16xf32>
      %mul3A_381 = arith.mulf %convert_element_type3A_193, %bitcast3A_98 : vector<16xf32>
      %add3A_382 = arith.addf %mul3A_380, %mul3A_381 : vector<16xf32>
      %add3A_383 = arith.addf %add3A_382, %add3A_145 : vector<16xf32>
      %max3A_384 = vector.broadcast %scan3A_178 : f32 to vector<16xf32>
      %max3A_385 = arith.maximumf %max3A_384, %add3A_383 : vector<16xf32>
      %min3A_386 = vector.broadcast %scan3A_179 : f32 to vector<16xf32>
      %min3A_387 = arith.minimumf %min3A_386, %max3A_385 : vector<16xf32>
      %mul3A_388 = arith.mulf %add3A_211, %bitcast3A_62 : vector<16xf32>
      %mul3A_389 = arith.mulf %convert_element_type3A_193, %bitcast3A_98 : vector<16xf32>
      %add3A_390 = arith.addf %mul3A_388, %mul3A_389 : vector<16xf32>
      %add3A_391 = arith.addf %add3A_390, %add3A_145 : vector<16xf32>
      %max3A_392 = vector.broadcast %scan3A_178 : f32 to vector<16xf32>
      %max3A_393 = arith.maximumf %max3A_392, %add3A_391 : vector<16xf32>
      %min3A_394 = vector.broadcast %scan3A_179 : f32 to vector<16xf32>
      %min3A_395 = arith.minimumf %min3A_394, %max3A_393 : vector<16xf32>
      %mul3A_396 = arith.mulf %add3A_214, %bitcast3A_62 : vector<16xf32>
      %mul3A_397 = arith.mulf %convert_element_type3A_193, %bitcast3A_98 : vector<16xf32>
      %add3A_398 = arith.addf %mul3A_396, %mul3A_397 : vector<16xf32>
      %add3A_399 = arith.addf %add3A_398, %add3A_145 : vector<16xf32>
      %max3A_400 = vector.broadcast %scan3A_178 : f32 to vector<16xf32>
      %max3A_401 = arith.maximumf %max3A_400, %add3A_399 : vector<16xf32>
      %min3A_402 = vector.broadcast %scan3A_179 : f32 to vector<16xf32>
      %min3A_403 = arith.minimumf %min3A_402, %max3A_401 : vector<16xf32>
      %mul3A_404 = arith.mulf %add3A_217, %bitcast3A_62 : vector<16xf32>
      %mul3A_405 = arith.mulf %convert_element_type3A_193, %bitcast3A_98 : vector<16xf32>
      %add3A_406 = arith.addf %mul3A_404, %mul3A_405 : vector<16xf32>
      %add3A_407 = arith.addf %add3A_406, %add3A_145 : vector<16xf32>
      %max3A_408 = vector.broadcast %scan3A_178 : f32 to vector<16xf32>
      %max3A_409 = arith.maximumf %max3A_408, %add3A_407 : vector<16xf32>
      %min3A_410 = vector.broadcast %scan3A_179 : f32 to vector<16xf32>
      %min3A_411 = arith.minimumf %min3A_410, %max3A_409 : vector<16xf32>
      %mul3A_412 = arith.mulf %add3A_220, %bitcast3A_62 : vector<16xf32>
      %mul3A_413 = arith.mulf %convert_element_type3A_193, %bitcast3A_98 : vector<16xf32>
      %add3A_414 = arith.addf %mul3A_412, %mul3A_413 : vector<16xf32>
      %add3A_415 = arith.addf %add3A_414, %add3A_145 : vector<16xf32>
      %max3A_416 = vector.broadcast %scan3A_178 : f32 to vector<16xf32>
      %max3A_417 = arith.maximumf %max3A_416, %add3A_415 : vector<16xf32>
      %min3A_418 = vector.broadcast %scan3A_179 : f32 to vector<16xf32>
      %min3A_419 = arith.minimumf %min3A_418, %max3A_417 : vector<16xf32>
      %mul3A_420 = arith.mulf %add3A_223, %bitcast3A_62 : vector<16xf32>
      %mul3A_421 = arith.mulf %convert_element_type3A_193, %bitcast3A_98 : vector<16xf32>
      %add3A_422 = arith.addf %mul3A_420, %mul3A_421 : vector<16xf32>
      %add3A_423 = arith.addf %add3A_422, %add3A_145 : vector<16xf32>
      %max3A_424 = vector.broadcast %scan3A_178 : f32 to vector<16xf32>
      %max3A_425 = arith.maximumf %max3A_424, %add3A_423 : vector<16xf32>
      %min3A_426 = vector.broadcast %scan3A_179 : f32 to vector<16xf32>
      %min3A_427 = arith.minimumf %min3A_426, %max3A_425 : vector<16xf32>
      %mul3A_428 = arith.mulf %add3A_226, %bitcast3A_62 : vector<16xf32>
      %mul3A_429 = arith.mulf %convert_element_type3A_193, %bitcast3A_98 : vector<16xf32>
      %add3A_430 = arith.addf %mul3A_428, %mul3A_429 : vector<16xf32>
      %add3A_431 = arith.addf %add3A_430, %add3A_145 : vector<16xf32>
      %max3A_432 = vector.broadcast %scan3A_178 : f32 to vector<16xf32>
      %max3A_433 = arith.maximumf %max3A_432, %add3A_431 : vector<16xf32>
      %min3A_434 = vector.broadcast %scan3A_179 : f32 to vector<16xf32>
      %min3A_435 = arith.minimumf %min3A_434, %max3A_433 : vector<16xf32>
      %mul3A_436 = arith.mulf %add3A_229, %bitcast3A_62 : vector<16xf32>
      %mul3A_437 = arith.mulf %convert_element_type3A_193, %bitcast3A_98 : vector<16xf32>
      %add3A_438 = arith.addf %mul3A_436, %mul3A_437 : vector<16xf32>
      %add3A_439 = arith.addf %add3A_438, %add3A_145 : vector<16xf32>
      %max3A_440 = vector.broadcast %scan3A_178 : f32 to vector<16xf32>
      %max3A_441 = arith.maximumf %max3A_440, %add3A_439 : vector<16xf32>
      %min3A_442 = vector.broadcast %scan3A_179 : f32 to vector<16xf32>
      %min3A_443 = arith.minimumf %min3A_442, %max3A_441 : vector<16xf32>
      %mul3A_444 = arith.mulf %add3A_232, %bitcast3A_62 : vector<16xf32>
      %mul3A_445 = arith.mulf %convert_element_type3A_193, %bitcast3A_98 : vector<16xf32>
      %add3A_446 = arith.addf %mul3A_444, %mul3A_445 : vector<16xf32>
      %add3A_447 = arith.addf %add3A_446, %add3A_145 : vector<16xf32>
      %max3A_448 = vector.broadcast %scan3A_178 : f32 to vector<16xf32>
      %max3A_449 = arith.maximumf %max3A_448, %add3A_447 : vector<16xf32>
      %min3A_450 = vector.broadcast %scan3A_179 : f32 to vector<16xf32>
      %min3A_451 = arith.minimumf %min3A_450, %max3A_449 : vector<16xf32>
      %mul3A_452 = arith.mulf %add3A_235, %bitcast3A_62 : vector<16xf32>
      %mul3A_453 = arith.mulf %convert_element_type3A_193, %bitcast3A_98 : vector<16xf32>
      %add3A_454 = arith.addf %mul3A_452, %mul3A_453 : vector<16xf32>
      %add3A_455 = arith.addf %add3A_454, %add3A_145 : vector<16xf32>
      %max3A_456 = vector.broadcast %scan3A_178 : f32 to vector<16xf32>
      %max3A_457 = arith.maximumf %max3A_456, %add3A_455 : vector<16xf32>
      %min3A_458 = vector.broadcast %scan3A_179 : f32 to vector<16xf32>
      %min3A_459 = arith.minimumf %min3A_458, %max3A_457 : vector<16xf32>
      %convert_element_type3A_460 = arith.fptosi %min3A_355 : vector<16xf32> to vector<16xi32>
      %mul3A_461 = arith.constant 224 : i32
      %mul3A_462 = vector.broadcast %mul3A_461 : i32 to vector<16xi32>
      %mul3A_463 = arith.muli %convert_element_type3A_460, %mul3A_462 : vector<16xi32>
      %convert_element_type3A_464 = arith.fptosi %min3A_243 : vector<16xf32> to vector<16xi32>
      %add3A_465 = arith.addi %mul3A_463, %convert_element_type3A_464 : vector<16xi32>
      %jit3A_466 = arith.constant 0 : i32
      %jit3A_467 = arith.constant 49950 : i32
      %max3A_468 = vector.broadcast %jit3A_466 : i32 to vector<16xi32>
      %max3A_469 = arith.maxsi %max3A_468, %add3A_465 : vector<16xi32>
      %min3A_470 = vector.broadcast %jit3A_467 : i32 to vector<16xi32>
      %min3A_471 = arith.minsi %min3A_470, %max3A_469 : vector<16xi32>
      %convert_element_type3A_472 = arith.fptosi %min3A_363 : vector<16xf32> to vector<16xi32>
      %mul3A_473 = arith.constant 224 : i32
      %mul3A_474 = vector.broadcast %mul3A_473 : i32 to vector<16xi32>
      %mul3A_475 = arith.muli %convert_element_type3A_472, %mul3A_474 : vector<16xi32>
      %convert_element_type3A_476 = arith.fptosi %min3A_251 : vector<16xf32> to vector<16xi32>
      %add3A_477 = arith.addi %mul3A_475, %convert_element_type3A_476 : vector<16xi32>
      %jit3A_478 = arith.constant 0 : i32
      %jit3A_479 = arith.constant 49950 : i32
      %max3A_480 = vector.broadcast %jit3A_478 : i32 to vector<16xi32>
      %max3A_481 = arith.maxsi %max3A_480, %add3A_477 : vector<16xi32>
      %min3A_482 = vector.broadcast %jit3A_479 : i32 to vector<16xi32>
      %min3A_483 = arith.minsi %min3A_482, %max3A_481 : vector<16xi32>
      %convert_element_type3A_484 = arith.fptosi %min3A_371 : vector<16xf32> to vector<16xi32>
      %mul3A_485 = arith.constant 224 : i32
      %mul3A_486 = vector.broadcast %mul3A_485 : i32 to vector<16xi32>
      %mul3A_487 = arith.muli %convert_element_type3A_484, %mul3A_486 : vector<16xi32>
      %convert_element_type3A_488 = arith.fptosi %min3A_259 : vector<16xf32> to vector<16xi32>
      %add3A_489 = arith.addi %mul3A_487, %convert_element_type3A_488 : vector<16xi32>
      %jit3A_490 = arith.constant 0 : i32
      %jit3A_491 = arith.constant 49950 : i32
      %max3A_492 = vector.broadcast %jit3A_490 : i32 to vector<16xi32>
      %max3A_493 = arith.maxsi %max3A_492, %add3A_489 : vector<16xi32>
      %min3A_494 = vector.broadcast %jit3A_491 : i32 to vector<16xi32>
      %min3A_495 = arith.minsi %min3A_494, %max3A_493 : vector<16xi32>
      %convert_element_type3A_496 = arith.fptosi %min3A_379 : vector<16xf32> to vector<16xi32>
      %mul3A_497 = arith.constant 224 : i32
      %mul3A_498 = vector.broadcast %mul3A_497 : i32 to vector<16xi32>
      %mul3A_499 = arith.muli %convert_element_type3A_496, %mul3A_498 : vector<16xi32>
      %convert_element_type3A_500 = arith.fptosi %min3A_267 : vector<16xf32> to vector<16xi32>
      %add3A_501 = arith.addi %mul3A_499, %convert_element_type3A_500 : vector<16xi32>
      %jit3A_502 = arith.constant 0 : i32
      %jit3A_503 = arith.constant 49950 : i32
      %max3A_504 = vector.broadcast %jit3A_502 : i32 to vector<16xi32>
      %max3A_505 = arith.maxsi %max3A_504, %add3A_501 : vector<16xi32>
      %min3A_506 = vector.broadcast %jit3A_503 : i32 to vector<16xi32>
      %min3A_507 = arith.minsi %min3A_506, %max3A_505 : vector<16xi32>
      %convert_element_type3A_508 = arith.fptosi %min3A_387 : vector<16xf32> to vector<16xi32>
      %mul3A_509 = arith.constant 224 : i32
      %mul3A_510 = vector.broadcast %mul3A_509 : i32 to vector<16xi32>
      %mul3A_511 = arith.muli %convert_element_type3A_508, %mul3A_510 : vector<16xi32>
      %convert_element_type3A_512 = arith.fptosi %min3A_275 : vector<16xf32> to vector<16xi32>
      %add3A_513 = arith.addi %mul3A_511, %convert_element_type3A_512 : vector<16xi32>
      %jit3A_514 = arith.constant 0 : i32
      %jit3A_515 = arith.constant 49950 : i32
      %max3A_516 = vector.broadcast %jit3A_514 : i32 to vector<16xi32>
      %max3A_517 = arith.maxsi %max3A_516, %add3A_513 : vector<16xi32>
      %min3A_518 = vector.broadcast %jit3A_515 : i32 to vector<16xi32>
      %min3A_519 = arith.minsi %min3A_518, %max3A_517 : vector<16xi32>
      %convert_element_type3A_520 = arith.fptosi %min3A_395 : vector<16xf32> to vector<16xi32>
      %mul3A_521 = arith.constant 224 : i32
      %mul3A_522 = vector.broadcast %mul3A_521 : i32 to vector<16xi32>
      %mul3A_523 = arith.muli %convert_element_type3A_520, %mul3A_522 : vector<16xi32>
      %convert_element_type3A_524 = arith.fptosi %min3A_283 : vector<16xf32> to vector<16xi32>
      %add3A_525 = arith.addi %mul3A_523, %convert_element_type3A_524 : vector<16xi32>
      %jit3A_526 = arith.constant 0 : i32
      %jit3A_527 = arith.constant 49950 : i32
      %max3A_528 = vector.broadcast %jit3A_526 : i32 to vector<16xi32>
      %max3A_529 = arith.maxsi %max3A_528, %add3A_525 : vector<16xi32>
      %min3A_530 = vector.broadcast %jit3A_527 : i32 to vector<16xi32>
      %min3A_531 = arith.minsi %min3A_530, %max3A_529 : vector<16xi32>
      %convert_element_type3A_532 = arith.fptosi %min3A_403 : vector<16xf32> to vector<16xi32>
      %mul3A_533 = arith.constant 224 : i32
      %mul3A_534 = vector.broadcast %mul3A_533 : i32 to vector<16xi32>
      %mul3A_535 = arith.muli %convert_element_type3A_532, %mul3A_534 : vector<16xi32>
      %convert_element_type3A_536 = arith.fptosi %min3A_291 : vector<16xf32> to vector<16xi32>
      %add3A_537 = arith.addi %mul3A_535, %convert_element_type3A_536 : vector<16xi32>
      %jit3A_538 = arith.constant 0 : i32
      %jit3A_539 = arith.constant 49950 : i32
      %max3A_540 = vector.broadcast %jit3A_538 : i32 to vector<16xi32>
      %max3A_541 = arith.maxsi %max3A_540, %add3A_537 : vector<16xi32>
      %min3A_542 = vector.broadcast %jit3A_539 : i32 to vector<16xi32>
      %min3A_543 = arith.minsi %min3A_542, %max3A_541 : vector<16xi32>
      %convert_element_type3A_544 = arith.fptosi %min3A_411 : vector<16xf32> to vector<16xi32>
      %mul3A_545 = arith.constant 224 : i32
      %mul3A_546 = vector.broadcast %mul3A_545 : i32 to vector<16xi32>
      %mul3A_547 = arith.muli %convert_element_type3A_544, %mul3A_546 : vector<16xi32>
      %convert_element_type3A_548 = arith.fptosi %min3A_299 : vector<16xf32> to vector<16xi32>
      %add3A_549 = arith.addi %mul3A_547, %convert_element_type3A_548 : vector<16xi32>
      %jit3A_550 = arith.constant 0 : i32
      %jit3A_551 = arith.constant 49950 : i32
      %max3A_552 = vector.broadcast %jit3A_550 : i32 to vector<16xi32>
      %max3A_553 = arith.maxsi %max3A_552, %add3A_549 : vector<16xi32>
      %min3A_554 = vector.broadcast %jit3A_551 : i32 to vector<16xi32>
      %min3A_555 = arith.minsi %min3A_554, %max3A_553 : vector<16xi32>
      %convert_element_type3A_556 = arith.fptosi %min3A_419 : vector<16xf32> to vector<16xi32>
      %mul3A_557 = arith.constant 224 : i32
      %mul3A_558 = vector.broadcast %mul3A_557 : i32 to vector<16xi32>
      %mul3A_559 = arith.muli %convert_element_type3A_556, %mul3A_558 : vector<16xi32>
      %convert_element_type3A_560 = arith.fptosi %min3A_307 : vector<16xf32> to vector<16xi32>
      %add3A_561 = arith.addi %mul3A_559, %convert_element_type3A_560 : vector<16xi32>
      %jit3A_562 = arith.constant 0 : i32
      %jit3A_563 = arith.constant 49950 : i32
      %max3A_564 = vector.broadcast %jit3A_562 : i32 to vector<16xi32>
      %max3A_565 = arith.maxsi %max3A_564, %add3A_561 : vector<16xi32>
      %min3A_566 = vector.broadcast %jit3A_563 : i32 to vector<16xi32>
      %min3A_567 = arith.minsi %min3A_566, %max3A_565 : vector<16xi32>
      %convert_element_type3A_568 = arith.fptosi %min3A_427 : vector<16xf32> to vector<16xi32>
      %mul3A_569 = arith.constant 224 : i32
      %mul3A_570 = vector.broadcast %mul3A_569 : i32 to vector<16xi32>
      %mul3A_571 = arith.muli %convert_element_type3A_568, %mul3A_570 : vector<16xi32>
      %convert_element_type3A_572 = arith.fptosi %min3A_315 : vector<16xf32> to vector<16xi32>
      %add3A_573 = arith.addi %mul3A_571, %convert_element_type3A_572 : vector<16xi32>
      %jit3A_574 = arith.constant 0 : i32
      %jit3A_575 = arith.constant 49950 : i32
      %max3A_576 = vector.broadcast %jit3A_574 : i32 to vector<16xi32>
      %max3A_577 = arith.maxsi %max3A_576, %add3A_573 : vector<16xi32>
      %min3A_578 = vector.broadcast %jit3A_575 : i32 to vector<16xi32>
      %min3A_579 = arith.minsi %min3A_578, %max3A_577 : vector<16xi32>
      %convert_element_type3A_580 = arith.fptosi %min3A_435 : vector<16xf32> to vector<16xi32>
      %mul3A_581 = arith.constant 224 : i32
      %mul3A_582 = vector.broadcast %mul3A_581 : i32 to vector<16xi32>
      %mul3A_583 = arith.muli %convert_element_type3A_580, %mul3A_582 : vector<16xi32>
      %convert_element_type3A_584 = arith.fptosi %min3A_323 : vector<16xf32> to vector<16xi32>
      %add3A_585 = arith.addi %mul3A_583, %convert_element_type3A_584 : vector<16xi32>
      %jit3A_586 = arith.constant 0 : i32
      %jit3A_587 = arith.constant 49950 : i32
      %max3A_588 = vector.broadcast %jit3A_586 : i32 to vector<16xi32>
      %max3A_589 = arith.maxsi %max3A_588, %add3A_585 : vector<16xi32>
      %min3A_590 = vector.broadcast %jit3A_587 : i32 to vector<16xi32>
      %min3A_591 = arith.minsi %min3A_590, %max3A_589 : vector<16xi32>
      %convert_element_type3A_592 = arith.fptosi %min3A_443 : vector<16xf32> to vector<16xi32>
      %mul3A_593 = arith.constant 224 : i32
      %mul3A_594 = vector.broadcast %mul3A_593 : i32 to vector<16xi32>
      %mul3A_595 = arith.muli %convert_element_type3A_592, %mul3A_594 : vector<16xi32>
      %convert_element_type3A_596 = arith.fptosi %min3A_331 : vector<16xf32> to vector<16xi32>
      %add3A_597 = arith.addi %mul3A_595, %convert_element_type3A_596 : vector<16xi32>
      %jit3A_598 = arith.constant 0 : i32
      %jit3A_599 = arith.constant 49950 : i32
      %max3A_600 = vector.broadcast %jit3A_598 : i32 to vector<16xi32>
      %max3A_601 = arith.maxsi %max3A_600, %add3A_597 : vector<16xi32>
      %min3A_602 = vector.broadcast %jit3A_599 : i32 to vector<16xi32>
      %min3A_603 = arith.minsi %min3A_602, %max3A_601 : vector<16xi32>
      %convert_element_type3A_604 = arith.fptosi %min3A_451 : vector<16xf32> to vector<16xi32>
      %mul3A_605 = arith.constant 224 : i32
      %mul3A_606 = vector.broadcast %mul3A_605 : i32 to vector<16xi32>
      %mul3A_607 = arith.muli %convert_element_type3A_604, %mul3A_606 : vector<16xi32>
      %convert_element_type3A_608 = arith.fptosi %min3A_339 : vector<16xf32> to vector<16xi32>
      %add3A_609 = arith.addi %mul3A_607, %convert_element_type3A_608 : vector<16xi32>
      %jit3A_610 = arith.constant 0 : i32
      %jit3A_611 = arith.constant 49950 : i32
      %max3A_612 = vector.broadcast %jit3A_610 : i32 to vector<16xi32>
      %max3A_613 = arith.maxsi %max3A_612, %add3A_609 : vector<16xi32>
      %min3A_614 = vector.broadcast %jit3A_611 : i32 to vector<16xi32>
      %min3A_615 = arith.minsi %min3A_614, %max3A_613 : vector<16xi32>
      %convert_element_type3A_616 = arith.fptosi %min3A_459 : vector<16xf32> to vector<16xi32>
      %mul3A_617 = arith.constant 224 : i32
      %mul3A_618 = vector.broadcast %mul3A_617 : i32 to vector<16xi32>
      %mul3A_619 = arith.muli %convert_element_type3A_616, %mul3A_618 : vector<16xi32>
      %convert_element_type3A_620 = arith.fptosi %min3A_347 : vector<16xf32> to vector<16xi32>
      %add3A_621 = arith.addi %mul3A_619, %convert_element_type3A_620 : vector<16xi32>
      %jit3A_622 = arith.constant 0 : i32
      %jit3A_623 = arith.constant 49950 : i32
      %max3A_624 = vector.broadcast %jit3A_622 : i32 to vector<16xi32>
      %max3A_625 = arith.maxsi %max3A_624, %add3A_621 : vector<16xi32>
      %min3A_626 = vector.broadcast %jit3A_623 : i32 to vector<16xi32>
      %min3A_627 = arith.minsi %min3A_626, %max3A_625 : vector<16xi32>
      %mul3A_628 = arith.constant 224 : i32
      %mul3A_629 = arith.muli %scan3A_191, %mul3A_628 : i32
      %add3A_630 = arith.constant 0 : i32
      %add3A_631 = arith.addi %mul3A_629, %add3A_630 : i32
      %swap3A = arith.index_cast %add3A_631 : i32 to index
      %swap3A_632 = tpu.vector_load %arg6[%swap3A] {strides = array<i32>} : memref<50176xi32, #tpu.memory_space<vmem>>, vector<16xi32>,
      tpu.vector_store %arg6[%swap3A], %min3A_471 {strides = array<i32>} : memref<50176xi32, #tpu.memory_space<vmem>>, vector<16xi32>,
      %mul3A_633 = arith.constant 224 : i32
      %mul3A_634 = arith.muli %scan3A_191, %mul3A_633 : i32
      %add3A_635 = arith.constant 16 : i32
      %add3A_636 = arith.addi %mul3A_634, %add3A_635 : i32
      %swap3A_637 = arith.index_cast %add3A_636 : i32 to index
      %swap3A_638 = tpu.vector_load %arg6[%swap3A_637] {strides = array<i32>} : memref<50176xi32, #tpu.memory_space<vmem>>, vector<16xi32>,
      tpu.vector_store %arg6[%swap3A_637], %min3A_483 {strides = array<i32>} : memref<50176xi32, #tpu.memory_space<vmem>>, vector<16xi32>,
      %mul3A_639 = arith.constant 224 : i32
      %mul3A_640 = arith.muli %scan3A_191, %mul3A_639 : i32
      %add3A_641 = arith.constant 32 : i32
      %add3A_642 = arith.addi %mul3A_640, %add3A_641 : i32
      %swap3A_643 = arith.index_cast %add3A_642 : i32 to index
      %swap3A_644 = tpu.vector_load %arg6[%swap3A_643] {strides = array<i32>} : memref<50176xi32, #tpu.memory_space<vmem>>, vector<16xi32>,
      tpu.vector_store %arg6[%swap3A_643], %min3A_495 {strides = array<i32>} : memref<50176xi32, #tpu.memory_space<vmem>>, vector<16xi32>,
      %mul3A_645 = arith.constant 224 : i32
      %mul3A_646 = arith.muli %scan3A_191, %mul3A_645 : i32
      %add3A_647 = arith.constant 48 : i32
      %add3A_648 = arith.addi %mul3A_646, %add3A_647 : i32
      %swap3A_649 = arith.index_cast %add3A_648 : i32 to index
      %swap3A_650 = tpu.vector_load %arg6[%swap3A_649] {strides = array<i32>} : memref<50176xi32, #tpu.memory_space<vmem>>, vector<16xi32>,
      tpu.vector_store %arg6[%swap3A_649], %min3A_507 {strides = array<i32>} : memref<50176xi32, #tpu.memory_space<vmem>>, vector<16xi32>,
      %mul3A_651 = arith.constant 224 : i32
      %mul3A_652 = arith.muli %scan3A_191, %mul3A_651 : i32
      %add3A_653 = arith.constant 64 : i32
      %add3A_654 = arith.addi %mul3A_652, %add3A_653 : i32
      %swap3A_655 = arith.index_cast %add3A_654 : i32 to index
      %swap3A_656 = tpu.vector_load %arg6[%swap3A_655] {strides = array<i32>} : memref<50176xi32, #tpu.memory_space<vmem>>, vector<16xi32>,
      tpu.vector_store %arg6[%swap3A_655], %min3A_519 {strides = array<i32>} : memref<50176xi32, #tpu.memory_space<vmem>>, vector<16xi32>,
      %mul3A_657 = arith.constant 224 : i32
      %mul3A_658 = arith.muli %scan3A_191, %mul3A_657 : i32
      %add3A_659 = arith.constant 80 : i32
      %add3A_660 = arith.addi %mul3A_658, %add3A_659 : i32
      %swap3A_661 = arith.index_cast %add3A_660 : i32 to index
      %swap3A_662 = tpu.vector_load %arg6[%swap3A_661] {strides = array<i32>} : memref<50176xi32, #tpu.memory_space<vmem>>, vector<16xi32>,
      tpu.vector_store %arg6[%swap3A_661], %min3A_531 {strides = array<i32>} : memref<50176xi32, #tpu.memory_space<vmem>>, vector<16xi32>,
      %mul3A_663 = arith.constant 224 : i32
      %mul3A_664 = arith.muli %scan3A_191, %mul3A_663 : i32
      %add3A_665 = arith.constant 96 : i32
      %add3A_666 = arith.addi %mul3A_664, %add3A_665 : i32
      %swap3A_667 = arith.index_cast %add3A_666 : i32 to index
      %swap3A_668 = tpu.vector_load %arg6[%swap3A_667] {strides = array<i32>} : memref<50176xi32, #tpu.memory_space<vmem>>, vector<16xi32>,
      tpu.vector_store %arg6[%swap3A_667], %min3A_543 {strides = array<i32>} : memref<50176xi32, #tpu.memory_space<vmem>>, vector<16xi32>,
      %mul3A_669 = arith.constant 224 : i32
      %mul3A_670 = arith.muli %scan3A_191, %mul3A_669 : i32
      %add3A_671 = arith.constant 112 : i32
      %add3A_672 = arith.addi %mul3A_670, %add3A_671 : i32
      %swap3A_673 = arith.index_cast %add3A_672 : i32 to index
      %swap3A_674 = tpu.vector_load %arg6[%swap3A_673] {strides = array<i32>} : memref<50176xi32, #tpu.memory_space<vmem>>, vector<16xi32>,
      tpu.vector_store %arg6[%swap3A_673], %min3A_555 {strides = array<i32>} : memref<50176xi32, #tpu.memory_space<vmem>>, vector<16xi32>,
      %mul3A_675 = arith.constant 224 : i32
      %mul3A_676 = arith.muli %scan3A_191, %mul3A_675 : i32
      %add3A_677 = arith.constant 128 : i32
      %add3A_678 = arith.addi %mul3A_676, %add3A_677 : i32
      %swap3A_679 = arith.index_cast %add3A_678 : i32 to index
      %swap3A_680 = tpu.vector_load %arg6[%swap3A_679] {strides = array<i32>} : memref<50176xi32, #tpu.memory_space<vmem>>, vector<16xi32>,
      tpu.vector_store %arg6[%swap3A_679], %min3A_567 {strides = array<i32>} : memref<50176xi32, #tpu.memory_space<vmem>>, vector<16xi32>,
      %mul3A_681 = arith.constant 224 : i32
      %mul3A_682 = arith.muli %scan3A_191, %mul3A_681 : i32
      %add3A_683 = arith.constant 144 : i32
      %add3A_684 = arith.addi %mul3A_682, %add3A_683 : i32
      %swap3A_685 = arith.index_cast %add3A_684 : i32 to index
      %swap3A_686 = tpu.vector_load %arg6[%swap3A_685] {strides = array<i32>} : memref<50176xi32, #tpu.memory_space<vmem>>, vector<16xi32>,
      tpu.vector_store %arg6[%swap3A_685], %min3A_579 {strides = array<i32>} : memref<50176xi32, #tpu.memory_space<vmem>>, vector<16xi32>,
      %mul3A_687 = arith.constant 224 : i32
      %mul3A_688 = arith.muli %scan3A_191, %mul3A_687 : i32
      %add3A_689 = arith.constant 160 : i32
      %add3A_690 = arith.addi %mul3A_688, %add3A_689 : i32
      %swap3A_691 = arith.index_cast %add3A_690 : i32 to index
      %swap3A_692 = tpu.vector_load %arg6[%swap3A_691] {strides = array<i32>} : memref<50176xi32, #tpu.memory_space<vmem>>, vector<16xi32>,
      tpu.vector_store %arg6[%swap3A_691], %min3A_591 {strides = array<i32>} : memref<50176xi32, #tpu.memory_space<vmem>>, vector<16xi32>,
      %mul3A_693 = arith.constant 224 : i32
      %mul3A_694 = arith.muli %scan3A_191, %mul3A_693 : i32
      %add3A_695 = arith.constant 176 : i32
      %add3A_696 = arith.addi %mul3A_694, %add3A_695 : i32
      %swap3A_697 = arith.index_cast %add3A_696 : i32 to index
      %swap3A_698 = tpu.vector_load %arg6[%swap3A_697] {strides = array<i32>} : memref<50176xi32, #tpu.memory_space<vmem>>, vector<16xi32>,
      tpu.vector_store %arg6[%swap3A_697], %min3A_603 {strides = array<i32>} : memref<50176xi32, #tpu.memory_space<vmem>>, vector<16xi32>,
      %mul3A_699 = arith.constant 224 : i32
      %mul3A_700 = arith.muli %scan3A_191, %mul3A_699 : i32
      %add3A_701 = arith.constant 192 : i32
      %add3A_702 = arith.addi %mul3A_700, %add3A_701 : i32
      %swap3A_703 = arith.index_cast %add3A_702 : i32 to index
      %swap3A_704 = tpu.vector_load %arg6[%swap3A_703] {strides = array<i32>} : memref<50176xi32, #tpu.memory_space<vmem>>, vector<16xi32>,
      tpu.vector_store %arg6[%swap3A_703], %min3A_615 {strides = array<i32>} : memref<50176xi32, #tpu.memory_space<vmem>>, vector<16xi32>,
      %mul3A_705 = arith.constant 224 : i32
      %mul3A_706 = arith.muli %scan3A_191, %mul3A_705 : i32
      %add3A_707 = arith.constant 208 : i32
      %add3A_708 = arith.addi %mul3A_706, %add3A_707 : i32
      %swap3A_709 = arith.index_cast %add3A_708 : i32 to index
      %swap3A_710 = tpu.vector_load %arg6[%swap3A_709] {strides = array<i32>} : memref<50176xi32, #tpu.memory_space<vmem>>, vector<16xi32>,
      tpu.vector_store %arg6[%swap3A_709], %min3A_627 {strides = array<i32>} : memref<50176xi32, #tpu.memory_space<vmem>>, vector<16xi32>,
    }
    %scan3A_184 = arith.constant 224 : i32
    %scan3A_185 = arith.constant 0 : i32
    %scan3A_186 = arith.constant 0 : i32
    %scan3A_187 = arith.constant 24 : i32
    %scan3A_188 = arith.addi %scan3A_186, %scan3A_187 : i32
    %scan3A_189 = arith.constant 1 : i32
    scf.for %scan3A_191 = %scan3A_186 to %scan3A_188 step %scan3A_189  : i32 {
      %mul3A_192 = arith.constant 96 : i32
      %mul3A_193 = arith.muli %select_n3A, %mul3A_192 : i32
      %mul3A_194 = arith.constant 24 : i32
      %mul3A_195 = arith.muli %select_n3A_30, %mul3A_194 : i32
      %add3A_196 = arith.addi %mul3A_193, %mul3A_195 : i32
      %add3A_197 = arith.addi %add3A_196, %scan3A_191 : i32
      %mul3A_198 = arith.constant 50176 : i32
      %mul3A_199 = arith.muli %add3A_197, %mul3A_198 : i32
      "tpu.region"() ({
        %run_scoped3A = tpu.sem_alloc : memref<!tpu.dma_semaphore, #tpu.memory_space<semaphore_mem>>
        %dma_start3A_400 = arith.constant 0 : i32
        %dma_start3A_401 = tpu.memref_slice %arg7[%dma_start3A_400] : memref<50432xf32, #tpu.memory_space<vmem>> -> memref<50176xf32, #tpu.memory_space<vmem>>
        %dma_start3A_402 = tpu.memref_slice %arg2[%mul3A_199] : memref<38535168xf32, #tpu.memory_space<hbm>> -> memref<50176xf32, #tpu.memory_space<hbm>>
        %dma_start3A_403 = arith.constant 0 : i32
        %dma_start3A_404 = tpu.memref_slice %arg7[%dma_start3A_403] : memref<50432xf32, #tpu.memory_space<vmem>> -> memref<50176xf32, #tpu.memory_space<vmem>>
        %dma_start3A_405 = tpu.memref_slice %arg2[%mul3A_199] : memref<38535168xf32, #tpu.memory_space<hbm>> -> memref<50176xf32, #tpu.memory_space<hbm>>
        tpu.enqueue_dma source(%dma_start3A_405 : memref<50176xf32, #tpu.memory_space<hbm>>) target(%dma_start3A_404 : memref<50176xf32, #tpu.memory_space<vmem>>) target_semaphore(%run_scoped3A : memref<!tpu.dma_semaphore, #tpu.memory_space<semaphore_mem>>)
        %dma_wait3A_406 = arith.constant 0 : i32
        %dma_wait3A_407 = tpu.memref_slice %arg7[%dma_wait3A_406] : memref<50432xf32, #tpu.memory_space<vmem>> -> memref<50176xf32, #tpu.memory_space<vmem>>
        %dma_wait3A_408 = tpu.memref_slice %arg2[%mul3A_199] : memref<38535168xf32, #tpu.memory_space<hbm>> -> memref<50176xf32, #tpu.memory_space<hbm>>
        %dma_wait3A_409 = arith.constant 0 : i32
        %dma_wait3A_410 = tpu.memref_slice %arg7[%dma_wait3A_409] : memref<50432xf32, #tpu.memory_space<vmem>> -> memref<50176xf32, #tpu.memory_space<vmem>>
        %dma_wait3A_411 = tpu.memref_slice %arg2[%mul3A_199] : memref<38535168xf32, #tpu.memory_space<hbm>> -> memref<50176xf32, #tpu.memory_space<hbm>>
        tpu.wait_dma2 semaphore(%run_scoped3A : memref<!tpu.dma_semaphore, #tpu.memory_space<semaphore_mem>>) src(%dma_wait3A_411 : memref<50176xf32, #tpu.memory_space<hbm>>) dst(%dma_wait3A_410 : memref<50176xf32, #tpu.memory_space<vmem>>)
        tpu.yield
      }) : () -> ()
      %scan3A_200 = arith.constant 0 : i32
      %scan3A_201 = arith.constant 0 : i32
      %scan3A_202 = arith.constant 392 : i32
      %scan3A_203 = arith.addi %scan3A_201, %scan3A_202 : i32
      %scan3A_204 = arith.constant 1 : i32
      scf.for %scan3A_400 = %scan3A_201 to %scan3A_203 step %scan3A_204  : i32 {
        %mul3A_401 = arith.constant 8 : i32
        %mul3A_402 = arith.muli %scan3A_400, %mul3A_401 : i32
        %add3A_403 = arith.constant 0 : i32
        %add3A_404 = arith.addi %mul3A_402, %add3A_403 : i32
        %mul3A_405 = arith.constant 16 : i32
        %mul3A_406 = arith.muli %add3A_404, %mul3A_405 : i32
        %mul3A_407 = arith.constant 8 : i32
        %mul3A_408 = arith.muli %scan3A_400, %mul3A_407 : i32
        %add3A_409 = arith.constant 1 : i32
        %add3A_410 = arith.addi %mul3A_408, %add3A_409 : i32
        %mul3A_411 = arith.constant 16 : i32
        %mul3A_412 = arith.muli %add3A_410, %mul3A_411 : i32
        %mul3A_413 = arith.constant 8 : i32
        %mul3A_414 = arith.muli %scan3A_400, %mul3A_413 : i32
        %add3A_415 = arith.constant 2 : i32
        %add3A_416 = arith.addi %mul3A_414, %add3A_415 : i32
        %mul3A_417 = arith.constant 16 : i32
        %mul3A_418 = arith.muli %add3A_416, %mul3A_417 : i32
        %mul3A_419 = arith.constant 8 : i32
        %mul3A_420 = arith.muli %scan3A_400, %mul3A_419 : i32
        %add3A_421 = arith.constant 3 : i32
        %add3A_422 = arith.addi %mul3A_420, %add3A_421 : i32
        %mul3A_423 = arith.constant 16 : i32
        %mul3A_424 = arith.muli %add3A_422, %mul3A_423 : i32
        %mul3A_425 = arith.constant 8 : i32
        %mul3A_426 = arith.muli %scan3A_400, %mul3A_425 : i32
        %add3A_427 = arith.constant 4 : i32
        %add3A_428 = arith.addi %mul3A_426, %add3A_427 : i32
        %mul3A_429 = arith.constant 16 : i32
        %mul3A_430 = arith.muli %add3A_428, %mul3A_429 : i32
        %mul3A_431 = arith.constant 8 : i32
        %mul3A_432 = arith.muli %scan3A_400, %mul3A_431 : i32
        %add3A_433 = arith.constant 5 : i32
        %add3A_434 = arith.addi %mul3A_432, %add3A_433 : i32
        %mul3A_435 = arith.constant 16 : i32
        %mul3A_436 = arith.muli %add3A_434, %mul3A_435 : i32
        %mul3A_437 = arith.constant 8 : i32
        %mul3A_438 = arith.muli %scan3A_400, %mul3A_437 : i32
        %add3A_439 = arith.constant 6 : i32
        %add3A_440 = arith.addi %mul3A_438, %add3A_439 : i32
        %mul3A_441 = arith.constant 16 : i32
        %mul3A_442 = arith.muli %add3A_440, %mul3A_441 : i32
        %mul3A_443 = arith.constant 8 : i32
        %mul3A_444 = arith.muli %scan3A_400, %mul3A_443 : i32
        %add3A_445 = arith.constant 7 : i32
        %add3A_446 = arith.addi %mul3A_444, %add3A_445 : i32
        %mul3A_447 = arith.constant 16 : i32
        %mul3A_448 = arith.muli %add3A_446, %mul3A_447 : i32
        %get3A_449 = arith.index_cast %mul3A_406 : i32 to index
        %get3A_450 = tpu.vector_load %arg7[%get3A_449] {strides = array<i32>} : memref<50432xf32, #tpu.memory_space<vmem>>, vector<16xf32>,
        %get3A_451 = arith.index_cast %mul3A_412 : i32 to index
        %get3A_452 = tpu.vector_load %arg7[%get3A_451] {strides = array<i32>} : memref<50432xf32, #tpu.memory_space<vmem>>, vector<16xf32>,
        %get3A_453 = arith.index_cast %mul3A_418 : i32 to index
        %get3A_454 = tpu.vector_load %arg7[%get3A_453] {strides = array<i32>} : memref<50432xf32, #tpu.memory_space<vmem>>, vector<16xf32>,
        %get3A_455 = arith.index_cast %mul3A_424 : i32 to index
        %get3A_456 = tpu.vector_load %arg7[%get3A_455] {strides = array<i32>} : memref<50432xf32, #tpu.memory_space<vmem>>, vector<16xf32>,
        %get3A_457 = arith.index_cast %mul3A_430 : i32 to index
        %get3A_458 = tpu.vector_load %arg7[%get3A_457] {strides = array<i32>} : memref<50432xf32, #tpu.memory_space<vmem>>, vector<16xf32>,
        %get3A_459 = arith.index_cast %mul3A_436 : i32 to index
        %get3A_460 = tpu.vector_load %arg7[%get3A_459] {strides = array<i32>} : memref<50432xf32, #tpu.memory_space<vmem>>, vector<16xf32>,
        %get3A_461 = arith.index_cast %mul3A_442 : i32 to index
        %get3A_462 = tpu.vector_load %arg7[%get3A_461] {strides = array<i32>} : memref<50432xf32, #tpu.memory_space<vmem>>, vector<16xf32>,
        %get3A_463 = arith.index_cast %mul3A_448 : i32 to index
        %get3A_464 = tpu.vector_load %arg7[%get3A_463] {strides = array<i32>} : memref<50432xf32, #tpu.memory_space<vmem>>, vector<16xf32>,
        %add3A_465 = arith.constant 1 : i32
        %add3A_466 = arith.addi %mul3A_406, %add3A_465 : i32
        %get3A_467 = arith.index_cast %add3A_466 : i32 to index
        %get3A_468 = tpu.vector_load %arg7[%get3A_467] {strides = array<i32>} : memref<50432xf32, #tpu.memory_space<vmem>>, vector<16xf32>,
        %add3A_469 = arith.constant 1 : i32
        %add3A_470 = arith.addi %mul3A_412, %add3A_469 : i32
        %get3A_471 = arith.index_cast %add3A_470 : i32 to index
        %get3A_472 = tpu.vector_load %arg7[%get3A_471] {strides = array<i32>} : memref<50432xf32, #tpu.memory_space<vmem>>, vector<16xf32>,
        %add3A_473 = arith.constant 1 : i32
        %add3A_474 = arith.addi %mul3A_418, %add3A_473 : i32
        %get3A_475 = arith.index_cast %add3A_474 : i32 to index
        %get3A_476 = tpu.vector_load %arg7[%get3A_475] {strides = array<i32>} : memref<50432xf32, #tpu.memory_space<vmem>>, vector<16xf32>,
        %add3A_477 = arith.constant 1 : i32
        %add3A_478 = arith.addi %mul3A_424, %add3A_477 : i32
        %get3A_479 = arith.index_cast %add3A_478 : i32 to index
        %get3A_480 = tpu.vector_load %arg7[%get3A_479] {strides = array<i32>} : memref<50432xf32, #tpu.memory_space<vmem>>, vector<16xf32>,
        %add3A_481 = arith.constant 1 : i32
        %add3A_482 = arith.addi %mul3A_430, %add3A_481 : i32
        %get3A_483 = arith.index_cast %add3A_482 : i32 to index
        %get3A_484 = tpu.vector_load %arg7[%get3A_483] {strides = array<i32>} : memref<50432xf32, #tpu.memory_space<vmem>>, vector<16xf32>,
        %add3A_485 = arith.constant 1 : i32
        %add3A_486 = arith.addi %mul3A_436, %add3A_485 : i32
        %get3A_487 = arith.index_cast %add3A_486 : i32 to index
        %get3A_488 = tpu.vector_load %arg7[%get3A_487] {strides = array<i32>} : memref<50432xf32, #tpu.memory_space<vmem>>, vector<16xf32>,
        %add3A_489 = arith.constant 1 : i32
        %add3A_490 = arith.addi %mul3A_442, %add3A_489 : i32
        %get3A_491 = arith.index_cast %add3A_490 : i32 to index
        %get3A_492 = tpu.vector_load %arg7[%get3A_491] {strides = array<i32>} : memref<50432xf32, #tpu.memory_space<vmem>>, vector<16xf32>,
        %add3A_493 = arith.constant 1 : i32
        %add3A_494 = arith.addi %mul3A_448, %add3A_493 : i32
        %get3A_495 = arith.index_cast %add3A_494 : i32 to index
        %get3A_496 = tpu.vector_load %arg7[%get3A_495] {strides = array<i32>} : memref<50432xf32, #tpu.memory_space<vmem>>, vector<16xf32>,
        %add3A_497 = arith.constant 224 : i32
        %add3A_498 = arith.addi %mul3A_406, %add3A_497 : i32
        %get3A_499 = arith.index_cast %add3A_498 : i32 to index
        %get3A_500 = tpu.vector_load %arg7[%get3A_499] {strides = array<i32>} : memref<50432xf32, #tpu.memory_space<vmem>>, vector<16xf32>,
        %add3A_501 = arith.constant 224 : i32
        %add3A_502 = arith.addi %mul3A_412, %add3A_501 : i32
        %get3A_503 = arith.index_cast %add3A_502 : i32 to index
        %get3A_504 = tpu.vector_load %arg7[%get3A_503] {strides = array<i32>} : memref<50432xf32, #tpu.memory_space<vmem>>, vector<16xf32>,
        %add3A_505 = arith.constant 224 : i32
        %add3A_506 = arith.addi %mul3A_418, %add3A_505 : i32
        %get3A_507 = arith.index_cast %add3A_506 : i32 to index
        %get3A_508 = tpu.vector_load %arg7[%get3A_507] {strides = array<i32>} : memref<50432xf32, #tpu.memory_space<vmem>>, vector<16xf32>,
        %add3A_509 = arith.constant 224 : i32
        %add3A_510 = arith.addi %mul3A_424, %add3A_509 : i32
        %get3A_511 = arith.index_cast %add3A_510 : i32 to index
        %get3A_512 = tpu.vector_load %arg7[%get3A_511] {strides = array<i32>} : memref<50432xf32, #tpu.memory_space<vmem>>, vector<16xf32>,
        %add3A_513 = arith.constant 224 : i32
        %add3A_514 = arith.addi %mul3A_430, %add3A_513 : i32
        %get3A_515 = arith.index_cast %add3A_514 : i32 to index
        %get3A_516 = tpu.vector_load %arg7[%get3A_515] {strides = array<i32>} : memref<50432xf32, #tpu.memory_space<vmem>>, vector<16xf32>,
        %add3A_517 = arith.constant 224 : i32
        %add3A_518 = arith.addi %mul3A_436, %add3A_517 : i32
        %get3A_519 = arith.index_cast %add3A_518 : i32 to index
        %get3A_520 = tpu.vector_load %arg7[%get3A_519] {strides = array<i32>} : memref<50432xf32, #tpu.memory_space<vmem>>, vector<16xf32>,
        %add3A_521 = arith.constant 224 : i32
        %add3A_522 = arith.addi %mul3A_442, %add3A_521 : i32
        %get3A_523 = arith.index_cast %add3A_522 : i32 to index
        %get3A_524 = tpu.vector_load %arg7[%get3A_523] {strides = array<i32>} : memref<50432xf32, #tpu.memory_space<vmem>>, vector<16xf32>,
        %add3A_525 = arith.constant 224 : i32
        %add3A_526 = arith.addi %mul3A_448, %add3A_525 : i32
        %get3A_527 = arith.index_cast %add3A_526 : i32 to index
        %get3A_528 = tpu.vector_load %arg7[%get3A_527] {strides = array<i32>} : memref<50432xf32, #tpu.memory_space<vmem>>, vector<16xf32>,
        %add3A_529 = arith.constant 224 : i32
        %add3A_530 = arith.addi %mul3A_406, %add3A_529 : i32
        %add3A_531 = arith.constant 1 : i32
        %add3A_532 = arith.addi %add3A_530, %add3A_531 : i32
        %get3A_533 = arith.index_cast %add3A_532 : i32 to index
        %get3A_534 = tpu.vector_load %arg7[%get3A_533] {strides = array<i32>} : memref<50432xf32, #tpu.memory_space<vmem>>, vector<16xf32>,
        %add3A_535 = arith.constant 224 : i32
        %add3A_536 = arith.addi %mul3A_412, %add3A_535 : i32
        %add3A_537 = arith.constant 1 : i32
        %add3A_538 = arith.addi %add3A_536, %add3A_537 : i32
        %get3A_539 = arith.index_cast %add3A_538 : i32 to index
        %get3A_540 = tpu.vector_load %arg7[%get3A_539] {strides = array<i32>} : memref<50432xf32, #tpu.memory_space<vmem>>, vector<16xf32>,
        %add3A_541 = arith.constant 224 : i32
        %add3A_542 = arith.addi %mul3A_418, %add3A_541 : i32
        %add3A_543 = arith.constant 1 : i32
        %add3A_544 = arith.addi %add3A_542, %add3A_543 : i32
        %get3A_545 = arith.index_cast %add3A_544 : i32 to index
        %get3A_546 = tpu.vector_load %arg7[%get3A_545] {strides = array<i32>} : memref<50432xf32, #tpu.memory_space<vmem>>, vector<16xf32>,
        %add3A_547 = arith.constant 224 : i32
        %add3A_548 = arith.addi %mul3A_424, %add3A_547 : i32
        %add3A_549 = arith.constant 1 : i32
        %add3A_550 = arith.addi %add3A_548, %add3A_549 : i32
        %get3A_551 = arith.index_cast %add3A_550 : i32 to index
        %get3A_552 = tpu.vector_load %arg7[%get3A_551] {strides = array<i32>} : memref<50432xf32, #tpu.memory_space<vmem>>, vector<16xf32>,
        %add3A_553 = arith.constant 224 : i32
        %add3A_554 = arith.addi %mul3A_430, %add3A_553 : i32
        %add3A_555 = arith.constant 1 : i32
        %add3A_556 = arith.addi %add3A_554, %add3A_555 : i32
        %get3A_557 = arith.index_cast %add3A_556 : i32 to index
        %get3A_558 = tpu.vector_load %arg7[%get3A_557] {strides = array<i32>} : memref<50432xf32, #tpu.memory_space<vmem>>, vector<16xf32>,
        %add3A_559 = arith.constant 224 : i32
        %add3A_560 = arith.addi %mul3A_436, %add3A_559 : i32
        %add3A_561 = arith.constant 1 : i32
        %add3A_562 = arith.addi %add3A_560, %add3A_561 : i32
        %get3A_563 = arith.index_cast %add3A_562 : i32 to index
        %get3A_564 = tpu.vector_load %arg7[%get3A_563] {strides = array<i32>} : memref<50432xf32, #tpu.memory_space<vmem>>, vector<16xf32>,
        %add3A_565 = arith.constant 224 : i32
        %add3A_566 = arith.addi %mul3A_442, %add3A_565 : i32
        %add3A_567 = arith.constant 1 : i32
        %add3A_568 = arith.addi %add3A_566, %add3A_567 : i32
        %get3A_569 = arith.index_cast %add3A_568 : i32 to index
        %get3A_570 = tpu.vector_load %arg7[%get3A_569] {strides = array<i32>} : memref<50432xf32, #tpu.memory_space<vmem>>, vector<16xf32>,
        %add3A_571 = arith.constant 224 : i32
        %add3A_572 = arith.addi %mul3A_448, %add3A_571 : i32
        %add3A_573 = arith.constant 1 : i32
        %add3A_574 = arith.addi %add3A_572, %add3A_573 : i32
        %get3A_575 = arith.index_cast %add3A_574 : i32 to index
        %get3A_576 = tpu.vector_load %arg7[%get3A_575] {strides = array<i32>} : memref<50432xf32, #tpu.memory_space<vmem>>, vector<16xf32>,
        %mul3A_577 = arith.mulf %mul3A_167, %get3A_450 : vector<16xf32>
        %mul3A_578 = arith.mulf %mul3A_171, %get3A_468 : vector<16xf32>
        %add3A_579 = arith.addf %mul3A_577, %mul3A_578 : vector<16xf32>
        %mul3A_580 = arith.mulf %mul3A_175, %get3A_500 : vector<16xf32>
        %add3A_581 = arith.addf %add3A_579, %mul3A_580 : vector<16xf32>
        %mul3A_582 = arith.mulf %mul3A_176, %get3A_534 : vector<16xf32>
        %add3A_583 = arith.addf %add3A_581, %mul3A_582 : vector<16xf32>
        %mul3A_584 = arith.mulf %mul3A_167, %get3A_452 : vector<16xf32>
        %mul3A_585 = arith.mulf %mul3A_171, %get3A_472 : vector<16xf32>
        %add3A_586 = arith.addf %mul3A_584, %mul3A_585 : vector<16xf32>
        %mul3A_587 = arith.mulf %mul3A_175, %get3A_504 : vector<16xf32>
        %add3A_588 = arith.addf %add3A_586, %mul3A_587 : vector<16xf32>
        %mul3A_589 = arith.mulf %mul3A_176, %get3A_540 : vector<16xf32>
        %add3A_590 = arith.addf %add3A_588, %mul3A_589 : vector<16xf32>
        %mul3A_591 = arith.mulf %mul3A_167, %get3A_454 : vector<16xf32>
        %mul3A_592 = arith.mulf %mul3A_171, %get3A_476 : vector<16xf32>
        %add3A_593 = arith.addf %mul3A_591, %mul3A_592 : vector<16xf32>
        %mul3A_594 = arith.mulf %mul3A_175, %get3A_508 : vector<16xf32>
        %add3A_595 = arith.addf %add3A_593, %mul3A_594 : vector<16xf32>
        %mul3A_596 = arith.mulf %mul3A_176, %get3A_546 : vector<16xf32>
        %add3A_597 = arith.addf %add3A_595, %mul3A_596 : vector<16xf32>
        %mul3A_598 = arith.mulf %mul3A_167, %get3A_456 : vector<16xf32>
        %mul3A_599 = arith.mulf %mul3A_171, %get3A_480 : vector<16xf32>
        %add3A_600 = arith.addf %mul3A_598, %mul3A_599 : vector<16xf32>
        %mul3A_601 = arith.mulf %mul3A_175, %get3A_512 : vector<16xf32>
        %add3A_602 = arith.addf %add3A_600, %mul3A_601 : vector<16xf32>
        %mul3A_603 = arith.mulf %mul3A_176, %get3A_552 : vector<16xf32>
        %add3A_604 = arith.addf %add3A_602, %mul3A_603 : vector<16xf32>
        %mul3A_605 = arith.mulf %mul3A_167, %get3A_458 : vector<16xf32>
        %mul3A_606 = arith.mulf %mul3A_171, %get3A_484 : vector<16xf32>
        %add3A_607 = arith.addf %mul3A_605, %mul3A_606 : vector<16xf32>
        %mul3A_608 = arith.mulf %mul3A_175, %get3A_516 : vector<16xf32>
        %add3A_609 = arith.addf %add3A_607, %mul3A_608 : vector<16xf32>
        %mul3A_610 = arith.mulf %mul3A_176, %get3A_558 : vector<16xf32>
        %add3A_611 = arith.addf %add3A_609, %mul3A_610 : vector<16xf32>
        %mul3A_612 = arith.mulf %mul3A_167, %get3A_460 : vector<16xf32>
        %mul3A_613 = arith.mulf %mul3A_171, %get3A_488 : vector<16xf32>
        %add3A_614 = arith.addf %mul3A_612, %mul3A_613 : vector<16xf32>
        %mul3A_615 = arith.mulf %mul3A_175, %get3A_520 : vector<16xf32>
        %add3A_616 = arith.addf %add3A_614, %mul3A_615 : vector<16xf32>
        %mul3A_617 = arith.mulf %mul3A_176, %get3A_564 : vector<16xf32>
        %add3A_618 = arith.addf %add3A_616, %mul3A_617 : vector<16xf32>
        %mul3A_619 = arith.mulf %mul3A_167, %get3A_462 : vector<16xf32>
        %mul3A_620 = arith.mulf %mul3A_171, %get3A_492 : vector<16xf32>
        %add3A_621 = arith.addf %mul3A_619, %mul3A_620 : vector<16xf32>
        %mul3A_622 = arith.mulf %mul3A_175, %get3A_524 : vector<16xf32>
        %add3A_623 = arith.addf %add3A_621, %mul3A_622 : vector<16xf32>
        %mul3A_624 = arith.mulf %mul3A_176, %get3A_570 : vector<16xf32>
        %add3A_625 = arith.addf %add3A_623, %mul3A_624 : vector<16xf32>
        %mul3A_626 = arith.mulf %mul3A_167, %get3A_464 : vector<16xf32>
        %mul3A_627 = arith.mulf %mul3A_171, %get3A_496 : vector<16xf32>
        %add3A_628 = arith.addf %mul3A_626, %mul3A_627 : vector<16xf32>
        %mul3A_629 = arith.mulf %mul3A_175, %get3A_528 : vector<16xf32>
        %add3A_630 = arith.addf %add3A_628, %mul3A_629 : vector<16xf32>
        %mul3A_631 = arith.mulf %mul3A_176, %get3A_576 : vector<16xf32>
        %add3A_632 = arith.addf %add3A_630, %mul3A_631 : vector<16xf32>
        %swap3A = arith.index_cast %mul3A_406 : i32 to index
        %swap3A_633 = tpu.vector_load %arg7[%swap3A] {strides = array<i32>} : memref<50432xf32, #tpu.memory_space<vmem>>, vector<16xf32>,
        tpu.vector_store %arg7[%swap3A], %add3A_583 {strides = array<i32>} : memref<50432xf32, #tpu.memory_space<vmem>>, vector<16xf32>,
        %swap3A_634 = arith.index_cast %mul3A_412 : i32 to index
        %swap3A_635 = tpu.vector_load %arg7[%swap3A_634] {strides = array<i32>} : memref<50432xf32, #tpu.memory_space<vmem>>, vector<16xf32>,
        tpu.vector_store %arg7[%swap3A_634], %add3A_590 {strides = array<i32>} : memref<50432xf32, #tpu.memory_space<vmem>>, vector<16xf32>,
        %swap3A_636 = arith.index_cast %mul3A_418 : i32 to index
        %swap3A_637 = tpu.vector_load %arg7[%swap3A_636] {strides = array<i32>} : memref<50432xf32, #tpu.memory_space<vmem>>, vector<16xf32>,
        tpu.vector_store %arg7[%swap3A_636], %add3A_597 {strides = array<i32>} : memref<50432xf32, #tpu.memory_space<vmem>>, vector<16xf32>,
        %swap3A_638 = arith.index_cast %mul3A_424 : i32 to index
        %swap3A_639 = tpu.vector_load %arg7[%swap3A_638] {strides = array<i32>} : memref<50432xf32, #tpu.memory_space<vmem>>, vector<16xf32>,
        tpu.vector_store %arg7[%swap3A_638], %add3A_604 {strides = array<i32>} : memref<50432xf32, #tpu.memory_space<vmem>>, vector<16xf32>,
        %swap3A_640 = arith.index_cast %mul3A_430 : i32 to index
        %swap3A_641 = tpu.vector_load %arg7[%swap3A_640] {strides = array<i32>} : memref<50432xf32, #tpu.memory_space<vmem>>, vector<16xf32>,
        tpu.vector_store %arg7[%swap3A_640], %add3A_611 {strides = array<i32>} : memref<50432xf32, #tpu.memory_space<vmem>>, vector<16xf32>,
        %swap3A_642 = arith.index_cast %mul3A_436 : i32 to index
        %swap3A_643 = tpu.vector_load %arg7[%swap3A_642] {strides = array<i32>} : memref<50432xf32, #tpu.memory_space<vmem>>, vector<16xf32>,
        tpu.vector_store %arg7[%swap3A_642], %add3A_618 {strides = array<i32>} : memref<50432xf32, #tpu.memory_space<vmem>>, vector<16xf32>,
        %swap3A_644 = arith.index_cast %mul3A_442 : i32 to index
        %swap3A_645 = tpu.vector_load %arg7[%swap3A_644] {strides = array<i32>} : memref<50432xf32, #tpu.memory_space<vmem>>, vector<16xf32>,
        tpu.vector_store %arg7[%swap3A_644], %add3A_625 {strides = array<i32>} : memref<50432xf32, #tpu.memory_space<vmem>>, vector<16xf32>,
        %swap3A_646 = arith.index_cast %mul3A_448 : i32 to index
        %swap3A_647 = tpu.vector_load %arg7[%swap3A_646] {strides = array<i32>} : memref<50432xf32, #tpu.memory_space<vmem>>, vector<16xf32>,
        tpu.vector_store %arg7[%swap3A_646], %add3A_632 {strides = array<i32>} : memref<50432xf32, #tpu.memory_space<vmem>>, vector<16xf32>,
      }
      %scan3A_205 = arith.constant 392 : i32
      %scan3A_206 = arith.constant 0 : i32
      %scan3A_207 = arith.constant 0 : i32
      %scan3A_208 = arith.constant 16 : i32
      %scan3A_209 = arith.addi %scan3A_207, %scan3A_208 : i32
      %scan3A_210 = arith.constant 1 : i32
      scf.for %scan3A_400 = %scan3A_207 to %scan3A_209 step %scan3A_210  : i32 {
        %add3A_401 = arith.constant 0 : i32
        %add3A_402 = arith.addi %add3A_401, %scan3A_400 : i32
        %mul3A_403 = arith.constant 224 : i32
        %mul3A_404 = arith.muli %add3A_402, %mul3A_403 : i32
        %add3A_405 = arith.constant 0 : i32
        %add3A_406 = arith.addi %mul3A_404, %add3A_405 : i32
        %get3A_407 = arith.index_cast %add3A_406 : i32 to index
        %get3A_408 = tpu.vector_load %arg6[%get3A_407] {strides = array<i32>} : memref<50176xi32, #tpu.memory_space<vmem>>, vector<16xi32>,
        %add3A_409 = arith.constant 16 : i32
        %add3A_410 = arith.addi %mul3A_404, %add3A_409 : i32
        %get3A_411 = arith.index_cast %add3A_410 : i32 to index
        %get3A_412 = tpu.vector_load %arg6[%get3A_411] {strides = array<i32>} : memref<50176xi32, #tpu.memory_space<vmem>>, vector<16xi32>,
        %add3A_413 = arith.constant 32 : i32
        %add3A_414 = arith.addi %mul3A_404, %add3A_413 : i32
        %get3A_415 = arith.index_cast %add3A_414 : i32 to index
        %get3A_416 = tpu.vector_load %arg6[%get3A_415] {strides = array<i32>} : memref<50176xi32, #tpu.memory_space<vmem>>, vector<16xi32>,
        %add3A_417 = arith.constant 48 : i32
        %add3A_418 = arith.addi %mul3A_404, %add3A_417 : i32
        %get3A_419 = arith.index_cast %add3A_418 : i32 to index
        %get3A_420 = tpu.vector_load %arg6[%get3A_419] {strides = array<i32>} : memref<50176xi32, #tpu.memory_space<vmem>>, vector<16xi32>,
        %add3A_421 = arith.constant 64 : i32
        %add3A_422 = arith.addi %mul3A_404, %add3A_421 : i32
        %get3A_423 = arith.index_cast %add3A_422 : i32 to index
        %get3A_424 = tpu.vector_load %arg6[%get3A_423] {strides = array<i32>} : memref<50176xi32, #tpu.memory_space<vmem>>, vector<16xi32>,
        %add3A_425 = arith.constant 80 : i32
        %add3A_426 = arith.addi %mul3A_404, %add3A_425 : i32
        %get3A_427 = arith.index_cast %add3A_426 : i32 to index
        %get3A_428 = tpu.vector_load %arg6[%get3A_427] {strides = array<i32>} : memref<50176xi32, #tpu.memory_space<vmem>>, vector<16xi32>,
        %add3A_429 = arith.constant 96 : i32
        %add3A_430 = arith.addi %mul3A_404, %add3A_429 : i32
        %get3A_431 = arith.index_cast %add3A_430 : i32 to index
        %get3A_432 = tpu.vector_load %arg6[%get3A_431] {strides = array<i32>} : memref<50176xi32, #tpu.memory_space<vmem>>, vector<16xi32>,
        %add3A_433 = arith.constant 112 : i32
        %add3A_434 = arith.addi %mul3A_404, %add3A_433 : i32
        %get3A_435 = arith.index_cast %add3A_434 : i32 to index
        %get3A_436 = tpu.vector_load %arg6[%get3A_435] {strides = array<i32>} : memref<50176xi32, #tpu.memory_space<vmem>>, vector<16xi32>,
        %add3A_437 = arith.constant 128 : i32
        %add3A_438 = arith.addi %mul3A_404, %add3A_437 : i32
        %get3A_439 = arith.index_cast %add3A_438 : i32 to index
        %get3A_440 = tpu.vector_load %arg6[%get3A_439] {strides = array<i32>} : memref<50176xi32, #tpu.memory_space<vmem>>, vector<16xi32>,
        %add3A_441 = arith.constant 144 : i32
        %add3A_442 = arith.addi %mul3A_404, %add3A_441 : i32
        %get3A_443 = arith.index_cast %add3A_442 : i32 to index
        %get3A_444 = tpu.vector_load %arg6[%get3A_443] {strides = array<i32>} : memref<50176xi32, #tpu.memory_space<vmem>>, vector<16xi32>,
        %add3A_445 = arith.constant 160 : i32
        %add3A_446 = arith.addi %mul3A_404, %add3A_445 : i32
        %get3A_447 = arith.index_cast %add3A_446 : i32 to index
        %get3A_448 = tpu.vector_load %arg6[%get3A_447] {strides = array<i32>} : memref<50176xi32, #tpu.memory_space<vmem>>, vector<16xi32>,
        %add3A_449 = arith.constant 176 : i32
        %add3A_450 = arith.addi %mul3A_404, %add3A_449 : i32
        %get3A_451 = arith.index_cast %add3A_450 : i32 to index
        %get3A_452 = tpu.vector_load %arg6[%get3A_451] {strides = array<i32>} : memref<50176xi32, #tpu.memory_space<vmem>>, vector<16xi32>,
        %add3A_453 = arith.constant 192 : i32
        %add3A_454 = arith.addi %mul3A_404, %add3A_453 : i32
        %get3A_455 = arith.index_cast %add3A_454 : i32 to index
        %get3A_456 = tpu.vector_load %arg6[%get3A_455] {strides = array<i32>} : memref<50176xi32, #tpu.memory_space<vmem>>, vector<16xi32>,
        %add3A_457 = arith.constant 208 : i32
        %add3A_458 = arith.addi %mul3A_404, %add3A_457 : i32
        %get3A_459 = arith.index_cast %add3A_458 : i32 to index
        %get3A_460 = tpu.vector_load %arg6[%get3A_459] {strides = array<i32>} : memref<50176xi32, #tpu.memory_space<vmem>>, vector<16xi32>,
        %gather3A = tpu.vector_load_idx %arg7[%get3A_408] : memref<50432xf32, #tpu.memory_space<vmem>>[vector<16xi32>], vector<16xf32>,
        %gather3A_461 = tpu.vector_load_idx %arg7[%get3A_412] : memref<50432xf32, #tpu.memory_space<vmem>>[vector<16xi32>], vector<16xf32>,
        %gather3A_462 = tpu.vector_load_idx %arg7[%get3A_416] : memref<50432xf32, #tpu.memory_space<vmem>>[vector<16xi32>], vector<16xf32>,
        %gather3A_463 = tpu.vector_load_idx %arg7[%get3A_420] : memref<50432xf32, #tpu.memory_space<vmem>>[vector<16xi32>], vector<16xf32>,
        %gather3A_464 = tpu.vector_load_idx %arg7[%get3A_424] : memref<50432xf32, #tpu.memory_space<vmem>>[vector<16xi32>], vector<16xf32>,
        %gather3A_465 = tpu.vector_load_idx %arg7[%get3A_428] : memref<50432xf32, #tpu.memory_space<vmem>>[vector<16xi32>], vector<16xf32>,
        %gather3A_466 = tpu.vector_load_idx %arg7[%get3A_432] : memref<50432xf32, #tpu.memory_space<vmem>>[vector<16xi32>], vector<16xf32>,
        %gather3A_467 = tpu.vector_load_idx %arg7[%get3A_436] : memref<50432xf32, #tpu.memory_space<vmem>>[vector<16xi32>], vector<16xf32>,
        %gather3A_468 = tpu.vector_load_idx %arg7[%get3A_440] : memref<50432xf32, #tpu.memory_space<vmem>>[vector<16xi32>], vector<16xf32>,
        %gather3A_469 = tpu.vector_load_idx %arg7[%get3A_444] : memref<50432xf32, #tpu.memory_space<vmem>>[vector<16xi32>], vector<16xf32>,
        %gather3A_470 = tpu.vector_load_idx %arg7[%get3A_448] : memref<50432xf32, #tpu.memory_space<vmem>>[vector<16xi32>], vector<16xf32>,
        %gather3A_471 = tpu.vector_load_idx %arg7[%get3A_452] : memref<50432xf32, #tpu.memory_space<vmem>>[vector<16xi32>], vector<16xf32>,
        %gather3A_472 = tpu.vector_load_idx %arg7[%get3A_456] : memref<50432xf32, #tpu.memory_space<vmem>>[vector<16xi32>], vector<16xf32>,
        %gather3A_473 = tpu.vector_load_idx %arg7[%get3A_460] : memref<50432xf32, #tpu.memory_space<vmem>>[vector<16xi32>], vector<16xf32>,
        %mul3A_474 = arith.constant 224 : i32
        %mul3A_475 = arith.muli %scan3A_400, %mul3A_474 : i32
        %add3A_476 = arith.constant 0 : i32
        %add3A_477 = arith.addi %mul3A_475, %add3A_476 : i32
        %swap3A = arith.index_cast %add3A_477 : i32 to index
        %swap3A_478 = tpu.vector_load %arg8[%swap3A] {strides = array<i32>} : memref<3584xf32, #tpu.memory_space<vmem>>, vector<16xf32>,
        tpu.vector_store %arg8[%swap3A], %gather3A {strides = array<i32>} : memref<3584xf32, #tpu.memory_space<vmem>>, vector<16xf32>,
        %mul3A_479 = arith.constant 224 : i32
        %mul3A_480 = arith.muli %scan3A_400, %mul3A_479 : i32
        %add3A_481 = arith.constant 16 : i32
        %add3A_482 = arith.addi %mul3A_480, %add3A_481 : i32
        %swap3A_483 = arith.index_cast %add3A_482 : i32 to index
        %swap3A_484 = tpu.vector_load %arg8[%swap3A_483] {strides = array<i32>} : memref<3584xf32, #tpu.memory_space<vmem>>, vector<16xf32>,
        tpu.vector_store %arg8[%swap3A_483], %gather3A_461 {strides = array<i32>} : memref<3584xf32, #tpu.memory_space<vmem>>, vector<16xf32>,
        %mul3A_485 = arith.constant 224 : i32
        %mul3A_486 = arith.muli %scan3A_400, %mul3A_485 : i32
        %add3A_487 = arith.constant 32 : i32
        %add3A_488 = arith.addi %mul3A_486, %add3A_487 : i32
        %swap3A_489 = arith.index_cast %add3A_488 : i32 to index
        %swap3A_490 = tpu.vector_load %arg8[%swap3A_489] {strides = array<i32>} : memref<3584xf32, #tpu.memory_space<vmem>>, vector<16xf32>,
        tpu.vector_store %arg8[%swap3A_489], %gather3A_462 {strides = array<i32>} : memref<3584xf32, #tpu.memory_space<vmem>>, vector<16xf32>,
        %mul3A_491 = arith.constant 224 : i32
        %mul3A_492 = arith.muli %scan3A_400, %mul3A_491 : i32
        %add3A_493 = arith.constant 48 : i32
        %add3A_494 = arith.addi %mul3A_492, %add3A_493 : i32
        %swap3A_495 = arith.index_cast %add3A_494 : i32 to index
        %swap3A_496 = tpu.vector_load %arg8[%swap3A_495] {strides = array<i32>} : memref<3584xf32, #tpu.memory_space<vmem>>, vector<16xf32>,
        tpu.vector_store %arg8[%swap3A_495], %gather3A_463 {strides = array<i32>} : memref<3584xf32, #tpu.memory_space<vmem>>, vector<16xf32>,
        %mul3A_497 = arith.constant 224 : i32
        %mul3A_498 = arith.muli %scan3A_400, %mul3A_497 : i32
        %add3A_499 = arith.constant 64 : i32
        %add3A_500 = arith.addi %mul3A_498, %add3A_499 : i32
        %swap3A_501 = arith.index_cast %add3A_500 : i32 to index
        %swap3A_502 = tpu.vector_load %arg8[%swap3A_501] {strides = array<i32>} : memref<3584xf32, #tpu.memory_space<vmem>>, vector<16xf32>,
        tpu.vector_store %arg8[%swap3A_501], %gather3A_464 {strides = array<i32>} : memref<3584xf32, #tpu.memory_space<vmem>>, vector<16xf32>,
        %mul3A_503 = arith.constant 224 : i32
        %mul3A_504 = arith.muli %scan3A_400, %mul3A_503 : i32
        %add3A_505 = arith.constant 80 : i32
        %add3A_506 = arith.addi %mul3A_504, %add3A_505 : i32
        %swap3A_507 = arith.index_cast %add3A_506 : i32 to index
        %swap3A_508 = tpu.vector_load %arg8[%swap3A_507] {strides = array<i32>} : memref<3584xf32, #tpu.memory_space<vmem>>, vector<16xf32>,
        tpu.vector_store %arg8[%swap3A_507], %gather3A_465 {strides = array<i32>} : memref<3584xf32, #tpu.memory_space<vmem>>, vector<16xf32>,
        %mul3A_509 = arith.constant 224 : i32
        %mul3A_510 = arith.muli %scan3A_400, %mul3A_509 : i32
        %add3A_511 = arith.constant 96 : i32
        %add3A_512 = arith.addi %mul3A_510, %add3A_511 : i32
        %swap3A_513 = arith.index_cast %add3A_512 : i32 to index
        %swap3A_514 = tpu.vector_load %arg8[%swap3A_513] {strides = array<i32>} : memref<3584xf32, #tpu.memory_space<vmem>>, vector<16xf32>,
        tpu.vector_store %arg8[%swap3A_513], %gather3A_466 {strides = array<i32>} : memref<3584xf32, #tpu.memory_space<vmem>>, vector<16xf32>,
        %mul3A_515 = arith.constant 224 : i32
        %mul3A_516 = arith.muli %scan3A_400, %mul3A_515 : i32
        %add3A_517 = arith.constant 112 : i32
        %add3A_518 = arith.addi %mul3A_516, %add3A_517 : i32
        %swap3A_519 = arith.index_cast %add3A_518 : i32 to index
        %swap3A_520 = tpu.vector_load %arg8[%swap3A_519] {strides = array<i32>} : memref<3584xf32, #tpu.memory_space<vmem>>, vector<16xf32>,
        tpu.vector_store %arg8[%swap3A_519], %gather3A_467 {strides = array<i32>} : memref<3584xf32, #tpu.memory_space<vmem>>, vector<16xf32>,
        %mul3A_521 = arith.constant 224 : i32
        %mul3A_522 = arith.muli %scan3A_400, %mul3A_521 : i32
        %add3A_523 = arith.constant 128 : i32
        %add3A_524 = arith.addi %mul3A_522, %add3A_523 : i32
        %swap3A_525 = arith.index_cast %add3A_524 : i32 to index
        %swap3A_526 = tpu.vector_load %arg8[%swap3A_525] {strides = array<i32>} : memref<3584xf32, #tpu.memory_space<vmem>>, vector<16xf32>,
        tpu.vector_store %arg8[%swap3A_525], %gather3A_468 {strides = array<i32>} : memref<3584xf32, #tpu.memory_space<vmem>>, vector<16xf32>,
        %mul3A_527 = arith.constant 224 : i32
        %mul3A_528 = arith.muli %scan3A_400, %mul3A_527 : i32
        %add3A_529 = arith.constant 144 : i32
        %add3A_530 = arith.addi %mul3A_528, %add3A_529 : i32
        %swap3A_531 = arith.index_cast %add3A_530 : i32 to index
        %swap3A_532 = tpu.vector_load %arg8[%swap3A_531] {strides = array<i32>} : memref<3584xf32, #tpu.memory_space<vmem>>, vector<16xf32>,
        tpu.vector_store %arg8[%swap3A_531], %gather3A_469 {strides = array<i32>} : memref<3584xf32, #tpu.memory_space<vmem>>, vector<16xf32>,
        %mul3A_533 = arith.constant 224 : i32
        %mul3A_534 = arith.muli %scan3A_400, %mul3A_533 : i32
        %add3A_535 = arith.constant 160 : i32
        %add3A_536 = arith.addi %mul3A_534, %add3A_535 : i32
        %swap3A_537 = arith.index_cast %add3A_536 : i32 to index
        %swap3A_538 = tpu.vector_load %arg8[%swap3A_537] {strides = array<i32>} : memref<3584xf32, #tpu.memory_space<vmem>>, vector<16xf32>,
        tpu.vector_store %arg8[%swap3A_537], %gather3A_470 {strides = array<i32>} : memref<3584xf32, #tpu.memory_space<vmem>>, vector<16xf32>,
        %mul3A_539 = arith.constant 224 : i32
        %mul3A_540 = arith.muli %scan3A_400, %mul3A_539 : i32
        %add3A_541 = arith.constant 176 : i32
        %add3A_542 = arith.addi %mul3A_540, %add3A_541 : i32
        %swap3A_543 = arith.index_cast %add3A_542 : i32 to index
        %swap3A_544 = tpu.vector_load %arg8[%swap3A_543] {strides = array<i32>} : memref<3584xf32, #tpu.memory_space<vmem>>, vector<16xf32>,
        tpu.vector_store %arg8[%swap3A_543], %gather3A_471 {strides = array<i32>} : memref<3584xf32, #tpu.memory_space<vmem>>, vector<16xf32>,
        %mul3A_545 = arith.constant 224 : i32
        %mul3A_546 = arith.muli %scan3A_400, %mul3A_545 : i32
        %add3A_547 = arith.constant 192 : i32
        %add3A_548 = arith.addi %mul3A_546, %add3A_547 : i32
        %swap3A_549 = arith.index_cast %add3A_548 : i32 to index
        %swap3A_550 = tpu.vector_load %arg8[%swap3A_549] {strides = array<i32>} : memref<3584xf32, #tpu.memory_space<vmem>>, vector<16xf32>,
        tpu.vector_store %arg8[%swap3A_549], %gather3A_472 {strides = array<i32>} : memref<3584xf32, #tpu.memory_space<vmem>>, vector<16xf32>,
        %mul3A_551 = arith.constant 224 : i32
        %mul3A_552 = arith.muli %scan3A_400, %mul3A_551 : i32
        %add3A_553 = arith.constant 208 : i32
        %add3A_554 = arith.addi %mul3A_552, %add3A_553 : i32
        %swap3A_555 = arith.index_cast %add3A_554 : i32 to index
        %swap3A_556 = tpu.vector_load %arg8[%swap3A_555] {strides = array<i32>} : memref<3584xf32, #tpu.memory_space<vmem>>, vector<16xf32>,
        tpu.vector_store %arg8[%swap3A_555], %gather3A_473 {strides = array<i32>} : memref<3584xf32, #tpu.memory_space<vmem>>, vector<16xf32>,
      }
      %scan3A_211 = arith.constant 16 : i32
      %mul3A_212 = arith.constant 50176 : i32
      %mul3A_213 = arith.muli %add3A_197, %mul3A_212 : i32
      %add3A_214 = arith.constant 0 : i32
      %add3A_215 = arith.addi %mul3A_213, %add3A_214 : i32
      %dma_start3A = tpu.memref_slice %arg4[%add3A_215] : memref<38535168xf32, #tpu.memory_space<hbm>> -> memref<3584xf32, #tpu.memory_space<hbm>>
      %dma_start3A_216 = tpu.memref_slice %arg4[%add3A_215] : memref<38535168xf32, #tpu.memory_space<hbm>> -> memref<3584xf32, #tpu.memory_space<hbm>>
      tpu.enqueue_dma source(%arg8 : memref<3584xf32, #tpu.memory_space<vmem>>) target(%dma_start3A_216 : memref<3584xf32, #tpu.memory_space<hbm>>) target_semaphore(%arg12 : memref<!tpu.dma_semaphore, #tpu.memory_space<semaphore_mem>>)
      %scan3A_217 = arith.constant 0 : i32
      %scan3A_218 = arith.constant 0 : i32
      %scan3A_219 = arith.constant 16 : i32
      %scan3A_220 = arith.addi %scan3A_218, %scan3A_219 : i32
      %scan3A_221 = arith.constant 1 : i32
      scf.for %scan3A_400 = %scan3A_218 to %scan3A_220 step %scan3A_221  : i32 {
        %add3A_401 = arith.constant 16 : i32
        %add3A_402 = arith.addi %add3A_401, %scan3A_400 : i32
        %mul3A_403 = arith.constant 224 : i32
        %mul3A_404 = arith.muli %add3A_402, %mul3A_403 : i32
        %add3A_405 = arith.constant 0 : i32
        %add3A_406 = arith.addi %mul3A_404, %add3A_405 : i32
        %get3A_407 = arith.index_cast %add3A_406 : i32 to index
        %get3A_408 = tpu.vector_load %arg6[%get3A_407] {strides = array<i32>} : memref<50176xi32, #tpu.memory_space<vmem>>, vector<16xi32>,
        %add3A_409 = arith.constant 16 : i32
        %add3A_410 = arith.addi %mul3A_404, %add3A_409 : i32
        %get3A_411 = arith.index_cast %add3A_410 : i32 to index
        %get3A_412 = tpu.vector_load %arg6[%get3A_411] {strides = array<i32>} : memref<50176xi32, #tpu.memory_space<vmem>>, vector<16xi32>,
        %add3A_413 = arith.constant 32 : i32
        %add3A_414 = arith.addi %mul3A_404, %add3A_413 : i32
        %get3A_415 = arith.index_cast %add3A_414 : i32 to index
        %get3A_416 = tpu.vector_load %arg6[%get3A_415] {strides = array<i32>} : memref<50176xi32, #tpu.memory_space<vmem>>, vector<16xi32>,
        %add3A_417 = arith.constant 48 : i32
        %add3A_418 = arith.addi %mul3A_404, %add3A_417 : i32
        %get3A_419 = arith.index_cast %add3A_418 : i32 to index
        %get3A_420 = tpu.vector_load %arg6[%get3A_419] {strides = array<i32>} : memref<50176xi32, #tpu.memory_space<vmem>>, vector<16xi32>,
        %add3A_421 = arith.constant 64 : i32
        %add3A_422 = arith.addi %mul3A_404, %add3A_421 : i32
        %get3A_423 = arith.index_cast %add3A_422 : i32 to index
        %get3A_424 = tpu.vector_load %arg6[%get3A_423] {strides = array<i32>} : memref<50176xi32, #tpu.memory_space<vmem>>, vector<16xi32>,
        %add3A_425 = arith.constant 80 : i32
        %add3A_426 = arith.addi %mul3A_404, %add3A_425 : i32
        %get3A_427 = arith.index_cast %add3A_426 : i32 to index
        %get3A_428 = tpu.vector_load %arg6[%get3A_427] {strides = array<i32>} : memref<50176xi32, #tpu.memory_space<vmem>>, vector<16xi32>,
        %add3A_429 = arith.constant 96 : i32
        %add3A_430 = arith.addi %mul3A_404, %add3A_429 : i32
        %get3A_431 = arith.index_cast %add3A_430 : i32 to index
        %get3A_432 = tpu.vector_load %arg6[%get3A_431] {strides = array<i32>} : memref<50176xi32, #tpu.memory_space<vmem>>, vector<16xi32>,
        %add3A_433 = arith.constant 112 : i32
        %add3A_434 = arith.addi %mul3A_404, %add3A_433 : i32
        %get3A_435 = arith.index_cast %add3A_434 : i32 to index
        %get3A_436 = tpu.vector_load %arg6[%get3A_435] {strides = array<i32>} : memref<50176xi32, #tpu.memory_space<vmem>>, vector<16xi32>,
        %add3A_437 = arith.constant 128 : i32
        %add3A_438 = arith.addi %mul3A_404, %add3A_437 : i32
        %get3A_439 = arith.index_cast %add3A_438 : i32 to index
        %get3A_440 = tpu.vector_load %arg6[%get3A_439] {strides = array<i32>} : memref<50176xi32, #tpu.memory_space<vmem>>, vector<16xi32>,
        %add3A_441 = arith.constant 144 : i32
        %add3A_442 = arith.addi %mul3A_404, %add3A_441 : i32
        %get3A_443 = arith.index_cast %add3A_442 : i32 to index
        %get3A_444 = tpu.vector_load %arg6[%get3A_443] {strides = array<i32>} : memref<50176xi32, #tpu.memory_space<vmem>>, vector<16xi32>,
        %add3A_445 = arith.constant 160 : i32
        %add3A_446 = arith.addi %mul3A_404, %add3A_445 : i32
        %get3A_447 = arith.index_cast %add3A_446 : i32 to index
        %get3A_448 = tpu.vector_load %arg6[%get3A_447] {strides = array<i32>} : memref<50176xi32, #tpu.memory_space<vmem>>, vector<16xi32>,
        %add3A_449 = arith.constant 176 : i32
        %add3A_450 = arith.addi %mul3A_404, %add3A_449 : i32
        %get3A_451 = arith.index_cast %add3A_450 : i32 to index
        %get3A_452 = tpu.vector_load %arg6[%get3A_451] {strides = array<i32>} : memref<50176xi32, #tpu.memory_space<vmem>>, vector<16xi32>,
        %add3A_453 = arith.constant 192 : i32
        %add3A_454 = arith.addi %mul3A_404, %add3A_453 : i32
        %get3A_455 = arith.index_cast %add3A_454 : i32 to index
        %get3A_456 = tpu.vector_load %arg6[%get3A_455] {strides = array<i32>} : memref<50176xi32, #tpu.memory_space<vmem>>, vector<16xi32>,
        %add3A_457 = arith.constant 208 : i32
        %add3A_458 = arith.addi %mul3A_404, %add3A_457 : i32
        %get3A_459 = arith.index_cast %add3A_458 : i32 to index
        %get3A_460 = tpu.vector_load %arg6[%get3A_459] {strides = array<i32>} : memref<50176xi32, #tpu.memory_space<vmem>>, vector<16xi32>,
        %gather3A = tpu.vector_load_idx %arg7[%get3A_408] : memref<50432xf32, #tpu.memory_space<vmem>>[vector<16xi32>], vector<16xf32>,
        %gather3A_461 = tpu.vector_load_idx %arg7[%get3A_412] : memref<50432xf32, #tpu.memory_space<vmem>>[vector<16xi32>], vector<16xf32>,
        %gather3A_462 = tpu.vector_load_idx %arg7[%get3A_416] : memref<50432xf32, #tpu.memory_space<vmem>>[vector<16xi32>], vector<16xf32>,
        %gather3A_463 = tpu.vector_load_idx %arg7[%get3A_420] : memref<50432xf32, #tpu.memory_space<vmem>>[vector<16xi32>], vector<16xf32>,
        %gather3A_464 = tpu.vector_load_idx %arg7[%get3A_424] : memref<50432xf32, #tpu.memory_space<vmem>>[vector<16xi32>], vector<16xf32>,
        %gather3A_465 = tpu.vector_load_idx %arg7[%get3A_428] : memref<50432xf32, #tpu.memory_space<vmem>>[vector<16xi32>], vector<16xf32>,
        %gather3A_466 = tpu.vector_load_idx %arg7[%get3A_432] : memref<50432xf32, #tpu.memory_space<vmem>>[vector<16xi32>], vector<16xf32>,
        %gather3A_467 = tpu.vector_load_idx %arg7[%get3A_436] : memref<50432xf32, #tpu.memory_space<vmem>>[vector<16xi32>], vector<16xf32>,
        %gather3A_468 = tpu.vector_load_idx %arg7[%get3A_440] : memref<50432xf32, #tpu.memory_space<vmem>>[vector<16xi32>], vector<16xf32>,
        %gather3A_469 = tpu.vector_load_idx %arg7[%get3A_444] : memref<50432xf32, #tpu.memory_space<vmem>>[vector<16xi32>], vector<16xf32>,
        %gather3A_470 = tpu.vector_load_idx %arg7[%get3A_448] : memref<50432xf32, #tpu.memory_space<vmem>>[vector<16xi32>], vector<16xf32>,
        %gather3A_471 = tpu.vector_load_idx %arg7[%get3A_452] : memref<50432xf32, #tpu.memory_space<vmem>>[vector<16xi32>], vector<16xf32>,
        %gather3A_472 = tpu.vector_load_idx %arg7[%get3A_456] : memref<50432xf32, #tpu.memory_space<vmem>>[vector<16xi32>], vector<16xf32>,
        %gather3A_473 = tpu.vector_load_idx %arg7[%get3A_460] : memref<50432xf32, #tpu.memory_space<vmem>>[vector<16xi32>], vector<16xf32>,
        %mul3A_474 = arith.constant 224 : i32
        %mul3A_475 = arith.muli %scan3A_400, %mul3A_474 : i32
        %add3A_476 = arith.constant 0 : i32
        %add3A_477 = arith.addi %mul3A_475, %add3A_476 : i32
        %swap3A = arith.index_cast %add3A_477 : i32 to index
        %swap3A_478 = tpu.vector_load %arg9[%swap3A] {strides = array<i32>} : memref<3584xf32, #tpu.memory_space<vmem>>, vector<16xf32>,
        tpu.vector_store %arg9[%swap3A], %gather3A {strides = array<i32>} : memref<3584xf32, #tpu.memory_space<vmem>>, vector<16xf32>,
        %mul3A_479 = arith.constant 224 : i32
        %mul3A_480 = arith.muli %scan3A_400, %mul3A_479 : i32
        %add3A_481 = arith.constant 16 : i32
        %add3A_482 = arith.addi %mul3A_480, %add3A_481 : i32
        %swap3A_483 = arith.index_cast %add3A_482 : i32 to index
        %swap3A_484 = tpu.vector_load %arg9[%swap3A_483] {strides = array<i32>} : memref<3584xf32, #tpu.memory_space<vmem>>, vector<16xf32>,
        tpu.vector_store %arg9[%swap3A_483], %gather3A_461 {strides = array<i32>} : memref<3584xf32, #tpu.memory_space<vmem>>, vector<16xf32>,
        %mul3A_485 = arith.constant 224 : i32
        %mul3A_486 = arith.muli %scan3A_400, %mul3A_485 : i32
        %add3A_487 = arith.constant 32 : i32
        %add3A_488 = arith.addi %mul3A_486, %add3A_487 : i32
        %swap3A_489 = arith.index_cast %add3A_488 : i32 to index
        %swap3A_490 = tpu.vector_load %arg9[%swap3A_489] {strides = array<i32>} : memref<3584xf32, #tpu.memory_space<vmem>>, vector<16xf32>,
        tpu.vector_store %arg9[%swap3A_489], %gather3A_462 {strides = array<i32>} : memref<3584xf32, #tpu.memory_space<vmem>>, vector<16xf32>,
        %mul3A_491 = arith.constant 224 : i32
        %mul3A_492 = arith.muli %scan3A_400, %mul3A_491 : i32
        %add3A_493 = arith.constant 48 : i32
        %add3A_494 = arith.addi %mul3A_492, %add3A_493 : i32
        %swap3A_495 = arith.index_cast %add3A_494 : i32 to index
        %swap3A_496 = tpu.vector_load %arg9[%swap3A_495] {strides = array<i32>} : memref<3584xf32, #tpu.memory_space<vmem>>, vector<16xf32>,
        tpu.vector_store %arg9[%swap3A_495], %gather3A_463 {strides = array<i32>} : memref<3584xf32, #tpu.memory_space<vmem>>, vector<16xf32>,
        %mul3A_497 = arith.constant 224 : i32
        %mul3A_498 = arith.muli %scan3A_400, %mul3A_497 : i32
        %add3A_499 = arith.constant 64 : i32
        %add3A_500 = arith.addi %mul3A_498, %add3A_499 : i32
        %swap3A_501 = arith.index_cast %add3A_500 : i32 to index
        %swap3A_502 = tpu.vector_load %arg9[%swap3A_501] {strides = array<i32>} : memref<3584xf32, #tpu.memory_space<vmem>>, vector<16xf32>,
        tpu.vector_store %arg9[%swap3A_501], %gather3A_464 {strides = array<i32>} : memref<3584xf32, #tpu.memory_space<vmem>>, vector<16xf32>,
        %mul3A_503 = arith.constant 224 : i32
        %mul3A_504 = arith.muli %scan3A_400, %mul3A_503 : i32
        %add3A_505 = arith.constant 80 : i32
        %add3A_506 = arith.addi %mul3A_504, %add3A_505 : i32
        %swap3A_507 = arith.index_cast %add3A_506 : i32 to index
        %swap3A_508 = tpu.vector_load %arg9[%swap3A_507] {strides = array<i32>} : memref<3584xf32, #tpu.memory_space<vmem>>, vector<16xf32>,
        tpu.vector_store %arg9[%swap3A_507], %gather3A_465 {strides = array<i32>} : memref<3584xf32, #tpu.memory_space<vmem>>, vector<16xf32>,
        %mul3A_509 = arith.constant 224 : i32
        %mul3A_510 = arith.muli %scan3A_400, %mul3A_509 : i32
        %add3A_511 = arith.constant 96 : i32
        %add3A_512 = arith.addi %mul3A_510, %add3A_511 : i32
        %swap3A_513 = arith.index_cast %add3A_512 : i32 to index
        %swap3A_514 = tpu.vector_load %arg9[%swap3A_513] {strides = array<i32>} : memref<3584xf32, #tpu.memory_space<vmem>>, vector<16xf32>,
        tpu.vector_store %arg9[%swap3A_513], %gather3A_466 {strides = array<i32>} : memref<3584xf32, #tpu.memory_space<vmem>>, vector<16xf32>,
        %mul3A_515 = arith.constant 224 : i32
        %mul3A_516 = arith.muli %scan3A_400, %mul3A_515 : i32
        %add3A_517 = arith.constant 112 : i32
        %add3A_518 = arith.addi %mul3A_516, %add3A_517 : i32
        %swap3A_519 = arith.index_cast %add3A_518 : i32 to index
        %swap3A_520 = tpu.vector_load %arg9[%swap3A_519] {strides = array<i32>} : memref<3584xf32, #tpu.memory_space<vmem>>, vector<16xf32>,
        tpu.vector_store %arg9[%swap3A_519], %gather3A_467 {strides = array<i32>} : memref<3584xf32, #tpu.memory_space<vmem>>, vector<16xf32>,
        %mul3A_521 = arith.constant 224 : i32
        %mul3A_522 = arith.muli %scan3A_400, %mul3A_521 : i32
        %add3A_523 = arith.constant 128 : i32
        %add3A_524 = arith.addi %mul3A_522, %add3A_523 : i32
        %swap3A_525 = arith.index_cast %add3A_524 : i32 to index
        %swap3A_526 = tpu.vector_load %arg9[%swap3A_525] {strides = array<i32>} : memref<3584xf32, #tpu.memory_space<vmem>>, vector<16xf32>,
        tpu.vector_store %arg9[%swap3A_525], %gather3A_468 {strides = array<i32>} : memref<3584xf32, #tpu.memory_space<vmem>>, vector<16xf32>,
        %mul3A_527 = arith.constant 224 : i32
        %mul3A_528 = arith.muli %scan3A_400, %mul3A_527 : i32
        %add3A_529 = arith.constant 144 : i32
        %add3A_530 = arith.addi %mul3A_528, %add3A_529 : i32
        %swap3A_531 = arith.index_cast %add3A_530 : i32 to index
        %swap3A_532 = tpu.vector_load %arg9[%swap3A_531] {strides = array<i32>} : memref<3584xf32, #tpu.memory_space<vmem>>, vector<16xf32>,
        tpu.vector_store %arg9[%swap3A_531], %gather3A_469 {strides = array<i32>} : memref<3584xf32, #tpu.memory_space<vmem>>, vector<16xf32>,
        %mul3A_533 = arith.constant 224 : i32
        %mul3A_534 = arith.muli %scan3A_400, %mul3A_533 : i32
        %add3A_535 = arith.constant 160 : i32
        %add3A_536 = arith.addi %mul3A_534, %add3A_535 : i32
        %swap3A_537 = arith.index_cast %add3A_536 : i32 to index
        %swap3A_538 = tpu.vector_load %arg9[%swap3A_537] {strides = array<i32>} : memref<3584xf32, #tpu.memory_space<vmem>>, vector<16xf32>,
        tpu.vector_store %arg9[%swap3A_537], %gather3A_470 {strides = array<i32>} : memref<3584xf32, #tpu.memory_space<vmem>>, vector<16xf32>,
        %mul3A_539 = arith.constant 224 : i32
        %mul3A_540 = arith.muli %scan3A_400, %mul3A_539 : i32
        %add3A_541 = arith.constant 176 : i32
        %add3A_542 = arith.addi %mul3A_540, %add3A_541 : i32
        %swap3A_543 = arith.index_cast %add3A_542 : i32 to index
        %swap3A_544 = tpu.vector_load %arg9[%swap3A_543] {strides = array<i32>} : memref<3584xf32, #tpu.memory_space<vmem>>, vector<16xf32>,
        tpu.vector_store %arg9[%swap3A_543], %gather3A_471 {strides = array<i32>} : memref<3584xf32, #tpu.memory_space<vmem>>, vector<16xf32>,
        %mul3A_545 = arith.constant 224 : i32
        %mul3A_546 = arith.muli %scan3A_400, %mul3A_545 : i32
        %add3A_547 = arith.constant 192 : i32
        %add3A_548 = arith.addi %mul3A_546, %add3A_547 : i32
        %swap3A_549 = arith.index_cast %add3A_548 : i32 to index
        %swap3A_550 = tpu.vector_load %arg9[%swap3A_549] {strides = array<i32>} : memref<3584xf32, #tpu.memory_space<vmem>>, vector<16xf32>,
        tpu.vector_store %arg9[%swap3A_549], %gather3A_472 {strides = array<i32>} : memref<3584xf32, #tpu.memory_space<vmem>>, vector<16xf32>,
        %mul3A_551 = arith.constant 224 : i32
        %mul3A_552 = arith.muli %scan3A_400, %mul3A_551 : i32
        %add3A_553 = arith.constant 208 : i32
        %add3A_554 = arith.addi %mul3A_552, %add3A_553 : i32
        %swap3A_555 = arith.index_cast %add3A_554 : i32 to index
        %swap3A_556 = tpu.vector_load %arg9[%swap3A_555] {strides = array<i32>} : memref<3584xf32, #tpu.memory_space<vmem>>, vector<16xf32>,
        tpu.vector_store %arg9[%swap3A_555], %gather3A_473 {strides = array<i32>} : memref<3584xf32, #tpu.memory_space<vmem>>, vector<16xf32>,
      }
      %scan3A_222 = arith.constant 16 : i32
      %mul3A_223 = arith.constant 50176 : i32
      %mul3A_224 = arith.muli %add3A_197, %mul3A_223 : i32
      %add3A_225 = arith.constant 3584 : i32
      %add3A_226 = arith.addi %mul3A_224, %add3A_225 : i32
      %dma_start3A_227 = tpu.memref_slice %arg4[%add3A_226] : memref<38535168xf32, #tpu.memory_space<hbm>> -> memref<3584xf32, #tpu.memory_space<hbm>>
      %dma_start3A_228 = tpu.memref_slice %arg4[%add3A_226] : memref<38535168xf32, #tpu.memory_space<hbm>> -> memref<3584xf32, #tpu.memory_space<hbm>>
      tpu.enqueue_dma source(%arg9 : memref<3584xf32, #tpu.memory_space<vmem>>) target(%dma_start3A_228 : memref<3584xf32, #tpu.memory_space<hbm>>) target_semaphore(%arg13 : memref<!tpu.dma_semaphore, #tpu.memory_space<semaphore_mem>>)
      %scan3A_229 = arith.constant 0 : i32
      %scan3A_230 = arith.constant 0 : i32
      %scan3A_231 = arith.constant 16 : i32
      %scan3A_232 = arith.addi %scan3A_230, %scan3A_231 : i32
      %scan3A_233 = arith.constant 1 : i32
      scf.for %scan3A_400 = %scan3A_230 to %scan3A_232 step %scan3A_233  : i32 {
        %add3A_401 = arith.constant 32 : i32
        %add3A_402 = arith.addi %add3A_401, %scan3A_400 : i32
        %mul3A_403 = arith.constant 224 : i32
        %mul3A_404 = arith.muli %add3A_402, %mul3A_403 : i32
        %add3A_405 = arith.constant 0 : i32
        %add3A_406 = arith.addi %mul3A_404, %add3A_405 : i32
        %get3A_407 = arith.index_cast %add3A_406 : i32 to index
        %get3A_408 = tpu.vector_load %arg6[%get3A_407] {strides = array<i32>} : memref<50176xi32, #tpu.memory_space<vmem>>, vector<16xi32>,
        %add3A_409 = arith.constant 16 : i32
        %add3A_410 = arith.addi %mul3A_404, %add3A_409 : i32
        %get3A_411 = arith.index_cast %add3A_410 : i32 to index
        %get3A_412 = tpu.vector_load %arg6[%get3A_411] {strides = array<i32>} : memref<50176xi32, #tpu.memory_space<vmem>>, vector<16xi32>,
        %add3A_413 = arith.constant 32 : i32
        %add3A_414 = arith.addi %mul3A_404, %add3A_413 : i32
        %get3A_415 = arith.index_cast %add3A_414 : i32 to index
        %get3A_416 = tpu.vector_load %arg6[%get3A_415] {strides = array<i32>} : memref<50176xi32, #tpu.memory_space<vmem>>, vector<16xi32>,
        %add3A_417 = arith.constant 48 : i32
        %add3A_418 = arith.addi %mul3A_404, %add3A_417 : i32
        %get3A_419 = arith.index_cast %add3A_418 : i32 to index
        %get3A_420 = tpu.vector_load %arg6[%get3A_419] {strides = array<i32>} : memref<50176xi32, #tpu.memory_space<vmem>>, vector<16xi32>,
        %add3A_421 = arith.constant 64 : i32
        %add3A_422 = arith.addi %mul3A_404, %add3A_421 : i32
        %get3A_423 = arith.index_cast %add3A_422 : i32 to index
        %get3A_424 = tpu.vector_load %arg6[%get3A_423] {strides = array<i32>} : memref<50176xi32, #tpu.memory_space<vmem>>, vector<16xi32>,
        %add3A_425 = arith.constant 80 : i32
        %add3A_426 = arith.addi %mul3A_404, %add3A_425 : i32
        %get3A_427 = arith.index_cast %add3A_426 : i32 to index
        %get3A_428 = tpu.vector_load %arg6[%get3A_427] {strides = array<i32>} : memref<50176xi32, #tpu.memory_space<vmem>>, vector<16xi32>,
        %add3A_429 = arith.constant 96 : i32
        %add3A_430 = arith.addi %mul3A_404, %add3A_429 : i32
        %get3A_431 = arith.index_cast %add3A_430 : i32 to index
        %get3A_432 = tpu.vector_load %arg6[%get3A_431] {strides = array<i32>} : memref<50176xi32, #tpu.memory_space<vmem>>, vector<16xi32>,
        %add3A_433 = arith.constant 112 : i32
        %add3A_434 = arith.addi %mul3A_404, %add3A_433 : i32
        %get3A_435 = arith.index_cast %add3A_434 : i32 to index
        %get3A_436 = tpu.vector_load %arg6[%get3A_435] {strides = array<i32>} : memref<50176xi32, #tpu.memory_space<vmem>>, vector<16xi32>,
        %add3A_437 = arith.constant 128 : i32
        %add3A_438 = arith.addi %mul3A_404, %add3A_437 : i32
        %get3A_439 = arith.index_cast %add3A_438 : i32 to index
        %get3A_440 = tpu.vector_load %arg6[%get3A_439] {strides = array<i32>} : memref<50176xi32, #tpu.memory_space<vmem>>, vector<16xi32>,
        %add3A_441 = arith.constant 144 : i32
        %add3A_442 = arith.addi %mul3A_404, %add3A_441 : i32
        %get3A_443 = arith.index_cast %add3A_442 : i32 to index
        %get3A_444 = tpu.vector_load %arg6[%get3A_443] {strides = array<i32>} : memref<50176xi32, #tpu.memory_space<vmem>>, vector<16xi32>,
        %add3A_445 = arith.constant 160 : i32
        %add3A_446 = arith.addi %mul3A_404, %add3A_445 : i32
        %get3A_447 = arith.index_cast %add3A_446 : i32 to index
        %get3A_448 = tpu.vector_load %arg6[%get3A_447] {strides = array<i32>} : memref<50176xi32, #tpu.memory_space<vmem>>, vector<16xi32>,
        %add3A_449 = arith.constant 176 : i32
        %add3A_450 = arith.addi %mul3A_404, %add3A_449 : i32
        %get3A_451 = arith.index_cast %add3A_450 : i32 to index
        %get3A_452 = tpu.vector_load %arg6[%get3A_451] {strides = array<i32>} : memref<50176xi32, #tpu.memory_space<vmem>>, vector<16xi32>,
        %add3A_453 = arith.constant 192 : i32
        %add3A_454 = arith.addi %mul3A_404, %add3A_453 : i32
        %get3A_455 = arith.index_cast %add3A_454 : i32 to index
        %get3A_456 = tpu.vector_load %arg6[%get3A_455] {strides = array<i32>} : memref<50176xi32, #tpu.memory_space<vmem>>, vector<16xi32>,
        %add3A_457 = arith.constant 208 : i32
        %add3A_458 = arith.addi %mul3A_404, %add3A_457 : i32
        %get3A_459 = arith.index_cast %add3A_458 : i32 to index
        %get3A_460 = tpu.vector_load %arg6[%get3A_459] {strides = array<i32>} : memref<50176xi32, #tpu.memory_space<vmem>>, vector<16xi32>,
        %gather3A = tpu.vector_load_idx %arg7[%get3A_408] : memref<50432xf32, #tpu.memory_space<vmem>>[vector<16xi32>], vector<16xf32>,
        %gather3A_461 = tpu.vector_load_idx %arg7[%get3A_412] : memref<50432xf32, #tpu.memory_space<vmem>>[vector<16xi32>], vector<16xf32>,
        %gather3A_462 = tpu.vector_load_idx %arg7[%get3A_416] : memref<50432xf32, #tpu.memory_space<vmem>>[vector<16xi32>], vector<16xf32>,
        %gather3A_463 = tpu.vector_load_idx %arg7[%get3A_420] : memref<50432xf32, #tpu.memory_space<vmem>>[vector<16xi32>], vector<16xf32>,
        %gather3A_464 = tpu.vector_load_idx %arg7[%get3A_424] : memref<50432xf32, #tpu.memory_space<vmem>>[vector<16xi32>], vector<16xf32>,
        %gather3A_465 = tpu.vector_load_idx %arg7[%get3A_428] : memref<50432xf32, #tpu.memory_space<vmem>>[vector<16xi32>], vector<16xf32>,
        %gather3A_466 = tpu.vector_load_idx %arg7[%get3A_432] : memref<50432xf32, #tpu.memory_space<vmem>>[vector<16xi32>], vector<16xf32>,
        %gather3A_467 = tpu.vector_load_idx %arg7[%get3A_436] : memref<50432xf32, #tpu.memory_space<vmem>>[vector<16xi32>], vector<16xf32>,
        %gather3A_468 = tpu.vector_load_idx %arg7[%get3A_440] : memref<50432xf32, #tpu.memory_space<vmem>>[vector<16xi32>], vector<16xf32>,
        %gather3A_469 = tpu.vector_load_idx %arg7[%get3A_444] : memref<50432xf32, #tpu.memory_space<vmem>>[vector<16xi32>], vector<16xf32>,
        %gather3A_470 = tpu.vector_load_idx %arg7[%get3A_448] : memref<50432xf32, #tpu.memory_space<vmem>>[vector<16xi32>], vector<16xf32>,
        %gather3A_471 = tpu.vector_load_idx %arg7[%get3A_452] : memref<50432xf32, #tpu.memory_space<vmem>>[vector<16xi32>], vector<16xf32>,
        %gather3A_472 = tpu.vector_load_idx %arg7[%get3A_456] : memref<50432xf32, #tpu.memory_space<vmem>>[vector<16xi32>], vector<16xf32>,
        %gather3A_473 = tpu.vector_load_idx %arg7[%get3A_460] : memref<50432xf32, #tpu.memory_space<vmem>>[vector<16xi32>], vector<16xf32>,
        %mul3A_474 = arith.constant 224 : i32
        %mul3A_475 = arith.muli %scan3A_400, %mul3A_474 : i32
        %add3A_476 = arith.constant 0 : i32
        %add3A_477 = arith.addi %mul3A_475, %add3A_476 : i32
        %swap3A = arith.index_cast %add3A_477 : i32 to index
        %swap3A_478 = tpu.vector_load %arg10[%swap3A] {strides = array<i32>} : memref<3584xf32, #tpu.memory_space<vmem>>, vector<16xf32>,
        tpu.vector_store %arg10[%swap3A], %gather3A {strides = array<i32>} : memref<3584xf32, #tpu.memory_space<vmem>>, vector<16xf32>,
        %mul3A_479 = arith.constant 224 : i32
        %mul3A_480 = arith.muli %scan3A_400, %mul3A_479 : i32
        %add3A_481 = arith.constant 16 : i32
        %add3A_482 = arith.addi %mul3A_480, %add3A_481 : i32
        %swap3A_483 = arith.index_cast %add3A_482 : i32 to index
        %swap3A_484 = tpu.vector_load %arg10[%swap3A_483] {strides = array<i32>} : memref<3584xf32, #tpu.memory_space<vmem>>, vector<16xf32>,
        tpu.vector_store %arg10[%swap3A_483], %gather3A_461 {strides = array<i32>} : memref<3584xf32, #tpu.memory_space<vmem>>, vector<16xf32>,
        %mul3A_485 = arith.constant 224 : i32
        %mul3A_486 = arith.muli %scan3A_400, %mul3A_485 : i32
        %add3A_487 = arith.constant 32 : i32
        %add3A_488 = arith.addi %mul3A_486, %add3A_487 : i32
        %swap3A_489 = arith.index_cast %add3A_488 : i32 to index
        %swap3A_490 = tpu.vector_load %arg10[%swap3A_489] {strides = array<i32>} : memref<3584xf32, #tpu.memory_space<vmem>>, vector<16xf32>,
        tpu.vector_store %arg10[%swap3A_489], %gather3A_462 {strides = array<i32>} : memref<3584xf32, #tpu.memory_space<vmem>>, vector<16xf32>,
        %mul3A_491 = arith.constant 224 : i32
        %mul3A_492 = arith.muli %scan3A_400, %mul3A_491 : i32
        %add3A_493 = arith.constant 48 : i32
        %add3A_494 = arith.addi %mul3A_492, %add3A_493 : i32
        %swap3A_495 = arith.index_cast %add3A_494 : i32 to index
        %swap3A_496 = tpu.vector_load %arg10[%swap3A_495] {strides = array<i32>} : memref<3584xf32, #tpu.memory_space<vmem>>, vector<16xf32>,
        tpu.vector_store %arg10[%swap3A_495], %gather3A_463 {strides = array<i32>} : memref<3584xf32, #tpu.memory_space<vmem>>, vector<16xf32>,
        %mul3A_497 = arith.constant 224 : i32
        %mul3A_498 = arith.muli %scan3A_400, %mul3A_497 : i32
        %add3A_499 = arith.constant 64 : i32
        %add3A_500 = arith.addi %mul3A_498, %add3A_499 : i32
        %swap3A_501 = arith.index_cast %add3A_500 : i32 to index
        %swap3A_502 = tpu.vector_load %arg10[%swap3A_501] {strides = array<i32>} : memref<3584xf32, #tpu.memory_space<vmem>>, vector<16xf32>,
        tpu.vector_store %arg10[%swap3A_501], %gather3A_464 {strides = array<i32>} : memref<3584xf32, #tpu.memory_space<vmem>>, vector<16xf32>,
        %mul3A_503 = arith.constant 224 : i32
        %mul3A_504 = arith.muli %scan3A_400, %mul3A_503 : i32
        %add3A_505 = arith.constant 80 : i32
        %add3A_506 = arith.addi %mul3A_504, %add3A_505 : i32
        %swap3A_507 = arith.index_cast %add3A_506 : i32 to index
        %swap3A_508 = tpu.vector_load %arg10[%swap3A_507] {strides = array<i32>} : memref<3584xf32, #tpu.memory_space<vmem>>, vector<16xf32>,
        tpu.vector_store %arg10[%swap3A_507], %gather3A_465 {strides = array<i32>} : memref<3584xf32, #tpu.memory_space<vmem>>, vector<16xf32>,
        %mul3A_509 = arith.constant 224 : i32
        %mul3A_510 = arith.muli %scan3A_400, %mul3A_509 : i32
        %add3A_511 = arith.constant 96 : i32
        %add3A_512 = arith.addi %mul3A_510, %add3A_511 : i32
        %swap3A_513 = arith.index_cast %add3A_512 : i32 to index
        %swap3A_514 = tpu.vector_load %arg10[%swap3A_513] {strides = array<i32>} : memref<3584xf32, #tpu.memory_space<vmem>>, vector<16xf32>,
        tpu.vector_store %arg10[%swap3A_513], %gather3A_466 {strides = array<i32>} : memref<3584xf32, #tpu.memory_space<vmem>>, vector<16xf32>,
        %mul3A_515 = arith.constant 224 : i32
        %mul3A_516 = arith.muli %scan3A_400, %mul3A_515 : i32
        %add3A_517 = arith.constant 112 : i32
        %add3A_518 = arith.addi %mul3A_516, %add3A_517 : i32
        %swap3A_519 = arith.index_cast %add3A_518 : i32 to index
        %swap3A_520 = tpu.vector_load %arg10[%swap3A_519] {strides = array<i32>} : memref<3584xf32, #tpu.memory_space<vmem>>, vector<16xf32>,
        tpu.vector_store %arg10[%swap3A_519], %gather3A_467 {strides = array<i32>} : memref<3584xf32, #tpu.memory_space<vmem>>, vector<16xf32>,
        %mul3A_521 = arith.constant 224 : i32
        %mul3A_522 = arith.muli %scan3A_400, %mul3A_521 : i32
        %add3A_523 = arith.constant 128 : i32
        %add3A_524 = arith.addi %mul3A_522, %add3A_523 : i32
        %swap3A_525 = arith.index_cast %add3A_524 : i32 to index
        %swap3A_526 = tpu.vector_load %arg10[%swap3A_525] {strides = array<i32>} : memref<3584xf32, #tpu.memory_space<vmem>>, vector<16xf32>,
        tpu.vector_store %arg10[%swap3A_525], %gather3A_468 {strides = array<i32>} : memref<3584xf32, #tpu.memory_space<vmem>>, vector<16xf32>,
        %mul3A_527 = arith.constant 224 : i32
        %mul3A_528 = arith.muli %scan3A_400, %mul3A_527 : i32
        %add3A_529 = arith.constant 144 : i32
        %add3A_530 = arith.addi %mul3A_528, %add3A_529 : i32
        %swap3A_531 = arith.index_cast %add3A_530 : i32 to index
        %swap3A_532 = tpu.vector_load %arg10[%swap3A_531] {strides = array<i32>} : memref<3584xf32, #tpu.memory_space<vmem>>, vector<16xf32>,
        tpu.vector_store %arg10[%swap3A_531], %gather3A_469 {strides = array<i32>} : memref<3584xf32, #tpu.memory_space<vmem>>, vector<16xf32>,
        %mul3A_533 = arith.constant 224 : i32
        %mul3A_534 = arith.muli %scan3A_400, %mul3A_533 : i32
        %add3A_535 = arith.constant 160 : i32
        %add3A_536 = arith.addi %mul3A_534, %add3A_535 : i32
        %swap3A_537 = arith.index_cast %add3A_536 : i32 to index
        %swap3A_538 = tpu.vector_load %arg10[%swap3A_537] {strides = array<i32>} : memref<3584xf32, #tpu.memory_space<vmem>>, vector<16xf32>,
        tpu.vector_store %arg10[%swap3A_537], %gather3A_470 {strides = array<i32>} : memref<3584xf32, #tpu.memory_space<vmem>>, vector<16xf32>,
        %mul3A_539 = arith.constant 224 : i32
        %mul3A_540 = arith.muli %scan3A_400, %mul3A_539 : i32
        %add3A_541 = arith.constant 176 : i32
        %add3A_542 = arith.addi %mul3A_540, %add3A_541 : i32
        %swap3A_543 = arith.index_cast %add3A_542 : i32 to index
        %swap3A_544 = tpu.vector_load %arg10[%swap3A_543] {strides = array<i32>} : memref<3584xf32, #tpu.memory_space<vmem>>, vector<16xf32>,
        tpu.vector_store %arg10[%swap3A_543], %gather3A_471 {strides = array<i32>} : memref<3584xf32, #tpu.memory_space<vmem>>, vector<16xf32>,
        %mul3A_545 = arith.constant 224 : i32
        %mul3A_546 = arith.muli %scan3A_400, %mul3A_545 : i32
        %add3A_547 = arith.constant 192 : i32
        %add3A_548 = arith.addi %mul3A_546, %add3A_547 : i32
        %swap3A_549 = arith.index_cast %add3A_548 : i32 to index
        %swap3A_550 = tpu.vector_load %arg10[%swap3A_549] {strides = array<i32>} : memref<3584xf32, #tpu.memory_space<vmem>>, vector<16xf32>,
        tpu.vector_store %arg10[%swap3A_549], %gather3A_472 {strides = array<i32>} : memref<3584xf32, #tpu.memory_space<vmem>>, vector<16xf32>,
        %mul3A_551 = arith.constant 224 : i32
        %mul3A_552 = arith.muli %scan3A_400, %mul3A_551 : i32
        %add3A_553 = arith.constant 208 : i32
        %add3A_554 = arith.addi %mul3A_552, %add3A_553 : i32
        %swap3A_555 = arith.index_cast %add3A_554 : i32 to index
        %swap3A_556 = tpu.vector_load %arg10[%swap3A_555] {strides = array<i32>} : memref<3584xf32, #tpu.memory_space<vmem>>, vector<16xf32>,
        tpu.vector_store %arg10[%swap3A_555], %gather3A_473 {strides = array<i32>} : memref<3584xf32, #tpu.memory_space<vmem>>, vector<16xf32>,
      }
      %scan3A_234 = arith.constant 16 : i32
      %mul3A_235 = arith.constant 50176 : i32
      %mul3A_236 = arith.muli %add3A_197, %mul3A_235 : i32
      %add3A_237 = arith.constant 7168 : i32
      %add3A_238 = arith.addi %mul3A_236, %add3A_237 : i32
      %dma_start3A_239 = tpu.memref_slice %arg4[%add3A_238] : memref<38535168xf32, #tpu.memory_space<hbm>> -> memref<3584xf32, #tpu.memory_space<hbm>>
      %dma_start3A_240 = tpu.memref_slice %arg4[%add3A_238] : memref<38535168xf32, #tpu.memory_space<hbm>> -> memref<3584xf32, #tpu.memory_space<hbm>>
      tpu.enqueue_dma source(%arg10 : memref<3584xf32, #tpu.memory_space<vmem>>) target(%dma_start3A_240 : memref<3584xf32, #tpu.memory_space<hbm>>) target_semaphore(%arg14 : memref<!tpu.dma_semaphore, #tpu.memory_space<semaphore_mem>>)
      %scan3A_241 = arith.constant 0 : i32
      %scan3A_242 = arith.constant 0 : i32
      %scan3A_243 = arith.constant 16 : i32
      %scan3A_244 = arith.addi %scan3A_242, %scan3A_243 : i32
      %scan3A_245 = arith.constant 1 : i32
      scf.for %scan3A_400 = %scan3A_242 to %scan3A_244 step %scan3A_245  : i32 {
        %add3A_401 = arith.constant 48 : i32
        %add3A_402 = arith.addi %add3A_401, %scan3A_400 : i32
        %mul3A_403 = arith.constant 224 : i32
        %mul3A_404 = arith.muli %add3A_402, %mul3A_403 : i32
        %add3A_405 = arith.constant 0 : i32
        %add3A_406 = arith.addi %mul3A_404, %add3A_405 : i32
        %get3A_407 = arith.index_cast %add3A_406 : i32 to index
        %get3A_408 = tpu.vector_load %arg6[%get3A_407] {strides = array<i32>} : memref<50176xi32, #tpu.memory_space<vmem>>, vector<16xi32>,
        %add3A_409 = arith.constant 16 : i32
        %add3A_410 = arith.addi %mul3A_404, %add3A_409 : i32
        %get3A_411 = arith.index_cast %add3A_410 : i32 to index
        %get3A_412 = tpu.vector_load %arg6[%get3A_411] {strides = array<i32>} : memref<50176xi32, #tpu.memory_space<vmem>>, vector<16xi32>,
        %add3A_413 = arith.constant 32 : i32
        %add3A_414 = arith.addi %mul3A_404, %add3A_413 : i32
        %get3A_415 = arith.index_cast %add3A_414 : i32 to index
        %get3A_416 = tpu.vector_load %arg6[%get3A_415] {strides = array<i32>} : memref<50176xi32, #tpu.memory_space<vmem>>, vector<16xi32>,
        %add3A_417 = arith.constant 48 : i32
        %add3A_418 = arith.addi %mul3A_404, %add3A_417 : i32
        %get3A_419 = arith.index_cast %add3A_418 : i32 to index
        %get3A_420 = tpu.vector_load %arg6[%get3A_419] {strides = array<i32>} : memref<50176xi32, #tpu.memory_space<vmem>>, vector<16xi32>,
        %add3A_421 = arith.constant 64 : i32
        %add3A_422 = arith.addi %mul3A_404, %add3A_421 : i32
        %get3A_423 = arith.index_cast %add3A_422 : i32 to index
        %get3A_424 = tpu.vector_load %arg6[%get3A_423] {strides = array<i32>} : memref<50176xi32, #tpu.memory_space<vmem>>, vector<16xi32>,
        %add3A_425 = arith.constant 80 : i32
        %add3A_426 = arith.addi %mul3A_404, %add3A_425 : i32
        %get3A_427 = arith.index_cast %add3A_426 : i32 to index
        %get3A_428 = tpu.vector_load %arg6[%get3A_427] {strides = array<i32>} : memref<50176xi32, #tpu.memory_space<vmem>>, vector<16xi32>,
        %add3A_429 = arith.constant 96 : i32
        %add3A_430 = arith.addi %mul3A_404, %add3A_429 : i32
        %get3A_431 = arith.index_cast %add3A_430 : i32 to index
        %get3A_432 = tpu.vector_load %arg6[%get3A_431] {strides = array<i32>} : memref<50176xi32, #tpu.memory_space<vmem>>, vector<16xi32>,
        %add3A_433 = arith.constant 112 : i32
        %add3A_434 = arith.addi %mul3A_404, %add3A_433 : i32
        %get3A_435 = arith.index_cast %add3A_434 : i32 to index
        %get3A_436 = tpu.vector_load %arg6[%get3A_435] {strides = array<i32>} : memref<50176xi32, #tpu.memory_space<vmem>>, vector<16xi32>,
        %add3A_437 = arith.constant 128 : i32
        %add3A_438 = arith.addi %mul3A_404, %add3A_437 : i32
        %get3A_439 = arith.index_cast %add3A_438 : i32 to index
        %get3A_440 = tpu.vector_load %arg6[%get3A_439] {strides = array<i32>} : memref<50176xi32, #tpu.memory_space<vmem>>, vector<16xi32>,
        %add3A_441 = arith.constant 144 : i32
        %add3A_442 = arith.addi %mul3A_404, %add3A_441 : i32
        %get3A_443 = arith.index_cast %add3A_442 : i32 to index
        %get3A_444 = tpu.vector_load %arg6[%get3A_443] {strides = array<i32>} : memref<50176xi32, #tpu.memory_space<vmem>>, vector<16xi32>,
        %add3A_445 = arith.constant 160 : i32
        %add3A_446 = arith.addi %mul3A_404, %add3A_445 : i32
        %get3A_447 = arith.index_cast %add3A_446 : i32 to index
        %get3A_448 = tpu.vector_load %arg6[%get3A_447] {strides = array<i32>} : memref<50176xi32, #tpu.memory_space<vmem>>, vector<16xi32>,
        %add3A_449 = arith.constant 176 : i32
        %add3A_450 = arith.addi %mul3A_404, %add3A_449 : i32
        %get3A_451 = arith.index_cast %add3A_450 : i32 to index
        %get3A_452 = tpu.vector_load %arg6[%get3A_451] {strides = array<i32>} : memref<50176xi32, #tpu.memory_space<vmem>>, vector<16xi32>,
        %add3A_453 = arith.constant 192 : i32
        %add3A_454 = arith.addi %mul3A_404, %add3A_453 : i32
        %get3A_455 = arith.index_cast %add3A_454 : i32 to index
        %get3A_456 = tpu.vector_load %arg6[%get3A_455] {strides = array<i32>} : memref<50176xi32, #tpu.memory_space<vmem>>, vector<16xi32>,
        %add3A_457 = arith.constant 208 : i32
        %add3A_458 = arith.addi %mul3A_404, %add3A_457 : i32
        %get3A_459 = arith.index_cast %add3A_458 : i32 to index
        %get3A_460 = tpu.vector_load %arg6[%get3A_459] {strides = array<i32>} : memref<50176xi32, #tpu.memory_space<vmem>>, vector<16xi32>,
        %gather3A = tpu.vector_load_idx %arg7[%get3A_408] : memref<50432xf32, #tpu.memory_space<vmem>>[vector<16xi32>], vector<16xf32>,
        %gather3A_461 = tpu.vector_load_idx %arg7[%get3A_412] : memref<50432xf32, #tpu.memory_space<vmem>>[vector<16xi32>], vector<16xf32>,
        %gather3A_462 = tpu.vector_load_idx %arg7[%get3A_416] : memref<50432xf32, #tpu.memory_space<vmem>>[vector<16xi32>], vector<16xf32>,
        %gather3A_463 = tpu.vector_load_idx %arg7[%get3A_420] : memref<50432xf32, #tpu.memory_space<vmem>>[vector<16xi32>], vector<16xf32>,
        %gather3A_464 = tpu.vector_load_idx %arg7[%get3A_424] : memref<50432xf32, #tpu.memory_space<vmem>>[vector<16xi32>], vector<16xf32>,
        %gather3A_465 = tpu.vector_load_idx %arg7[%get3A_428] : memref<50432xf32, #tpu.memory_space<vmem>>[vector<16xi32>], vector<16xf32>,
        %gather3A_466 = tpu.vector_load_idx %arg7[%get3A_432] : memref<50432xf32, #tpu.memory_space<vmem>>[vector<16xi32>], vector<16xf32>,
        %gather3A_467 = tpu.vector_load_idx %arg7[%get3A_436] : memref<50432xf32, #tpu.memory_space<vmem>>[vector<16xi32>], vector<16xf32>,
        %gather3A_468 = tpu.vector_load_idx %arg7[%get3A_440] : memref<50432xf32, #tpu.memory_space<vmem>>[vector<16xi32>], vector<16xf32>,
        %gather3A_469 = tpu.vector_load_idx %arg7[%get3A_444] : memref<50432xf32, #tpu.memory_space<vmem>>[vector<16xi32>], vector<16xf32>,
        %gather3A_470 = tpu.vector_load_idx %arg7[%get3A_448] : memref<50432xf32, #tpu.memory_space<vmem>>[vector<16xi32>], vector<16xf32>,
        %gather3A_471 = tpu.vector_load_idx %arg7[%get3A_452] : memref<50432xf32, #tpu.memory_space<vmem>>[vector<16xi32>], vector<16xf32>,
        %gather3A_472 = tpu.vector_load_idx %arg7[%get3A_456] : memref<50432xf32, #tpu.memory_space<vmem>>[vector<16xi32>], vector<16xf32>,
        %gather3A_473 = tpu.vector_load_idx %arg7[%get3A_460] : memref<50432xf32, #tpu.memory_space<vmem>>[vector<16xi32>], vector<16xf32>,
        %mul3A_474 = arith.constant 224 : i32
        %mul3A_475 = arith.muli %scan3A_400, %mul3A_474 : i32
        %add3A_476 = arith.constant 0 : i32
        %add3A_477 = arith.addi %mul3A_475, %add3A_476 : i32
        %swap3A = arith.index_cast %add3A_477 : i32 to index
        %swap3A_478 = tpu.vector_load %arg11[%swap3A] {strides = array<i32>} : memref<3584xf32, #tpu.memory_space<vmem>>, vector<16xf32>,
        tpu.vector_store %arg11[%swap3A], %gather3A {strides = array<i32>} : memref<3584xf32, #tpu.memory_space<vmem>>, vector<16xf32>,
        %mul3A_479 = arith.constant 224 : i32
        %mul3A_480 = arith.muli %scan3A_400, %mul3A_479 : i32
        %add3A_481 = arith.constant 16 : i32
        %add3A_482 = arith.addi %mul3A_480, %add3A_481 : i32
        %swap3A_483 = arith.index_cast %add3A_482 : i32 to index
        %swap3A_484 = tpu.vector_load %arg11[%swap3A_483] {strides = array<i32>} : memref<3584xf32, #tpu.memory_space<vmem>>, vector<16xf32>,
        tpu.vector_store %arg11[%swap3A_483], %gather3A_461 {strides = array<i32>} : memref<3584xf32, #tpu.memory_space<vmem>>, vector<16xf32>,
        %mul3A_485 = arith.constant 224 : i32
        %mul3A_486 = arith.muli %scan3A_400, %mul3A_485 : i32
        %add3A_487 = arith.constant 32 : i32
        %add3A_488 = arith.addi %mul3A_486, %add3A_487 : i32
        %swap3A_489 = arith.index_cast %add3A_488 : i32 to index
        %swap3A_490 = tpu.vector_load %arg11[%swap3A_489] {strides = array<i32>} : memref<3584xf32, #tpu.memory_space<vmem>>, vector<16xf32>,
        tpu.vector_store %arg11[%swap3A_489], %gather3A_462 {strides = array<i32>} : memref<3584xf32, #tpu.memory_space<vmem>>, vector<16xf32>,
        %mul3A_491 = arith.constant 224 : i32
        %mul3A_492 = arith.muli %scan3A_400, %mul3A_491 : i32
        %add3A_493 = arith.constant 48 : i32
        %add3A_494 = arith.addi %mul3A_492, %add3A_493 : i32
        %swap3A_495 = arith.index_cast %add3A_494 : i32 to index
        %swap3A_496 = tpu.vector_load %arg11[%swap3A_495] {strides = array<i32>} : memref<3584xf32, #tpu.memory_space<vmem>>, vector<16xf32>,
        tpu.vector_store %arg11[%swap3A_495], %gather3A_463 {strides = array<i32>} : memref<3584xf32, #tpu.memory_space<vmem>>, vector<16xf32>,
        %mul3A_497 = arith.constant 224 : i32
        %mul3A_498 = arith.muli %scan3A_400, %mul3A_497 : i32
        %add3A_499 = arith.constant 64 : i32
        %add3A_500 = arith.addi %mul3A_498, %add3A_499 : i32
        %swap3A_501 = arith.index_cast %add3A_500 : i32 to index
        %swap3A_502 = tpu.vector_load %arg11[%swap3A_501] {strides = array<i32>} : memref<3584xf32, #tpu.memory_space<vmem>>, vector<16xf32>,
        tpu.vector_store %arg11[%swap3A_501], %gather3A_464 {strides = array<i32>} : memref<3584xf32, #tpu.memory_space<vmem>>, vector<16xf32>,
        %mul3A_503 = arith.constant 224 : i32
        %mul3A_504 = arith.muli %scan3A_400, %mul3A_503 : i32
        %add3A_505 = arith.constant 80 : i32
        %add3A_506 = arith.addi %mul3A_504, %add3A_505 : i32
        %swap3A_507 = arith.index_cast %add3A_506 : i32 to index
        %swap3A_508 = tpu.vector_load %arg11[%swap3A_507] {strides = array<i32>} : memref<3584xf32, #tpu.memory_space<vmem>>, vector<16xf32>,
        tpu.vector_store %arg11[%swap3A_507], %gather3A_465 {strides = array<i32>} : memref<3584xf32, #tpu.memory_space<vmem>>, vector<16xf32>,
        %mul3A_509 = arith.constant 224 : i32
        %mul3A_510 = arith.muli %scan3A_400, %mul3A_509 : i32
        %add3A_511 = arith.constant 96 : i32
        %add3A_512 = arith.addi %mul3A_510, %add3A_511 : i32
        %swap3A_513 = arith.index_cast %add3A_512 : i32 to index
        %swap3A_514 = tpu.vector_load %arg11[%swap3A_513] {strides = array<i32>} : memref<3584xf32, #tpu.memory_space<vmem>>, vector<16xf32>,
        tpu.vector_store %arg11[%swap3A_513], %gather3A_466 {strides = array<i32>} : memref<3584xf32, #tpu.memory_space<vmem>>, vector<16xf32>,
        %mul3A_515 = arith.constant 224 : i32
        %mul3A_516 = arith.muli %scan3A_400, %mul3A_515 : i32
        %add3A_517 = arith.constant 112 : i32
        %add3A_518 = arith.addi %mul3A_516, %add3A_517 : i32
        %swap3A_519 = arith.index_cast %add3A_518 : i32 to index
        %swap3A_520 = tpu.vector_load %arg11[%swap3A_519] {strides = array<i32>} : memref<3584xf32, #tpu.memory_space<vmem>>, vector<16xf32>,
        tpu.vector_store %arg11[%swap3A_519], %gather3A_467 {strides = array<i32>} : memref<3584xf32, #tpu.memory_space<vmem>>, vector<16xf32>,
        %mul3A_521 = arith.constant 224 : i32
        %mul3A_522 = arith.muli %scan3A_400, %mul3A_521 : i32
        %add3A_523 = arith.constant 128 : i32
        %add3A_524 = arith.addi %mul3A_522, %add3A_523 : i32
        %swap3A_525 = arith.index_cast %add3A_524 : i32 to index
        %swap3A_526 = tpu.vector_load %arg11[%swap3A_525] {strides = array<i32>} : memref<3584xf32, #tpu.memory_space<vmem>>, vector<16xf32>,
        tpu.vector_store %arg11[%swap3A_525], %gather3A_468 {strides = array<i32>} : memref<3584xf32, #tpu.memory_space<vmem>>, vector<16xf32>,
        %mul3A_527 = arith.constant 224 : i32
        %mul3A_528 = arith.muli %scan3A_400, %mul3A_527 : i32
        %add3A_529 = arith.constant 144 : i32
        %add3A_530 = arith.addi %mul3A_528, %add3A_529 : i32
        %swap3A_531 = arith.index_cast %add3A_530 : i32 to index
        %swap3A_532 = tpu.vector_load %arg11[%swap3A_531] {strides = array<i32>} : memref<3584xf32, #tpu.memory_space<vmem>>, vector<16xf32>,
        tpu.vector_store %arg11[%swap3A_531], %gather3A_469 {strides = array<i32>} : memref<3584xf32, #tpu.memory_space<vmem>>, vector<16xf32>,
        %mul3A_533 = arith.constant 224 : i32
        %mul3A_534 = arith.muli %scan3A_400, %mul3A_533 : i32
        %add3A_535 = arith.constant 160 : i32
        %add3A_536 = arith.addi %mul3A_534, %add3A_535 : i32
        %swap3A_537 = arith.index_cast %add3A_536 : i32 to index
        %swap3A_538 = tpu.vector_load %arg11[%swap3A_537] {strides = array<i32>} : memref<3584xf32, #tpu.memory_space<vmem>>, vector<16xf32>,
        tpu.vector_store %arg11[%swap3A_537], %gather3A_470 {strides = array<i32>} : memref<3584xf32, #tpu.memory_space<vmem>>, vector<16xf32>,
        %mul3A_539 = arith.constant 224 : i32
        %mul3A_540 = arith.muli %scan3A_400, %mul3A_539 : i32
        %add3A_541 = arith.constant 176 : i32
        %add3A_542 = arith.addi %mul3A_540, %add3A_541 : i32
        %swap3A_543 = arith.index_cast %add3A_542 : i32 to index
        %swap3A_544 = tpu.vector_load %arg11[%swap3A_543] {strides = array<i32>} : memref<3584xf32, #tpu.memory_space<vmem>>, vector<16xf32>,
        tpu.vector_store %arg11[%swap3A_543], %gather3A_471 {strides = array<i32>} : memref<3584xf32, #tpu.memory_space<vmem>>, vector<16xf32>,
        %mul3A_545 = arith.constant 224 : i32
        %mul3A_546 = arith.muli %scan3A_400, %mul3A_545 : i32
        %add3A_547 = arith.constant 192 : i32
        %add3A_548 = arith.addi %mul3A_546, %add3A_547 : i32
        %swap3A_549 = arith.index_cast %add3A_548 : i32 to index
        %swap3A_550 = tpu.vector_load %arg11[%swap3A_549] {strides = array<i32>} : memref<3584xf32, #tpu.memory_space<vmem>>, vector<16xf32>,
        tpu.vector_store %arg11[%swap3A_549], %gather3A_472 {strides = array<i32>} : memref<3584xf32, #tpu.memory_space<vmem>>, vector<16xf32>,
        %mul3A_551 = arith.constant 224 : i32
        %mul3A_552 = arith.muli %scan3A_400, %mul3A_551 : i32
        %add3A_553 = arith.constant 208 : i32
        %add3A_554 = arith.addi %mul3A_552, %add3A_553 : i32
        %swap3A_555 = arith.index_cast %add3A_554 : i32 to index
        %swap3A_556 = tpu.vector_load %arg11[%swap3A_555] {strides = array<i32>} : memref<3584xf32, #tpu.memory_space<vmem>>, vector<16xf32>,
        tpu.vector_store %arg11[%swap3A_555], %gather3A_473 {strides = array<i32>} : memref<3584xf32, #tpu.memory_space<vmem>>, vector<16xf32>,
      }
      %scan3A_246 = arith.constant 16 : i32
      %mul3A_247 = arith.constant 50176 : i32
      %mul3A_248 = arith.muli %add3A_197, %mul3A_247 : i32
      %add3A_249 = arith.constant 10752 : i32
      %add3A_250 = arith.addi %mul3A_248, %add3A_249 : i32
      %dma_start3A_251 = tpu.memref_slice %arg4[%add3A_250] : memref<38535168xf32, #tpu.memory_space<hbm>> -> memref<3584xf32, #tpu.memory_space<hbm>>
      %dma_start3A_252 = tpu.memref_slice %arg4[%add3A_250] : memref<38535168xf32, #tpu.memory_space<hbm>> -> memref<3584xf32, #tpu.memory_space<hbm>>
      tpu.enqueue_dma source(%arg11 : memref<3584xf32, #tpu.memory_space<vmem>>) target(%dma_start3A_252 : memref<3584xf32, #tpu.memory_space<hbm>>) target_semaphore(%arg15 : memref<!tpu.dma_semaphore, #tpu.memory_space<semaphore_mem>>)
      %dma_wait3A = tpu.memref_slice %arg4[%add3A_215] : memref<38535168xf32, #tpu.memory_space<hbm>> -> memref<3584xf32, #tpu.memory_space<hbm>>
      %dma_wait3A_253 = tpu.memref_slice %arg4[%add3A_215] : memref<38535168xf32, #tpu.memory_space<hbm>> -> memref<3584xf32, #tpu.memory_space<hbm>>
      tpu.wait_dma2 semaphore(%arg12 : memref<!tpu.dma_semaphore, #tpu.memory_space<semaphore_mem>>) src(%arg8 : memref<3584xf32, #tpu.memory_space<vmem>>) dst(%dma_wait3A_253 : memref<3584xf32, #tpu.memory_space<hbm>>)
      %scan3A_254 = arith.constant 0 : i32
      %scan3A_255 = arith.constant 0 : i32
      %scan3A_256 = arith.constant 16 : i32
      %scan3A_257 = arith.addi %scan3A_255, %scan3A_256 : i32
      %scan3A_258 = arith.constant 1 : i32
      scf.for %scan3A_400 = %scan3A_255 to %scan3A_257 step %scan3A_258  : i32 {
        %add3A_401 = arith.constant 64 : i32
        %add3A_402 = arith.addi %add3A_401, %scan3A_400 : i32
        %mul3A_403 = arith.constant 224 : i32
        %mul3A_404 = arith.muli %add3A_402, %mul3A_403 : i32
        %add3A_405 = arith.constant 0 : i32
        %add3A_406 = arith.addi %mul3A_404, %add3A_405 : i32
        %get3A_407 = arith.index_cast %add3A_406 : i32 to index
        %get3A_408 = tpu.vector_load %arg6[%get3A_407] {strides = array<i32>} : memref<50176xi32, #tpu.memory_space<vmem>>, vector<16xi32>,
        %add3A_409 = arith.constant 16 : i32
        %add3A_410 = arith.addi %mul3A_404, %add3A_409 : i32
        %get3A_411 = arith.index_cast %add3A_410 : i32 to index
        %get3A_412 = tpu.vector_load %arg6[%get3A_411] {strides = array<i32>} : memref<50176xi32, #tpu.memory_space<vmem>>, vector<16xi32>,
        %add3A_413 = arith.constant 32 : i32
        %add3A_414 = arith.addi %mul3A_404, %add3A_413 : i32
        %get3A_415 = arith.index_cast %add3A_414 : i32 to index
        %get3A_416 = tpu.vector_load %arg6[%get3A_415] {strides = array<i32>} : memref<50176xi32, #tpu.memory_space<vmem>>, vector<16xi32>,
        %add3A_417 = arith.constant 48 : i32
        %add3A_418 = arith.addi %mul3A_404, %add3A_417 : i32
        %get3A_419 = arith.index_cast %add3A_418 : i32 to index
        %get3A_420 = tpu.vector_load %arg6[%get3A_419] {strides = array<i32>} : memref<50176xi32, #tpu.memory_space<vmem>>, vector<16xi32>,
        %add3A_421 = arith.constant 64 : i32
        %add3A_422 = arith.addi %mul3A_404, %add3A_421 : i32
        %get3A_423 = arith.index_cast %add3A_422 : i32 to index
        %get3A_424 = tpu.vector_load %arg6[%get3A_423] {strides = array<i32>} : memref<50176xi32, #tpu.memory_space<vmem>>, vector<16xi32>,
        %add3A_425 = arith.constant 80 : i32
        %add3A_426 = arith.addi %mul3A_404, %add3A_425 : i32
        %get3A_427 = arith.index_cast %add3A_426 : i32 to index
        %get3A_428 = tpu.vector_load %arg6[%get3A_427] {strides = array<i32>} : memref<50176xi32, #tpu.memory_space<vmem>>, vector<16xi32>,
        %add3A_429 = arith.constant 96 : i32
        %add3A_430 = arith.addi %mul3A_404, %add3A_429 : i32
        %get3A_431 = arith.index_cast %add3A_430 : i32 to index
        %get3A_432 = tpu.vector_load %arg6[%get3A_431] {strides = array<i32>} : memref<50176xi32, #tpu.memory_space<vmem>>, vector<16xi32>,
        %add3A_433 = arith.constant 112 : i32
        %add3A_434 = arith.addi %mul3A_404, %add3A_433 : i32
        %get3A_435 = arith.index_cast %add3A_434 : i32 to index
        %get3A_436 = tpu.vector_load %arg6[%get3A_435] {strides = array<i32>} : memref<50176xi32, #tpu.memory_space<vmem>>, vector<16xi32>,
        %add3A_437 = arith.constant 128 : i32
        %add3A_438 = arith.addi %mul3A_404, %add3A_437 : i32
        %get3A_439 = arith.index_cast %add3A_438 : i32 to index
        %get3A_440 = tpu.vector_load %arg6[%get3A_439] {strides = array<i32>} : memref<50176xi32, #tpu.memory_space<vmem>>, vector<16xi32>,
        %add3A_441 = arith.constant 144 : i32
        %add3A_442 = arith.addi %mul3A_404, %add3A_441 : i32
        %get3A_443 = arith.index_cast %add3A_442 : i32 to index
        %get3A_444 = tpu.vector_load %arg6[%get3A_443] {strides = array<i32>} : memref<50176xi32, #tpu.memory_space<vmem>>, vector<16xi32>,
        %add3A_445 = arith.constant 160 : i32
        %add3A_446 = arith.addi %mul3A_404, %add3A_445 : i32
        %get3A_447 = arith.index_cast %add3A_446 : i32 to index
        %get3A_448 = tpu.vector_load %arg6[%get3A_447] {strides = array<i32>} : memref<50176xi32, #tpu.memory_space<vmem>>, vector<16xi32>,
        %add3A_449 = arith.constant 176 : i32
        %add3A_450 = arith.addi %mul3A_404, %add3A_449 : i32
        %get3A_451 = arith.index_cast %add3A_450 : i32 to index
        %get3A_452 = tpu.vector_load %arg6[%get3A_451] {strides = array<i32>} : memref<50176xi32, #tpu.memory_space<vmem>>, vector<16xi32>,
        %add3A_453 = arith.constant 192 : i32
        %add3A_454 = arith.addi %mul3A_404, %add3A_453 : i32
        %get3A_455 = arith.index_cast %add3A_454 : i32 to index
        %get3A_456 = tpu.vector_load %arg6[%get3A_455] {strides = array<i32>} : memref<50176xi32, #tpu.memory_space<vmem>>, vector<16xi32>,
        %add3A_457 = arith.constant 208 : i32
        %add3A_458 = arith.addi %mul3A_404, %add3A_457 : i32
        %get3A_459 = arith.index_cast %add3A_458 : i32 to index
        %get3A_460 = tpu.vector_load %arg6[%get3A_459] {strides = array<i32>} : memref<50176xi32, #tpu.memory_space<vmem>>, vector<16xi32>,
        %gather3A = tpu.vector_load_idx %arg7[%get3A_408] : memref<50432xf32, #tpu.memory_space<vmem>>[vector<16xi32>], vector<16xf32>,
        %gather3A_461 = tpu.vector_load_idx %arg7[%get3A_412] : memref<50432xf32, #tpu.memory_space<vmem>>[vector<16xi32>], vector<16xf32>,
        %gather3A_462 = tpu.vector_load_idx %arg7[%get3A_416] : memref<50432xf32, #tpu.memory_space<vmem>>[vector<16xi32>], vector<16xf32>,
        %gather3A_463 = tpu.vector_load_idx %arg7[%get3A_420] : memref<50432xf32, #tpu.memory_space<vmem>>[vector<16xi32>], vector<16xf32>,
        %gather3A_464 = tpu.vector_load_idx %arg7[%get3A_424] : memref<50432xf32, #tpu.memory_space<vmem>>[vector<16xi32>], vector<16xf32>,
        %gather3A_465 = tpu.vector_load_idx %arg7[%get3A_428] : memref<50432xf32, #tpu.memory_space<vmem>>[vector<16xi32>], vector<16xf32>,
        %gather3A_466 = tpu.vector_load_idx %arg7[%get3A_432] : memref<50432xf32, #tpu.memory_space<vmem>>[vector<16xi32>], vector<16xf32>,
        %gather3A_467 = tpu.vector_load_idx %arg7[%get3A_436] : memref<50432xf32, #tpu.memory_space<vmem>>[vector<16xi32>], vector<16xf32>,
        %gather3A_468 = tpu.vector_load_idx %arg7[%get3A_440] : memref<50432xf32, #tpu.memory_space<vmem>>[vector<16xi32>], vector<16xf32>,
        %gather3A_469 = tpu.vector_load_idx %arg7[%get3A_444] : memref<50432xf32, #tpu.memory_space<vmem>>[vector<16xi32>], vector<16xf32>,
        %gather3A_470 = tpu.vector_load_idx %arg7[%get3A_448] : memref<50432xf32, #tpu.memory_space<vmem>>[vector<16xi32>], vector<16xf32>,
        %gather3A_471 = tpu.vector_load_idx %arg7[%get3A_452] : memref<50432xf32, #tpu.memory_space<vmem>>[vector<16xi32>], vector<16xf32>,
        %gather3A_472 = tpu.vector_load_idx %arg7[%get3A_456] : memref<50432xf32, #tpu.memory_space<vmem>>[vector<16xi32>], vector<16xf32>,
        %gather3A_473 = tpu.vector_load_idx %arg7[%get3A_460] : memref<50432xf32, #tpu.memory_space<vmem>>[vector<16xi32>], vector<16xf32>,
        %mul3A_474 = arith.constant 224 : i32
        %mul3A_475 = arith.muli %scan3A_400, %mul3A_474 : i32
        %add3A_476 = arith.constant 0 : i32
        %add3A_477 = arith.addi %mul3A_475, %add3A_476 : i32
        %swap3A = arith.index_cast %add3A_477 : i32 to index
        %swap3A_478 = tpu.vector_load %arg8[%swap3A] {strides = array<i32>} : memref<3584xf32, #tpu.memory_space<vmem>>, vector<16xf32>,
        tpu.vector_store %arg8[%swap3A], %gather3A {strides = array<i32>} : memref<3584xf32, #tpu.memory_space<vmem>>, vector<16xf32>,
        %mul3A_479 = arith.constant 224 : i32
        %mul3A_480 = arith.muli %scan3A_400, %mul3A_479 : i32
        %add3A_481 = arith.constant 16 : i32
        %add3A_482 = arith.addi %mul3A_480, %add3A_481 : i32
        %swap3A_483 = arith.index_cast %add3A_482 : i32 to index
        %swap3A_484 = tpu.vector_load %arg8[%swap3A_483] {strides = array<i32>} : memref<3584xf32, #tpu.memory_space<vmem>>, vector<16xf32>,
        tpu.vector_store %arg8[%swap3A_483], %gather3A_461 {strides = array<i32>} : memref<3584xf32, #tpu.memory_space<vmem>>, vector<16xf32>,
        %mul3A_485 = arith.constant 224 : i32
        %mul3A_486 = arith.muli %scan3A_400, %mul3A_485 : i32
        %add3A_487 = arith.constant 32 : i32
        %add3A_488 = arith.addi %mul3A_486, %add3A_487 : i32
        %swap3A_489 = arith.index_cast %add3A_488 : i32 to index
        %swap3A_490 = tpu.vector_load %arg8[%swap3A_489] {strides = array<i32>} : memref<3584xf32, #tpu.memory_space<vmem>>, vector<16xf32>,
        tpu.vector_store %arg8[%swap3A_489], %gather3A_462 {strides = array<i32>} : memref<3584xf32, #tpu.memory_space<vmem>>, vector<16xf32>,
        %mul3A_491 = arith.constant 224 : i32
        %mul3A_492 = arith.muli %scan3A_400, %mul3A_491 : i32
        %add3A_493 = arith.constant 48 : i32
        %add3A_494 = arith.addi %mul3A_492, %add3A_493 : i32
        %swap3A_495 = arith.index_cast %add3A_494 : i32 to index
        %swap3A_496 = tpu.vector_load %arg8[%swap3A_495] {strides = array<i32>} : memref<3584xf32, #tpu.memory_space<vmem>>, vector<16xf32>,
        tpu.vector_store %arg8[%swap3A_495], %gather3A_463 {strides = array<i32>} : memref<3584xf32, #tpu.memory_space<vmem>>, vector<16xf32>,
        %mul3A_497 = arith.constant 224 : i32
        %mul3A_498 = arith.muli %scan3A_400, %mul3A_497 : i32
        %add3A_499 = arith.constant 64 : i32
        %add3A_500 = arith.addi %mul3A_498, %add3A_499 : i32
        %swap3A_501 = arith.index_cast %add3A_500 : i32 to index
        %swap3A_502 = tpu.vector_load %arg8[%swap3A_501] {strides = array<i32>} : memref<3584xf32, #tpu.memory_space<vmem>>, vector<16xf32>,
        tpu.vector_store %arg8[%swap3A_501], %gather3A_464 {strides = array<i32>} : memref<3584xf32, #tpu.memory_space<vmem>>, vector<16xf32>,
        %mul3A_503 = arith.constant 224 : i32
        %mul3A_504 = arith.muli %scan3A_400, %mul3A_503 : i32
        %add3A_505 = arith.constant 80 : i32
        %add3A_506 = arith.addi %mul3A_504, %add3A_505 : i32
        %swap3A_507 = arith.index_cast %add3A_506 : i32 to index
        %swap3A_508 = tpu.vector_load %arg8[%swap3A_507] {strides = array<i32>} : memref<3584xf32, #tpu.memory_space<vmem>>, vector<16xf32>,
        tpu.vector_store %arg8[%swap3A_507], %gather3A_465 {strides = array<i32>} : memref<3584xf32, #tpu.memory_space<vmem>>, vector<16xf32>,
        %mul3A_509 = arith.constant 224 : i32
        %mul3A_510 = arith.muli %scan3A_400, %mul3A_509 : i32
        %add3A_511 = arith.constant 96 : i32
        %add3A_512 = arith.addi %mul3A_510, %add3A_511 : i32
        %swap3A_513 = arith.index_cast %add3A_512 : i32 to index
        %swap3A_514 = tpu.vector_load %arg8[%swap3A_513] {strides = array<i32>} : memref<3584xf32, #tpu.memory_space<vmem>>, vector<16xf32>,
        tpu.vector_store %arg8[%swap3A_513], %gather3A_466 {strides = array<i32>} : memref<3584xf32, #tpu.memory_space<vmem>>, vector<16xf32>,
        %mul3A_515 = arith.constant 224 : i32
        %mul3A_516 = arith.muli %scan3A_400, %mul3A_515 : i32
        %add3A_517 = arith.constant 112 : i32
        %add3A_518 = arith.addi %mul3A_516, %add3A_517 : i32
        %swap3A_519 = arith.index_cast %add3A_518 : i32 to index
        %swap3A_520 = tpu.vector_load %arg8[%swap3A_519] {strides = array<i32>} : memref<3584xf32, #tpu.memory_space<vmem>>, vector<16xf32>,
        tpu.vector_store %arg8[%swap3A_519], %gather3A_467 {strides = array<i32>} : memref<3584xf32, #tpu.memory_space<vmem>>, vector<16xf32>,
        %mul3A_521 = arith.constant 224 : i32
        %mul3A_522 = arith.muli %scan3A_400, %mul3A_521 : i32
        %add3A_523 = arith.constant 128 : i32
        %add3A_524 = arith.addi %mul3A_522, %add3A_523 : i32
        %swap3A_525 = arith.index_cast %add3A_524 : i32 to index
        %swap3A_526 = tpu.vector_load %arg8[%swap3A_525] {strides = array<i32>} : memref<3584xf32, #tpu.memory_space<vmem>>, vector<16xf32>,
        tpu.vector_store %arg8[%swap3A_525], %gather3A_468 {strides = array<i32>} : memref<3584xf32, #tpu.memory_space<vmem>>, vector<16xf32>,
        %mul3A_527 = arith.constant 224 : i32
        %mul3A_528 = arith.muli %scan3A_400, %mul3A_527 : i32
        %add3A_529 = arith.constant 144 : i32
        %add3A_530 = arith.addi %mul3A_528, %add3A_529 : i32
        %swap3A_531 = arith.index_cast %add3A_530 : i32 to index
        %swap3A_532 = tpu.vector_load %arg8[%swap3A_531] {strides = array<i32>} : memref<3584xf32, #tpu.memory_space<vmem>>, vector<16xf32>,
        tpu.vector_store %arg8[%swap3A_531], %gather3A_469 {strides = array<i32>} : memref<3584xf32, #tpu.memory_space<vmem>>, vector<16xf32>,
        %mul3A_533 = arith.constant 224 : i32
        %mul3A_534 = arith.muli %scan3A_400, %mul3A_533 : i32
        %add3A_535 = arith.constant 160 : i32
        %add3A_536 = arith.addi %mul3A_534, %add3A_535 : i32
        %swap3A_537 = arith.index_cast %add3A_536 : i32 to index
        %swap3A_538 = tpu.vector_load %arg8[%swap3A_537] {strides = array<i32>} : memref<3584xf32, #tpu.memory_space<vmem>>, vector<16xf32>,
        tpu.vector_store %arg8[%swap3A_537], %gather3A_470 {strides = array<i32>} : memref<3584xf32, #tpu.memory_space<vmem>>, vector<16xf32>,
        %mul3A_539 = arith.constant 224 : i32
        %mul3A_540 = arith.muli %scan3A_400, %mul3A_539 : i32
        %add3A_541 = arith.constant 176 : i32
        %add3A_542 = arith.addi %mul3A_540, %add3A_541 : i32
        %swap3A_543 = arith.index_cast %add3A_542 : i32 to index
        %swap3A_544 = tpu.vector_load %arg8[%swap3A_543] {strides = array<i32>} : memref<3584xf32, #tpu.memory_space<vmem>>, vector<16xf32>,
        tpu.vector_store %arg8[%swap3A_543], %gather3A_471 {strides = array<i32>} : memref<3584xf32, #tpu.memory_space<vmem>>, vector<16xf32>,
        %mul3A_545 = arith.constant 224 : i32
        %mul3A_546 = arith.muli %scan3A_400, %mul3A_545 : i32
        %add3A_547 = arith.constant 192 : i32
        %add3A_548 = arith.addi %mul3A_546, %add3A_547 : i32
        %swap3A_549 = arith.index_cast %add3A_548 : i32 to index
        %swap3A_550 = tpu.vector_load %arg8[%swap3A_549] {strides = array<i32>} : memref<3584xf32, #tpu.memory_space<vmem>>, vector<16xf32>,
        tpu.vector_store %arg8[%swap3A_549], %gather3A_472 {strides = array<i32>} : memref<3584xf32, #tpu.memory_space<vmem>>, vector<16xf32>,
        %mul3A_551 = arith.constant 224 : i32
        %mul3A_552 = arith.muli %scan3A_400, %mul3A_551 : i32
        %add3A_553 = arith.constant 208 : i32
        %add3A_554 = arith.addi %mul3A_552, %add3A_553 : i32
        %swap3A_555 = arith.index_cast %add3A_554 : i32 to index
        %swap3A_556 = tpu.vector_load %arg8[%swap3A_555] {strides = array<i32>} : memref<3584xf32, #tpu.memory_space<vmem>>, vector<16xf32>,
        tpu.vector_store %arg8[%swap3A_555], %gather3A_473 {strides = array<i32>} : memref<3584xf32, #tpu.memory_space<vmem>>, vector<16xf32>,
      }
      %scan3A_259 = arith.constant 16 : i32
      %mul3A_260 = arith.constant 50176 : i32
      %mul3A_261 = arith.muli %add3A_197, %mul3A_260 : i32
      %add3A_262 = arith.constant 14336 : i32
      %add3A_263 = arith.addi %mul3A_261, %add3A_262 : i32
      %dma_start3A_264 = tpu.memref_slice %arg4[%add3A_263] : memref<38535168xf32, #tpu.memory_space<hbm>> -> memref<3584xf32, #tpu.memory_space<hbm>>
      %dma_start3A_265 = tpu.memref_slice %arg4[%add3A_263] : memref<38535168xf32, #tpu.memory_space<hbm>> -> memref<3584xf32, #tpu.memory_space<hbm>>
      tpu.enqueue_dma source(%arg8 : memref<3584xf32, #tpu.memory_space<vmem>>) target(%dma_start3A_265 : memref<3584xf32, #tpu.memory_space<hbm>>) target_semaphore(%arg12 : memref<!tpu.dma_semaphore, #tpu.memory_space<semaphore_mem>>)
      %dma_wait3A_266 = tpu.memref_slice %arg4[%add3A_226] : memref<38535168xf32, #tpu.memory_space<hbm>> -> memref<3584xf32, #tpu.memory_space<hbm>>
      %dma_wait3A_267 = tpu.memref_slice %arg4[%add3A_226] : memref<38535168xf32, #tpu.memory_space<hbm>> -> memref<3584xf32, #tpu.memory_space<hbm>>
      tpu.wait_dma2 semaphore(%arg13 : memref<!tpu.dma_semaphore, #tpu.memory_space<semaphore_mem>>) src(%arg9 : memref<3584xf32, #tpu.memory_space<vmem>>) dst(%dma_wait3A_267 : memref<3584xf32, #tpu.memory_space<hbm>>)
      %scan3A_268 = arith.constant 0 : i32
      %scan3A_269 = arith.constant 0 : i32
      %scan3A_270 = arith.constant 16 : i32
      %scan3A_271 = arith.addi %scan3A_269, %scan3A_270 : i32
      %scan3A_272 = arith.constant 1 : i32
      scf.for %scan3A_400 = %scan3A_269 to %scan3A_271 step %scan3A_272  : i32 {
        %add3A_401 = arith.constant 80 : i32
        %add3A_402 = arith.addi %add3A_401, %scan3A_400 : i32
        %mul3A_403 = arith.constant 224 : i32
        %mul3A_404 = arith.muli %add3A_402, %mul3A_403 : i32
        %add3A_405 = arith.constant 0 : i32
        %add3A_406 = arith.addi %mul3A_404, %add3A_405 : i32
        %get3A_407 = arith.index_cast %add3A_406 : i32 to index
        %get3A_408 = tpu.vector_load %arg6[%get3A_407] {strides = array<i32>} : memref<50176xi32, #tpu.memory_space<vmem>>, vector<16xi32>,
        %add3A_409 = arith.constant 16 : i32
        %add3A_410 = arith.addi %mul3A_404, %add3A_409 : i32
        %get3A_411 = arith.index_cast %add3A_410 : i32 to index
        %get3A_412 = tpu.vector_load %arg6[%get3A_411] {strides = array<i32>} : memref<50176xi32, #tpu.memory_space<vmem>>, vector<16xi32>,
        %add3A_413 = arith.constant 32 : i32
        %add3A_414 = arith.addi %mul3A_404, %add3A_413 : i32
        %get3A_415 = arith.index_cast %add3A_414 : i32 to index
        %get3A_416 = tpu.vector_load %arg6[%get3A_415] {strides = array<i32>} : memref<50176xi32, #tpu.memory_space<vmem>>, vector<16xi32>,
        %add3A_417 = arith.constant 48 : i32
        %add3A_418 = arith.addi %mul3A_404, %add3A_417 : i32
        %get3A_419 = arith.index_cast %add3A_418 : i32 to index
        %get3A_420 = tpu.vector_load %arg6[%get3A_419] {strides = array<i32>} : memref<50176xi32, #tpu.memory_space<vmem>>, vector<16xi32>,
        %add3A_421 = arith.constant 64 : i32
        %add3A_422 = arith.addi %mul3A_404, %add3A_421 : i32
        %get3A_423 = arith.index_cast %add3A_422 : i32 to index
        %get3A_424 = tpu.vector_load %arg6[%get3A_423] {strides = array<i32>} : memref<50176xi32, #tpu.memory_space<vmem>>, vector<16xi32>,
        %add3A_425 = arith.constant 80 : i32
        %add3A_426 = arith.addi %mul3A_404, %add3A_425 : i32
        %get3A_427 = arith.index_cast %add3A_426 : i32 to index
        %get3A_428 = tpu.vector_load %arg6[%get3A_427] {strides = array<i32>} : memref<50176xi32, #tpu.memory_space<vmem>>, vector<16xi32>,
        %add3A_429 = arith.constant 96 : i32
        %add3A_430 = arith.addi %mul3A_404, %add3A_429 : i32
        %get3A_431 = arith.index_cast %add3A_430 : i32 to index
        %get3A_432 = tpu.vector_load %arg6[%get3A_431] {strides = array<i32>} : memref<50176xi32, #tpu.memory_space<vmem>>, vector<16xi32>,
        %add3A_433 = arith.constant 112 : i32
        %add3A_434 = arith.addi %mul3A_404, %add3A_433 : i32
        %get3A_435 = arith.index_cast %add3A_434 : i32 to index
        %get3A_436 = tpu.vector_load %arg6[%get3A_435] {strides = array<i32>} : memref<50176xi32, #tpu.memory_space<vmem>>, vector<16xi32>,
        %add3A_437 = arith.constant 128 : i32
        %add3A_438 = arith.addi %mul3A_404, %add3A_437 : i32
        %get3A_439 = arith.index_cast %add3A_438 : i32 to index
        %get3A_440 = tpu.vector_load %arg6[%get3A_439] {strides = array<i32>} : memref<50176xi32, #tpu.memory_space<vmem>>, vector<16xi32>,
        %add3A_441 = arith.constant 144 : i32
        %add3A_442 = arith.addi %mul3A_404, %add3A_441 : i32
        %get3A_443 = arith.index_cast %add3A_442 : i32 to index
        %get3A_444 = tpu.vector_load %arg6[%get3A_443] {strides = array<i32>} : memref<50176xi32, #tpu.memory_space<vmem>>, vector<16xi32>,
        %add3A_445 = arith.constant 160 : i32
        %add3A_446 = arith.addi %mul3A_404, %add3A_445 : i32
        %get3A_447 = arith.index_cast %add3A_446 : i32 to index
        %get3A_448 = tpu.vector_load %arg6[%get3A_447] {strides = array<i32>} : memref<50176xi32, #tpu.memory_space<vmem>>, vector<16xi32>,
        %add3A_449 = arith.constant 176 : i32
        %add3A_450 = arith.addi %mul3A_404, %add3A_449 : i32
        %get3A_451 = arith.index_cast %add3A_450 : i32 to index
        %get3A_452 = tpu.vector_load %arg6[%get3A_451] {strides = array<i32>} : memref<50176xi32, #tpu.memory_space<vmem>>, vector<16xi32>,
        %add3A_453 = arith.constant 192 : i32
        %add3A_454 = arith.addi %mul3A_404, %add3A_453 : i32
        %get3A_455 = arith.index_cast %add3A_454 : i32 to index
        %get3A_456 = tpu.vector_load %arg6[%get3A_455] {strides = array<i32>} : memref<50176xi32, #tpu.memory_space<vmem>>, vector<16xi32>,
        %add3A_457 = arith.constant 208 : i32
        %add3A_458 = arith.addi %mul3A_404, %add3A_457 : i32
        %get3A_459 = arith.index_cast %add3A_458 : i32 to index
        %get3A_460 = tpu.vector_load %arg6[%get3A_459] {strides = array<i32>} : memref<50176xi32, #tpu.memory_space<vmem>>, vector<16xi32>,
        %gather3A = tpu.vector_load_idx %arg7[%get3A_408] : memref<50432xf32, #tpu.memory_space<vmem>>[vector<16xi32>], vector<16xf32>,
        %gather3A_461 = tpu.vector_load_idx %arg7[%get3A_412] : memref<50432xf32, #tpu.memory_space<vmem>>[vector<16xi32>], vector<16xf32>,
        %gather3A_462 = tpu.vector_load_idx %arg7[%get3A_416] : memref<50432xf32, #tpu.memory_space<vmem>>[vector<16xi32>], vector<16xf32>,
        %gather3A_463 = tpu.vector_load_idx %arg7[%get3A_420] : memref<50432xf32, #tpu.memory_space<vmem>>[vector<16xi32>], vector<16xf32>,
        %gather3A_464 = tpu.vector_load_idx %arg7[%get3A_424] : memref<50432xf32, #tpu.memory_space<vmem>>[vector<16xi32>], vector<16xf32>,
        %gather3A_465 = tpu.vector_load_idx %arg7[%get3A_428] : memref<50432xf32, #tpu.memory_space<vmem>>[vector<16xi32>], vector<16xf32>,
        %gather3A_466 = tpu.vector_load_idx %arg7[%get3A_432] : memref<50432xf32, #tpu.memory_space<vmem>>[vector<16xi32>], vector<16xf32>,
        %gather3A_467 = tpu.vector_load_idx %arg7[%get3A_436] : memref<50432xf32, #tpu.memory_space<vmem>>[vector<16xi32>], vector<16xf32>,
        %gather3A_468 = tpu.vector_load_idx %arg7[%get3A_440] : memref<50432xf32, #tpu.memory_space<vmem>>[vector<16xi32>], vector<16xf32>,
        %gather3A_469 = tpu.vector_load_idx %arg7[%get3A_444] : memref<50432xf32, #tpu.memory_space<vmem>>[vector<16xi32>], vector<16xf32>,
        %gather3A_470 = tpu.vector_load_idx %arg7[%get3A_448] : memref<50432xf32, #tpu.memory_space<vmem>>[vector<16xi32>], vector<16xf32>,
        %gather3A_471 = tpu.vector_load_idx %arg7[%get3A_452] : memref<50432xf32, #tpu.memory_space<vmem>>[vector<16xi32>], vector<16xf32>,
        %gather3A_472 = tpu.vector_load_idx %arg7[%get3A_456] : memref<50432xf32, #tpu.memory_space<vmem>>[vector<16xi32>], vector<16xf32>,
        %gather3A_473 = tpu.vector_load_idx %arg7[%get3A_460] : memref<50432xf32, #tpu.memory_space<vmem>>[vector<16xi32>], vector<16xf32>,
        %mul3A_474 = arith.constant 224 : i32
        %mul3A_475 = arith.muli %scan3A_400, %mul3A_474 : i32
        %add3A_476 = arith.constant 0 : i32
        %add3A_477 = arith.addi %mul3A_475, %add3A_476 : i32
        %swap3A = arith.index_cast %add3A_477 : i32 to index
        %swap3A_478 = tpu.vector_load %arg9[%swap3A] {strides = array<i32>} : memref<3584xf32, #tpu.memory_space<vmem>>, vector<16xf32>,
        tpu.vector_store %arg9[%swap3A], %gather3A {strides = array<i32>} : memref<3584xf32, #tpu.memory_space<vmem>>, vector<16xf32>,
        %mul3A_479 = arith.constant 224 : i32
        %mul3A_480 = arith.muli %scan3A_400, %mul3A_479 : i32
        %add3A_481 = arith.constant 16 : i32
        %add3A_482 = arith.addi %mul3A_480, %add3A_481 : i32
        %swap3A_483 = arith.index_cast %add3A_482 : i32 to index
        %swap3A_484 = tpu.vector_load %arg9[%swap3A_483] {strides = array<i32>} : memref<3584xf32, #tpu.memory_space<vmem>>, vector<16xf32>,
        tpu.vector_store %arg9[%swap3A_483], %gather3A_461 {strides = array<i32>} : memref<3584xf32, #tpu.memory_space<vmem>>, vector<16xf32>,
        %mul3A_485 = arith.constant 224 : i32
        %mul3A_486 = arith.muli %scan3A_400, %mul3A_485 : i32
        %add3A_487 = arith.constant 32 : i32
        %add3A_488 = arith.addi %mul3A_486, %add3A_487 : i32
        %swap3A_489 = arith.index_cast %add3A_488 : i32 to index
        %swap3A_490 = tpu.vector_load %arg9[%swap3A_489] {strides = array<i32>} : memref<3584xf32, #tpu.memory_space<vmem>>, vector<16xf32>,
        tpu.vector_store %arg9[%swap3A_489], %gather3A_462 {strides = array<i32>} : memref<3584xf32, #tpu.memory_space<vmem>>, vector<16xf32>,
        %mul3A_491 = arith.constant 224 : i32
        %mul3A_492 = arith.muli %scan3A_400, %mul3A_491 : i32
        %add3A_493 = arith.constant 48 : i32
        %add3A_494 = arith.addi %mul3A_492, %add3A_493 : i32
        %swap3A_495 = arith.index_cast %add3A_494 : i32 to index
        %swap3A_496 = tpu.vector_load %arg9[%swap3A_495] {strides = array<i32>} : memref<3584xf32, #tpu.memory_space<vmem>>, vector<16xf32>,
        tpu.vector_store %arg9[%swap3A_495], %gather3A_463 {strides = array<i32>} : memref<3584xf32, #tpu.memory_space<vmem>>, vector<16xf32>,
        %mul3A_497 = arith.constant 224 : i32
        %mul3A_498 = arith.muli %scan3A_400, %mul3A_497 : i32
        %add3A_499 = arith.constant 64 : i32
        %add3A_500 = arith.addi %mul3A_498, %add3A_499 : i32
        %swap3A_501 = arith.index_cast %add3A_500 : i32 to index
        %swap3A_502 = tpu.vector_load %arg9[%swap3A_501] {strides = array<i32>} : memref<3584xf32, #tpu.memory_space<vmem>>, vector<16xf32>,
        tpu.vector_store %arg9[%swap3A_501], %gather3A_464 {strides = array<i32>} : memref<3584xf32, #tpu.memory_space<vmem>>, vector<16xf32>,
        %mul3A_503 = arith.constant 224 : i32
        %mul3A_504 = arith.muli %scan3A_400, %mul3A_503 : i32
        %add3A_505 = arith.constant 80 : i32
        %add3A_506 = arith.addi %mul3A_504, %add3A_505 : i32
        %swap3A_507 = arith.index_cast %add3A_506 : i32 to index
        %swap3A_508 = tpu.vector_load %arg9[%swap3A_507] {strides = array<i32>} : memref<3584xf32, #tpu.memory_space<vmem>>, vector<16xf32>,
        tpu.vector_store %arg9[%swap3A_507], %gather3A_465 {strides = array<i32>} : memref<3584xf32, #tpu.memory_space<vmem>>, vector<16xf32>,
        %mul3A_509 = arith.constant 224 : i32
        %mul3A_510 = arith.muli %scan3A_400, %mul3A_509 : i32
        %add3A_511 = arith.constant 96 : i32
        %add3A_512 = arith.addi %mul3A_510, %add3A_511 : i32
        %swap3A_513 = arith.index_cast %add3A_512 : i32 to index
        %swap3A_514 = tpu.vector_load %arg9[%swap3A_513] {strides = array<i32>} : memref<3584xf32, #tpu.memory_space<vmem>>, vector<16xf32>,
        tpu.vector_store %arg9[%swap3A_513], %gather3A_466 {strides = array<i32>} : memref<3584xf32, #tpu.memory_space<vmem>>, vector<16xf32>,
        %mul3A_515 = arith.constant 224 : i32
        %mul3A_516 = arith.muli %scan3A_400, %mul3A_515 : i32
        %add3A_517 = arith.constant 112 : i32
        %add3A_518 = arith.addi %mul3A_516, %add3A_517 : i32
        %swap3A_519 = arith.index_cast %add3A_518 : i32 to index
        %swap3A_520 = tpu.vector_load %arg9[%swap3A_519] {strides = array<i32>} : memref<3584xf32, #tpu.memory_space<vmem>>, vector<16xf32>,
        tpu.vector_store %arg9[%swap3A_519], %gather3A_467 {strides = array<i32>} : memref<3584xf32, #tpu.memory_space<vmem>>, vector<16xf32>,
        %mul3A_521 = arith.constant 224 : i32
        %mul3A_522 = arith.muli %scan3A_400, %mul3A_521 : i32
        %add3A_523 = arith.constant 128 : i32
        %add3A_524 = arith.addi %mul3A_522, %add3A_523 : i32
        %swap3A_525 = arith.index_cast %add3A_524 : i32 to index
        %swap3A_526 = tpu.vector_load %arg9[%swap3A_525] {strides = array<i32>} : memref<3584xf32, #tpu.memory_space<vmem>>, vector<16xf32>,
        tpu.vector_store %arg9[%swap3A_525], %gather3A_468 {strides = array<i32>} : memref<3584xf32, #tpu.memory_space<vmem>>, vector<16xf32>,
        %mul3A_527 = arith.constant 224 : i32
        %mul3A_528 = arith.muli %scan3A_400, %mul3A_527 : i32
        %add3A_529 = arith.constant 144 : i32
        %add3A_530 = arith.addi %mul3A_528, %add3A_529 : i32
        %swap3A_531 = arith.index_cast %add3A_530 : i32 to index
        %swap3A_532 = tpu.vector_load %arg9[%swap3A_531] {strides = array<i32>} : memref<3584xf32, #tpu.memory_space<vmem>>, vector<16xf32>,
        tpu.vector_store %arg9[%swap3A_531], %gather3A_469 {strides = array<i32>} : memref<3584xf32, #tpu.memory_space<vmem>>, vector<16xf32>,
        %mul3A_533 = arith.constant 224 : i32
        %mul3A_534 = arith.muli %scan3A_400, %mul3A_533 : i32
        %add3A_535 = arith.constant 160 : i32
        %add3A_536 = arith.addi %mul3A_534, %add3A_535 : i32
        %swap3A_537 = arith.index_cast %add3A_536 : i32 to index
        %swap3A_538 = tpu.vector_load %arg9[%swap3A_537] {strides = array<i32>} : memref<3584xf32, #tpu.memory_space<vmem>>, vector<16xf32>,
        tpu.vector_store %arg9[%swap3A_537], %gather3A_470 {strides = array<i32>} : memref<3584xf32, #tpu.memory_space<vmem>>, vector<16xf32>,
        %mul3A_539 = arith.constant 224 : i32
        %mul3A_540 = arith.muli %scan3A_400, %mul3A_539 : i32
        %add3A_541 = arith.constant 176 : i32
        %add3A_542 = arith.addi %mul3A_540, %add3A_541 : i32
        %swap3A_543 = arith.index_cast %add3A_542 : i32 to index
        %swap3A_544 = tpu.vector_load %arg9[%swap3A_543] {strides = array<i32>} : memref<3584xf32, #tpu.memory_space<vmem>>, vector<16xf32>,
        tpu.vector_store %arg9[%swap3A_543], %gather3A_471 {strides = array<i32>} : memref<3584xf32, #tpu.memory_space<vmem>>, vector<16xf32>,
        %mul3A_545 = arith.constant 224 : i32
        %mul3A_546 = arith.muli %scan3A_400, %mul3A_545 : i32
        %add3A_547 = arith.constant 192 : i32
        %add3A_548 = arith.addi %mul3A_546, %add3A_547 : i32
        %swap3A_549 = arith.index_cast %add3A_548 : i32 to index
        %swap3A_550 = tpu.vector_load %arg9[%swap3A_549] {strides = array<i32>} : memref<3584xf32, #tpu.memory_space<vmem>>, vector<16xf32>,
        tpu.vector_store %arg9[%swap3A_549], %gather3A_472 {strides = array<i32>} : memref<3584xf32, #tpu.memory_space<vmem>>, vector<16xf32>,
        %mul3A_551 = arith.constant 224 : i32
        %mul3A_552 = arith.muli %scan3A_400, %mul3A_551 : i32
        %add3A_553 = arith.constant 208 : i32
        %add3A_554 = arith.addi %mul3A_552, %add3A_553 : i32
        %swap3A_555 = arith.index_cast %add3A_554 : i32 to index
        %swap3A_556 = tpu.vector_load %arg9[%swap3A_555] {strides = array<i32>} : memref<3584xf32, #tpu.memory_space<vmem>>, vector<16xf32>,
        tpu.vector_store %arg9[%swap3A_555], %gather3A_473 {strides = array<i32>} : memref<3584xf32, #tpu.memory_space<vmem>>, vector<16xf32>,
      }
      %scan3A_273 = arith.constant 16 : i32
      %mul3A_274 = arith.constant 50176 : i32
      %mul3A_275 = arith.muli %add3A_197, %mul3A_274 : i32
      %add3A_276 = arith.constant 17920 : i32
      %add3A_277 = arith.addi %mul3A_275, %add3A_276 : i32
      %dma_start3A_278 = tpu.memref_slice %arg4[%add3A_277] : memref<38535168xf32, #tpu.memory_space<hbm>> -> memref<3584xf32, #tpu.memory_space<hbm>>
      %dma_start3A_279 = tpu.memref_slice %arg4[%add3A_277] : memref<38535168xf32, #tpu.memory_space<hbm>> -> memref<3584xf32, #tpu.memory_space<hbm>>
      tpu.enqueue_dma source(%arg9 : memref<3584xf32, #tpu.memory_space<vmem>>) target(%dma_start3A_279 : memref<3584xf32, #tpu.memory_space<hbm>>) target_semaphore(%arg13 : memref<!tpu.dma_semaphore, #tpu.memory_space<semaphore_mem>>)
      %dma_wait3A_280 = tpu.memref_slice %arg4[%add3A_238] : memref<38535168xf32, #tpu.memory_space<hbm>> -> memref<3584xf32, #tpu.memory_space<hbm>>
      %dma_wait3A_281 = tpu.memref_slice %arg4[%add3A_238] : memref<38535168xf32, #tpu.memory_space<hbm>> -> memref<3584xf32, #tpu.memory_space<hbm>>
      tpu.wait_dma2 semaphore(%arg14 : memref<!tpu.dma_semaphore, #tpu.memory_space<semaphore_mem>>) src(%arg10 : memref<3584xf32, #tpu.memory_space<vmem>>) dst(%dma_wait3A_281 : memref<3584xf32, #tpu.memory_space<hbm>>)
      %scan3A_282 = arith.constant 0 : i32
      %scan3A_283 = arith.constant 0 : i32
      %scan3A_284 = arith.constant 16 : i32
      %scan3A_285 = arith.addi %scan3A_283, %scan3A_284 : i32
      %scan3A_286 = arith.constant 1 : i32
      scf.for %scan3A_400 = %scan3A_283 to %scan3A_285 step %scan3A_286  : i32 {
        %add3A_401 = arith.constant 96 : i32
        %add3A_402 = arith.addi %add3A_401, %scan3A_400 : i32
        %mul3A_403 = arith.constant 224 : i32
        %mul3A_404 = arith.muli %add3A_402, %mul3A_403 : i32
        %add3A_405 = arith.constant 0 : i32
        %add3A_406 = arith.addi %mul3A_404, %add3A_405 : i32
        %get3A_407 = arith.index_cast %add3A_406 : i32 to index
        %get3A_408 = tpu.vector_load %arg6[%get3A_407] {strides = array<i32>} : memref<50176xi32, #tpu.memory_space<vmem>>, vector<16xi32>,
        %add3A_409 = arith.constant 16 : i32
        %add3A_410 = arith.addi %mul3A_404, %add3A_409 : i32
        %get3A_411 = arith.index_cast %add3A_410 : i32 to index
        %get3A_412 = tpu.vector_load %arg6[%get3A_411] {strides = array<i32>} : memref<50176xi32, #tpu.memory_space<vmem>>, vector<16xi32>,
        %add3A_413 = arith.constant 32 : i32
        %add3A_414 = arith.addi %mul3A_404, %add3A_413 : i32
        %get3A_415 = arith.index_cast %add3A_414 : i32 to index
        %get3A_416 = tpu.vector_load %arg6[%get3A_415] {strides = array<i32>} : memref<50176xi32, #tpu.memory_space<vmem>>, vector<16xi32>,
        %add3A_417 = arith.constant 48 : i32
        %add3A_418 = arith.addi %mul3A_404, %add3A_417 : i32
        %get3A_419 = arith.index_cast %add3A_418 : i32 to index
        %get3A_420 = tpu.vector_load %arg6[%get3A_419] {strides = array<i32>} : memref<50176xi32, #tpu.memory_space<vmem>>, vector<16xi32>,
        %add3A_421 = arith.constant 64 : i32
        %add3A_422 = arith.addi %mul3A_404, %add3A_421 : i32
        %get3A_423 = arith.index_cast %add3A_422 : i32 to index
        %get3A_424 = tpu.vector_load %arg6[%get3A_423] {strides = array<i32>} : memref<50176xi32, #tpu.memory_space<vmem>>, vector<16xi32>,
        %add3A_425 = arith.constant 80 : i32
        %add3A_426 = arith.addi %mul3A_404, %add3A_425 : i32
        %get3A_427 = arith.index_cast %add3A_426 : i32 to index
        %get3A_428 = tpu.vector_load %arg6[%get3A_427] {strides = array<i32>} : memref<50176xi32, #tpu.memory_space<vmem>>, vector<16xi32>,
        %add3A_429 = arith.constant 96 : i32
        %add3A_430 = arith.addi %mul3A_404, %add3A_429 : i32
        %get3A_431 = arith.index_cast %add3A_430 : i32 to index
        %get3A_432 = tpu.vector_load %arg6[%get3A_431] {strides = array<i32>} : memref<50176xi32, #tpu.memory_space<vmem>>, vector<16xi32>,
        %add3A_433 = arith.constant 112 : i32
        %add3A_434 = arith.addi %mul3A_404, %add3A_433 : i32
        %get3A_435 = arith.index_cast %add3A_434 : i32 to index
        %get3A_436 = tpu.vector_load %arg6[%get3A_435] {strides = array<i32>} : memref<50176xi32, #tpu.memory_space<vmem>>, vector<16xi32>,
        %add3A_437 = arith.constant 128 : i32
        %add3A_438 = arith.addi %mul3A_404, %add3A_437 : i32
        %get3A_439 = arith.index_cast %add3A_438 : i32 to index
        %get3A_440 = tpu.vector_load %arg6[%get3A_439] {strides = array<i32>} : memref<50176xi32, #tpu.memory_space<vmem>>, vector<16xi32>,
        %add3A_441 = arith.constant 144 : i32
        %add3A_442 = arith.addi %mul3A_404, %add3A_441 : i32
        %get3A_443 = arith.index_cast %add3A_442 : i32 to index
        %get3A_444 = tpu.vector_load %arg6[%get3A_443] {strides = array<i32>} : memref<50176xi32, #tpu.memory_space<vmem>>, vector<16xi32>,
        %add3A_445 = arith.constant 160 : i32
        %add3A_446 = arith.addi %mul3A_404, %add3A_445 : i32
        %get3A_447 = arith.index_cast %add3A_446 : i32 to index
        %get3A_448 = tpu.vector_load %arg6[%get3A_447] {strides = array<i32>} : memref<50176xi32, #tpu.memory_space<vmem>>, vector<16xi32>,
        %add3A_449 = arith.constant 176 : i32
        %add3A_450 = arith.addi %mul3A_404, %add3A_449 : i32
        %get3A_451 = arith.index_cast %add3A_450 : i32 to index
        %get3A_452 = tpu.vector_load %arg6[%get3A_451] {strides = array<i32>} : memref<50176xi32, #tpu.memory_space<vmem>>, vector<16xi32>,
        %add3A_453 = arith.constant 192 : i32
        %add3A_454 = arith.addi %mul3A_404, %add3A_453 : i32
        %get3A_455 = arith.index_cast %add3A_454 : i32 to index
        %get3A_456 = tpu.vector_load %arg6[%get3A_455] {strides = array<i32>} : memref<50176xi32, #tpu.memory_space<vmem>>, vector<16xi32>,
        %add3A_457 = arith.constant 208 : i32
        %add3A_458 = arith.addi %mul3A_404, %add3A_457 : i32
        %get3A_459 = arith.index_cast %add3A_458 : i32 to index
        %get3A_460 = tpu.vector_load %arg6[%get3A_459] {strides = array<i32>} : memref<50176xi32, #tpu.memory_space<vmem>>, vector<16xi32>,
        %gather3A = tpu.vector_load_idx %arg7[%get3A_408] : memref<50432xf32, #tpu.memory_space<vmem>>[vector<16xi32>], vector<16xf32>,
        %gather3A_461 = tpu.vector_load_idx %arg7[%get3A_412] : memref<50432xf32, #tpu.memory_space<vmem>>[vector<16xi32>], vector<16xf32>,
        %gather3A_462 = tpu.vector_load_idx %arg7[%get3A_416] : memref<50432xf32, #tpu.memory_space<vmem>>[vector<16xi32>], vector<16xf32>,
        %gather3A_463 = tpu.vector_load_idx %arg7[%get3A_420] : memref<50432xf32, #tpu.memory_space<vmem>>[vector<16xi32>], vector<16xf32>,
        %gather3A_464 = tpu.vector_load_idx %arg7[%get3A_424] : memref<50432xf32, #tpu.memory_space<vmem>>[vector<16xi32>], vector<16xf32>,
        %gather3A_465 = tpu.vector_load_idx %arg7[%get3A_428] : memref<50432xf32, #tpu.memory_space<vmem>>[vector<16xi32>], vector<16xf32>,
        %gather3A_466 = tpu.vector_load_idx %arg7[%get3A_432] : memref<50432xf32, #tpu.memory_space<vmem>>[vector<16xi32>], vector<16xf32>,
        %gather3A_467 = tpu.vector_load_idx %arg7[%get3A_436] : memref<50432xf32, #tpu.memory_space<vmem>>[vector<16xi32>], vector<16xf32>,
        %gather3A_468 = tpu.vector_load_idx %arg7[%get3A_440] : memref<50432xf32, #tpu.memory_space<vmem>>[vector<16xi32>], vector<16xf32>,
        %gather3A_469 = tpu.vector_load_idx %arg7[%get3A_444] : memref<50432xf32, #tpu.memory_space<vmem>>[vector<16xi32>], vector<16xf32>,
        %gather3A_470 = tpu.vector_load_idx %arg7[%get3A_448] : memref<50432xf32, #tpu.memory_space<vmem>>[vector<16xi32>], vector<16xf32>,
        %gather3A_471 = tpu.vector_load_idx %arg7[%get3A_452] : memref<50432xf32, #tpu.memory_space<vmem>>[vector<16xi32>], vector<16xf32>,
        %gather3A_472 = tpu.vector_load_idx %arg7[%get3A_456] : memref<50432xf32, #tpu.memory_space<vmem>>[vector<16xi32>], vector<16xf32>,
        %gather3A_473 = tpu.vector_load_idx %arg7[%get3A_460] : memref<50432xf32, #tpu.memory_space<vmem>>[vector<16xi32>], vector<16xf32>,
        %mul3A_474 = arith.constant 224 : i32
        %mul3A_475 = arith.muli %scan3A_400, %mul3A_474 : i32
        %add3A_476 = arith.constant 0 : i32
        %add3A_477 = arith.addi %mul3A_475, %add3A_476 : i32
        %swap3A = arith.index_cast %add3A_477 : i32 to index
        %swap3A_478 = tpu.vector_load %arg10[%swap3A] {strides = array<i32>} : memref<3584xf32, #tpu.memory_space<vmem>>, vector<16xf32>,
        tpu.vector_store %arg10[%swap3A], %gather3A {strides = array<i32>} : memref<3584xf32, #tpu.memory_space<vmem>>, vector<16xf32>,
        %mul3A_479 = arith.constant 224 : i32
        %mul3A_480 = arith.muli %scan3A_400, %mul3A_479 : i32
        %add3A_481 = arith.constant 16 : i32
        %add3A_482 = arith.addi %mul3A_480, %add3A_481 : i32
        %swap3A_483 = arith.index_cast %add3A_482 : i32 to index
        %swap3A_484 = tpu.vector_load %arg10[%swap3A_483] {strides = array<i32>} : memref<3584xf32, #tpu.memory_space<vmem>>, vector<16xf32>,
        tpu.vector_store %arg10[%swap3A_483], %gather3A_461 {strides = array<i32>} : memref<3584xf32, #tpu.memory_space<vmem>>, vector<16xf32>,
        %mul3A_485 = arith.constant 224 : i32
        %mul3A_486 = arith.muli %scan3A_400, %mul3A_485 : i32
        %add3A_487 = arith.constant 32 : i32
        %add3A_488 = arith.addi %mul3A_486, %add3A_487 : i32
        %swap3A_489 = arith.index_cast %add3A_488 : i32 to index
        %swap3A_490 = tpu.vector_load %arg10[%swap3A_489] {strides = array<i32>} : memref<3584xf32, #tpu.memory_space<vmem>>, vector<16xf32>,
        tpu.vector_store %arg10[%swap3A_489], %gather3A_462 {strides = array<i32>} : memref<3584xf32, #tpu.memory_space<vmem>>, vector<16xf32>,
        %mul3A_491 = arith.constant 224 : i32
        %mul3A_492 = arith.muli %scan3A_400, %mul3A_491 : i32
        %add3A_493 = arith.constant 48 : i32
        %add3A_494 = arith.addi %mul3A_492, %add3A_493 : i32
        %swap3A_495 = arith.index_cast %add3A_494 : i32 to index
        %swap3A_496 = tpu.vector_load %arg10[%swap3A_495] {strides = array<i32>} : memref<3584xf32, #tpu.memory_space<vmem>>, vector<16xf32>,
        tpu.vector_store %arg10[%swap3A_495], %gather3A_463 {strides = array<i32>} : memref<3584xf32, #tpu.memory_space<vmem>>, vector<16xf32>,
        %mul3A_497 = arith.constant 224 : i32
        %mul3A_498 = arith.muli %scan3A_400, %mul3A_497 : i32
        %add3A_499 = arith.constant 64 : i32
        %add3A_500 = arith.addi %mul3A_498, %add3A_499 : i32
        %swap3A_501 = arith.index_cast %add3A_500 : i32 to index
        %swap3A_502 = tpu.vector_load %arg10[%swap3A_501] {strides = array<i32>} : memref<3584xf32, #tpu.memory_space<vmem>>, vector<16xf32>,
        tpu.vector_store %arg10[%swap3A_501], %gather3A_464 {strides = array<i32>} : memref<3584xf32, #tpu.memory_space<vmem>>, vector<16xf32>,
        %mul3A_503 = arith.constant 224 : i32
        %mul3A_504 = arith.muli %scan3A_400, %mul3A_503 : i32
        %add3A_505 = arith.constant 80 : i32
        %add3A_506 = arith.addi %mul3A_504, %add3A_505 : i32
        %swap3A_507 = arith.index_cast %add3A_506 : i32 to index
        %swap3A_508 = tpu.vector_load %arg10[%swap3A_507] {strides = array<i32>} : memref<3584xf32, #tpu.memory_space<vmem>>, vector<16xf32>,
        tpu.vector_store %arg10[%swap3A_507], %gather3A_465 {strides = array<i32>} : memref<3584xf32, #tpu.memory_space<vmem>>, vector<16xf32>,
        %mul3A_509 = arith.constant 224 : i32
        %mul3A_510 = arith.muli %scan3A_400, %mul3A_509 : i32
        %add3A_511 = arith.constant 96 : i32
        %add3A_512 = arith.addi %mul3A_510, %add3A_511 : i32
        %swap3A_513 = arith.index_cast %add3A_512 : i32 to index
        %swap3A_514 = tpu.vector_load %arg10[%swap3A_513] {strides = array<i32>} : memref<3584xf32, #tpu.memory_space<vmem>>, vector<16xf32>,
        tpu.vector_store %arg10[%swap3A_513], %gather3A_466 {strides = array<i32>} : memref<3584xf32, #tpu.memory_space<vmem>>, vector<16xf32>,
        %mul3A_515 = arith.constant 224 : i32
        %mul3A_516 = arith.muli %scan3A_400, %mul3A_515 : i32
        %add3A_517 = arith.constant 112 : i32
        %add3A_518 = arith.addi %mul3A_516, %add3A_517 : i32
        %swap3A_519 = arith.index_cast %add3A_518 : i32 to index
        %swap3A_520 = tpu.vector_load %arg10[%swap3A_519] {strides = array<i32>} : memref<3584xf32, #tpu.memory_space<vmem>>, vector<16xf32>,
        tpu.vector_store %arg10[%swap3A_519], %gather3A_467 {strides = array<i32>} : memref<3584xf32, #tpu.memory_space<vmem>>, vector<16xf32>,
        %mul3A_521 = arith.constant 224 : i32
        %mul3A_522 = arith.muli %scan3A_400, %mul3A_521 : i32
        %add3A_523 = arith.constant 128 : i32
        %add3A_524 = arith.addi %mul3A_522, %add3A_523 : i32
        %swap3A_525 = arith.index_cast %add3A_524 : i32 to index
        %swap3A_526 = tpu.vector_load %arg10[%swap3A_525] {strides = array<i32>} : memref<3584xf32, #tpu.memory_space<vmem>>, vector<16xf32>,
        tpu.vector_store %arg10[%swap3A_525], %gather3A_468 {strides = array<i32>} : memref<3584xf32, #tpu.memory_space<vmem>>, vector<16xf32>,
        %mul3A_527 = arith.constant 224 : i32
        %mul3A_528 = arith.muli %scan3A_400, %mul3A_527 : i32
        %add3A_529 = arith.constant 144 : i32
        %add3A_530 = arith.addi %mul3A_528, %add3A_529 : i32
        %swap3A_531 = arith.index_cast %add3A_530 : i32 to index
        %swap3A_532 = tpu.vector_load %arg10[%swap3A_531] {strides = array<i32>} : memref<3584xf32, #tpu.memory_space<vmem>>, vector<16xf32>,
        tpu.vector_store %arg10[%swap3A_531], %gather3A_469 {strides = array<i32>} : memref<3584xf32, #tpu.memory_space<vmem>>, vector<16xf32>,
        %mul3A_533 = arith.constant 224 : i32
        %mul3A_534 = arith.muli %scan3A_400, %mul3A_533 : i32
        %add3A_535 = arith.constant 160 : i32
        %add3A_536 = arith.addi %mul3A_534, %add3A_535 : i32
        %swap3A_537 = arith.index_cast %add3A_536 : i32 to index
        %swap3A_538 = tpu.vector_load %arg10[%swap3A_537] {strides = array<i32>} : memref<3584xf32, #tpu.memory_space<vmem>>, vector<16xf32>,
        tpu.vector_store %arg10[%swap3A_537], %gather3A_470 {strides = array<i32>} : memref<3584xf32, #tpu.memory_space<vmem>>, vector<16xf32>,
        %mul3A_539 = arith.constant 224 : i32
        %mul3A_540 = arith.muli %scan3A_400, %mul3A_539 : i32
        %add3A_541 = arith.constant 176 : i32
        %add3A_542 = arith.addi %mul3A_540, %add3A_541 : i32
        %swap3A_543 = arith.index_cast %add3A_542 : i32 to index
        %swap3A_544 = tpu.vector_load %arg10[%swap3A_543] {strides = array<i32>} : memref<3584xf32, #tpu.memory_space<vmem>>, vector<16xf32>,
        tpu.vector_store %arg10[%swap3A_543], %gather3A_471 {strides = array<i32>} : memref<3584xf32, #tpu.memory_space<vmem>>, vector<16xf32>,
        %mul3A_545 = arith.constant 224 : i32
        %mul3A_546 = arith.muli %scan3A_400, %mul3A_545 : i32
        %add3A_547 = arith.constant 192 : i32
        %add3A_548 = arith.addi %mul3A_546, %add3A_547 : i32
        %swap3A_549 = arith.index_cast %add3A_548 : i32 to index
        %swap3A_550 = tpu.vector_load %arg10[%swap3A_549] {strides = array<i32>} : memref<3584xf32, #tpu.memory_space<vmem>>, vector<16xf32>,
        tpu.vector_store %arg10[%swap3A_549], %gather3A_472 {strides = array<i32>} : memref<3584xf32, #tpu.memory_space<vmem>>, vector<16xf32>,
        %mul3A_551 = arith.constant 224 : i32
        %mul3A_552 = arith.muli %scan3A_400, %mul3A_551 : i32
        %add3A_553 = arith.constant 208 : i32
        %add3A_554 = arith.addi %mul3A_552, %add3A_553 : i32
        %swap3A_555 = arith.index_cast %add3A_554 : i32 to index
        %swap3A_556 = tpu.vector_load %arg10[%swap3A_555] {strides = array<i32>} : memref<3584xf32, #tpu.memory_space<vmem>>, vector<16xf32>,
        tpu.vector_store %arg10[%swap3A_555], %gather3A_473 {strides = array<i32>} : memref<3584xf32, #tpu.memory_space<vmem>>, vector<16xf32>,
      }
      %scan3A_287 = arith.constant 16 : i32
      %mul3A_288 = arith.constant 50176 : i32
      %mul3A_289 = arith.muli %add3A_197, %mul3A_288 : i32
      %add3A_290 = arith.constant 21504 : i32
      %add3A_291 = arith.addi %mul3A_289, %add3A_290 : i32
      %dma_start3A_292 = tpu.memref_slice %arg4[%add3A_291] : memref<38535168xf32, #tpu.memory_space<hbm>> -> memref<3584xf32, #tpu.memory_space<hbm>>
      %dma_start3A_293 = tpu.memref_slice %arg4[%add3A_291] : memref<38535168xf32, #tpu.memory_space<hbm>> -> memref<3584xf32, #tpu.memory_space<hbm>>
      tpu.enqueue_dma source(%arg10 : memref<3584xf32, #tpu.memory_space<vmem>>) target(%dma_start3A_293 : memref<3584xf32, #tpu.memory_space<hbm>>) target_semaphore(%arg14 : memref<!tpu.dma_semaphore, #tpu.memory_space<semaphore_mem>>)
      %dma_wait3A_294 = tpu.memref_slice %arg4[%add3A_250] : memref<38535168xf32, #tpu.memory_space<hbm>> -> memref<3584xf32, #tpu.memory_space<hbm>>
      %dma_wait3A_295 = tpu.memref_slice %arg4[%add3A_250] : memref<38535168xf32, #tpu.memory_space<hbm>> -> memref<3584xf32, #tpu.memory_space<hbm>>
      tpu.wait_dma2 semaphore(%arg15 : memref<!tpu.dma_semaphore, #tpu.memory_space<semaphore_mem>>) src(%arg11 : memref<3584xf32, #tpu.memory_space<vmem>>) dst(%dma_wait3A_295 : memref<3584xf32, #tpu.memory_space<hbm>>)
      %scan3A_296 = arith.constant 0 : i32
      %scan3A_297 = arith.constant 0 : i32
      %scan3A_298 = arith.constant 16 : i32
      %scan3A_299 = arith.addi %scan3A_297, %scan3A_298 : i32
      %scan3A_300 = arith.constant 1 : i32
      scf.for %scan3A_400 = %scan3A_297 to %scan3A_299 step %scan3A_300  : i32 {
        %add3A_401 = arith.constant 112 : i32
        %add3A_402 = arith.addi %add3A_401, %scan3A_400 : i32
        %mul3A_403 = arith.constant 224 : i32
        %mul3A_404 = arith.muli %add3A_402, %mul3A_403 : i32
        %add3A_405 = arith.constant 0 : i32
        %add3A_406 = arith.addi %mul3A_404, %add3A_405 : i32
        %get3A_407 = arith.index_cast %add3A_406 : i32 to index
        %get3A_408 = tpu.vector_load %arg6[%get3A_407] {strides = array<i32>} : memref<50176xi32, #tpu.memory_space<vmem>>, vector<16xi32>,
        %add3A_409 = arith.constant 16 : i32
        %add3A_410 = arith.addi %mul3A_404, %add3A_409 : i32
        %get3A_411 = arith.index_cast %add3A_410 : i32 to index
        %get3A_412 = tpu.vector_load %arg6[%get3A_411] {strides = array<i32>} : memref<50176xi32, #tpu.memory_space<vmem>>, vector<16xi32>,
        %add3A_413 = arith.constant 32 : i32
        %add3A_414 = arith.addi %mul3A_404, %add3A_413 : i32
        %get3A_415 = arith.index_cast %add3A_414 : i32 to index
        %get3A_416 = tpu.vector_load %arg6[%get3A_415] {strides = array<i32>} : memref<50176xi32, #tpu.memory_space<vmem>>, vector<16xi32>,
        %add3A_417 = arith.constant 48 : i32
        %add3A_418 = arith.addi %mul3A_404, %add3A_417 : i32
        %get3A_419 = arith.index_cast %add3A_418 : i32 to index
        %get3A_420 = tpu.vector_load %arg6[%get3A_419] {strides = array<i32>} : memref<50176xi32, #tpu.memory_space<vmem>>, vector<16xi32>,
        %add3A_421 = arith.constant 64 : i32
        %add3A_422 = arith.addi %mul3A_404, %add3A_421 : i32
        %get3A_423 = arith.index_cast %add3A_422 : i32 to index
        %get3A_424 = tpu.vector_load %arg6[%get3A_423] {strides = array<i32>} : memref<50176xi32, #tpu.memory_space<vmem>>, vector<16xi32>,
        %add3A_425 = arith.constant 80 : i32
        %add3A_426 = arith.addi %mul3A_404, %add3A_425 : i32
        %get3A_427 = arith.index_cast %add3A_426 : i32 to index
        %get3A_428 = tpu.vector_load %arg6[%get3A_427] {strides = array<i32>} : memref<50176xi32, #tpu.memory_space<vmem>>, vector<16xi32>,
        %add3A_429 = arith.constant 96 : i32
        %add3A_430 = arith.addi %mul3A_404, %add3A_429 : i32
        %get3A_431 = arith.index_cast %add3A_430 : i32 to index
        %get3A_432 = tpu.vector_load %arg6[%get3A_431] {strides = array<i32>} : memref<50176xi32, #tpu.memory_space<vmem>>, vector<16xi32>,
        %add3A_433 = arith.constant 112 : i32
        %add3A_434 = arith.addi %mul3A_404, %add3A_433 : i32
        %get3A_435 = arith.index_cast %add3A_434 : i32 to index
        %get3A_436 = tpu.vector_load %arg6[%get3A_435] {strides = array<i32>} : memref<50176xi32, #tpu.memory_space<vmem>>, vector<16xi32>,
        %add3A_437 = arith.constant 128 : i32
        %add3A_438 = arith.addi %mul3A_404, %add3A_437 : i32
        %get3A_439 = arith.index_cast %add3A_438 : i32 to index
        %get3A_440 = tpu.vector_load %arg6[%get3A_439] {strides = array<i32>} : memref<50176xi32, #tpu.memory_space<vmem>>, vector<16xi32>,
        %add3A_441 = arith.constant 144 : i32
        %add3A_442 = arith.addi %mul3A_404, %add3A_441 : i32
        %get3A_443 = arith.index_cast %add3A_442 : i32 to index
        %get3A_444 = tpu.vector_load %arg6[%get3A_443] {strides = array<i32>} : memref<50176xi32, #tpu.memory_space<vmem>>, vector<16xi32>,
        %add3A_445 = arith.constant 160 : i32
        %add3A_446 = arith.addi %mul3A_404, %add3A_445 : i32
        %get3A_447 = arith.index_cast %add3A_446 : i32 to index
        %get3A_448 = tpu.vector_load %arg6[%get3A_447] {strides = array<i32>} : memref<50176xi32, #tpu.memory_space<vmem>>, vector<16xi32>,
        %add3A_449 = arith.constant 176 : i32
        %add3A_450 = arith.addi %mul3A_404, %add3A_449 : i32
        %get3A_451 = arith.index_cast %add3A_450 : i32 to index
        %get3A_452 = tpu.vector_load %arg6[%get3A_451] {strides = array<i32>} : memref<50176xi32, #tpu.memory_space<vmem>>, vector<16xi32>,
        %add3A_453 = arith.constant 192 : i32
        %add3A_454 = arith.addi %mul3A_404, %add3A_453 : i32
        %get3A_455 = arith.index_cast %add3A_454 : i32 to index
        %get3A_456 = tpu.vector_load %arg6[%get3A_455] {strides = array<i32>} : memref<50176xi32, #tpu.memory_space<vmem>>, vector<16xi32>,
        %add3A_457 = arith.constant 208 : i32
        %add3A_458 = arith.addi %mul3A_404, %add3A_457 : i32
        %get3A_459 = arith.index_cast %add3A_458 : i32 to index
        %get3A_460 = tpu.vector_load %arg6[%get3A_459] {strides = array<i32>} : memref<50176xi32, #tpu.memory_space<vmem>>, vector<16xi32>,
        %gather3A = tpu.vector_load_idx %arg7[%get3A_408] : memref<50432xf32, #tpu.memory_space<vmem>>[vector<16xi32>], vector<16xf32>,
        %gather3A_461 = tpu.vector_load_idx %arg7[%get3A_412] : memref<50432xf32, #tpu.memory_space<vmem>>[vector<16xi32>], vector<16xf32>,
        %gather3A_462 = tpu.vector_load_idx %arg7[%get3A_416] : memref<50432xf32, #tpu.memory_space<vmem>>[vector<16xi32>], vector<16xf32>,
        %gather3A_463 = tpu.vector_load_idx %arg7[%get3A_420] : memref<50432xf32, #tpu.memory_space<vmem>>[vector<16xi32>], vector<16xf32>,
        %gather3A_464 = tpu.vector_load_idx %arg7[%get3A_424] : memref<50432xf32, #tpu.memory_space<vmem>>[vector<16xi32>], vector<16xf32>,
        %gather3A_465 = tpu.vector_load_idx %arg7[%get3A_428] : memref<50432xf32, #tpu.memory_space<vmem>>[vector<16xi32>], vector<16xf32>,
        %gather3A_466 = tpu.vector_load_idx %arg7[%get3A_432] : memref<50432xf32, #tpu.memory_space<vmem>>[vector<16xi32>], vector<16xf32>,
        %gather3A_467 = tpu.vector_load_idx %arg7[%get3A_436] : memref<50432xf32, #tpu.memory_space<vmem>>[vector<16xi32>], vector<16xf32>,
        %gather3A_468 = tpu.vector_load_idx %arg7[%get3A_440] : memref<50432xf32, #tpu.memory_space<vmem>>[vector<16xi32>], vector<16xf32>,
        %gather3A_469 = tpu.vector_load_idx %arg7[%get3A_444] : memref<50432xf32, #tpu.memory_space<vmem>>[vector<16xi32>], vector<16xf32>,
        %gather3A_470 = tpu.vector_load_idx %arg7[%get3A_448] : memref<50432xf32, #tpu.memory_space<vmem>>[vector<16xi32>], vector<16xf32>,
        %gather3A_471 = tpu.vector_load_idx %arg7[%get3A_452] : memref<50432xf32, #tpu.memory_space<vmem>>[vector<16xi32>], vector<16xf32>,
        %gather3A_472 = tpu.vector_load_idx %arg7[%get3A_456] : memref<50432xf32, #tpu.memory_space<vmem>>[vector<16xi32>], vector<16xf32>,
        %gather3A_473 = tpu.vector_load_idx %arg7[%get3A_460] : memref<50432xf32, #tpu.memory_space<vmem>>[vector<16xi32>], vector<16xf32>,
        %mul3A_474 = arith.constant 224 : i32
        %mul3A_475 = arith.muli %scan3A_400, %mul3A_474 : i32
        %add3A_476 = arith.constant 0 : i32
        %add3A_477 = arith.addi %mul3A_475, %add3A_476 : i32
        %swap3A = arith.index_cast %add3A_477 : i32 to index
        %swap3A_478 = tpu.vector_load %arg11[%swap3A] {strides = array<i32>} : memref<3584xf32, #tpu.memory_space<vmem>>, vector<16xf32>,
        tpu.vector_store %arg11[%swap3A], %gather3A {strides = array<i32>} : memref<3584xf32, #tpu.memory_space<vmem>>, vector<16xf32>,
        %mul3A_479 = arith.constant 224 : i32
        %mul3A_480 = arith.muli %scan3A_400, %mul3A_479 : i32
        %add3A_481 = arith.constant 16 : i32
        %add3A_482 = arith.addi %mul3A_480, %add3A_481 : i32
        %swap3A_483 = arith.index_cast %add3A_482 : i32 to index
        %swap3A_484 = tpu.vector_load %arg11[%swap3A_483] {strides = array<i32>} : memref<3584xf32, #tpu.memory_space<vmem>>, vector<16xf32>,
        tpu.vector_store %arg11[%swap3A_483], %gather3A_461 {strides = array<i32>} : memref<3584xf32, #tpu.memory_space<vmem>>, vector<16xf32>,
        %mul3A_485 = arith.constant 224 : i32
        %mul3A_486 = arith.muli %scan3A_400, %mul3A_485 : i32
        %add3A_487 = arith.constant 32 : i32
        %add3A_488 = arith.addi %mul3A_486, %add3A_487 : i32
        %swap3A_489 = arith.index_cast %add3A_488 : i32 to index
        %swap3A_490 = tpu.vector_load %arg11[%swap3A_489] {strides = array<i32>} : memref<3584xf32, #tpu.memory_space<vmem>>, vector<16xf32>,
        tpu.vector_store %arg11[%swap3A_489], %gather3A_462 {strides = array<i32>} : memref<3584xf32, #tpu.memory_space<vmem>>, vector<16xf32>,
        %mul3A_491 = arith.constant 224 : i32
        %mul3A_492 = arith.muli %scan3A_400, %mul3A_491 : i32
        %add3A_493 = arith.constant 48 : i32
        %add3A_494 = arith.addi %mul3A_492, %add3A_493 : i32
        %swap3A_495 = arith.index_cast %add3A_494 : i32 to index
        %swap3A_496 = tpu.vector_load %arg11[%swap3A_495] {strides = array<i32>} : memref<3584xf32, #tpu.memory_space<vmem>>, vector<16xf32>,
        tpu.vector_store %arg11[%swap3A_495], %gather3A_463 {strides = array<i32>} : memref<3584xf32, #tpu.memory_space<vmem>>, vector<16xf32>,
        %mul3A_497 = arith.constant 224 : i32
        %mul3A_498 = arith.muli %scan3A_400, %mul3A_497 : i32
        %add3A_499 = arith.constant 64 : i32
        %add3A_500 = arith.addi %mul3A_498, %add3A_499 : i32
        %swap3A_501 = arith.index_cast %add3A_500 : i32 to index
        %swap3A_502 = tpu.vector_load %arg11[%swap3A_501] {strides = array<i32>} : memref<3584xf32, #tpu.memory_space<vmem>>, vector<16xf32>,
        tpu.vector_store %arg11[%swap3A_501], %gather3A_464 {strides = array<i32>} : memref<3584xf32, #tpu.memory_space<vmem>>, vector<16xf32>,
        %mul3A_503 = arith.constant 224 : i32
        %mul3A_504 = arith.muli %scan3A_400, %mul3A_503 : i32
        %add3A_505 = arith.constant 80 : i32
        %add3A_506 = arith.addi %mul3A_504, %add3A_505 : i32
        %swap3A_507 = arith.index_cast %add3A_506 : i32 to index
        %swap3A_508 = tpu.vector_load %arg11[%swap3A_507] {strides = array<i32>} : memref<3584xf32, #tpu.memory_space<vmem>>, vector<16xf32>,
        tpu.vector_store %arg11[%swap3A_507], %gather3A_465 {strides = array<i32>} : memref<3584xf32, #tpu.memory_space<vmem>>, vector<16xf32>,
        %mul3A_509 = arith.constant 224 : i32
        %mul3A_510 = arith.muli %scan3A_400, %mul3A_509 : i32
        %add3A_511 = arith.constant 96 : i32
        %add3A_512 = arith.addi %mul3A_510, %add3A_511 : i32
        %swap3A_513 = arith.index_cast %add3A_512 : i32 to index
        %swap3A_514 = tpu.vector_load %arg11[%swap3A_513] {strides = array<i32>} : memref<3584xf32, #tpu.memory_space<vmem>>, vector<16xf32>,
        tpu.vector_store %arg11[%swap3A_513], %gather3A_466 {strides = array<i32>} : memref<3584xf32, #tpu.memory_space<vmem>>, vector<16xf32>,
        %mul3A_515 = arith.constant 224 : i32
        %mul3A_516 = arith.muli %scan3A_400, %mul3A_515 : i32
        %add3A_517 = arith.constant 112 : i32
        %add3A_518 = arith.addi %mul3A_516, %add3A_517 : i32
        %swap3A_519 = arith.index_cast %add3A_518 : i32 to index
        %swap3A_520 = tpu.vector_load %arg11[%swap3A_519] {strides = array<i32>} : memref<3584xf32, #tpu.memory_space<vmem>>, vector<16xf32>,
        tpu.vector_store %arg11[%swap3A_519], %gather3A_467 {strides = array<i32>} : memref<3584xf32, #tpu.memory_space<vmem>>, vector<16xf32>,
        %mul3A_521 = arith.constant 224 : i32
        %mul3A_522 = arith.muli %scan3A_400, %mul3A_521 : i32
        %add3A_523 = arith.constant 128 : i32
        %add3A_524 = arith.addi %mul3A_522, %add3A_523 : i32
        %swap3A_525 = arith.index_cast %add3A_524 : i32 to index
        %swap3A_526 = tpu.vector_load %arg11[%swap3A_525] {strides = array<i32>} : memref<3584xf32, #tpu.memory_space<vmem>>, vector<16xf32>,
        tpu.vector_store %arg11[%swap3A_525], %gather3A_468 {strides = array<i32>} : memref<3584xf32, #tpu.memory_space<vmem>>, vector<16xf32>,
        %mul3A_527 = arith.constant 224 : i32
        %mul3A_528 = arith.muli %scan3A_400, %mul3A_527 : i32
        %add3A_529 = arith.constant 144 : i32
        %add3A_530 = arith.addi %mul3A_528, %add3A_529 : i32
        %swap3A_531 = arith.index_cast %add3A_530 : i32 to index
        %swap3A_532 = tpu.vector_load %arg11[%swap3A_531] {strides = array<i32>} : memref<3584xf32, #tpu.memory_space<vmem>>, vector<16xf32>,
        tpu.vector_store %arg11[%swap3A_531], %gather3A_469 {strides = array<i32>} : memref<3584xf32, #tpu.memory_space<vmem>>, vector<16xf32>,
        %mul3A_533 = arith.constant 224 : i32
        %mul3A_534 = arith.muli %scan3A_400, %mul3A_533 : i32
        %add3A_535 = arith.constant 160 : i32
        %add3A_536 = arith.addi %mul3A_534, %add3A_535 : i32
        %swap3A_537 = arith.index_cast %add3A_536 : i32 to index
        %swap3A_538 = tpu.vector_load %arg11[%swap3A_537] {strides = array<i32>} : memref<3584xf32, #tpu.memory_space<vmem>>, vector<16xf32>,
        tpu.vector_store %arg11[%swap3A_537], %gather3A_470 {strides = array<i32>} : memref<3584xf32, #tpu.memory_space<vmem>>, vector<16xf32>,
        %mul3A_539 = arith.constant 224 : i32
        %mul3A_540 = arith.muli %scan3A_400, %mul3A_539 : i32
        %add3A_541 = arith.constant 176 : i32
        %add3A_542 = arith.addi %mul3A_540, %add3A_541 : i32
        %swap3A_543 = arith.index_cast %add3A_542 : i32 to index
        %swap3A_544 = tpu.vector_load %arg11[%swap3A_543] {strides = array<i32>} : memref<3584xf32, #tpu.memory_space<vmem>>, vector<16xf32>,
        tpu.vector_store %arg11[%swap3A_543], %gather3A_471 {strides = array<i32>} : memref<3584xf32, #tpu.memory_space<vmem>>, vector<16xf32>,
        %mul3A_545 = arith.constant 224 : i32
        %mul3A_546 = arith.muli %scan3A_400, %mul3A_545 : i32
        %add3A_547 = arith.constant 192 : i32
        %add3A_548 = arith.addi %mul3A_546, %add3A_547 : i32
        %swap3A_549 = arith.index_cast %add3A_548 : i32 to index
        %swap3A_550 = tpu.vector_load %arg11[%swap3A_549] {strides = array<i32>} : memref<3584xf32, #tpu.memory_space<vmem>>, vector<16xf32>,
        tpu.vector_store %arg11[%swap3A_549], %gather3A_472 {strides = array<i32>} : memref<3584xf32, #tpu.memory_space<vmem>>, vector<16xf32>,
        %mul3A_551 = arith.constant 224 : i32
        %mul3A_552 = arith.muli %scan3A_400, %mul3A_551 : i32
        %add3A_553 = arith.constant 208 : i32
        %add3A_554 = arith.addi %mul3A_552, %add3A_553 : i32
        %swap3A_555 = arith.index_cast %add3A_554 : i32 to index
        %swap3A_556 = tpu.vector_load %arg11[%swap3A_555] {strides = array<i32>} : memref<3584xf32, #tpu.memory_space<vmem>>, vector<16xf32>,
        tpu.vector_store %arg11[%swap3A_555], %gather3A_473 {strides = array<i32>} : memref<3584xf32, #tpu.memory_space<vmem>>, vector<16xf32>,
      }
      %scan3A_301 = arith.constant 16 : i32
      %mul3A_302 = arith.constant 50176 : i32
      %mul3A_303 = arith.muli %add3A_197, %mul3A_302 : i32
      %add3A_304 = arith.constant 25088 : i32
      %add3A_305 = arith.addi %mul3A_303, %add3A_304 : i32
      %dma_start3A_306 = tpu.memref_slice %arg4[%add3A_305] : memref<38535168xf32, #tpu.memory_space<hbm>> -> memref<3584xf32, #tpu.memory_space<hbm>>
      %dma_start3A_307 = tpu.memref_slice %arg4[%add3A_305] : memref<38535168xf32, #tpu.memory_space<hbm>> -> memref<3584xf32, #tpu.memory_space<hbm>>
      tpu.enqueue_dma source(%arg11 : memref<3584xf32, #tpu.memory_space<vmem>>) target(%dma_start3A_307 : memref<3584xf32, #tpu.memory_space<hbm>>) target_semaphore(%arg15 : memref<!tpu.dma_semaphore, #tpu.memory_space<semaphore_mem>>)
      %dma_wait3A_308 = tpu.memref_slice %arg4[%add3A_263] : memref<38535168xf32, #tpu.memory_space<hbm>> -> memref<3584xf32, #tpu.memory_space<hbm>>
      %dma_wait3A_309 = tpu.memref_slice %arg4[%add3A_263] : memref<38535168xf32, #tpu.memory_space<hbm>> -> memref<3584xf32, #tpu.memory_space<hbm>>
      tpu.wait_dma2 semaphore(%arg12 : memref<!tpu.dma_semaphore, #tpu.memory_space<semaphore_mem>>) src(%arg8 : memref<3584xf32, #tpu.memory_space<vmem>>) dst(%dma_wait3A_309 : memref<3584xf32, #tpu.memory_space<hbm>>)
      %scan3A_310 = arith.constant 0 : i32
      %scan3A_311 = arith.constant 0 : i32
      %scan3A_312 = arith.constant 16 : i32
      %scan3A_313 = arith.addi %scan3A_311, %scan3A_312 : i32
      %scan3A_314 = arith.constant 1 : i32
      scf.for %scan3A_400 = %scan3A_311 to %scan3A_313 step %scan3A_314  : i32 {
        %add3A_401 = arith.constant 128 : i32
        %add3A_402 = arith.addi %add3A_401, %scan3A_400 : i32
        %mul3A_403 = arith.constant 224 : i32
        %mul3A_404 = arith.muli %add3A_402, %mul3A_403 : i32
        %add3A_405 = arith.constant 0 : i32
        %add3A_406 = arith.addi %mul3A_404, %add3A_405 : i32
        %get3A_407 = arith.index_cast %add3A_406 : i32 to index
        %get3A_408 = tpu.vector_load %arg6[%get3A_407] {strides = array<i32>} : memref<50176xi32, #tpu.memory_space<vmem>>, vector<16xi32>,
        %add3A_409 = arith.constant 16 : i32
        %add3A_410 = arith.addi %mul3A_404, %add3A_409 : i32
        %get3A_411 = arith.index_cast %add3A_410 : i32 to index
        %get3A_412 = tpu.vector_load %arg6[%get3A_411] {strides = array<i32>} : memref<50176xi32, #tpu.memory_space<vmem>>, vector<16xi32>,
        %add3A_413 = arith.constant 32 : i32
        %add3A_414 = arith.addi %mul3A_404, %add3A_413 : i32
        %get3A_415 = arith.index_cast %add3A_414 : i32 to index
        %get3A_416 = tpu.vector_load %arg6[%get3A_415] {strides = array<i32>} : memref<50176xi32, #tpu.memory_space<vmem>>, vector<16xi32>,
        %add3A_417 = arith.constant 48 : i32
        %add3A_418 = arith.addi %mul3A_404, %add3A_417 : i32
        %get3A_419 = arith.index_cast %add3A_418 : i32 to index
        %get3A_420 = tpu.vector_load %arg6[%get3A_419] {strides = array<i32>} : memref<50176xi32, #tpu.memory_space<vmem>>, vector<16xi32>,
        %add3A_421 = arith.constant 64 : i32
        %add3A_422 = arith.addi %mul3A_404, %add3A_421 : i32
        %get3A_423 = arith.index_cast %add3A_422 : i32 to index
        %get3A_424 = tpu.vector_load %arg6[%get3A_423] {strides = array<i32>} : memref<50176xi32, #tpu.memory_space<vmem>>, vector<16xi32>,
        %add3A_425 = arith.constant 80 : i32
        %add3A_426 = arith.addi %mul3A_404, %add3A_425 : i32
        %get3A_427 = arith.index_cast %add3A_426 : i32 to index
        %get3A_428 = tpu.vector_load %arg6[%get3A_427] {strides = array<i32>} : memref<50176xi32, #tpu.memory_space<vmem>>, vector<16xi32>,
        %add3A_429 = arith.constant 96 : i32
        %add3A_430 = arith.addi %mul3A_404, %add3A_429 : i32
        %get3A_431 = arith.index_cast %add3A_430 : i32 to index
        %get3A_432 = tpu.vector_load %arg6[%get3A_431] {strides = array<i32>} : memref<50176xi32, #tpu.memory_space<vmem>>, vector<16xi32>,
        %add3A_433 = arith.constant 112 : i32
        %add3A_434 = arith.addi %mul3A_404, %add3A_433 : i32
        %get3A_435 = arith.index_cast %add3A_434 : i32 to index
        %get3A_436 = tpu.vector_load %arg6[%get3A_435] {strides = array<i32>} : memref<50176xi32, #tpu.memory_space<vmem>>, vector<16xi32>,
        %add3A_437 = arith.constant 128 : i32
        %add3A_438 = arith.addi %mul3A_404, %add3A_437 : i32
        %get3A_439 = arith.index_cast %add3A_438 : i32 to index
        %get3A_440 = tpu.vector_load %arg6[%get3A_439] {strides = array<i32>} : memref<50176xi32, #tpu.memory_space<vmem>>, vector<16xi32>,
        %add3A_441 = arith.constant 144 : i32
        %add3A_442 = arith.addi %mul3A_404, %add3A_441 : i32
        %get3A_443 = arith.index_cast %add3A_442 : i32 to index
        %get3A_444 = tpu.vector_load %arg6[%get3A_443] {strides = array<i32>} : memref<50176xi32, #tpu.memory_space<vmem>>, vector<16xi32>,
        %add3A_445 = arith.constant 160 : i32
        %add3A_446 = arith.addi %mul3A_404, %add3A_445 : i32
        %get3A_447 = arith.index_cast %add3A_446 : i32 to index
        %get3A_448 = tpu.vector_load %arg6[%get3A_447] {strides = array<i32>} : memref<50176xi32, #tpu.memory_space<vmem>>, vector<16xi32>,
        %add3A_449 = arith.constant 176 : i32
        %add3A_450 = arith.addi %mul3A_404, %add3A_449 : i32
        %get3A_451 = arith.index_cast %add3A_450 : i32 to index
        %get3A_452 = tpu.vector_load %arg6[%get3A_451] {strides = array<i32>} : memref<50176xi32, #tpu.memory_space<vmem>>, vector<16xi32>,
        %add3A_453 = arith.constant 192 : i32
        %add3A_454 = arith.addi %mul3A_404, %add3A_453 : i32
        %get3A_455 = arith.index_cast %add3A_454 : i32 to index
        %get3A_456 = tpu.vector_load %arg6[%get3A_455] {strides = array<i32>} : memref<50176xi32, #tpu.memory_space<vmem>>, vector<16xi32>,
        %add3A_457 = arith.constant 208 : i32
        %add3A_458 = arith.addi %mul3A_404, %add3A_457 : i32
        %get3A_459 = arith.index_cast %add3A_458 : i32 to index
        %get3A_460 = tpu.vector_load %arg6[%get3A_459] {strides = array<i32>} : memref<50176xi32, #tpu.memory_space<vmem>>, vector<16xi32>,
        %gather3A = tpu.vector_load_idx %arg7[%get3A_408] : memref<50432xf32, #tpu.memory_space<vmem>>[vector<16xi32>], vector<16xf32>,
        %gather3A_461 = tpu.vector_load_idx %arg7[%get3A_412] : memref<50432xf32, #tpu.memory_space<vmem>>[vector<16xi32>], vector<16xf32>,
        %gather3A_462 = tpu.vector_load_idx %arg7[%get3A_416] : memref<50432xf32, #tpu.memory_space<vmem>>[vector<16xi32>], vector<16xf32>,
        %gather3A_463 = tpu.vector_load_idx %arg7[%get3A_420] : memref<50432xf32, #tpu.memory_space<vmem>>[vector<16xi32>], vector<16xf32>,
        %gather3A_464 = tpu.vector_load_idx %arg7[%get3A_424] : memref<50432xf32, #tpu.memory_space<vmem>>[vector<16xi32>], vector<16xf32>,
        %gather3A_465 = tpu.vector_load_idx %arg7[%get3A_428] : memref<50432xf32, #tpu.memory_space<vmem>>[vector<16xi32>], vector<16xf32>,
        %gather3A_466 = tpu.vector_load_idx %arg7[%get3A_432] : memref<50432xf32, #tpu.memory_space<vmem>>[vector<16xi32>], vector<16xf32>,
        %gather3A_467 = tpu.vector_load_idx %arg7[%get3A_436] : memref<50432xf32, #tpu.memory_space<vmem>>[vector<16xi32>], vector<16xf32>,
        %gather3A_468 = tpu.vector_load_idx %arg7[%get3A_440] : memref<50432xf32, #tpu.memory_space<vmem>>[vector<16xi32>], vector<16xf32>,
        %gather3A_469 = tpu.vector_load_idx %arg7[%get3A_444] : memref<50432xf32, #tpu.memory_space<vmem>>[vector<16xi32>], vector<16xf32>,
        %gather3A_470 = tpu.vector_load_idx %arg7[%get3A_448] : memref<50432xf32, #tpu.memory_space<vmem>>[vector<16xi32>], vector<16xf32>,
        %gather3A_471 = tpu.vector_load_idx %arg7[%get3A_452] : memref<50432xf32, #tpu.memory_space<vmem>>[vector<16xi32>], vector<16xf32>,
        %gather3A_472 = tpu.vector_load_idx %arg7[%get3A_456] : memref<50432xf32, #tpu.memory_space<vmem>>[vector<16xi32>], vector<16xf32>,
        %gather3A_473 = tpu.vector_load_idx %arg7[%get3A_460] : memref<50432xf32, #tpu.memory_space<vmem>>[vector<16xi32>], vector<16xf32>,
        %mul3A_474 = arith.constant 224 : i32
        %mul3A_475 = arith.muli %scan3A_400, %mul3A_474 : i32
        %add3A_476 = arith.constant 0 : i32
        %add3A_477 = arith.addi %mul3A_475, %add3A_476 : i32
        %swap3A = arith.index_cast %add3A_477 : i32 to index
        %swap3A_478 = tpu.vector_load %arg8[%swap3A] {strides = array<i32>} : memref<3584xf32, #tpu.memory_space<vmem>>, vector<16xf32>,
        tpu.vector_store %arg8[%swap3A], %gather3A {strides = array<i32>} : memref<3584xf32, #tpu.memory_space<vmem>>, vector<16xf32>,
        %mul3A_479 = arith.constant 224 : i32
        %mul3A_480 = arith.muli %scan3A_400, %mul3A_479 : i32
        %add3A_481 = arith.constant 16 : i32
        %add3A_482 = arith.addi %mul3A_480, %add3A_481 : i32
        %swap3A_483 = arith.index_cast %add3A_482 : i32 to index
        %swap3A_484 = tpu.vector_load %arg8[%swap3A_483] {strides = array<i32>} : memref<3584xf32, #tpu.memory_space<vmem>>, vector<16xf32>,
        tpu.vector_store %arg8[%swap3A_483], %gather3A_461 {strides = array<i32>} : memref<3584xf32, #tpu.memory_space<vmem>>, vector<16xf32>,
        %mul3A_485 = arith.constant 224 : i32
        %mul3A_486 = arith.muli %scan3A_400, %mul3A_485 : i32
        %add3A_487 = arith.constant 32 : i32
        %add3A_488 = arith.addi %mul3A_486, %add3A_487 : i32
        %swap3A_489 = arith.index_cast %add3A_488 : i32 to index
        %swap3A_490 = tpu.vector_load %arg8[%swap3A_489] {strides = array<i32>} : memref<3584xf32, #tpu.memory_space<vmem>>, vector<16xf32>,
        tpu.vector_store %arg8[%swap3A_489], %gather3A_462 {strides = array<i32>} : memref<3584xf32, #tpu.memory_space<vmem>>, vector<16xf32>,
        %mul3A_491 = arith.constant 224 : i32
        %mul3A_492 = arith.muli %scan3A_400, %mul3A_491 : i32
        %add3A_493 = arith.constant 48 : i32
        %add3A_494 = arith.addi %mul3A_492, %add3A_493 : i32
        %swap3A_495 = arith.index_cast %add3A_494 : i32 to index
        %swap3A_496 = tpu.vector_load %arg8[%swap3A_495] {strides = array<i32>} : memref<3584xf32, #tpu.memory_space<vmem>>, vector<16xf32>,
        tpu.vector_store %arg8[%swap3A_495], %gather3A_463 {strides = array<i32>} : memref<3584xf32, #tpu.memory_space<vmem>>, vector<16xf32>,
        %mul3A_497 = arith.constant 224 : i32
        %mul3A_498 = arith.muli %scan3A_400, %mul3A_497 : i32
        %add3A_499 = arith.constant 64 : i32
        %add3A_500 = arith.addi %mul3A_498, %add3A_499 : i32
        %swap3A_501 = arith.index_cast %add3A_500 : i32 to index
        %swap3A_502 = tpu.vector_load %arg8[%swap3A_501] {strides = array<i32>} : memref<3584xf32, #tpu.memory_space<vmem>>, vector<16xf32>,
        tpu.vector_store %arg8[%swap3A_501], %gather3A_464 {strides = array<i32>} : memref<3584xf32, #tpu.memory_space<vmem>>, vector<16xf32>,
        %mul3A_503 = arith.constant 224 : i32
        %mul3A_504 = arith.muli %scan3A_400, %mul3A_503 : i32
        %add3A_505 = arith.constant 80 : i32
        %add3A_506 = arith.addi %mul3A_504, %add3A_505 : i32
        %swap3A_507 = arith.index_cast %add3A_506 : i32 to index
        %swap3A_508 = tpu.vector_load %arg8[%swap3A_507] {strides = array<i32>} : memref<3584xf32, #tpu.memory_space<vmem>>, vector<16xf32>,
        tpu.vector_store %arg8[%swap3A_507], %gather3A_465 {strides = array<i32>} : memref<3584xf32, #tpu.memory_space<vmem>>, vector<16xf32>,
        %mul3A_509 = arith.constant 224 : i32
        %mul3A_510 = arith.muli %scan3A_400, %mul3A_509 : i32
        %add3A_511 = arith.constant 96 : i32
        %add3A_512 = arith.addi %mul3A_510, %add3A_511 : i32
        %swap3A_513 = arith.index_cast %add3A_512 : i32 to index
        %swap3A_514 = tpu.vector_load %arg8[%swap3A_513] {strides = array<i32>} : memref<3584xf32, #tpu.memory_space<vmem>>, vector<16xf32>,
        tpu.vector_store %arg8[%swap3A_513], %gather3A_466 {strides = array<i32>} : memref<3584xf32, #tpu.memory_space<vmem>>, vector<16xf32>,
        %mul3A_515 = arith.constant 224 : i32
        %mul3A_516 = arith.muli %scan3A_400, %mul3A_515 : i32
        %add3A_517 = arith.constant 112 : i32
        %add3A_518 = arith.addi %mul3A_516, %add3A_517 : i32
        %swap3A_519 = arith.index_cast %add3A_518 : i32 to index
        %swap3A_520 = tpu.vector_load %arg8[%swap3A_519] {strides = array<i32>} : memref<3584xf32, #tpu.memory_space<vmem>>, vector<16xf32>,
        tpu.vector_store %arg8[%swap3A_519], %gather3A_467 {strides = array<i32>} : memref<3584xf32, #tpu.memory_space<vmem>>, vector<16xf32>,
        %mul3A_521 = arith.constant 224 : i32
        %mul3A_522 = arith.muli %scan3A_400, %mul3A_521 : i32
        %add3A_523 = arith.constant 128 : i32
        %add3A_524 = arith.addi %mul3A_522, %add3A_523 : i32
        %swap3A_525 = arith.index_cast %add3A_524 : i32 to index
        %swap3A_526 = tpu.vector_load %arg8[%swap3A_525] {strides = array<i32>} : memref<3584xf32, #tpu.memory_space<vmem>>, vector<16xf32>,
        tpu.vector_store %arg8[%swap3A_525], %gather3A_468 {strides = array<i32>} : memref<3584xf32, #tpu.memory_space<vmem>>, vector<16xf32>,
        %mul3A_527 = arith.constant 224 : i32
        %mul3A_528 = arith.muli %scan3A_400, %mul3A_527 : i32
        %add3A_529 = arith.constant 144 : i32
        %add3A_530 = arith.addi %mul3A_528, %add3A_529 : i32
        %swap3A_531 = arith.index_cast %add3A_530 : i32 to index
        %swap3A_532 = tpu.vector_load %arg8[%swap3A_531] {strides = array<i32>} : memref<3584xf32, #tpu.memory_space<vmem>>, vector<16xf32>,
        tpu.vector_store %arg8[%swap3A_531], %gather3A_469 {strides = array<i32>} : memref<3584xf32, #tpu.memory_space<vmem>>, vector<16xf32>,
        %mul3A_533 = arith.constant 224 : i32
        %mul3A_534 = arith.muli %scan3A_400, %mul3A_533 : i32
        %add3A_535 = arith.constant 160 : i32
        %add3A_536 = arith.addi %mul3A_534, %add3A_535 : i32
        %swap3A_537 = arith.index_cast %add3A_536 : i32 to index
        %swap3A_538 = tpu.vector_load %arg8[%swap3A_537] {strides = array<i32>} : memref<3584xf32, #tpu.memory_space<vmem>>, vector<16xf32>,
        tpu.vector_store %arg8[%swap3A_537], %gather3A_470 {strides = array<i32>} : memref<3584xf32, #tpu.memory_space<vmem>>, vector<16xf32>,
        %mul3A_539 = arith.constant 224 : i32
        %mul3A_540 = arith.muli %scan3A_400, %mul3A_539 : i32
        %add3A_541 = arith.constant 176 : i32
        %add3A_542 = arith.addi %mul3A_540, %add3A_541 : i32
        %swap3A_543 = arith.index_cast %add3A_542 : i32 to index
        %swap3A_544 = tpu.vector_load %arg8[%swap3A_543] {strides = array<i32>} : memref<3584xf32, #tpu.memory_space<vmem>>, vector<16xf32>,
        tpu.vector_store %arg8[%swap3A_543], %gather3A_471 {strides = array<i32>} : memref<3584xf32, #tpu.memory_space<vmem>>, vector<16xf32>,
        %mul3A_545 = arith.constant 224 : i32
        %mul3A_546 = arith.muli %scan3A_400, %mul3A_545 : i32
        %add3A_547 = arith.constant 192 : i32
        %add3A_548 = arith.addi %mul3A_546, %add3A_547 : i32
        %swap3A_549 = arith.index_cast %add3A_548 : i32 to index
        %swap3A_550 = tpu.vector_load %arg8[%swap3A_549] {strides = array<i32>} : memref<3584xf32, #tpu.memory_space<vmem>>, vector<16xf32>,
        tpu.vector_store %arg8[%swap3A_549], %gather3A_472 {strides = array<i32>} : memref<3584xf32, #tpu.memory_space<vmem>>, vector<16xf32>,
        %mul3A_551 = arith.constant 224 : i32
        %mul3A_552 = arith.muli %scan3A_400, %mul3A_551 : i32
        %add3A_553 = arith.constant 208 : i32
        %add3A_554 = arith.addi %mul3A_552, %add3A_553 : i32
        %swap3A_555 = arith.index_cast %add3A_554 : i32 to index
        %swap3A_556 = tpu.vector_load %arg8[%swap3A_555] {strides = array<i32>} : memref<3584xf32, #tpu.memory_space<vmem>>, vector<16xf32>,
        tpu.vector_store %arg8[%swap3A_555], %gather3A_473 {strides = array<i32>} : memref<3584xf32, #tpu.memory_space<vmem>>, vector<16xf32>,
      }
      %scan3A_315 = arith.constant 16 : i32
      %mul3A_316 = arith.constant 50176 : i32
      %mul3A_317 = arith.muli %add3A_197, %mul3A_316 : i32
      %add3A_318 = arith.constant 28672 : i32
      %add3A_319 = arith.addi %mul3A_317, %add3A_318 : i32
      %dma_start3A_320 = tpu.memref_slice %arg4[%add3A_319] : memref<38535168xf32, #tpu.memory_space<hbm>> -> memref<3584xf32, #tpu.memory_space<hbm>>
      %dma_start3A_321 = tpu.memref_slice %arg4[%add3A_319] : memref<38535168xf32, #tpu.memory_space<hbm>> -> memref<3584xf32, #tpu.memory_space<hbm>>
      tpu.enqueue_dma source(%arg8 : memref<3584xf32, #tpu.memory_space<vmem>>) target(%dma_start3A_321 : memref<3584xf32, #tpu.memory_space<hbm>>) target_semaphore(%arg12 : memref<!tpu.dma_semaphore, #tpu.memory_space<semaphore_mem>>)
      %dma_wait3A_322 = tpu.memref_slice %arg4[%add3A_277] : memref<38535168xf32, #tpu.memory_space<hbm>> -> memref<3584xf32, #tpu.memory_space<hbm>>
      %dma_wait3A_323 = tpu.memref_slice %arg4[%add3A_277] : memref<38535168xf32, #tpu.memory_space<hbm>> -> memref<3584xf32, #tpu.memory_space<hbm>>
      tpu.wait_dma2 semaphore(%arg13 : memref<!tpu.dma_semaphore, #tpu.memory_space<semaphore_mem>>) src(%arg9 : memref<3584xf32, #tpu.memory_space<vmem>>) dst(%dma_wait3A_323 : memref<3584xf32, #tpu.memory_space<hbm>>)
      %scan3A_324 = arith.constant 0 : i32
      %scan3A_325 = arith.constant 0 : i32
      %scan3A_326 = arith.constant 16 : i32
      %scan3A_327 = arith.addi %scan3A_325, %scan3A_326 : i32
      %scan3A_328 = arith.constant 1 : i32
      scf.for %scan3A_400 = %scan3A_325 to %scan3A_327 step %scan3A_328  : i32 {
        %add3A_401 = arith.constant 144 : i32
        %add3A_402 = arith.addi %add3A_401, %scan3A_400 : i32
        %mul3A_403 = arith.constant 224 : i32
        %mul3A_404 = arith.muli %add3A_402, %mul3A_403 : i32
        %add3A_405 = arith.constant 0 : i32
        %add3A_406 = arith.addi %mul3A_404, %add3A_405 : i32
        %get3A_407 = arith.index_cast %add3A_406 : i32 to index
        %get3A_408 = tpu.vector_load %arg6[%get3A_407] {strides = array<i32>} : memref<50176xi32, #tpu.memory_space<vmem>>, vector<16xi32>,
        %add3A_409 = arith.constant 16 : i32
        %add3A_410 = arith.addi %mul3A_404, %add3A_409 : i32
        %get3A_411 = arith.index_cast %add3A_410 : i32 to index
        %get3A_412 = tpu.vector_load %arg6[%get3A_411] {strides = array<i32>} : memref<50176xi32, #tpu.memory_space<vmem>>, vector<16xi32>,
        %add3A_413 = arith.constant 32 : i32
        %add3A_414 = arith.addi %mul3A_404, %add3A_413 : i32
        %get3A_415 = arith.index_cast %add3A_414 : i32 to index
        %get3A_416 = tpu.vector_load %arg6[%get3A_415] {strides = array<i32>} : memref<50176xi32, #tpu.memory_space<vmem>>, vector<16xi32>,
        %add3A_417 = arith.constant 48 : i32
        %add3A_418 = arith.addi %mul3A_404, %add3A_417 : i32
        %get3A_419 = arith.index_cast %add3A_418 : i32 to index
        %get3A_420 = tpu.vector_load %arg6[%get3A_419] {strides = array<i32>} : memref<50176xi32, #tpu.memory_space<vmem>>, vector<16xi32>,
        %add3A_421 = arith.constant 64 : i32
        %add3A_422 = arith.addi %mul3A_404, %add3A_421 : i32
        %get3A_423 = arith.index_cast %add3A_422 : i32 to index
        %get3A_424 = tpu.vector_load %arg6[%get3A_423] {strides = array<i32>} : memref<50176xi32, #tpu.memory_space<vmem>>, vector<16xi32>,
        %add3A_425 = arith.constant 80 : i32
        %add3A_426 = arith.addi %mul3A_404, %add3A_425 : i32
        %get3A_427 = arith.index_cast %add3A_426 : i32 to index
        %get3A_428 = tpu.vector_load %arg6[%get3A_427] {strides = array<i32>} : memref<50176xi32, #tpu.memory_space<vmem>>, vector<16xi32>,
        %add3A_429 = arith.constant 96 : i32
        %add3A_430 = arith.addi %mul3A_404, %add3A_429 : i32
        %get3A_431 = arith.index_cast %add3A_430 : i32 to index
        %get3A_432 = tpu.vector_load %arg6[%get3A_431] {strides = array<i32>} : memref<50176xi32, #tpu.memory_space<vmem>>, vector<16xi32>,
        %add3A_433 = arith.constant 112 : i32
        %add3A_434 = arith.addi %mul3A_404, %add3A_433 : i32
        %get3A_435 = arith.index_cast %add3A_434 : i32 to index
        %get3A_436 = tpu.vector_load %arg6[%get3A_435] {strides = array<i32>} : memref<50176xi32, #tpu.memory_space<vmem>>, vector<16xi32>,
        %add3A_437 = arith.constant 128 : i32
        %add3A_438 = arith.addi %mul3A_404, %add3A_437 : i32
        %get3A_439 = arith.index_cast %add3A_438 : i32 to index
        %get3A_440 = tpu.vector_load %arg6[%get3A_439] {strides = array<i32>} : memref<50176xi32, #tpu.memory_space<vmem>>, vector<16xi32>,
        %add3A_441 = arith.constant 144 : i32
        %add3A_442 = arith.addi %mul3A_404, %add3A_441 : i32
        %get3A_443 = arith.index_cast %add3A_442 : i32 to index
        %get3A_444 = tpu.vector_load %arg6[%get3A_443] {strides = array<i32>} : memref<50176xi32, #tpu.memory_space<vmem>>, vector<16xi32>,
        %add3A_445 = arith.constant 160 : i32
        %add3A_446 = arith.addi %mul3A_404, %add3A_445 : i32
        %get3A_447 = arith.index_cast %add3A_446 : i32 to index
        %get3A_448 = tpu.vector_load %arg6[%get3A_447] {strides = array<i32>} : memref<50176xi32, #tpu.memory_space<vmem>>, vector<16xi32>,
        %add3A_449 = arith.constant 176 : i32
        %add3A_450 = arith.addi %mul3A_404, %add3A_449 : i32
        %get3A_451 = arith.index_cast %add3A_450 : i32 to index
        %get3A_452 = tpu.vector_load %arg6[%get3A_451] {strides = array<i32>} : memref<50176xi32, #tpu.memory_space<vmem>>, vector<16xi32>,
        %add3A_453 = arith.constant 192 : i32
        %add3A_454 = arith.addi %mul3A_404, %add3A_453 : i32
        %get3A_455 = arith.index_cast %add3A_454 : i32 to index
        %get3A_456 = tpu.vector_load %arg6[%get3A_455] {strides = array<i32>} : memref<50176xi32, #tpu.memory_space<vmem>>, vector<16xi32>,
        %add3A_457 = arith.constant 208 : i32
        %add3A_458 = arith.addi %mul3A_404, %add3A_457 : i32
        %get3A_459 = arith.index_cast %add3A_458 : i32 to index
        %get3A_460 = tpu.vector_load %arg6[%get3A_459] {strides = array<i32>} : memref<50176xi32, #tpu.memory_space<vmem>>, vector<16xi32>,
        %gather3A = tpu.vector_load_idx %arg7[%get3A_408] : memref<50432xf32, #tpu.memory_space<vmem>>[vector<16xi32>], vector<16xf32>,
        %gather3A_461 = tpu.vector_load_idx %arg7[%get3A_412] : memref<50432xf32, #tpu.memory_space<vmem>>[vector<16xi32>], vector<16xf32>,
        %gather3A_462 = tpu.vector_load_idx %arg7[%get3A_416] : memref<50432xf32, #tpu.memory_space<vmem>>[vector<16xi32>], vector<16xf32>,
        %gather3A_463 = tpu.vector_load_idx %arg7[%get3A_420] : memref<50432xf32, #tpu.memory_space<vmem>>[vector<16xi32>], vector<16xf32>,
        %gather3A_464 = tpu.vector_load_idx %arg7[%get3A_424] : memref<50432xf32, #tpu.memory_space<vmem>>[vector<16xi32>], vector<16xf32>,
        %gather3A_465 = tpu.vector_load_idx %arg7[%get3A_428] : memref<50432xf32, #tpu.memory_space<vmem>>[vector<16xi32>], vector<16xf32>,
        %gather3A_466 = tpu.vector_load_idx %arg7[%get3A_432] : memref<50432xf32, #tpu.memory_space<vmem>>[vector<16xi32>], vector<16xf32>,
        %gather3A_467 = tpu.vector_load_idx %arg7[%get3A_436] : memref<50432xf32, #tpu.memory_space<vmem>>[vector<16xi32>], vector<16xf32>,
        %gather3A_468 = tpu.vector_load_idx %arg7[%get3A_440] : memref<50432xf32, #tpu.memory_space<vmem>>[vector<16xi32>], vector<16xf32>,
        %gather3A_469 = tpu.vector_load_idx %arg7[%get3A_444] : memref<50432xf32, #tpu.memory_space<vmem>>[vector<16xi32>], vector<16xf32>,
        %gather3A_470 = tpu.vector_load_idx %arg7[%get3A_448] : memref<50432xf32, #tpu.memory_space<vmem>>[vector<16xi32>], vector<16xf32>,
        %gather3A_471 = tpu.vector_load_idx %arg7[%get3A_452] : memref<50432xf32, #tpu.memory_space<vmem>>[vector<16xi32>], vector<16xf32>,
        %gather3A_472 = tpu.vector_load_idx %arg7[%get3A_456] : memref<50432xf32, #tpu.memory_space<vmem>>[vector<16xi32>], vector<16xf32>,
        %gather3A_473 = tpu.vector_load_idx %arg7[%get3A_460] : memref<50432xf32, #tpu.memory_space<vmem>>[vector<16xi32>], vector<16xf32>,
        %mul3A_474 = arith.constant 224 : i32
        %mul3A_475 = arith.muli %scan3A_400, %mul3A_474 : i32
        %add3A_476 = arith.constant 0 : i32
        %add3A_477 = arith.addi %mul3A_475, %add3A_476 : i32
        %swap3A = arith.index_cast %add3A_477 : i32 to index
        %swap3A_478 = tpu.vector_load %arg9[%swap3A] {strides = array<i32>} : memref<3584xf32, #tpu.memory_space<vmem>>, vector<16xf32>,
        tpu.vector_store %arg9[%swap3A], %gather3A {strides = array<i32>} : memref<3584xf32, #tpu.memory_space<vmem>>, vector<16xf32>,
        %mul3A_479 = arith.constant 224 : i32
        %mul3A_480 = arith.muli %scan3A_400, %mul3A_479 : i32
        %add3A_481 = arith.constant 16 : i32
        %add3A_482 = arith.addi %mul3A_480, %add3A_481 : i32
        %swap3A_483 = arith.index_cast %add3A_482 : i32 to index
        %swap3A_484 = tpu.vector_load %arg9[%swap3A_483] {strides = array<i32>} : memref<3584xf32, #tpu.memory_space<vmem>>, vector<16xf32>,
        tpu.vector_store %arg9[%swap3A_483], %gather3A_461 {strides = array<i32>} : memref<3584xf32, #tpu.memory_space<vmem>>, vector<16xf32>,
        %mul3A_485 = arith.constant 224 : i32
        %mul3A_486 = arith.muli %scan3A_400, %mul3A_485 : i32
        %add3A_487 = arith.constant 32 : i32
        %add3A_488 = arith.addi %mul3A_486, %add3A_487 : i32
        %swap3A_489 = arith.index_cast %add3A_488 : i32 to index
        %swap3A_490 = tpu.vector_load %arg9[%swap3A_489] {strides = array<i32>} : memref<3584xf32, #tpu.memory_space<vmem>>, vector<16xf32>,
        tpu.vector_store %arg9[%swap3A_489], %gather3A_462 {strides = array<i32>} : memref<3584xf32, #tpu.memory_space<vmem>>, vector<16xf32>,
        %mul3A_491 = arith.constant 224 : i32
        %mul3A_492 = arith.muli %scan3A_400, %mul3A_491 : i32
        %add3A_493 = arith.constant 48 : i32
        %add3A_494 = arith.addi %mul3A_492, %add3A_493 : i32
        %swap3A_495 = arith.index_cast %add3A_494 : i32 to index
        %swap3A_496 = tpu.vector_load %arg9[%swap3A_495] {strides = array<i32>} : memref<3584xf32, #tpu.memory_space<vmem>>, vector<16xf32>,
        tpu.vector_store %arg9[%swap3A_495], %gather3A_463 {strides = array<i32>} : memref<3584xf32, #tpu.memory_space<vmem>>, vector<16xf32>,
        %mul3A_497 = arith.constant 224 : i32
        %mul3A_498 = arith.muli %scan3A_400, %mul3A_497 : i32
        %add3A_499 = arith.constant 64 : i32
        %add3A_500 = arith.addi %mul3A_498, %add3A_499 : i32
        %swap3A_501 = arith.index_cast %add3A_500 : i32 to index
        %swap3A_502 = tpu.vector_load %arg9[%swap3A_501] {strides = array<i32>} : memref<3584xf32, #tpu.memory_space<vmem>>, vector<16xf32>,
        tpu.vector_store %arg9[%swap3A_501], %gather3A_464 {strides = array<i32>} : memref<3584xf32, #tpu.memory_space<vmem>>, vector<16xf32>,
        %mul3A_503 = arith.constant 224 : i32
        %mul3A_504 = arith.muli %scan3A_400, %mul3A_503 : i32
        %add3A_505 = arith.constant 80 : i32
        %add3A_506 = arith.addi %mul3A_504, %add3A_505 : i32
        %swap3A_507 = arith.index_cast %add3A_506 : i32 to index
        %swap3A_508 = tpu.vector_load %arg9[%swap3A_507] {strides = array<i32>} : memref<3584xf32, #tpu.memory_space<vmem>>, vector<16xf32>,
        tpu.vector_store %arg9[%swap3A_507], %gather3A_465 {strides = array<i32>} : memref<3584xf32, #tpu.memory_space<vmem>>, vector<16xf32>,
        %mul3A_509 = arith.constant 224 : i32
        %mul3A_510 = arith.muli %scan3A_400, %mul3A_509 : i32
        %add3A_511 = arith.constant 96 : i32
        %add3A_512 = arith.addi %mul3A_510, %add3A_511 : i32
        %swap3A_513 = arith.index_cast %add3A_512 : i32 to index
        %swap3A_514 = tpu.vector_load %arg9[%swap3A_513] {strides = array<i32>} : memref<3584xf32, #tpu.memory_space<vmem>>, vector<16xf32>,
        tpu.vector_store %arg9[%swap3A_513], %gather3A_466 {strides = array<i32>} : memref<3584xf32, #tpu.memory_space<vmem>>, vector<16xf32>,
        %mul3A_515 = arith.constant 224 : i32
        %mul3A_516 = arith.muli %scan3A_400, %mul3A_515 : i32
        %add3A_517 = arith.constant 112 : i32
        %add3A_518 = arith.addi %mul3A_516, %add3A_517 : i32
        %swap3A_519 = arith.index_cast %add3A_518 : i32 to index
        %swap3A_520 = tpu.vector_load %arg9[%swap3A_519] {strides = array<i32>} : memref<3584xf32, #tpu.memory_space<vmem>>, vector<16xf32>,
        tpu.vector_store %arg9[%swap3A_519], %gather3A_467 {strides = array<i32>} : memref<3584xf32, #tpu.memory_space<vmem>>, vector<16xf32>,
        %mul3A_521 = arith.constant 224 : i32
        %mul3A_522 = arith.muli %scan3A_400, %mul3A_521 : i32
        %add3A_523 = arith.constant 128 : i32
        %add3A_524 = arith.addi %mul3A_522, %add3A_523 : i32
        %swap3A_525 = arith.index_cast %add3A_524 : i32 to index
        %swap3A_526 = tpu.vector_load %arg9[%swap3A_525] {strides = array<i32>} : memref<3584xf32, #tpu.memory_space<vmem>>, vector<16xf32>,
        tpu.vector_store %arg9[%swap3A_525], %gather3A_468 {strides = array<i32>} : memref<3584xf32, #tpu.memory_space<vmem>>, vector<16xf32>,
        %mul3A_527 = arith.constant 224 : i32
        %mul3A_528 = arith.muli %scan3A_400, %mul3A_527 : i32
        %add3A_529 = arith.constant 144 : i32
        %add3A_530 = arith.addi %mul3A_528, %add3A_529 : i32
        %swap3A_531 = arith.index_cast %add3A_530 : i32 to index
        %swap3A_532 = tpu.vector_load %arg9[%swap3A_531] {strides = array<i32>} : memref<3584xf32, #tpu.memory_space<vmem>>, vector<16xf32>,
        tpu.vector_store %arg9[%swap3A_531], %gather3A_469 {strides = array<i32>} : memref<3584xf32, #tpu.memory_space<vmem>>, vector<16xf32>,
        %mul3A_533 = arith.constant 224 : i32
        %mul3A_534 = arith.muli %scan3A_400, %mul3A_533 : i32
        %add3A_535 = arith.constant 160 : i32
        %add3A_536 = arith.addi %mul3A_534, %add3A_535 : i32
        %swap3A_537 = arith.index_cast %add3A_536 : i32 to index
        %swap3A_538 = tpu.vector_load %arg9[%swap3A_537] {strides = array<i32>} : memref<3584xf32, #tpu.memory_space<vmem>>, vector<16xf32>,
        tpu.vector_store %arg9[%swap3A_537], %gather3A_470 {strides = array<i32>} : memref<3584xf32, #tpu.memory_space<vmem>>, vector<16xf32>,
        %mul3A_539 = arith.constant 224 : i32
        %mul3A_540 = arith.muli %scan3A_400, %mul3A_539 : i32
        %add3A_541 = arith.constant 176 : i32
        %add3A_542 = arith.addi %mul3A_540, %add3A_541 : i32
        %swap3A_543 = arith.index_cast %add3A_542 : i32 to index
        %swap3A_544 = tpu.vector_load %arg9[%swap3A_543] {strides = array<i32>} : memref<3584xf32, #tpu.memory_space<vmem>>, vector<16xf32>,
        tpu.vector_store %arg9[%swap3A_543], %gather3A_471 {strides = array<i32>} : memref<3584xf32, #tpu.memory_space<vmem>>, vector<16xf32>,
        %mul3A_545 = arith.constant 224 : i32
        %mul3A_546 = arith.muli %scan3A_400, %mul3A_545 : i32
        %add3A_547 = arith.constant 192 : i32
        %add3A_548 = arith.addi %mul3A_546, %add3A_547 : i32
        %swap3A_549 = arith.index_cast %add3A_548 : i32 to index
        %swap3A_550 = tpu.vector_load %arg9[%swap3A_549] {strides = array<i32>} : memref<3584xf32, #tpu.memory_space<vmem>>, vector<16xf32>,
        tpu.vector_store %arg9[%swap3A_549], %gather3A_472 {strides = array<i32>} : memref<3584xf32, #tpu.memory_space<vmem>>, vector<16xf32>,
        %mul3A_551 = arith.constant 224 : i32
        %mul3A_552 = arith.muli %scan3A_400, %mul3A_551 : i32
        %add3A_553 = arith.constant 208 : i32
        %add3A_554 = arith.addi %mul3A_552, %add3A_553 : i32
        %swap3A_555 = arith.index_cast %add3A_554 : i32 to index
        %swap3A_556 = tpu.vector_load %arg9[%swap3A_555] {strides = array<i32>} : memref<3584xf32, #tpu.memory_space<vmem>>, vector<16xf32>,
        tpu.vector_store %arg9[%swap3A_555], %gather3A_473 {strides = array<i32>} : memref<3584xf32, #tpu.memory_space<vmem>>, vector<16xf32>,
      }
      %scan3A_329 = arith.constant 16 : i32
      %mul3A_330 = arith.constant 50176 : i32
      %mul3A_331 = arith.muli %add3A_197, %mul3A_330 : i32
      %add3A_332 = arith.constant 32256 : i32
      %add3A_333 = arith.addi %mul3A_331, %add3A_332 : i32
      %dma_start3A_334 = tpu.memref_slice %arg4[%add3A_333] : memref<38535168xf32, #tpu.memory_space<hbm>> -> memref<3584xf32, #tpu.memory_space<hbm>>
      %dma_start3A_335 = tpu.memref_slice %arg4[%add3A_333] : memref<38535168xf32, #tpu.memory_space<hbm>> -> memref<3584xf32, #tpu.memory_space<hbm>>
      tpu.enqueue_dma source(%arg9 : memref<3584xf32, #tpu.memory_space<vmem>>) target(%dma_start3A_335 : memref<3584xf32, #tpu.memory_space<hbm>>) target_semaphore(%arg13 : memref<!tpu.dma_semaphore, #tpu.memory_space<semaphore_mem>>)
      %dma_wait3A_336 = tpu.memref_slice %arg4[%add3A_291] : memref<38535168xf32, #tpu.memory_space<hbm>> -> memref<3584xf32, #tpu.memory_space<hbm>>
      %dma_wait3A_337 = tpu.memref_slice %arg4[%add3A_291] : memref<38535168xf32, #tpu.memory_space<hbm>> -> memref<3584xf32, #tpu.memory_space<hbm>>
      tpu.wait_dma2 semaphore(%arg14 : memref<!tpu.dma_semaphore, #tpu.memory_space<semaphore_mem>>) src(%arg10 : memref<3584xf32, #tpu.memory_space<vmem>>) dst(%dma_wait3A_337 : memref<3584xf32, #tpu.memory_space<hbm>>)
      %scan3A_338 = arith.constant 0 : i32
      %scan3A_339 = arith.constant 0 : i32
      %scan3A_340 = arith.constant 16 : i32
      %scan3A_341 = arith.addi %scan3A_339, %scan3A_340 : i32
      %scan3A_342 = arith.constant 1 : i32
      scf.for %scan3A_400 = %scan3A_339 to %scan3A_341 step %scan3A_342  : i32 {
        %add3A_401 = arith.constant 160 : i32
        %add3A_402 = arith.addi %add3A_401, %scan3A_400 : i32
        %mul3A_403 = arith.constant 224 : i32
        %mul3A_404 = arith.muli %add3A_402, %mul3A_403 : i32
        %add3A_405 = arith.constant 0 : i32
        %add3A_406 = arith.addi %mul3A_404, %add3A_405 : i32
        %get3A_407 = arith.index_cast %add3A_406 : i32 to index
        %get3A_408 = tpu.vector_load %arg6[%get3A_407] {strides = array<i32>} : memref<50176xi32, #tpu.memory_space<vmem>>, vector<16xi32>,
        %add3A_409 = arith.constant 16 : i32
        %add3A_410 = arith.addi %mul3A_404, %add3A_409 : i32
        %get3A_411 = arith.index_cast %add3A_410 : i32 to index
        %get3A_412 = tpu.vector_load %arg6[%get3A_411] {strides = array<i32>} : memref<50176xi32, #tpu.memory_space<vmem>>, vector<16xi32>,
        %add3A_413 = arith.constant 32 : i32
        %add3A_414 = arith.addi %mul3A_404, %add3A_413 : i32
        %get3A_415 = arith.index_cast %add3A_414 : i32 to index
        %get3A_416 = tpu.vector_load %arg6[%get3A_415] {strides = array<i32>} : memref<50176xi32, #tpu.memory_space<vmem>>, vector<16xi32>,
        %add3A_417 = arith.constant 48 : i32
        %add3A_418 = arith.addi %mul3A_404, %add3A_417 : i32
        %get3A_419 = arith.index_cast %add3A_418 : i32 to index
        %get3A_420 = tpu.vector_load %arg6[%get3A_419] {strides = array<i32>} : memref<50176xi32, #tpu.memory_space<vmem>>, vector<16xi32>,
        %add3A_421 = arith.constant 64 : i32
        %add3A_422 = arith.addi %mul3A_404, %add3A_421 : i32
        %get3A_423 = arith.index_cast %add3A_422 : i32 to index
        %get3A_424 = tpu.vector_load %arg6[%get3A_423] {strides = array<i32>} : memref<50176xi32, #tpu.memory_space<vmem>>, vector<16xi32>,
        %add3A_425 = arith.constant 80 : i32
        %add3A_426 = arith.addi %mul3A_404, %add3A_425 : i32
        %get3A_427 = arith.index_cast %add3A_426 : i32 to index
        %get3A_428 = tpu.vector_load %arg6[%get3A_427] {strides = array<i32>} : memref<50176xi32, #tpu.memory_space<vmem>>, vector<16xi32>,
        %add3A_429 = arith.constant 96 : i32
        %add3A_430 = arith.addi %mul3A_404, %add3A_429 : i32
        %get3A_431 = arith.index_cast %add3A_430 : i32 to index
        %get3A_432 = tpu.vector_load %arg6[%get3A_431] {strides = array<i32>} : memref<50176xi32, #tpu.memory_space<vmem>>, vector<16xi32>,
        %add3A_433 = arith.constant 112 : i32
        %add3A_434 = arith.addi %mul3A_404, %add3A_433 : i32
        %get3A_435 = arith.index_cast %add3A_434 : i32 to index
        %get3A_436 = tpu.vector_load %arg6[%get3A_435] {strides = array<i32>} : memref<50176xi32, #tpu.memory_space<vmem>>, vector<16xi32>,
        %add3A_437 = arith.constant 128 : i32
        %add3A_438 = arith.addi %mul3A_404, %add3A_437 : i32
        %get3A_439 = arith.index_cast %add3A_438 : i32 to index
        %get3A_440 = tpu.vector_load %arg6[%get3A_439] {strides = array<i32>} : memref<50176xi32, #tpu.memory_space<vmem>>, vector<16xi32>,
        %add3A_441 = arith.constant 144 : i32
        %add3A_442 = arith.addi %mul3A_404, %add3A_441 : i32
        %get3A_443 = arith.index_cast %add3A_442 : i32 to index
        %get3A_444 = tpu.vector_load %arg6[%get3A_443] {strides = array<i32>} : memref<50176xi32, #tpu.memory_space<vmem>>, vector<16xi32>,
        %add3A_445 = arith.constant 160 : i32
        %add3A_446 = arith.addi %mul3A_404, %add3A_445 : i32
        %get3A_447 = arith.index_cast %add3A_446 : i32 to index
        %get3A_448 = tpu.vector_load %arg6[%get3A_447] {strides = array<i32>} : memref<50176xi32, #tpu.memory_space<vmem>>, vector<16xi32>,
        %add3A_449 = arith.constant 176 : i32
        %add3A_450 = arith.addi %mul3A_404, %add3A_449 : i32
        %get3A_451 = arith.index_cast %add3A_450 : i32 to index
        %get3A_452 = tpu.vector_load %arg6[%get3A_451] {strides = array<i32>} : memref<50176xi32, #tpu.memory_space<vmem>>, vector<16xi32>,
        %add3A_453 = arith.constant 192 : i32
        %add3A_454 = arith.addi %mul3A_404, %add3A_453 : i32
        %get3A_455 = arith.index_cast %add3A_454 : i32 to index
        %get3A_456 = tpu.vector_load %arg6[%get3A_455] {strides = array<i32>} : memref<50176xi32, #tpu.memory_space<vmem>>, vector<16xi32>,
        %add3A_457 = arith.constant 208 : i32
        %add3A_458 = arith.addi %mul3A_404, %add3A_457 : i32
        %get3A_459 = arith.index_cast %add3A_458 : i32 to index
        %get3A_460 = tpu.vector_load %arg6[%get3A_459] {strides = array<i32>} : memref<50176xi32, #tpu.memory_space<vmem>>, vector<16xi32>,
        %gather3A = tpu.vector_load_idx %arg7[%get3A_408] : memref<50432xf32, #tpu.memory_space<vmem>>[vector<16xi32>], vector<16xf32>,
        %gather3A_461 = tpu.vector_load_idx %arg7[%get3A_412] : memref<50432xf32, #tpu.memory_space<vmem>>[vector<16xi32>], vector<16xf32>,
        %gather3A_462 = tpu.vector_load_idx %arg7[%get3A_416] : memref<50432xf32, #tpu.memory_space<vmem>>[vector<16xi32>], vector<16xf32>,
        %gather3A_463 = tpu.vector_load_idx %arg7[%get3A_420] : memref<50432xf32, #tpu.memory_space<vmem>>[vector<16xi32>], vector<16xf32>,
        %gather3A_464 = tpu.vector_load_idx %arg7[%get3A_424] : memref<50432xf32, #tpu.memory_space<vmem>>[vector<16xi32>], vector<16xf32>,
        %gather3A_465 = tpu.vector_load_idx %arg7[%get3A_428] : memref<50432xf32, #tpu.memory_space<vmem>>[vector<16xi32>], vector<16xf32>,
        %gather3A_466 = tpu.vector_load_idx %arg7[%get3A_432] : memref<50432xf32, #tpu.memory_space<vmem>>[vector<16xi32>], vector<16xf32>,
        %gather3A_467 = tpu.vector_load_idx %arg7[%get3A_436] : memref<50432xf32, #tpu.memory_space<vmem>>[vector<16xi32>], vector<16xf32>,
        %gather3A_468 = tpu.vector_load_idx %arg7[%get3A_440] : memref<50432xf32, #tpu.memory_space<vmem>>[vector<16xi32>], vector<16xf32>,
        %gather3A_469 = tpu.vector_load_idx %arg7[%get3A_444] : memref<50432xf32, #tpu.memory_space<vmem>>[vector<16xi32>], vector<16xf32>,
        %gather3A_470 = tpu.vector_load_idx %arg7[%get3A_448] : memref<50432xf32, #tpu.memory_space<vmem>>[vector<16xi32>], vector<16xf32>,
        %gather3A_471 = tpu.vector_load_idx %arg7[%get3A_452] : memref<50432xf32, #tpu.memory_space<vmem>>[vector<16xi32>], vector<16xf32>,
        %gather3A_472 = tpu.vector_load_idx %arg7[%get3A_456] : memref<50432xf32, #tpu.memory_space<vmem>>[vector<16xi32>], vector<16xf32>,
        %gather3A_473 = tpu.vector_load_idx %arg7[%get3A_460] : memref<50432xf32, #tpu.memory_space<vmem>>[vector<16xi32>], vector<16xf32>,
        %mul3A_474 = arith.constant 224 : i32
        %mul3A_475 = arith.muli %scan3A_400, %mul3A_474 : i32
        %add3A_476 = arith.constant 0 : i32
        %add3A_477 = arith.addi %mul3A_475, %add3A_476 : i32
        %swap3A = arith.index_cast %add3A_477 : i32 to index
        %swap3A_478 = tpu.vector_load %arg10[%swap3A] {strides = array<i32>} : memref<3584xf32, #tpu.memory_space<vmem>>, vector<16xf32>,
        tpu.vector_store %arg10[%swap3A], %gather3A {strides = array<i32>} : memref<3584xf32, #tpu.memory_space<vmem>>, vector<16xf32>,
        %mul3A_479 = arith.constant 224 : i32
        %mul3A_480 = arith.muli %scan3A_400, %mul3A_479 : i32
        %add3A_481 = arith.constant 16 : i32
        %add3A_482 = arith.addi %mul3A_480, %add3A_481 : i32
        %swap3A_483 = arith.index_cast %add3A_482 : i32 to index
        %swap3A_484 = tpu.vector_load %arg10[%swap3A_483] {strides = array<i32>} : memref<3584xf32, #tpu.memory_space<vmem>>, vector<16xf32>,
        tpu.vector_store %arg10[%swap3A_483], %gather3A_461 {strides = array<i32>} : memref<3584xf32, #tpu.memory_space<vmem>>, vector<16xf32>,
        %mul3A_485 = arith.constant 224 : i32
        %mul3A_486 = arith.muli %scan3A_400, %mul3A_485 : i32
        %add3A_487 = arith.constant 32 : i32
        %add3A_488 = arith.addi %mul3A_486, %add3A_487 : i32
        %swap3A_489 = arith.index_cast %add3A_488 : i32 to index
        %swap3A_490 = tpu.vector_load %arg10[%swap3A_489] {strides = array<i32>} : memref<3584xf32, #tpu.memory_space<vmem>>, vector<16xf32>,
        tpu.vector_store %arg10[%swap3A_489], %gather3A_462 {strides = array<i32>} : memref<3584xf32, #tpu.memory_space<vmem>>, vector<16xf32>,
        %mul3A_491 = arith.constant 224 : i32
        %mul3A_492 = arith.muli %scan3A_400, %mul3A_491 : i32
        %add3A_493 = arith.constant 48 : i32
        %add3A_494 = arith.addi %mul3A_492, %add3A_493 : i32
        %swap3A_495 = arith.index_cast %add3A_494 : i32 to index
        %swap3A_496 = tpu.vector_load %arg10[%swap3A_495] {strides = array<i32>} : memref<3584xf32, #tpu.memory_space<vmem>>, vector<16xf32>,
        tpu.vector_store %arg10[%swap3A_495], %gather3A_463 {strides = array<i32>} : memref<3584xf32, #tpu.memory_space<vmem>>, vector<16xf32>,
        %mul3A_497 = arith.constant 224 : i32
        %mul3A_498 = arith.muli %scan3A_400, %mul3A_497 : i32
        %add3A_499 = arith.constant 64 : i32
        %add3A_500 = arith.addi %mul3A_498, %add3A_499 : i32
        %swap3A_501 = arith.index_cast %add3A_500 : i32 to index
        %swap3A_502 = tpu.vector_load %arg10[%swap3A_501] {strides = array<i32>} : memref<3584xf32, #tpu.memory_space<vmem>>, vector<16xf32>,
        tpu.vector_store %arg10[%swap3A_501], %gather3A_464 {strides = array<i32>} : memref<3584xf32, #tpu.memory_space<vmem>>, vector<16xf32>,
        %mul3A_503 = arith.constant 224 : i32
        %mul3A_504 = arith.muli %scan3A_400, %mul3A_503 : i32
        %add3A_505 = arith.constant 80 : i32
        %add3A_506 = arith.addi %mul3A_504, %add3A_505 : i32
        %swap3A_507 = arith.index_cast %add3A_506 : i32 to index
        %swap3A_508 = tpu.vector_load %arg10[%swap3A_507] {strides = array<i32>} : memref<3584xf32, #tpu.memory_space<vmem>>, vector<16xf32>,
        tpu.vector_store %arg10[%swap3A_507], %gather3A_465 {strides = array<i32>} : memref<3584xf32, #tpu.memory_space<vmem>>, vector<16xf32>,
        %mul3A_509 = arith.constant 224 : i32
        %mul3A_510 = arith.muli %scan3A_400, %mul3A_509 : i32
        %add3A_511 = arith.constant 96 : i32
        %add3A_512 = arith.addi %mul3A_510, %add3A_511 : i32
        %swap3A_513 = arith.index_cast %add3A_512 : i32 to index
        %swap3A_514 = tpu.vector_load %arg10[%swap3A_513] {strides = array<i32>} : memref<3584xf32, #tpu.memory_space<vmem>>, vector<16xf32>,
        tpu.vector_store %arg10[%swap3A_513], %gather3A_466 {strides = array<i32>} : memref<3584xf32, #tpu.memory_space<vmem>>, vector<16xf32>,
        %mul3A_515 = arith.constant 224 : i32
        %mul3A_516 = arith.muli %scan3A_400, %mul3A_515 : i32
        %add3A_517 = arith.constant 112 : i32
        %add3A_518 = arith.addi %mul3A_516, %add3A_517 : i32
        %swap3A_519 = arith.index_cast %add3A_518 : i32 to index
        %swap3A_520 = tpu.vector_load %arg10[%swap3A_519] {strides = array<i32>} : memref<3584xf32, #tpu.memory_space<vmem>>, vector<16xf32>,
        tpu.vector_store %arg10[%swap3A_519], %gather3A_467 {strides = array<i32>} : memref<3584xf32, #tpu.memory_space<vmem>>, vector<16xf32>,
        %mul3A_521 = arith.constant 224 : i32
        %mul3A_522 = arith.muli %scan3A_400, %mul3A_521 : i32
        %add3A_523 = arith.constant 128 : i32
        %add3A_524 = arith.addi %mul3A_522, %add3A_523 : i32
        %swap3A_525 = arith.index_cast %add3A_524 : i32 to index
        %swap3A_526 = tpu.vector_load %arg10[%swap3A_525] {strides = array<i32>} : memref<3584xf32, #tpu.memory_space<vmem>>, vector<16xf32>,
        tpu.vector_store %arg10[%swap3A_525], %gather3A_468 {strides = array<i32>} : memref<3584xf32, #tpu.memory_space<vmem>>, vector<16xf32>,
        %mul3A_527 = arith.constant 224 : i32
        %mul3A_528 = arith.muli %scan3A_400, %mul3A_527 : i32
        %add3A_529 = arith.constant 144 : i32
        %add3A_530 = arith.addi %mul3A_528, %add3A_529 : i32
        %swap3A_531 = arith.index_cast %add3A_530 : i32 to index
        %swap3A_532 = tpu.vector_load %arg10[%swap3A_531] {strides = array<i32>} : memref<3584xf32, #tpu.memory_space<vmem>>, vector<16xf32>,
        tpu.vector_store %arg10[%swap3A_531], %gather3A_469 {strides = array<i32>} : memref<3584xf32, #tpu.memory_space<vmem>>, vector<16xf32>,
        %mul3A_533 = arith.constant 224 : i32
        %mul3A_534 = arith.muli %scan3A_400, %mul3A_533 : i32
        %add3A_535 = arith.constant 160 : i32
        %add3A_536 = arith.addi %mul3A_534, %add3A_535 : i32
        %swap3A_537 = arith.index_cast %add3A_536 : i32 to index
        %swap3A_538 = tpu.vector_load %arg10[%swap3A_537] {strides = array<i32>} : memref<3584xf32, #tpu.memory_space<vmem>>, vector<16xf32>,
        tpu.vector_store %arg10[%swap3A_537], %gather3A_470 {strides = array<i32>} : memref<3584xf32, #tpu.memory_space<vmem>>, vector<16xf32>,
        %mul3A_539 = arith.constant 224 : i32
        %mul3A_540 = arith.muli %scan3A_400, %mul3A_539 : i32
        %add3A_541 = arith.constant 176 : i32
        %add3A_542 = arith.addi %mul3A_540, %add3A_541 : i32
        %swap3A_543 = arith.index_cast %add3A_542 : i32 to index
        %swap3A_544 = tpu.vector_load %arg10[%swap3A_543] {strides = array<i32>} : memref<3584xf32, #tpu.memory_space<vmem>>, vector<16xf32>,
        tpu.vector_store %arg10[%swap3A_543], %gather3A_471 {strides = array<i32>} : memref<3584xf32, #tpu.memory_space<vmem>>, vector<16xf32>,
        %mul3A_545 = arith.constant 224 : i32
        %mul3A_546 = arith.muli %scan3A_400, %mul3A_545 : i32
        %add3A_547 = arith.constant 192 : i32
        %add3A_548 = arith.addi %mul3A_546, %add3A_547 : i32
        %swap3A_549 = arith.index_cast %add3A_548 : i32 to index
        %swap3A_550 = tpu.vector_load %arg10[%swap3A_549] {strides = array<i32>} : memref<3584xf32, #tpu.memory_space<vmem>>, vector<16xf32>,
        tpu.vector_store %arg10[%swap3A_549], %gather3A_472 {strides = array<i32>} : memref<3584xf32, #tpu.memory_space<vmem>>, vector<16xf32>,
        %mul3A_551 = arith.constant 224 : i32
        %mul3A_552 = arith.muli %scan3A_400, %mul3A_551 : i32
        %add3A_553 = arith.constant 208 : i32
        %add3A_554 = arith.addi %mul3A_552, %add3A_553 : i32
        %swap3A_555 = arith.index_cast %add3A_554 : i32 to index
        %swap3A_556 = tpu.vector_load %arg10[%swap3A_555] {strides = array<i32>} : memref<3584xf32, #tpu.memory_space<vmem>>, vector<16xf32>,
        tpu.vector_store %arg10[%swap3A_555], %gather3A_473 {strides = array<i32>} : memref<3584xf32, #tpu.memory_space<vmem>>, vector<16xf32>,
      }
      %scan3A_343 = arith.constant 16 : i32
      %mul3A_344 = arith.constant 50176 : i32
      %mul3A_345 = arith.muli %add3A_197, %mul3A_344 : i32
      %add3A_346 = arith.constant 35840 : i32
      %add3A_347 = arith.addi %mul3A_345, %add3A_346 : i32
      %dma_start3A_348 = tpu.memref_slice %arg4[%add3A_347] : memref<38535168xf32, #tpu.memory_space<hbm>> -> memref<3584xf32, #tpu.memory_space<hbm>>
      %dma_start3A_349 = tpu.memref_slice %arg4[%add3A_347] : memref<38535168xf32, #tpu.memory_space<hbm>> -> memref<3584xf32, #tpu.memory_space<hbm>>
      tpu.enqueue_dma source(%arg10 : memref<3584xf32, #tpu.memory_space<vmem>>) target(%dma_start3A_349 : memref<3584xf32, #tpu.memory_space<hbm>>) target_semaphore(%arg14 : memref<!tpu.dma_semaphore, #tpu.memory_space<semaphore_mem>>)
      %dma_wait3A_350 = tpu.memref_slice %arg4[%add3A_305] : memref<38535168xf32, #tpu.memory_space<hbm>> -> memref<3584xf32, #tpu.memory_space<hbm>>
      %dma_wait3A_351 = tpu.memref_slice %arg4[%add3A_305] : memref<38535168xf32, #tpu.memory_space<hbm>> -> memref<3584xf32, #tpu.memory_space<hbm>>
      tpu.wait_dma2 semaphore(%arg15 : memref<!tpu.dma_semaphore, #tpu.memory_space<semaphore_mem>>) src(%arg11 : memref<3584xf32, #tpu.memory_space<vmem>>) dst(%dma_wait3A_351 : memref<3584xf32, #tpu.memory_space<hbm>>)
      %scan3A_352 = arith.constant 0 : i32
      %scan3A_353 = arith.constant 0 : i32
      %scan3A_354 = arith.constant 16 : i32
      %scan3A_355 = arith.addi %scan3A_353, %scan3A_354 : i32
      %scan3A_356 = arith.constant 1 : i32
      scf.for %scan3A_400 = %scan3A_353 to %scan3A_355 step %scan3A_356  : i32 {
        %add3A_401 = arith.constant 176 : i32
        %add3A_402 = arith.addi %add3A_401, %scan3A_400 : i32
        %mul3A_403 = arith.constant 224 : i32
        %mul3A_404 = arith.muli %add3A_402, %mul3A_403 : i32
        %add3A_405 = arith.constant 0 : i32
        %add3A_406 = arith.addi %mul3A_404, %add3A_405 : i32
        %get3A_407 = arith.index_cast %add3A_406 : i32 to index
        %get3A_408 = tpu.vector_load %arg6[%get3A_407] {strides = array<i32>} : memref<50176xi32, #tpu.memory_space<vmem>>, vector<16xi32>,
        %add3A_409 = arith.constant 16 : i32
        %add3A_410 = arith.addi %mul3A_404, %add3A_409 : i32
        %get3A_411 = arith.index_cast %add3A_410 : i32 to index
        %get3A_412 = tpu.vector_load %arg6[%get3A_411] {strides = array<i32>} : memref<50176xi32, #tpu.memory_space<vmem>>, vector<16xi32>,
        %add3A_413 = arith.constant 32 : i32
        %add3A_414 = arith.addi %mul3A_404, %add3A_413 : i32
        %get3A_415 = arith.index_cast %add3A_414 : i32 to index
        %get3A_416 = tpu.vector_load %arg6[%get3A_415] {strides = array<i32>} : memref<50176xi32, #tpu.memory_space<vmem>>, vector<16xi32>,
        %add3A_417 = arith.constant 48 : i32
        %add3A_418 = arith.addi %mul3A_404, %add3A_417 : i32
        %get3A_419 = arith.index_cast %add3A_418 : i32 to index
        %get3A_420 = tpu.vector_load %arg6[%get3A_419] {strides = array<i32>} : memref<50176xi32, #tpu.memory_space<vmem>>, vector<16xi32>,
        %add3A_421 = arith.constant 64 : i32
        %add3A_422 = arith.addi %mul3A_404, %add3A_421 : i32
        %get3A_423 = arith.index_cast %add3A_422 : i32 to index
        %get3A_424 = tpu.vector_load %arg6[%get3A_423] {strides = array<i32>} : memref<50176xi32, #tpu.memory_space<vmem>>, vector<16xi32>,
        %add3A_425 = arith.constant 80 : i32
        %add3A_426 = arith.addi %mul3A_404, %add3A_425 : i32
        %get3A_427 = arith.index_cast %add3A_426 : i32 to index
        %get3A_428 = tpu.vector_load %arg6[%get3A_427] {strides = array<i32>} : memref<50176xi32, #tpu.memory_space<vmem>>, vector<16xi32>,
        %add3A_429 = arith.constant 96 : i32
        %add3A_430 = arith.addi %mul3A_404, %add3A_429 : i32
        %get3A_431 = arith.index_cast %add3A_430 : i32 to index
        %get3A_432 = tpu.vector_load %arg6[%get3A_431] {strides = array<i32>} : memref<50176xi32, #tpu.memory_space<vmem>>, vector<16xi32>,
        %add3A_433 = arith.constant 112 : i32
        %add3A_434 = arith.addi %mul3A_404, %add3A_433 : i32
        %get3A_435 = arith.index_cast %add3A_434 : i32 to index
        %get3A_436 = tpu.vector_load %arg6[%get3A_435] {strides = array<i32>} : memref<50176xi32, #tpu.memory_space<vmem>>, vector<16xi32>,
        %add3A_437 = arith.constant 128 : i32
        %add3A_438 = arith.addi %mul3A_404, %add3A_437 : i32
        %get3A_439 = arith.index_cast %add3A_438 : i32 to index
        %get3A_440 = tpu.vector_load %arg6[%get3A_439] {strides = array<i32>} : memref<50176xi32, #tpu.memory_space<vmem>>, vector<16xi32>,
        %add3A_441 = arith.constant 144 : i32
        %add3A_442 = arith.addi %mul3A_404, %add3A_441 : i32
        %get3A_443 = arith.index_cast %add3A_442 : i32 to index
        %get3A_444 = tpu.vector_load %arg6[%get3A_443] {strides = array<i32>} : memref<50176xi32, #tpu.memory_space<vmem>>, vector<16xi32>,
        %add3A_445 = arith.constant 160 : i32
        %add3A_446 = arith.addi %mul3A_404, %add3A_445 : i32
        %get3A_447 = arith.index_cast %add3A_446 : i32 to index
        %get3A_448 = tpu.vector_load %arg6[%get3A_447] {strides = array<i32>} : memref<50176xi32, #tpu.memory_space<vmem>>, vector<16xi32>,
        %add3A_449 = arith.constant 176 : i32
        %add3A_450 = arith.addi %mul3A_404, %add3A_449 : i32
        %get3A_451 = arith.index_cast %add3A_450 : i32 to index
        %get3A_452 = tpu.vector_load %arg6[%get3A_451] {strides = array<i32>} : memref<50176xi32, #tpu.memory_space<vmem>>, vector<16xi32>,
        %add3A_453 = arith.constant 192 : i32
        %add3A_454 = arith.addi %mul3A_404, %add3A_453 : i32
        %get3A_455 = arith.index_cast %add3A_454 : i32 to index
        %get3A_456 = tpu.vector_load %arg6[%get3A_455] {strides = array<i32>} : memref<50176xi32, #tpu.memory_space<vmem>>, vector<16xi32>,
        %add3A_457 = arith.constant 208 : i32
        %add3A_458 = arith.addi %mul3A_404, %add3A_457 : i32
        %get3A_459 = arith.index_cast %add3A_458 : i32 to index
        %get3A_460 = tpu.vector_load %arg6[%get3A_459] {strides = array<i32>} : memref<50176xi32, #tpu.memory_space<vmem>>, vector<16xi32>,
        %gather3A = tpu.vector_load_idx %arg7[%get3A_408] : memref<50432xf32, #tpu.memory_space<vmem>>[vector<16xi32>], vector<16xf32>,
        %gather3A_461 = tpu.vector_load_idx %arg7[%get3A_412] : memref<50432xf32, #tpu.memory_space<vmem>>[vector<16xi32>], vector<16xf32>,
        %gather3A_462 = tpu.vector_load_idx %arg7[%get3A_416] : memref<50432xf32, #tpu.memory_space<vmem>>[vector<16xi32>], vector<16xf32>,
        %gather3A_463 = tpu.vector_load_idx %arg7[%get3A_420] : memref<50432xf32, #tpu.memory_space<vmem>>[vector<16xi32>], vector<16xf32>,
        %gather3A_464 = tpu.vector_load_idx %arg7[%get3A_424] : memref<50432xf32, #tpu.memory_space<vmem>>[vector<16xi32>], vector<16xf32>,
        %gather3A_465 = tpu.vector_load_idx %arg7[%get3A_428] : memref<50432xf32, #tpu.memory_space<vmem>>[vector<16xi32>], vector<16xf32>,
        %gather3A_466 = tpu.vector_load_idx %arg7[%get3A_432] : memref<50432xf32, #tpu.memory_space<vmem>>[vector<16xi32>], vector<16xf32>,
        %gather3A_467 = tpu.vector_load_idx %arg7[%get3A_436] : memref<50432xf32, #tpu.memory_space<vmem>>[vector<16xi32>], vector<16xf32>,
        %gather3A_468 = tpu.vector_load_idx %arg7[%get3A_440] : memref<50432xf32, #tpu.memory_space<vmem>>[vector<16xi32>], vector<16xf32>,
        %gather3A_469 = tpu.vector_load_idx %arg7[%get3A_444] : memref<50432xf32, #tpu.memory_space<vmem>>[vector<16xi32>], vector<16xf32>,
        %gather3A_470 = tpu.vector_load_idx %arg7[%get3A_448] : memref<50432xf32, #tpu.memory_space<vmem>>[vector<16xi32>], vector<16xf32>,
        %gather3A_471 = tpu.vector_load_idx %arg7[%get3A_452] : memref<50432xf32, #tpu.memory_space<vmem>>[vector<16xi32>], vector<16xf32>,
        %gather3A_472 = tpu.vector_load_idx %arg7[%get3A_456] : memref<50432xf32, #tpu.memory_space<vmem>>[vector<16xi32>], vector<16xf32>,
        %gather3A_473 = tpu.vector_load_idx %arg7[%get3A_460] : memref<50432xf32, #tpu.memory_space<vmem>>[vector<16xi32>], vector<16xf32>,
        %mul3A_474 = arith.constant 224 : i32
        %mul3A_475 = arith.muli %scan3A_400, %mul3A_474 : i32
        %add3A_476 = arith.constant 0 : i32
        %add3A_477 = arith.addi %mul3A_475, %add3A_476 : i32
        %swap3A = arith.index_cast %add3A_477 : i32 to index
        %swap3A_478 = tpu.vector_load %arg11[%swap3A] {strides = array<i32>} : memref<3584xf32, #tpu.memory_space<vmem>>, vector<16xf32>,
        tpu.vector_store %arg11[%swap3A], %gather3A {strides = array<i32>} : memref<3584xf32, #tpu.memory_space<vmem>>, vector<16xf32>,
        %mul3A_479 = arith.constant 224 : i32
        %mul3A_480 = arith.muli %scan3A_400, %mul3A_479 : i32
        %add3A_481 = arith.constant 16 : i32
        %add3A_482 = arith.addi %mul3A_480, %add3A_481 : i32
        %swap3A_483 = arith.index_cast %add3A_482 : i32 to index
        %swap3A_484 = tpu.vector_load %arg11[%swap3A_483] {strides = array<i32>} : memref<3584xf32, #tpu.memory_space<vmem>>, vector<16xf32>,
        tpu.vector_store %arg11[%swap3A_483], %gather3A_461 {strides = array<i32>} : memref<3584xf32, #tpu.memory_space<vmem>>, vector<16xf32>,
        %mul3A_485 = arith.constant 224 : i32
        %mul3A_486 = arith.muli %scan3A_400, %mul3A_485 : i32
        %add3A_487 = arith.constant 32 : i32
        %add3A_488 = arith.addi %mul3A_486, %add3A_487 : i32
        %swap3A_489 = arith.index_cast %add3A_488 : i32 to index
        %swap3A_490 = tpu.vector_load %arg11[%swap3A_489] {strides = array<i32>} : memref<3584xf32, #tpu.memory_space<vmem>>, vector<16xf32>,
        tpu.vector_store %arg11[%swap3A_489], %gather3A_462 {strides = array<i32>} : memref<3584xf32, #tpu.memory_space<vmem>>, vector<16xf32>,
        %mul3A_491 = arith.constant 224 : i32
        %mul3A_492 = arith.muli %scan3A_400, %mul3A_491 : i32
        %add3A_493 = arith.constant 48 : i32
        %add3A_494 = arith.addi %mul3A_492, %add3A_493 : i32
        %swap3A_495 = arith.index_cast %add3A_494 : i32 to index
        %swap3A_496 = tpu.vector_load %arg11[%swap3A_495] {strides = array<i32>} : memref<3584xf32, #tpu.memory_space<vmem>>, vector<16xf32>,
        tpu.vector_store %arg11[%swap3A_495], %gather3A_463 {strides = array<i32>} : memref<3584xf32, #tpu.memory_space<vmem>>, vector<16xf32>,
        %mul3A_497 = arith.constant 224 : i32
        %mul3A_498 = arith.muli %scan3A_400, %mul3A_497 : i32
        %add3A_499 = arith.constant 64 : i32
        %add3A_500 = arith.addi %mul3A_498, %add3A_499 : i32
        %swap3A_501 = arith.index_cast %add3A_500 : i32 to index
        %swap3A_502 = tpu.vector_load %arg11[%swap3A_501] {strides = array<i32>} : memref<3584xf32, #tpu.memory_space<vmem>>, vector<16xf32>,
        tpu.vector_store %arg11[%swap3A_501], %gather3A_464 {strides = array<i32>} : memref<3584xf32, #tpu.memory_space<vmem>>, vector<16xf32>,
        %mul3A_503 = arith.constant 224 : i32
        %mul3A_504 = arith.muli %scan3A_400, %mul3A_503 : i32
        %add3A_505 = arith.constant 80 : i32
        %add3A_506 = arith.addi %mul3A_504, %add3A_505 : i32
        %swap3A_507 = arith.index_cast %add3A_506 : i32 to index
        %swap3A_508 = tpu.vector_load %arg11[%swap3A_507] {strides = array<i32>} : memref<3584xf32, #tpu.memory_space<vmem>>, vector<16xf32>,
        tpu.vector_store %arg11[%swap3A_507], %gather3A_465 {strides = array<i32>} : memref<3584xf32, #tpu.memory_space<vmem>>, vector<16xf32>,
        %mul3A_509 = arith.constant 224 : i32
        %mul3A_510 = arith.muli %scan3A_400, %mul3A_509 : i32
        %add3A_511 = arith.constant 96 : i32
        %add3A_512 = arith.addi %mul3A_510, %add3A_511 : i32
        %swap3A_513 = arith.index_cast %add3A_512 : i32 to index
        %swap3A_514 = tpu.vector_load %arg11[%swap3A_513] {strides = array<i32>} : memref<3584xf32, #tpu.memory_space<vmem>>, vector<16xf32>,
        tpu.vector_store %arg11[%swap3A_513], %gather3A_466 {strides = array<i32>} : memref<3584xf32, #tpu.memory_space<vmem>>, vector<16xf32>,
        %mul3A_515 = arith.constant 224 : i32
        %mul3A_516 = arith.muli %scan3A_400, %mul3A_515 : i32
        %add3A_517 = arith.constant 112 : i32
        %add3A_518 = arith.addi %mul3A_516, %add3A_517 : i32
        %swap3A_519 = arith.index_cast %add3A_518 : i32 to index
        %swap3A_520 = tpu.vector_load %arg11[%swap3A_519] {strides = array<i32>} : memref<3584xf32, #tpu.memory_space<vmem>>, vector<16xf32>,
        tpu.vector_store %arg11[%swap3A_519], %gather3A_467 {strides = array<i32>} : memref<3584xf32, #tpu.memory_space<vmem>>, vector<16xf32>,
        %mul3A_521 = arith.constant 224 : i32
        %mul3A_522 = arith.muli %scan3A_400, %mul3A_521 : i32
        %add3A_523 = arith.constant 128 : i32
        %add3A_524 = arith.addi %mul3A_522, %add3A_523 : i32
        %swap3A_525 = arith.index_cast %add3A_524 : i32 to index
        %swap3A_526 = tpu.vector_load %arg11[%swap3A_525] {strides = array<i32>} : memref<3584xf32, #tpu.memory_space<vmem>>, vector<16xf32>,
        tpu.vector_store %arg11[%swap3A_525], %gather3A_468 {strides = array<i32>} : memref<3584xf32, #tpu.memory_space<vmem>>, vector<16xf32>,
        %mul3A_527 = arith.constant 224 : i32
        %mul3A_528 = arith.muli %scan3A_400, %mul3A_527 : i32
        %add3A_529 = arith.constant 144 : i32
        %add3A_530 = arith.addi %mul3A_528, %add3A_529 : i32
        %swap3A_531 = arith.index_cast %add3A_530 : i32 to index
        %swap3A_532 = tpu.vector_load %arg11[%swap3A_531] {strides = array<i32>} : memref<3584xf32, #tpu.memory_space<vmem>>, vector<16xf32>,
        tpu.vector_store %arg11[%swap3A_531], %gather3A_469 {strides = array<i32>} : memref<3584xf32, #tpu.memory_space<vmem>>, vector<16xf32>,
        %mul3A_533 = arith.constant 224 : i32
        %mul3A_534 = arith.muli %scan3A_400, %mul3A_533 : i32
        %add3A_535 = arith.constant 160 : i32
        %add3A_536 = arith.addi %mul3A_534, %add3A_535 : i32
        %swap3A_537 = arith.index_cast %add3A_536 : i32 to index
        %swap3A_538 = tpu.vector_load %arg11[%swap3A_537] {strides = array<i32>} : memref<3584xf32, #tpu.memory_space<vmem>>, vector<16xf32>,
        tpu.vector_store %arg11[%swap3A_537], %gather3A_470 {strides = array<i32>} : memref<3584xf32, #tpu.memory_space<vmem>>, vector<16xf32>,
        %mul3A_539 = arith.constant 224 : i32
        %mul3A_540 = arith.muli %scan3A_400, %mul3A_539 : i32
        %add3A_541 = arith.constant 176 : i32
        %add3A_542 = arith.addi %mul3A_540, %add3A_541 : i32
        %swap3A_543 = arith.index_cast %add3A_542 : i32 to index
        %swap3A_544 = tpu.vector_load %arg11[%swap3A_543] {strides = array<i32>} : memref<3584xf32, #tpu.memory_space<vmem>>, vector<16xf32>,
        tpu.vector_store %arg11[%swap3A_543], %gather3A_471 {strides = array<i32>} : memref<3584xf32, #tpu.memory_space<vmem>>, vector<16xf32>,
        %mul3A_545 = arith.constant 224 : i32
        %mul3A_546 = arith.muli %scan3A_400, %mul3A_545 : i32
        %add3A_547 = arith.constant 192 : i32
        %add3A_548 = arith.addi %mul3A_546, %add3A_547 : i32
        %swap3A_549 = arith.index_cast %add3A_548 : i32 to index
        %swap3A_550 = tpu.vector_load %arg11[%swap3A_549] {strides = array<i32>} : memref<3584xf32, #tpu.memory_space<vmem>>, vector<16xf32>,
        tpu.vector_store %arg11[%swap3A_549], %gather3A_472 {strides = array<i32>} : memref<3584xf32, #tpu.memory_space<vmem>>, vector<16xf32>,
        %mul3A_551 = arith.constant 224 : i32
        %mul3A_552 = arith.muli %scan3A_400, %mul3A_551 : i32
        %add3A_553 = arith.constant 208 : i32
        %add3A_554 = arith.addi %mul3A_552, %add3A_553 : i32
        %swap3A_555 = arith.index_cast %add3A_554 : i32 to index
        %swap3A_556 = tpu.vector_load %arg11[%swap3A_555] {strides = array<i32>} : memref<3584xf32, #tpu.memory_space<vmem>>, vector<16xf32>,
        tpu.vector_store %arg11[%swap3A_555], %gather3A_473 {strides = array<i32>} : memref<3584xf32, #tpu.memory_space<vmem>>, vector<16xf32>,
      }
      %scan3A_357 = arith.constant 16 : i32
      %mul3A_358 = arith.constant 50176 : i32
      %mul3A_359 = arith.muli %add3A_197, %mul3A_358 : i32
      %add3A_360 = arith.constant 39424 : i32
      %add3A_361 = arith.addi %mul3A_359, %add3A_360 : i32
      %dma_start3A_362 = tpu.memref_slice %arg4[%add3A_361] : memref<38535168xf32, #tpu.memory_space<hbm>> -> memref<3584xf32, #tpu.memory_space<hbm>>
      %dma_start3A_363 = tpu.memref_slice %arg4[%add3A_361] : memref<38535168xf32, #tpu.memory_space<hbm>> -> memref<3584xf32, #tpu.memory_space<hbm>>
      tpu.enqueue_dma source(%arg11 : memref<3584xf32, #tpu.memory_space<vmem>>) target(%dma_start3A_363 : memref<3584xf32, #tpu.memory_space<hbm>>) target_semaphore(%arg15 : memref<!tpu.dma_semaphore, #tpu.memory_space<semaphore_mem>>)
      %dma_wait3A_364 = tpu.memref_slice %arg4[%add3A_319] : memref<38535168xf32, #tpu.memory_space<hbm>> -> memref<3584xf32, #tpu.memory_space<hbm>>
      %dma_wait3A_365 = tpu.memref_slice %arg4[%add3A_319] : memref<38535168xf32, #tpu.memory_space<hbm>> -> memref<3584xf32, #tpu.memory_space<hbm>>
      tpu.wait_dma2 semaphore(%arg12 : memref<!tpu.dma_semaphore, #tpu.memory_space<semaphore_mem>>) src(%arg8 : memref<3584xf32, #tpu.memory_space<vmem>>) dst(%dma_wait3A_365 : memref<3584xf32, #tpu.memory_space<hbm>>)
      %scan3A_366 = arith.constant 0 : i32
      %scan3A_367 = arith.constant 0 : i32
      %scan3A_368 = arith.constant 16 : i32
      %scan3A_369 = arith.addi %scan3A_367, %scan3A_368 : i32
      %scan3A_370 = arith.constant 1 : i32
      scf.for %scan3A_400 = %scan3A_367 to %scan3A_369 step %scan3A_370  : i32 {
        %add3A_401 = arith.constant 192 : i32
        %add3A_402 = arith.addi %add3A_401, %scan3A_400 : i32
        %mul3A_403 = arith.constant 224 : i32
        %mul3A_404 = arith.muli %add3A_402, %mul3A_403 : i32
        %add3A_405 = arith.constant 0 : i32
        %add3A_406 = arith.addi %mul3A_404, %add3A_405 : i32
        %get3A_407 = arith.index_cast %add3A_406 : i32 to index
        %get3A_408 = tpu.vector_load %arg6[%get3A_407] {strides = array<i32>} : memref<50176xi32, #tpu.memory_space<vmem>>, vector<16xi32>,
        %add3A_409 = arith.constant 16 : i32
        %add3A_410 = arith.addi %mul3A_404, %add3A_409 : i32
        %get3A_411 = arith.index_cast %add3A_410 : i32 to index
        %get3A_412 = tpu.vector_load %arg6[%get3A_411] {strides = array<i32>} : memref<50176xi32, #tpu.memory_space<vmem>>, vector<16xi32>,
        %add3A_413 = arith.constant 32 : i32
        %add3A_414 = arith.addi %mul3A_404, %add3A_413 : i32
        %get3A_415 = arith.index_cast %add3A_414 : i32 to index
        %get3A_416 = tpu.vector_load %arg6[%get3A_415] {strides = array<i32>} : memref<50176xi32, #tpu.memory_space<vmem>>, vector<16xi32>,
        %add3A_417 = arith.constant 48 : i32
        %add3A_418 = arith.addi %mul3A_404, %add3A_417 : i32
        %get3A_419 = arith.index_cast %add3A_418 : i32 to index
        %get3A_420 = tpu.vector_load %arg6[%get3A_419] {strides = array<i32>} : memref<50176xi32, #tpu.memory_space<vmem>>, vector<16xi32>,
        %add3A_421 = arith.constant 64 : i32
        %add3A_422 = arith.addi %mul3A_404, %add3A_421 : i32
        %get3A_423 = arith.index_cast %add3A_422 : i32 to index
        %get3A_424 = tpu.vector_load %arg6[%get3A_423] {strides = array<i32>} : memref<50176xi32, #tpu.memory_space<vmem>>, vector<16xi32>,
        %add3A_425 = arith.constant 80 : i32
        %add3A_426 = arith.addi %mul3A_404, %add3A_425 : i32
        %get3A_427 = arith.index_cast %add3A_426 : i32 to index
        %get3A_428 = tpu.vector_load %arg6[%get3A_427] {strides = array<i32>} : memref<50176xi32, #tpu.memory_space<vmem>>, vector<16xi32>,
        %add3A_429 = arith.constant 96 : i32
        %add3A_430 = arith.addi %mul3A_404, %add3A_429 : i32
        %get3A_431 = arith.index_cast %add3A_430 : i32 to index
        %get3A_432 = tpu.vector_load %arg6[%get3A_431] {strides = array<i32>} : memref<50176xi32, #tpu.memory_space<vmem>>, vector<16xi32>,
        %add3A_433 = arith.constant 112 : i32
        %add3A_434 = arith.addi %mul3A_404, %add3A_433 : i32
        %get3A_435 = arith.index_cast %add3A_434 : i32 to index
        %get3A_436 = tpu.vector_load %arg6[%get3A_435] {strides = array<i32>} : memref<50176xi32, #tpu.memory_space<vmem>>, vector<16xi32>,
        %add3A_437 = arith.constant 128 : i32
        %add3A_438 = arith.addi %mul3A_404, %add3A_437 : i32
        %get3A_439 = arith.index_cast %add3A_438 : i32 to index
        %get3A_440 = tpu.vector_load %arg6[%get3A_439] {strides = array<i32>} : memref<50176xi32, #tpu.memory_space<vmem>>, vector<16xi32>,
        %add3A_441 = arith.constant 144 : i32
        %add3A_442 = arith.addi %mul3A_404, %add3A_441 : i32
        %get3A_443 = arith.index_cast %add3A_442 : i32 to index
        %get3A_444 = tpu.vector_load %arg6[%get3A_443] {strides = array<i32>} : memref<50176xi32, #tpu.memory_space<vmem>>, vector<16xi32>,
        %add3A_445 = arith.constant 160 : i32
        %add3A_446 = arith.addi %mul3A_404, %add3A_445 : i32
        %get3A_447 = arith.index_cast %add3A_446 : i32 to index
        %get3A_448 = tpu.vector_load %arg6[%get3A_447] {strides = array<i32>} : memref<50176xi32, #tpu.memory_space<vmem>>, vector<16xi32>,
        %add3A_449 = arith.constant 176 : i32
        %add3A_450 = arith.addi %mul3A_404, %add3A_449 : i32
        %get3A_451 = arith.index_cast %add3A_450 : i32 to index
        %get3A_452 = tpu.vector_load %arg6[%get3A_451] {strides = array<i32>} : memref<50176xi32, #tpu.memory_space<vmem>>, vector<16xi32>,
        %add3A_453 = arith.constant 192 : i32
        %add3A_454 = arith.addi %mul3A_404, %add3A_453 : i32
        %get3A_455 = arith.index_cast %add3A_454 : i32 to index
        %get3A_456 = tpu.vector_load %arg6[%get3A_455] {strides = array<i32>} : memref<50176xi32, #tpu.memory_space<vmem>>, vector<16xi32>,
        %add3A_457 = arith.constant 208 : i32
        %add3A_458 = arith.addi %mul3A_404, %add3A_457 : i32
        %get3A_459 = arith.index_cast %add3A_458 : i32 to index
        %get3A_460 = tpu.vector_load %arg6[%get3A_459] {strides = array<i32>} : memref<50176xi32, #tpu.memory_space<vmem>>, vector<16xi32>,
        %gather3A = tpu.vector_load_idx %arg7[%get3A_408] : memref<50432xf32, #tpu.memory_space<vmem>>[vector<16xi32>], vector<16xf32>,
        %gather3A_461 = tpu.vector_load_idx %arg7[%get3A_412] : memref<50432xf32, #tpu.memory_space<vmem>>[vector<16xi32>], vector<16xf32>,
        %gather3A_462 = tpu.vector_load_idx %arg7[%get3A_416] : memref<50432xf32, #tpu.memory_space<vmem>>[vector<16xi32>], vector<16xf32>,
        %gather3A_463 = tpu.vector_load_idx %arg7[%get3A_420] : memref<50432xf32, #tpu.memory_space<vmem>>[vector<16xi32>], vector<16xf32>,
        %gather3A_464 = tpu.vector_load_idx %arg7[%get3A_424] : memref<50432xf32, #tpu.memory_space<vmem>>[vector<16xi32>], vector<16xf32>,
        %gather3A_465 = tpu.vector_load_idx %arg7[%get3A_428] : memref<50432xf32, #tpu.memory_space<vmem>>[vector<16xi32>], vector<16xf32>,
        %gather3A_466 = tpu.vector_load_idx %arg7[%get3A_432] : memref<50432xf32, #tpu.memory_space<vmem>>[vector<16xi32>], vector<16xf32>,
        %gather3A_467 = tpu.vector_load_idx %arg7[%get3A_436] : memref<50432xf32, #tpu.memory_space<vmem>>[vector<16xi32>], vector<16xf32>,
        %gather3A_468 = tpu.vector_load_idx %arg7[%get3A_440] : memref<50432xf32, #tpu.memory_space<vmem>>[vector<16xi32>], vector<16xf32>,
        %gather3A_469 = tpu.vector_load_idx %arg7[%get3A_444] : memref<50432xf32, #tpu.memory_space<vmem>>[vector<16xi32>], vector<16xf32>,
        %gather3A_470 = tpu.vector_load_idx %arg7[%get3A_448] : memref<50432xf32, #tpu.memory_space<vmem>>[vector<16xi32>], vector<16xf32>,
        %gather3A_471 = tpu.vector_load_idx %arg7[%get3A_452] : memref<50432xf32, #tpu.memory_space<vmem>>[vector<16xi32>], vector<16xf32>,
        %gather3A_472 = tpu.vector_load_idx %arg7[%get3A_456] : memref<50432xf32, #tpu.memory_space<vmem>>[vector<16xi32>], vector<16xf32>,
        %gather3A_473 = tpu.vector_load_idx %arg7[%get3A_460] : memref<50432xf32, #tpu.memory_space<vmem>>[vector<16xi32>], vector<16xf32>,
        %mul3A_474 = arith.constant 224 : i32
        %mul3A_475 = arith.muli %scan3A_400, %mul3A_474 : i32
        %add3A_476 = arith.constant 0 : i32
        %add3A_477 = arith.addi %mul3A_475, %add3A_476 : i32
        %swap3A = arith.index_cast %add3A_477 : i32 to index
        %swap3A_478 = tpu.vector_load %arg8[%swap3A] {strides = array<i32>} : memref<3584xf32, #tpu.memory_space<vmem>>, vector<16xf32>,
        tpu.vector_store %arg8[%swap3A], %gather3A {strides = array<i32>} : memref<3584xf32, #tpu.memory_space<vmem>>, vector<16xf32>,
        %mul3A_479 = arith.constant 224 : i32
        %mul3A_480 = arith.muli %scan3A_400, %mul3A_479 : i32
        %add3A_481 = arith.constant 16 : i32
        %add3A_482 = arith.addi %mul3A_480, %add3A_481 : i32
        %swap3A_483 = arith.index_cast %add3A_482 : i32 to index
        %swap3A_484 = tpu.vector_load %arg8[%swap3A_483] {strides = array<i32>} : memref<3584xf32, #tpu.memory_space<vmem>>, vector<16xf32>,
        tpu.vector_store %arg8[%swap3A_483], %gather3A_461 {strides = array<i32>} : memref<3584xf32, #tpu.memory_space<vmem>>, vector<16xf32>,
        %mul3A_485 = arith.constant 224 : i32
        %mul3A_486 = arith.muli %scan3A_400, %mul3A_485 : i32
        %add3A_487 = arith.constant 32 : i32
        %add3A_488 = arith.addi %mul3A_486, %add3A_487 : i32
        %swap3A_489 = arith.index_cast %add3A_488 : i32 to index
        %swap3A_490 = tpu.vector_load %arg8[%swap3A_489] {strides = array<i32>} : memref<3584xf32, #tpu.memory_space<vmem>>, vector<16xf32>,
        tpu.vector_store %arg8[%swap3A_489], %gather3A_462 {strides = array<i32>} : memref<3584xf32, #tpu.memory_space<vmem>>, vector<16xf32>,
        %mul3A_491 = arith.constant 224 : i32
        %mul3A_492 = arith.muli %scan3A_400, %mul3A_491 : i32
        %add3A_493 = arith.constant 48 : i32
        %add3A_494 = arith.addi %mul3A_492, %add3A_493 : i32
        %swap3A_495 = arith.index_cast %add3A_494 : i32 to index
        %swap3A_496 = tpu.vector_load %arg8[%swap3A_495] {strides = array<i32>} : memref<3584xf32, #tpu.memory_space<vmem>>, vector<16xf32>,
        tpu.vector_store %arg8[%swap3A_495], %gather3A_463 {strides = array<i32>} : memref<3584xf32, #tpu.memory_space<vmem>>, vector<16xf32>,
        %mul3A_497 = arith.constant 224 : i32
        %mul3A_498 = arith.muli %scan3A_400, %mul3A_497 : i32
        %add3A_499 = arith.constant 64 : i32
        %add3A_500 = arith.addi %mul3A_498, %add3A_499 : i32
        %swap3A_501 = arith.index_cast %add3A_500 : i32 to index
        %swap3A_502 = tpu.vector_load %arg8[%swap3A_501] {strides = array<i32>} : memref<3584xf32, #tpu.memory_space<vmem>>, vector<16xf32>,
        tpu.vector_store %arg8[%swap3A_501], %gather3A_464 {strides = array<i32>} : memref<3584xf32, #tpu.memory_space<vmem>>, vector<16xf32>,
        %mul3A_503 = arith.constant 224 : i32
        %mul3A_504 = arith.muli %scan3A_400, %mul3A_503 : i32
        %add3A_505 = arith.constant 80 : i32
        %add3A_506 = arith.addi %mul3A_504, %add3A_505 : i32
        %swap3A_507 = arith.index_cast %add3A_506 : i32 to index
        %swap3A_508 = tpu.vector_load %arg8[%swap3A_507] {strides = array<i32>} : memref<3584xf32, #tpu.memory_space<vmem>>, vector<16xf32>,
        tpu.vector_store %arg8[%swap3A_507], %gather3A_465 {strides = array<i32>} : memref<3584xf32, #tpu.memory_space<vmem>>, vector<16xf32>,
        %mul3A_509 = arith.constant 224 : i32
        %mul3A_510 = arith.muli %scan3A_400, %mul3A_509 : i32
        %add3A_511 = arith.constant 96 : i32
        %add3A_512 = arith.addi %mul3A_510, %add3A_511 : i32
        %swap3A_513 = arith.index_cast %add3A_512 : i32 to index
        %swap3A_514 = tpu.vector_load %arg8[%swap3A_513] {strides = array<i32>} : memref<3584xf32, #tpu.memory_space<vmem>>, vector<16xf32>,
        tpu.vector_store %arg8[%swap3A_513], %gather3A_466 {strides = array<i32>} : memref<3584xf32, #tpu.memory_space<vmem>>, vector<16xf32>,
        %mul3A_515 = arith.constant 224 : i32
        %mul3A_516 = arith.muli %scan3A_400, %mul3A_515 : i32
        %add3A_517 = arith.constant 112 : i32
        %add3A_518 = arith.addi %mul3A_516, %add3A_517 : i32
        %swap3A_519 = arith.index_cast %add3A_518 : i32 to index
        %swap3A_520 = tpu.vector_load %arg8[%swap3A_519] {strides = array<i32>} : memref<3584xf32, #tpu.memory_space<vmem>>, vector<16xf32>,
        tpu.vector_store %arg8[%swap3A_519], %gather3A_467 {strides = array<i32>} : memref<3584xf32, #tpu.memory_space<vmem>>, vector<16xf32>,
        %mul3A_521 = arith.constant 224 : i32
        %mul3A_522 = arith.muli %scan3A_400, %mul3A_521 : i32
        %add3A_523 = arith.constant 128 : i32
        %add3A_524 = arith.addi %mul3A_522, %add3A_523 : i32
        %swap3A_525 = arith.index_cast %add3A_524 : i32 to index
        %swap3A_526 = tpu.vector_load %arg8[%swap3A_525] {strides = array<i32>} : memref<3584xf32, #tpu.memory_space<vmem>>, vector<16xf32>,
        tpu.vector_store %arg8[%swap3A_525], %gather3A_468 {strides = array<i32>} : memref<3584xf32, #tpu.memory_space<vmem>>, vector<16xf32>,
        %mul3A_527 = arith.constant 224 : i32
        %mul3A_528 = arith.muli %scan3A_400, %mul3A_527 : i32
        %add3A_529 = arith.constant 144 : i32
        %add3A_530 = arith.addi %mul3A_528, %add3A_529 : i32
        %swap3A_531 = arith.index_cast %add3A_530 : i32 to index
        %swap3A_532 = tpu.vector_load %arg8[%swap3A_531] {strides = array<i32>} : memref<3584xf32, #tpu.memory_space<vmem>>, vector<16xf32>,
        tpu.vector_store %arg8[%swap3A_531], %gather3A_469 {strides = array<i32>} : memref<3584xf32, #tpu.memory_space<vmem>>, vector<16xf32>,
        %mul3A_533 = arith.constant 224 : i32
        %mul3A_534 = arith.muli %scan3A_400, %mul3A_533 : i32
        %add3A_535 = arith.constant 160 : i32
        %add3A_536 = arith.addi %mul3A_534, %add3A_535 : i32
        %swap3A_537 = arith.index_cast %add3A_536 : i32 to index
        %swap3A_538 = tpu.vector_load %arg8[%swap3A_537] {strides = array<i32>} : memref<3584xf32, #tpu.memory_space<vmem>>, vector<16xf32>,
        tpu.vector_store %arg8[%swap3A_537], %gather3A_470 {strides = array<i32>} : memref<3584xf32, #tpu.memory_space<vmem>>, vector<16xf32>,
        %mul3A_539 = arith.constant 224 : i32
        %mul3A_540 = arith.muli %scan3A_400, %mul3A_539 : i32
        %add3A_541 = arith.constant 176 : i32
        %add3A_542 = arith.addi %mul3A_540, %add3A_541 : i32
        %swap3A_543 = arith.index_cast %add3A_542 : i32 to index
        %swap3A_544 = tpu.vector_load %arg8[%swap3A_543] {strides = array<i32>} : memref<3584xf32, #tpu.memory_space<vmem>>, vector<16xf32>,
        tpu.vector_store %arg8[%swap3A_543], %gather3A_471 {strides = array<i32>} : memref<3584xf32, #tpu.memory_space<vmem>>, vector<16xf32>,
        %mul3A_545 = arith.constant 224 : i32
        %mul3A_546 = arith.muli %scan3A_400, %mul3A_545 : i32
        %add3A_547 = arith.constant 192 : i32
        %add3A_548 = arith.addi %mul3A_546, %add3A_547 : i32
        %swap3A_549 = arith.index_cast %add3A_548 : i32 to index
        %swap3A_550 = tpu.vector_load %arg8[%swap3A_549] {strides = array<i32>} : memref<3584xf32, #tpu.memory_space<vmem>>, vector<16xf32>,
        tpu.vector_store %arg8[%swap3A_549], %gather3A_472 {strides = array<i32>} : memref<3584xf32, #tpu.memory_space<vmem>>, vector<16xf32>,
        %mul3A_551 = arith.constant 224 : i32
        %mul3A_552 = arith.muli %scan3A_400, %mul3A_551 : i32
        %add3A_553 = arith.constant 208 : i32
        %add3A_554 = arith.addi %mul3A_552, %add3A_553 : i32
        %swap3A_555 = arith.index_cast %add3A_554 : i32 to index
        %swap3A_556 = tpu.vector_load %arg8[%swap3A_555] {strides = array<i32>} : memref<3584xf32, #tpu.memory_space<vmem>>, vector<16xf32>,
        tpu.vector_store %arg8[%swap3A_555], %gather3A_473 {strides = array<i32>} : memref<3584xf32, #tpu.memory_space<vmem>>, vector<16xf32>,
      }
      %scan3A_371 = arith.constant 16 : i32
      %mul3A_372 = arith.constant 50176 : i32
      %mul3A_373 = arith.muli %add3A_197, %mul3A_372 : i32
      %add3A_374 = arith.constant 43008 : i32
      %add3A_375 = arith.addi %mul3A_373, %add3A_374 : i32
      %dma_start3A_376 = tpu.memref_slice %arg4[%add3A_375] : memref<38535168xf32, #tpu.memory_space<hbm>> -> memref<3584xf32, #tpu.memory_space<hbm>>
      %dma_start3A_377 = tpu.memref_slice %arg4[%add3A_375] : memref<38535168xf32, #tpu.memory_space<hbm>> -> memref<3584xf32, #tpu.memory_space<hbm>>
      tpu.enqueue_dma source(%arg8 : memref<3584xf32, #tpu.memory_space<vmem>>) target(%dma_start3A_377 : memref<3584xf32, #tpu.memory_space<hbm>>) target_semaphore(%arg12 : memref<!tpu.dma_semaphore, #tpu.memory_space<semaphore_mem>>)
      %dma_wait3A_378 = tpu.memref_slice %arg4[%add3A_333] : memref<38535168xf32, #tpu.memory_space<hbm>> -> memref<3584xf32, #tpu.memory_space<hbm>>
      %dma_wait3A_379 = tpu.memref_slice %arg4[%add3A_333] : memref<38535168xf32, #tpu.memory_space<hbm>> -> memref<3584xf32, #tpu.memory_space<hbm>>
      tpu.wait_dma2 semaphore(%arg13 : memref<!tpu.dma_semaphore, #tpu.memory_space<semaphore_mem>>) src(%arg9 : memref<3584xf32, #tpu.memory_space<vmem>>) dst(%dma_wait3A_379 : memref<3584xf32, #tpu.memory_space<hbm>>)
      %scan3A_380 = arith.constant 0 : i32
      %scan3A_381 = arith.constant 0 : i32
      %scan3A_382 = arith.constant 16 : i32
      %scan3A_383 = arith.addi %scan3A_381, %scan3A_382 : i32
      %scan3A_384 = arith.constant 1 : i32
      scf.for %scan3A_400 = %scan3A_381 to %scan3A_383 step %scan3A_384  : i32 {
        %add3A_401 = arith.constant 208 : i32
        %add3A_402 = arith.addi %add3A_401, %scan3A_400 : i32
        %mul3A_403 = arith.constant 224 : i32
        %mul3A_404 = arith.muli %add3A_402, %mul3A_403 : i32
        %add3A_405 = arith.constant 0 : i32
        %add3A_406 = arith.addi %mul3A_404, %add3A_405 : i32
        %get3A_407 = arith.index_cast %add3A_406 : i32 to index
        %get3A_408 = tpu.vector_load %arg6[%get3A_407] {strides = array<i32>} : memref<50176xi32, #tpu.memory_space<vmem>>, vector<16xi32>,
        %add3A_409 = arith.constant 16 : i32
        %add3A_410 = arith.addi %mul3A_404, %add3A_409 : i32
        %get3A_411 = arith.index_cast %add3A_410 : i32 to index
        %get3A_412 = tpu.vector_load %arg6[%get3A_411] {strides = array<i32>} : memref<50176xi32, #tpu.memory_space<vmem>>, vector<16xi32>,
        %add3A_413 = arith.constant 32 : i32
        %add3A_414 = arith.addi %mul3A_404, %add3A_413 : i32
        %get3A_415 = arith.index_cast %add3A_414 : i32 to index
        %get3A_416 = tpu.vector_load %arg6[%get3A_415] {strides = array<i32>} : memref<50176xi32, #tpu.memory_space<vmem>>, vector<16xi32>,
        %add3A_417 = arith.constant 48 : i32
        %add3A_418 = arith.addi %mul3A_404, %add3A_417 : i32
        %get3A_419 = arith.index_cast %add3A_418 : i32 to index
        %get3A_420 = tpu.vector_load %arg6[%get3A_419] {strides = array<i32>} : memref<50176xi32, #tpu.memory_space<vmem>>, vector<16xi32>,
        %add3A_421 = arith.constant 64 : i32
        %add3A_422 = arith.addi %mul3A_404, %add3A_421 : i32
        %get3A_423 = arith.index_cast %add3A_422 : i32 to index
        %get3A_424 = tpu.vector_load %arg6[%get3A_423] {strides = array<i32>} : memref<50176xi32, #tpu.memory_space<vmem>>, vector<16xi32>,
        %add3A_425 = arith.constant 80 : i32
        %add3A_426 = arith.addi %mul3A_404, %add3A_425 : i32
        %get3A_427 = arith.index_cast %add3A_426 : i32 to index
        %get3A_428 = tpu.vector_load %arg6[%get3A_427] {strides = array<i32>} : memref<50176xi32, #tpu.memory_space<vmem>>, vector<16xi32>,
        %add3A_429 = arith.constant 96 : i32
        %add3A_430 = arith.addi %mul3A_404, %add3A_429 : i32
        %get3A_431 = arith.index_cast %add3A_430 : i32 to index
        %get3A_432 = tpu.vector_load %arg6[%get3A_431] {strides = array<i32>} : memref<50176xi32, #tpu.memory_space<vmem>>, vector<16xi32>,
        %add3A_433 = arith.constant 112 : i32
        %add3A_434 = arith.addi %mul3A_404, %add3A_433 : i32
        %get3A_435 = arith.index_cast %add3A_434 : i32 to index
        %get3A_436 = tpu.vector_load %arg6[%get3A_435] {strides = array<i32>} : memref<50176xi32, #tpu.memory_space<vmem>>, vector<16xi32>,
        %add3A_437 = arith.constant 128 : i32
        %add3A_438 = arith.addi %mul3A_404, %add3A_437 : i32
        %get3A_439 = arith.index_cast %add3A_438 : i32 to index
        %get3A_440 = tpu.vector_load %arg6[%get3A_439] {strides = array<i32>} : memref<50176xi32, #tpu.memory_space<vmem>>, vector<16xi32>,
        %add3A_441 = arith.constant 144 : i32
        %add3A_442 = arith.addi %mul3A_404, %add3A_441 : i32
        %get3A_443 = arith.index_cast %add3A_442 : i32 to index
        %get3A_444 = tpu.vector_load %arg6[%get3A_443] {strides = array<i32>} : memref<50176xi32, #tpu.memory_space<vmem>>, vector<16xi32>,
        %add3A_445 = arith.constant 160 : i32
        %add3A_446 = arith.addi %mul3A_404, %add3A_445 : i32
        %get3A_447 = arith.index_cast %add3A_446 : i32 to index
        %get3A_448 = tpu.vector_load %arg6[%get3A_447] {strides = array<i32>} : memref<50176xi32, #tpu.memory_space<vmem>>, vector<16xi32>,
        %add3A_449 = arith.constant 176 : i32
        %add3A_450 = arith.addi %mul3A_404, %add3A_449 : i32
        %get3A_451 = arith.index_cast %add3A_450 : i32 to index
        %get3A_452 = tpu.vector_load %arg6[%get3A_451] {strides = array<i32>} : memref<50176xi32, #tpu.memory_space<vmem>>, vector<16xi32>,
        %add3A_453 = arith.constant 192 : i32
        %add3A_454 = arith.addi %mul3A_404, %add3A_453 : i32
        %get3A_455 = arith.index_cast %add3A_454 : i32 to index
        %get3A_456 = tpu.vector_load %arg6[%get3A_455] {strides = array<i32>} : memref<50176xi32, #tpu.memory_space<vmem>>, vector<16xi32>,
        %add3A_457 = arith.constant 208 : i32
        %add3A_458 = arith.addi %mul3A_404, %add3A_457 : i32
        %get3A_459 = arith.index_cast %add3A_458 : i32 to index
        %get3A_460 = tpu.vector_load %arg6[%get3A_459] {strides = array<i32>} : memref<50176xi32, #tpu.memory_space<vmem>>, vector<16xi32>,
        %gather3A = tpu.vector_load_idx %arg7[%get3A_408] : memref<50432xf32, #tpu.memory_space<vmem>>[vector<16xi32>], vector<16xf32>,
        %gather3A_461 = tpu.vector_load_idx %arg7[%get3A_412] : memref<50432xf32, #tpu.memory_space<vmem>>[vector<16xi32>], vector<16xf32>,
        %gather3A_462 = tpu.vector_load_idx %arg7[%get3A_416] : memref<50432xf32, #tpu.memory_space<vmem>>[vector<16xi32>], vector<16xf32>,
        %gather3A_463 = tpu.vector_load_idx %arg7[%get3A_420] : memref<50432xf32, #tpu.memory_space<vmem>>[vector<16xi32>], vector<16xf32>,
        %gather3A_464 = tpu.vector_load_idx %arg7[%get3A_424] : memref<50432xf32, #tpu.memory_space<vmem>>[vector<16xi32>], vector<16xf32>,
        %gather3A_465 = tpu.vector_load_idx %arg7[%get3A_428] : memref<50432xf32, #tpu.memory_space<vmem>>[vector<16xi32>], vector<16xf32>,
        %gather3A_466 = tpu.vector_load_idx %arg7[%get3A_432] : memref<50432xf32, #tpu.memory_space<vmem>>[vector<16xi32>], vector<16xf32>,
        %gather3A_467 = tpu.vector_load_idx %arg7[%get3A_436] : memref<50432xf32, #tpu.memory_space<vmem>>[vector<16xi32>], vector<16xf32>,
        %gather3A_468 = tpu.vector_load_idx %arg7[%get3A_440] : memref<50432xf32, #tpu.memory_space<vmem>>[vector<16xi32>], vector<16xf32>,
        %gather3A_469 = tpu.vector_load_idx %arg7[%get3A_444] : memref<50432xf32, #tpu.memory_space<vmem>>[vector<16xi32>], vector<16xf32>,
        %gather3A_470 = tpu.vector_load_idx %arg7[%get3A_448] : memref<50432xf32, #tpu.memory_space<vmem>>[vector<16xi32>], vector<16xf32>,
        %gather3A_471 = tpu.vector_load_idx %arg7[%get3A_452] : memref<50432xf32, #tpu.memory_space<vmem>>[vector<16xi32>], vector<16xf32>,
        %gather3A_472 = tpu.vector_load_idx %arg7[%get3A_456] : memref<50432xf32, #tpu.memory_space<vmem>>[vector<16xi32>], vector<16xf32>,
        %gather3A_473 = tpu.vector_load_idx %arg7[%get3A_460] : memref<50432xf32, #tpu.memory_space<vmem>>[vector<16xi32>], vector<16xf32>,
        %mul3A_474 = arith.constant 224 : i32
        %mul3A_475 = arith.muli %scan3A_400, %mul3A_474 : i32
        %add3A_476 = arith.constant 0 : i32
        %add3A_477 = arith.addi %mul3A_475, %add3A_476 : i32
        %swap3A = arith.index_cast %add3A_477 : i32 to index
        %swap3A_478 = tpu.vector_load %arg9[%swap3A] {strides = array<i32>} : memref<3584xf32, #tpu.memory_space<vmem>>, vector<16xf32>,
        tpu.vector_store %arg9[%swap3A], %gather3A {strides = array<i32>} : memref<3584xf32, #tpu.memory_space<vmem>>, vector<16xf32>,
        %mul3A_479 = arith.constant 224 : i32
        %mul3A_480 = arith.muli %scan3A_400, %mul3A_479 : i32
        %add3A_481 = arith.constant 16 : i32
        %add3A_482 = arith.addi %mul3A_480, %add3A_481 : i32
        %swap3A_483 = arith.index_cast %add3A_482 : i32 to index
        %swap3A_484 = tpu.vector_load %arg9[%swap3A_483] {strides = array<i32>} : memref<3584xf32, #tpu.memory_space<vmem>>, vector<16xf32>,
        tpu.vector_store %arg9[%swap3A_483], %gather3A_461 {strides = array<i32>} : memref<3584xf32, #tpu.memory_space<vmem>>, vector<16xf32>,
        %mul3A_485 = arith.constant 224 : i32
        %mul3A_486 = arith.muli %scan3A_400, %mul3A_485 : i32
        %add3A_487 = arith.constant 32 : i32
        %add3A_488 = arith.addi %mul3A_486, %add3A_487 : i32
        %swap3A_489 = arith.index_cast %add3A_488 : i32 to index
        %swap3A_490 = tpu.vector_load %arg9[%swap3A_489] {strides = array<i32>} : memref<3584xf32, #tpu.memory_space<vmem>>, vector<16xf32>,
        tpu.vector_store %arg9[%swap3A_489], %gather3A_462 {strides = array<i32>} : memref<3584xf32, #tpu.memory_space<vmem>>, vector<16xf32>,
        %mul3A_491 = arith.constant 224 : i32
        %mul3A_492 = arith.muli %scan3A_400, %mul3A_491 : i32
        %add3A_493 = arith.constant 48 : i32
        %add3A_494 = arith.addi %mul3A_492, %add3A_493 : i32
        %swap3A_495 = arith.index_cast %add3A_494 : i32 to index
        %swap3A_496 = tpu.vector_load %arg9[%swap3A_495] {strides = array<i32>} : memref<3584xf32, #tpu.memory_space<vmem>>, vector<16xf32>,
        tpu.vector_store %arg9[%swap3A_495], %gather3A_463 {strides = array<i32>} : memref<3584xf32, #tpu.memory_space<vmem>>, vector<16xf32>,
        %mul3A_497 = arith.constant 224 : i32
        %mul3A_498 = arith.muli %scan3A_400, %mul3A_497 : i32
        %add3A_499 = arith.constant 64 : i32
        %add3A_500 = arith.addi %mul3A_498, %add3A_499 : i32
        %swap3A_501 = arith.index_cast %add3A_500 : i32 to index
        %swap3A_502 = tpu.vector_load %arg9[%swap3A_501] {strides = array<i32>} : memref<3584xf32, #tpu.memory_space<vmem>>, vector<16xf32>,
        tpu.vector_store %arg9[%swap3A_501], %gather3A_464 {strides = array<i32>} : memref<3584xf32, #tpu.memory_space<vmem>>, vector<16xf32>,
        %mul3A_503 = arith.constant 224 : i32
        %mul3A_504 = arith.muli %scan3A_400, %mul3A_503 : i32
        %add3A_505 = arith.constant 80 : i32
        %add3A_506 = arith.addi %mul3A_504, %add3A_505 : i32
        %swap3A_507 = arith.index_cast %add3A_506 : i32 to index
        %swap3A_508 = tpu.vector_load %arg9[%swap3A_507] {strides = array<i32>} : memref<3584xf32, #tpu.memory_space<vmem>>, vector<16xf32>,
        tpu.vector_store %arg9[%swap3A_507], %gather3A_465 {strides = array<i32>} : memref<3584xf32, #tpu.memory_space<vmem>>, vector<16xf32>,
        %mul3A_509 = arith.constant 224 : i32
        %mul3A_510 = arith.muli %scan3A_400, %mul3A_509 : i32
        %add3A_511 = arith.constant 96 : i32
        %add3A_512 = arith.addi %mul3A_510, %add3A_511 : i32
        %swap3A_513 = arith.index_cast %add3A_512 : i32 to index
        %swap3A_514 = tpu.vector_load %arg9[%swap3A_513] {strides = array<i32>} : memref<3584xf32, #tpu.memory_space<vmem>>, vector<16xf32>,
        tpu.vector_store %arg9[%swap3A_513], %gather3A_466 {strides = array<i32>} : memref<3584xf32, #tpu.memory_space<vmem>>, vector<16xf32>,
        %mul3A_515 = arith.constant 224 : i32
        %mul3A_516 = arith.muli %scan3A_400, %mul3A_515 : i32
        %add3A_517 = arith.constant 112 : i32
        %add3A_518 = arith.addi %mul3A_516, %add3A_517 : i32
        %swap3A_519 = arith.index_cast %add3A_518 : i32 to index
        %swap3A_520 = tpu.vector_load %arg9[%swap3A_519] {strides = array<i32>} : memref<3584xf32, #tpu.memory_space<vmem>>, vector<16xf32>,
        tpu.vector_store %arg9[%swap3A_519], %gather3A_467 {strides = array<i32>} : memref<3584xf32, #tpu.memory_space<vmem>>, vector<16xf32>,
        %mul3A_521 = arith.constant 224 : i32
        %mul3A_522 = arith.muli %scan3A_400, %mul3A_521 : i32
        %add3A_523 = arith.constant 128 : i32
        %add3A_524 = arith.addi %mul3A_522, %add3A_523 : i32
        %swap3A_525 = arith.index_cast %add3A_524 : i32 to index
        %swap3A_526 = tpu.vector_load %arg9[%swap3A_525] {strides = array<i32>} : memref<3584xf32, #tpu.memory_space<vmem>>, vector<16xf32>,
        tpu.vector_store %arg9[%swap3A_525], %gather3A_468 {strides = array<i32>} : memref<3584xf32, #tpu.memory_space<vmem>>, vector<16xf32>,
        %mul3A_527 = arith.constant 224 : i32
        %mul3A_528 = arith.muli %scan3A_400, %mul3A_527 : i32
        %add3A_529 = arith.constant 144 : i32
        %add3A_530 = arith.addi %mul3A_528, %add3A_529 : i32
        %swap3A_531 = arith.index_cast %add3A_530 : i32 to index
        %swap3A_532 = tpu.vector_load %arg9[%swap3A_531] {strides = array<i32>} : memref<3584xf32, #tpu.memory_space<vmem>>, vector<16xf32>,
        tpu.vector_store %arg9[%swap3A_531], %gather3A_469 {strides = array<i32>} : memref<3584xf32, #tpu.memory_space<vmem>>, vector<16xf32>,
        %mul3A_533 = arith.constant 224 : i32
        %mul3A_534 = arith.muli %scan3A_400, %mul3A_533 : i32
        %add3A_535 = arith.constant 160 : i32
        %add3A_536 = arith.addi %mul3A_534, %add3A_535 : i32
        %swap3A_537 = arith.index_cast %add3A_536 : i32 to index
        %swap3A_538 = tpu.vector_load %arg9[%swap3A_537] {strides = array<i32>} : memref<3584xf32, #tpu.memory_space<vmem>>, vector<16xf32>,
        tpu.vector_store %arg9[%swap3A_537], %gather3A_470 {strides = array<i32>} : memref<3584xf32, #tpu.memory_space<vmem>>, vector<16xf32>,
        %mul3A_539 = arith.constant 224 : i32
        %mul3A_540 = arith.muli %scan3A_400, %mul3A_539 : i32
        %add3A_541 = arith.constant 176 : i32
        %add3A_542 = arith.addi %mul3A_540, %add3A_541 : i32
        %swap3A_543 = arith.index_cast %add3A_542 : i32 to index
        %swap3A_544 = tpu.vector_load %arg9[%swap3A_543] {strides = array<i32>} : memref<3584xf32, #tpu.memory_space<vmem>>, vector<16xf32>,
        tpu.vector_store %arg9[%swap3A_543], %gather3A_471 {strides = array<i32>} : memref<3584xf32, #tpu.memory_space<vmem>>, vector<16xf32>,
        %mul3A_545 = arith.constant 224 : i32
        %mul3A_546 = arith.muli %scan3A_400, %mul3A_545 : i32
        %add3A_547 = arith.constant 192 : i32
        %add3A_548 = arith.addi %mul3A_546, %add3A_547 : i32
        %swap3A_549 = arith.index_cast %add3A_548 : i32 to index
        %swap3A_550 = tpu.vector_load %arg9[%swap3A_549] {strides = array<i32>} : memref<3584xf32, #tpu.memory_space<vmem>>, vector<16xf32>,
        tpu.vector_store %arg9[%swap3A_549], %gather3A_472 {strides = array<i32>} : memref<3584xf32, #tpu.memory_space<vmem>>, vector<16xf32>,
        %mul3A_551 = arith.constant 224 : i32
        %mul3A_552 = arith.muli %scan3A_400, %mul3A_551 : i32
        %add3A_553 = arith.constant 208 : i32
        %add3A_554 = arith.addi %mul3A_552, %add3A_553 : i32
        %swap3A_555 = arith.index_cast %add3A_554 : i32 to index
        %swap3A_556 = tpu.vector_load %arg9[%swap3A_555] {strides = array<i32>} : memref<3584xf32, #tpu.memory_space<vmem>>, vector<16xf32>,
        tpu.vector_store %arg9[%swap3A_555], %gather3A_473 {strides = array<i32>} : memref<3584xf32, #tpu.memory_space<vmem>>, vector<16xf32>,
      }
      %scan3A_385 = arith.constant 16 : i32
      %mul3A_386 = arith.constant 50176 : i32
      %mul3A_387 = arith.muli %add3A_197, %mul3A_386 : i32
      %add3A_388 = arith.constant 46592 : i32
      %add3A_389 = arith.addi %mul3A_387, %add3A_388 : i32
      %dma_start3A_390 = tpu.memref_slice %arg4[%add3A_389] : memref<38535168xf32, #tpu.memory_space<hbm>> -> memref<3584xf32, #tpu.memory_space<hbm>>
      %dma_start3A_391 = tpu.memref_slice %arg4[%add3A_389] : memref<38535168xf32, #tpu.memory_space<hbm>> -> memref<3584xf32, #tpu.memory_space<hbm>>
      tpu.enqueue_dma source(%arg9 : memref<3584xf32, #tpu.memory_space<vmem>>) target(%dma_start3A_391 : memref<3584xf32, #tpu.memory_space<hbm>>) target_semaphore(%arg13 : memref<!tpu.dma_semaphore, #tpu.memory_space<semaphore_mem>>)
      %dma_wait3A_392 = tpu.memref_slice %arg4[%add3A_375] : memref<38535168xf32, #tpu.memory_space<hbm>> -> memref<3584xf32, #tpu.memory_space<hbm>>
      %dma_wait3A_393 = tpu.memref_slice %arg4[%add3A_375] : memref<38535168xf32, #tpu.memory_space<hbm>> -> memref<3584xf32, #tpu.memory_space<hbm>>
      tpu.wait_dma2 semaphore(%arg12 : memref<!tpu.dma_semaphore, #tpu.memory_space<semaphore_mem>>) src(%arg8 : memref<3584xf32, #tpu.memory_space<vmem>>) dst(%dma_wait3A_393 : memref<3584xf32, #tpu.memory_space<hbm>>)
      %dma_wait3A_394 = tpu.memref_slice %arg4[%add3A_389] : memref<38535168xf32, #tpu.memory_space<hbm>> -> memref<3584xf32, #tpu.memory_space<hbm>>
      %dma_wait3A_395 = tpu.memref_slice %arg4[%add3A_389] : memref<38535168xf32, #tpu.memory_space<hbm>> -> memref<3584xf32, #tpu.memory_space<hbm>>
      tpu.wait_dma2 semaphore(%arg13 : memref<!tpu.dma_semaphore, #tpu.memory_space<semaphore_mem>>) src(%arg9 : memref<3584xf32, #tpu.memory_space<vmem>>) dst(%dma_wait3A_395 : memref<3584xf32, #tpu.memory_space<hbm>>)
      %dma_wait3A_396 = tpu.memref_slice %arg4[%add3A_347] : memref<38535168xf32, #tpu.memory_space<hbm>> -> memref<3584xf32, #tpu.memory_space<hbm>>
      %dma_wait3A_397 = tpu.memref_slice %arg4[%add3A_347] : memref<38535168xf32, #tpu.memory_space<hbm>> -> memref<3584xf32, #tpu.memory_space<hbm>>
      tpu.wait_dma2 semaphore(%arg14 : memref<!tpu.dma_semaphore, #tpu.memory_space<semaphore_mem>>) src(%arg10 : memref<3584xf32, #tpu.memory_space<vmem>>) dst(%dma_wait3A_397 : memref<3584xf32, #tpu.memory_space<hbm>>)
      %dma_wait3A_398 = tpu.memref_slice %arg4[%add3A_361] : memref<38535168xf32, #tpu.memory_space<hbm>> -> memref<3584xf32, #tpu.memory_space<hbm>>
      %dma_wait3A_399 = tpu.memref_slice %arg4[%add3A_361] : memref<38535168xf32, #tpu.memory_space<hbm>> -> memref<3584xf32, #tpu.memory_space<hbm>>
      tpu.wait_dma2 semaphore(%arg15 : memref<!tpu.dma_semaphore, #tpu.memory_space<semaphore_mem>>) src(%arg11 : memref<3584xf32, #tpu.memory_space<vmem>>) dst(%dma_wait3A_399 : memref<3584xf32, #tpu.memory_space<hbm>>)
    }
    %scan3A_190 = arith.constant 24 : i32
    return
  }
}

</mosaic_0001>

<sc_bundles>
// kernel: kernel.3.cloned.1.call-start
scs
__scs_entry_jumppad:
0x0: {  	(pc) =	sbr.rel $0x88, $3  }
0x1: {  	(tag) =	ssettag $0x0;
	lr =	simm.s32 $0x1  }
0x2: {  	[smem:$0x3F9F] =	sst lr;
	_ =	strace $0xD0000000  }
0x3: {  	_ = 	snop  }
0x4: {  	_ = 	snop  }
0x5: {  	_ = 	snop  }
0x6: {  	_ = 	snop  }
0x7: {  	_ = 	snop  }
__scs_overlays_trampoline_lowered:
0x8: {  	[smem:$0x3FAE] =	sst s0  }
0x9: {  	[smem:$0x3FAF] =	sst s1  }
0xa: {  	[smem:$0x3FB0] =	sst s2  }
0xb: {  	[smem:$0x3FB1] =	sst s3  }
0xc: {  	[smem:$0x3FB2] =	sst s4  }
0xd: {  	[smem:$0x3FB3] =	sst s5  }
0xe: {  	[smem:$0x3FB4] =	sst s6  }
0xf: {  	[smem:$0x3FB5] =	sst s7  }
0x10: {  	[smem:$0x3FB6] =	sst s8  }
0x11: {  	[smem:$0x3FB7] =	sst s9;
	s0 =	simm.s32 @!p0 $0x0  }
0x12: {  	s1 =	sld [smem:$0x3F9D];
	s0 =	simm.s32 @p0 $0x1  }
0x13: {  	[smem:$0x3FB8] =	sst s0;
	s0 =	simm.s32 @!p1 $0x0  }
0x14: {  	s2 =	sld [smem:$0x3F9C];
	s0 =	simm.s32 @p1 $0x1  }
0x15: {  	[smem:$0x3FB9] =	sst s0;
	s0 =	simm.s32 @!p2 $0x0  }
0x16: {  	s3 =	sld [smem:$0x3FDB];
	s0 =	simm.s32 @p2 $0x1  }
0x17: {  	s4 =	simm.s32 $0x1BF5;
	[smem:$0x3FBB] =	sst s0  }
0x18: {  	s0 =	sld [smem:$0x3F9E];
	_ =	swait.ge [sflag:s4], $0x0  }
0x19: {  	s7 =	sld [smem:$0x3F9F]  }
0x1a: {  	s8 =	sadd.s32 $0xFFFFE003, lr  }
0x1b: {  	s9 =	sadd.s32 $0xFFFFFEF7, lr;
	s5 =	simm.s32 $0xFFFFFFFF;
	p2 =	slt.u32 s8, $0xFFFFF086  }
0x1c: {  	p1 =	slt.u32 s9, $0xF7A;
	s5 =	simm.s32 @!p2 $0x0  }
0x1d: {  	s5 =	simm.s32 @p1 $0x1;
	p0 =	seq.s32 s7, s2  }
0x1e: {  	s7 =	smul.u32 @!p0 $0xF7A, s2;
	p2 =	seq.s32 @!p0 s5, $0x0  }
0x1f: {  	s9 =	smul.u32 $0xF7A, s1;
	s8 =	simm.s32 @!p0 $0x1BF5;
	p2 =	por !p2, p0  }
0x20: {  	[sflag:s8] =	ssyncset.s32 @!p0 $0xFFFFF086;
	s6 =	sadd.s32 @!p0 s3, s7;
	s7 =	simm.s32 @!p0 $0x108  }
0x21: {  	s3 =	sadd.s32 s3, s9;
	s6 =	sadd.s32 @!p0 $0x88, s6;
	s7 =	simm.s32 @p2 $0x1082  }
0x22: {  	[simem:s7], [sflag:s8] =	dma.local @!p0 [hbm:s6], $0xF7A  }
0x23: {  	s9 =	sor.u32 $0xD0000000, s2;
	s6 =	simm.s32 $0x108;
	_ =	swait.ge @!p0 [sflag:s8], $0x0  }
0x24: {  	s3 =	sadd.s32 $0x88, s3;
	s6 =	simm.s32 @!p1 $0x1082;
	[sflag:s4] =	ssyncset.s32 $0xFFFFF086  }
0x25: {  	[simem:s6], [sflag:s4] =	dma.local [hbm:s3], $0xF7A  }
0x26: {  	[smem:$0x3F9F] =	sst s1;
	(tag) =	ssettag s2;
	_ =	strace s9  }
0x27: {  	s1 =	sld [smem:$0x3FAF]  }
0x28: {  	s2 =	sld [smem:$0x3FB0]  }
0x29: {  	s4 =	sld [smem:$0x3FB2]  }
0x2a: {  	p0 =	seq.s32 s5, $0x0;
	s5 =	sld [smem:$0x3FB3]  }
0x2b: {  	s6 =	sld [smem:$0x3FB4]  }
0x2c: {  	s7 =	sld [smem:$0x3FB5]  }
0x2d: {  	s3 =	simm.s32 $0x108;
	s8 =	sld [smem:$0x3FB6]  }
0x2e: {  	s3 =	simm.s32 @!p0 $0x1082;
	s9 =	sld [smem:$0x3FB7]  }
0x2f: {  	lr =	sadd.s32 s0, s3;
	s0 =	sld [smem:$0x3FAE]  }
0x30: {  	s3 =	sld [smem:$0x3FB1]  }
0x31: {  	[smem:$0x3FBA] =	sst s10  }
0x32: {  	s10 =	sld [smem:$0x3FB8];
	_ =	sdelay $0x3  }
0x33: {  	p0 =	seq.s32 s10, $0x1;
	s10 =	sld [smem:$0x3FBA];
	_ =	sdelay $0x3  }
0x34: {  	[smem:$0x3FBA] =	sst s10  }
0x35: {  	s10 =	sld [smem:$0x3FB9];
	_ =	sdelay $0x3  }
0x36: {  	p1 =	seq.s32 s10, $0x1;
	s10 =	sld [smem:$0x3FBA];
	_ =	sdelay $0x3  }
0x37: {  	[smem:$0x3FBA] =	sst s10  }
0x38: {  	s10 =	sld [smem:$0x3FBB]  }
0x39: {  	_ = 	snop;
	(pc) =	sbr.ind lr, $3  }
0x3a: {  	_ = 	snop  }
0x3b: {  	_ = 	snop  }
0x3c: {  	p2 =	seq.s32 s10, $0x1;
	s10 =	sld [smem:$0x3FBA]  }
0x3d: {  	_ =	shalt  }
0x3e: {  	_ =	shalt  }
0x3f: {  	_ =	shalt  }
0x40: {  	_ =	shalt  }
0x41: {  	_ =	shalt  }
0x42: {  	_ =	shalt  }
0x43: {  	_ =	shalt  }
0x44: {  	_ =	shalt  }
0x45: {  	_ =	shalt  }
0x46: {  	_ =	shalt  }
0x47: {  	_ =	shalt  }
0x48: {  	_ =	shalt  }
0x49: {  	_ =	shalt  }
0x4a: {  	_ =	shalt  }
0x4b: {  	_ =	shalt  }
0x4c: {  	_ =	shalt  }
0x4d: {  	_ =	shalt  }
0x4e: {  	_ =	shalt  }
0x4f: {  	_ =	shalt  }
0x50: {  	_ =	shalt  }
0x51: {  	_ =	shalt  }
0x52: {  	_ =	shalt  }
0x53: {  	_ =	shalt  }
0x54: {  	_ =	shalt  }
0x55: {  	_ =	shalt  }
0x56: {  	_ =	shalt  }
0x57: {  	_ =	shalt  }
0x58: {  	_ =	shalt  }
0x59: {  	_ =	shalt  }
0x5a: {  	_ =	shalt  }
0x5b: {  	_ =	shalt  }
0x5c: {  	_ =	shalt  }
0x5d: {  	_ =	shalt  }
0x5e: {  	_ =	shalt  }
0x5f: {  	_ =	shalt  }
0x60: {  	_ =	shalt  }
0x61: {  	_ =	shalt  }
0x62: {  	_ =	shalt  }
0x63: {  	_ =	shalt  }
0x64: {  	_ =	shalt  }
0x65: {  	_ =	shalt  }
0x66: {  	_ =	shalt  }
0x67: {  	_ =	shalt  }
0x68: {  	_ =	shalt  }
0x69: {  	_ =	shalt  }
0x6a: {  	_ =	shalt  }
0x6b: {  	_ =	shalt  }
0x6c: {  	_ =	shalt  }
0x6d: {  	_ =	shalt  }
0x6e: {  	_ =	shalt  }
0x6f: {  	_ =	shalt  }
0x70: {  	_ =	shalt  }
0x71: {  	_ =	shalt  }
0x72: {  	_ =	shalt  }
0x73: {  	_ =	shalt  }
0x74: {  	_ =	shalt  }
0x75: {  	_ =	shalt  }
0x76: {  	_ =	shalt  }
0x77: {  	_ =	shalt  }
0x78: {  	_ =	shalt  }
0x79: {  	_ =	shalt  }
0x7a: {  	_ =	shalt  }
0x7b: {  	_ =	shalt  }
0x7c: {  	_ =	shalt  }
0x7d: {  	_ =	shalt  }
0x7e: {  	_ =	shalt  }
0x7f: {  	_ =	shalt  }
0x80: {  	_ =	shalt  }
0x81: {  	_ =	shalt  }
0x82: {  	_ =	shalt  }
0x83: {  	_ =	shalt  }
0x84: {  	_ =	shalt  }
0x85: {  	_ =	shalt  }
0x86: {  	_ =	shalt  }
0x87: {  	_ =	shalt  }
.Lfunc_end0:
.L_simem_size_0:
called_computation_lowered:
.L_overlay_start_0:
0x88: {  	s2 =	sld [smem:$0x3FD9]  }
0x89: {  	s3 =	sld [smem:$0x3FFE];
	_ =	sdelay $0x1  }
0x8a: {  	s1 =	srdreg.scid  }
0x8b: {  	s0 =	sand.u32 $0x1, s1  }
0x8c: {  	s17 =	sshll.u32 s0, $0xA;
	s2 =	sadd.s32 s3, s2  }
0x8d: {  	s2 =	sadd.s32 s2, s17  }
0x8e: {  	[smem:$0x3FC6] =	sst s2  }
0x8f: {  	_ = 	snop  }
0x90: {  	s2 =	sld [smem:$0x3FD0];
	(tm) =	ssettm $0x1  }
0x91: {  	s18 =	sld [smem:$0x3FFB];
	_ =	sdelay $0x3  }
0x92: {  	_ =	strace s18  }
0x93: {  	s3 =	sld [smem:$0x3FFC];
	_ =	sdelay $0x3  }
0x94: {  	_ =	strace s3  }
0x95: {  	s3 =	sld [smem:$0x3FFD];
	_ =	sdelay $0x3  }
0x96: {  	_ =	strace s3  }
0x97: {  	_ =	strace $0x8FFFFFFF  }
0x98: {  	s19 =	sld [smem:$0x3FDB];
	_ =	sdelay $0x1  }
0x99: {  	s4 =	simm.s32 $_scs_section_size  }
0x9a: {  	s5 =	simm.s32 $_size__tile_overlayer_lowered;
	s6 =	simm.s32 $_tile_overlayer_lowered  }
0x9b: {  	s22 =	simm.s32 $0x1BFF;
	s21 =	sshll.u32 s6, $0x1;
	s3 =	sadd.s32 s4, s19  }
0x9c: {  	s7 =	simm.s32 $0x0;
	s20 =	sshll.u32 s5, $0x1;
	s5 =	sadd.s32 s21, s3  }
0x9d: {  	[timem:s7], [sflag:s22] =	dma.local [hbm:s5], s20  }
0x9e: {  	_ =	swait.ge [sflag:s22], s20  }
0x9f: {  	s4 =	ssub.s32 $0x0, s20;
	[sflag:s22] =	ssyncset.done $0x0  }
0xa0: {  	[sflag:s22] =	ssyncadd.s32 s4;
	_ =	sdelay $0x1  }
0xa1: {  	s23 =	simm.s32 $0x1B8B  }
0xa2: {  	_ =	swait.ge [sflag:s23], $0x1  }
0xa3: {  	[sflag:s23] =	ssyncset.done $0x0  }
0xa4: {  	s25 =	simm.s32 $0x1B8E;
	s24 =	sld [smem:$0x3FFE];
	[sflag:s23] =	ssyncadd.s32 $0xFFFFFFFF  }
0xa5: {  	s26 =	simm.s32 $execute0_lowered;
	[smem:$0x3FD2] =	sst s25  }
0xa6: {  	s5 =	sshll.u32 s26, $0x1;
	_ =	strace $0x80000046;
	[dreg:$0x1] =	wrdreg $0xFFFFFFFF  }
0xa7: {  	s28 =	simm.s32 $_size_execute0_lowered;
	s3 =	sadd.s32 s3, s5;
	[dreg:$0x0] =	wrdreg $0x0  }
0xa8: {  	s5 =	sshll.u32 s28, $0x1;
	[dreg:$0x2] =	wrdreg s3  }
0xa9: {  	[dreg:$0x3] =	wrdreg s5  }
0xaa: {  	[dreg:$0x4] =	wrdreg $0xC0  }
0xab: {  	_ =	task [dreg:s7], $0x5FFFF  }
0xac: {  	[dreg:$0x1] =	wrdreg $0xFFFFFFFF  }
0xad: {  	[dreg:$0x0] =	wrdreg $0x60  }
0xae: {  	[dreg:$0x2] =	wrdreg s2  }
0xaf: {  	[dreg:$0x3] =	wrdreg s24  }
0xb0: {  	[dreg:$0x4] =	wrdreg $0x9  }
0xb1: {  	_ =	task.clear_ibuf [dreg:s7], $0x5FFFF;
	_ =	strace $0x90000046  }
0xb2: {  	s29 =	simm.s32 $0x9;
	_ =	strace $0x80000048  }
0xb3: {  	_ =	swait.ge [sflag:s29], $0x1  }
0xb4: {  	[sflag:s29] =	ssyncadd.s32 $0xFFFFFFFF  }
0xb5: {  	_ =	strace $0x90000048  }
0xb6: {  	_ =	sfence  }
0xb7: {  	s30 =	sld [smem:$0x0];
	_ =	sdelay $0x2  }
0xb8: {  	s31 =	sshll.u32 s1, $0xD;
	s1 =	sshrl.u32 s1, $0x2  }
0xb9: {  	s3 =	sand.u32 $0x4000, s31;
	s1 =	sadd.s32 s1, s30  }
0xba: {  	s0 =	sor.u32 s3, s0;
	s1 =	sshll.u32 s1, $0x11  }
0xbb: {  	s0 =	sor.u32 s1, s0  }
0xbc: {  	s0 =	sadd.s32 $0x8F2B, s0  }
0xbd: {  	[sflag:s0] =	ssyncadd.remote.s32 $0x1  }
0xbe: {  	_ =	sfence.sel $0xFFFF  }
0xbf: {  	[dreg:$0x0] =	wrdreg $0xFFFFFFFF;
	(pc) =	sbr.abs _section_cstart, $3  }
0xc0: {  	[dreg:$0x1] =	wrdreg $0xFFFFFFFF  }
0xc1: {  	_ =	task.clear_ibuf [dreg:s7], $0x2FFFF;
	_ =	strace $0x9FFFFFFF  }
0xc2: {  	(tm) =	ssettm $0x7FFFFFFF  }
0xc3: {  	_ =	shalt  }
tec
execute0_lowered:
.L_overlay_start_1:
0x0: {  	(tag) =	ssettag $0x1  }
0x1: {  	v0 =	vimm.f32 $1.500000000e+01;
	vm13 =	vcmask $0x300  }
0x2: {  	v1 =	vimm.f32 $3.100000000e+01;
	vm14 =	vcmask $0x704;
	vm12 =	vcmask $0xB08  }
0x3: {  	vm11 =	vcmask $0xF0C;
	vm10 =	vcmask $0x1310;
	vm9 =	vcmask $0x1714  }
0x4: {  	vm8 =	vcmask $0x1B18;
	vm7 =	vcmask $0x1F1C;
	vm6 =	vcmask $0x2320  }
0x5: {  	vm5 =	vcmask $0x2724;
	vm4 =	vcmask $0x2B28;
	vm3 =	vcmask $0x2F2C  }
0x6: {  	vm2 =	vcmask $0x3330;
	vm1 =	vcmask $0x3734;
	vm0 =	vcmask $0x3B38  }
0x7: {  	v45 =	vimm.f32 $4.700000000e+01;
	v46 =	vimm.f32 $6.300000000e+01;
	v0 =	vsel vm13, $0x0, v0  }
0x8: {  	v2 =	vimm.f32 $7.900000000e+01;
	v49 =	vimm.f32 $9.500000000e+01;
	v0 =	vsel vm14, $0x3F800000, v0  }
0x9: {  	v50 =	vimm.f32 $1.110000000e+02;
	v51 =	vimm.f32 $1.270000000e+02;
	v0 =	vsel vm12, $0x40000000, v0  }
0xa: {  	v54 =	vimm.f32 $1.430000000e+02;
	v1 =	vsel vm13, $0x41800000, v1;
	v0 =	vsel vm11, $0x40400000, v0  }
0xb: {  	v55 =	vimm.f32 $1.590000000e+02;
	v1 =	vsel vm14, $0x41880000, v1;
	v0 =	vsel vm10, $0x40800000, v0  }
0xc: {  	v56 =	vimm.f32 $1.750000000e+02;
	v1 =	vsel vm12, $0x41900000, v1;
	v0 =	vsel vm9, $0x40A00000, v0  }
0xd: {  	v59 =	vimm.f32 $1.910000000e+02;
	v1 =	vsel vm11, $0x41980000, v1;
	v0 =	vsel vm8, $0x40C00000, v0  }
0xe: {  	v60 =	vimm.f32 $2.070000000e+02;
	v1 =	vsel vm10, $0x41A00000, v1;
	v0 =	vsel vm7, $0x40E00000, v0  }
0xf: {  	v61 =	vimm.f32 $2.230000000e+02;
	v1 =	vsel vm9, $0x41A80000, v1;
	v0 =	vsel vm6, $0x41000000, v0  }
0x10: {  	v2 =	vsel vm13, $0x42800000, v2;
	v1 =	vsel vm8, $0x41B00000, v1;
	v0 =	vsel vm5, $0x41100000, v0  }
0x11: {  	v2 =	vsel vm14, $0x42820000, v2;
	v1 =	vsel vm7, $0x41B80000, v1;
	v0 =	vsel vm4, $0x41200000, v0  }
0x12: {  	v2 =	vsel vm12, $0x42840000, v2;
	v1 =	vsel vm6, $0x41C00000, v1;
	v0 =	vsel vm3, $0x41300000, v0  }
0x13: {  	v2 =	vsel vm11, $0x42860000, v2;
	v1 =	vsel vm5, $0x41C80000, v1;
	v0 =	vsel vm2, $0x41400000, v0  }
0x14: {  	v2 =	vsel vm10, $0x42880000, v2;
	v1 =	vsel vm4, $0x41D00000, v1;
	v0 =	vsel vm1, $0x41500000, v0  }
0x15: {  	v2 =	vsel vm9, $0x428A0000, v2;
	v1 =	vsel vm3, $0x41D80000, v1;
	v0 =	vsel vm0, $0x41600000, v0  }
0x16: {  	v2 =	vsel vm8, $0x428C0000, v2;
	v1 =	vsel vm2, $0x41E00000, v1;
	[tilespmem:$0x1FF20] =	vst v0;
	v0 =	vsel vm13, $0x42000000, v45  }
0x17: {  	v2 =	vsel vm7, $0x428E0000, v2;
	v1 =	vsel vm1, $0x41E80000, v1;
	v0 =	vsel vm14, $0x42040000, v0  }
0x18: {  	v44 =	vsel vm0, $0x41F00000, v1;
	v1 =	vsel vm13, $0x42400000, v46;
	v0 =	vsel vm12, $0x42080000, v0  }
0x19: {  	v2 =	vsel vm6, $0x42900000, v2;
	v1 =	vsel vm14, $0x42440000, v1;
	v0 =	vsel vm11, $0x420C0000, v0  }
0x1a: {  	v2 =	vsel vm5, $0x42920000, v2;
	v1 =	vsel vm12, $0x42480000, v1;
	v0 =	vsel vm10, $0x42100000, v0  }
0x1b: {  	v2 =	vsel vm4, $0x42940000, v2;
	v1 =	vsel vm11, $0x424C0000, v1;
	v0 =	vsel vm9, $0x42140000, v0  }
0x1c: {  	v2 =	vsel vm3, $0x42960000, v2;
	v1 =	vsel vm10, $0x42500000, v1;
	v0 =	vsel vm8, $0x42180000, v0  }
0x1d: {  	v2 =	vsel vm2, $0x42980000, v2;
	v1 =	vsel vm9, $0x42540000, v1;
	v0 =	vsel vm7, $0x421C0000, v0  }
0x1e: {  	v2 =	vsel vm1, $0x429A0000, v2;
	v1 =	vsel vm8, $0x42580000, v1;
	v0 =	vsel vm6, $0x42200000, v0  }
0x1f: {  	v48 =	vsel vm0, $0x429C0000, v2;
	v1 =	vsel vm7, $0x425C0000, v1;
	v0 =	vsel vm5, $0x42240000, v0  }
0x20: {  	v2 =	vsel vm13, $0x42E00000, v51;
	v1 =	vsel vm6, $0x42600000, v1;
	v0 =	vsel vm4, $0x42280000, v0  }
0x21: {  	v2 =	vsel vm14, $0x42E20000, v2;
	v1 =	vsel vm5, $0x42640000, v1;
	v0 =	vsel vm3, $0x422C0000, v0  }
0x22: {  	v2 =	vsel vm12, $0x42E40000, v2;
	v1 =	vsel vm4, $0x42680000, v1;
	v0 =	vsel vm2, $0x42300000, v0  }
0x23: {  	v2 =	vsel vm11, $0x42E60000, v2;
	v1 =	vsel vm3, $0x426C0000, v1;
	v0 =	vsel vm1, $0x42340000, v0  }
0x24: {  	v2 =	vsel vm10, $0x42E80000, v2;
	v1 =	vsel vm2, $0x42700000, v1;
	v0 =	vsel vm0, $0x42380000, v0  }
0x25: {  	v2 =	vsel vm9, $0x42EA0000, v2;
	v1 =	vsel vm1, $0x42740000, v1;
	[tilespmem:$0x1FF40] =	vst v0;
	v0 =	vsel vm13, $0x42A00000, v49  }
0x26: {  	v47 =	vsel vm0, $0x42780000, v1;
	v1 =	vsel vm13, $0x42C00000, v50;
	v0 =	vsel vm14, $0x42A20000, v0  }
0x27: {  	v2 =	vsel vm8, $0x42EC0000, v2;
	v1 =	vsel vm14, $0x42C20000, v1;
	v0 =	vsel vm12, $0x42A40000, v0  }
0x28: {  	v2 =	vsel vm7, $0x42EE0000, v2;
	v1 =	vsel vm12, $0x42C40000, v1;
	v0 =	vsel vm11, $0x42A60000, v0  }
0x29: {  	v2 =	vsel vm6, $0x42F00000, v2;
	v1 =	vsel vm11, $0x42C60000, v1;
	v0 =	vsel vm10, $0x42A80000, v0  }
0x2a: {  	v2 =	vsel vm5, $0x42F20000, v2;
	v1 =	vsel vm10, $0x42C80000, v1;
	v0 =	vsel vm9, $0x42AA0000, v0  }
0x2b: {  	v2 =	vsel vm4, $0x42F40000, v2;
	v1 =	vsel vm9, $0x42CA0000, v1;
	v0 =	vsel vm8, $0x42AC0000, v0  }
0x2c: {  	v2 =	vsel vm3, $0x42F60000, v2;
	v1 =	vsel vm8, $0x42CC0000, v1;
	v0 =	vsel vm7, $0x42AE0000, v0  }
0x2d: {  	v2 =	vsel vm2, $0x42F80000, v2;
	v1 =	vsel vm7, $0x42CE0000, v1;
	v0 =	vsel vm6, $0x42B00000, v0  }
0x2e: {  	v2 =	vsel vm1, $0x42FA0000, v2;
	v1 =	vsel vm6, $0x42D00000, v1;
	v0 =	vsel vm5, $0x42B20000, v0  }
0x2f: {  	v53 =	vsel vm0, $0x42FC0000, v2;
	v1 =	vsel vm5, $0x42D20000, v1;
	v0 =	vsel vm4, $0x42B40000, v0  }
0x30: {  	v2 =	vsel vm13, $0x43200000, v56;
	v1 =	vsel vm4, $0x42D40000, v1;
	v0 =	vsel vm3, $0x42B60000, v0  }
0x31: {  	v2 =	vsel vm14, $0x43210000, v2;
	v1 =	vsel vm3, $0x42D60000, v1;
	v0 =	vsel vm2, $0x42B80000, v0  }
0x32: {  	v2 =	vsel vm12, $0x43220000, v2;
	v1 =	vsel vm2, $0x42D80000, v1;
	v0 =	vsel vm1, $0x42BA0000, v0  }
0x33: {  	v2 =	vsel vm11, $0x43230000, v2;
	v1 =	vsel vm1, $0x42DA0000, v1;
	v0 =	vsel vm0, $0x42BC0000, v0  }
0x34: {  	v52 =	vsel vm0, $0x42DC0000, v1;
	v1 =	vsel vm13, $0x43100000, v55;
	[tilespmem:$0x1FF70] =	vst v0;
	v0 =	vsel vm13, $0x43000000, v54  }
0x35: {  	v2 =	vsel vm10, $0x43240000, v2;
	v1 =	vsel vm14, $0x43110000, v1;
	v0 =	vsel vm14, $0x43010000, v0  }
0x36: {  	v2 =	vsel vm9, $0x43250000, v2;
	v1 =	vsel vm12, $0x43120000, v1;
	v0 =	vsel vm12, $0x43020000, v0  }
0x37: {  	v2 =	vsel vm8, $0x43260000, v2;
	v1 =	vsel vm11, $0x43130000, v1;
	v0 =	vsel vm11, $0x43030000, v0  }
0x38: {  	v2 =	vsel vm7, $0x43270000, v2;
	v1 =	vsel vm10, $0x43140000, v1;
	v0 =	vsel vm10, $0x43040000, v0  }
0x39: {  	v2 =	vsel vm6, $0x43280000, v2;
	v1 =	vsel vm9, $0x43150000, v1;
	v0 =	vsel vm9, $0x43050000, v0  }
0x3a: {  	v2 =	vsel vm5, $0x43290000, v2;
	v1 =	vsel vm8, $0x43160000, v1;
	v0 =	vsel vm8, $0x43060000, v0  }
0x3b: {  	v2 =	vsel vm4, $0x432A0000, v2;
	v1 =	vsel vm7, $0x43170000, v1;
	v0 =	vsel vm7, $0x43070000, v0  }
0x3c: {  	v2 =	vsel vm3, $0x432B0000, v2;
	v1 =	vsel vm6, $0x43180000, v1;
	v0 =	vsel vm6, $0x43080000, v0  }
0x3d: {  	v2 =	vsel vm2, $0x432C0000, v2;
	v1 =	vsel vm5, $0x43190000, v1;
	v0 =	vsel vm5, $0x43090000, v0  }
0x3e: {  	v2 =	vsel vm1, $0x432D0000, v2;
	v1 =	vsel vm4, $0x431A0000, v1;
	v0 =	vsel vm4, $0x430A0000, v0  }
0x3f: {  	v58 =	vsel vm0, $0x432E0000, v2;
	v1 =	vsel vm3, $0x431B0000, v1;
	v0 =	vsel vm3, $0x430B0000, v0  }
0x40: {  	v2 =	vsel vm13, $0x43500000, v61;
	v1 =	vsel vm2, $0x431C0000, v1;
	v0 =	vsel vm2, $0x430C0000, v0  }
0x41: {  	v2 =	vsel vm14, $0x43510000, v2;
	v1 =	vsel vm1, $0x431D0000, v1;
	v0 =	vsel vm1, $0x430D0000, v0  }
0x42: {  	v57 =	vsel vm0, $0x431E0000, v1;
	v1 =	vsel vm13, $0x43400000, v60;
	v0 =	vsel vm0, $0x430E0000, v0  }
0x43: {  	v2 =	vsel vm12, $0x43520000, v2;
	v1 =	vsel vm14, $0x43410000, v1;
	[tilespmem:$0x1FFA0] =	vst v0;
	v0 =	vsel vm13, $0x43300000, v59  }
0x44: {  	v2 =	vsel vm11, $0x43530000, v2;
	v1 =	vsel vm12, $0x43420000, v1;
	v0 =	vsel vm14, $0x43310000, v0  }
0x45: {  	v2 =	vsel vm10, $0x43540000, v2;
	v1 =	vsel vm11, $0x43430000, v1;
	v0 =	vsel vm12, $0x43320000, v0  }
0x46: {  	s0 =	rddreg [dreg:$0x0];
	v2 =	vsel vm9, $0x43550000, v2;
	v1 =	vsel vm10, $0x43440000, v1;
	v0 =	vsel vm11, $0x43330000, v0  }
0x47: {  	s4 =	rddreg [dreg:$0x1];
	v2 =	vsel vm8, $0x43560000, v2;
	v1 =	vsel vm9, $0x43450000, v1;
	v0 =	vsel vm10, $0x43340000, v0  }
0x48: {  	s1 =	rddreg [dreg:$0x2];
	s3 =	simm.s32 $0x0;
	s2 =	stileid.u32;
	v2 =	vsel vm7, $0x43570000, v2;
	v1 =	vsel vm8, $0x43460000, v1;
	v0 =	vsel vm9, $0x43350000, v0  }
0x49: {  	s5 =	srdreg.scid;
	s10 =	simm.s32 $0x18980;
	s11 =	simm.s32 $0x19780;
	[tilespmem:$0x1FF30] =	vst v44;
	v2 =	vsel vm6, $0x43580000, v2;
	v1 =	vsel vm7, $0x43470000, v1;
	v0 =	vsel vm8, $0x43360000, v0  }
0x4a: {  	s12 =	simm.s32 $0x1A580;
	s13 =	simm.s32 $0x1B380;
	s14 =	simm.s32 $0x1;
	[tilespmem:$0x1FF60] =	vst v48;
	v2 =	vsel vm5, $0x43590000, v2;
	v1 =	vsel vm6, $0x43480000, v1;
	v0 =	vsel vm7, $0x43370000, v0  }
0x4b: {  	s15 =	simm.s32 $0x2;
	s16 =	simm.s32 $0x3;
	s17 =	simm.s32 $0x4;
	[tilespmem:$0x1FF50] =	vst v47;
	v2 =	vsel vm4, $0x435A0000, v2;
	v1 =	vsel vm5, $0x43490000, v1;
	v0 =	vsel vm6, $0x43380000, v0  }
0x4c: {  	s18 =	simm.s32 $0x0;
	[smem:$0x7FF] =	sst s3;
	s6 =	sshll.u32 s2, $0x1;
	[tilespmem:$0x1FF90] =	vst v53;
	v2 =	vsel vm3, $0x435B0000, v2;
	v1 =	vsel vm4, $0x434A0000, v1;
	v0 =	vsel vm5, $0x43390000, v0  }
0x4d: {  	s7 =	sshrl.u32 s2, $0x1;
	s5 =	sand.u32 $0x1, s5;
	s6 =	sand.u32 $0x2, s6;
	[tilespmem:$0x1FF80] =	vst v52;
	v2 =	vsel vm2, $0x435C0000, v2;
	v1 =	vsel vm3, $0x434B0000, v1;
	v0 =	vsel vm4, $0x433A0000, v0  }
0x4e: {  	s8 =	smul.u32 $0x60, s7;
	s7 =	sshll.u32 s7, $0x4;
	s6 =	sor.u32 s5, s6;
	[tilespmem:$0x1FFC0] =	vst v58;
	v2 =	vsel vm1, $0x435D0000, v2;
	v1 =	vsel vm2, $0x434C0000, v1;
	v0 =	vsel vm3, $0x433B0000, v0  }
0x4f: {  	s5 =	ssub.s32 $0x2, s5;
	s7 =	sadd.s32 s7, s4;
	s6 =	smul.u32 $0x18, s6;
	v63 =	vsel vm0, $0x435E0000, v2;
	[tilespmem:$0x1FFB0] =	vst v57;
	v1 =	vsel vm1, $0x434D0000, v1;
	v0 =	vsel vm2, $0x433C0000, v0  }
0x50: {  	s4 =	sadd.s32 $0xC00, s4;
	s9 =	sshrl.u32 s5, $0x1;
	_ =	strace $0x80000047;
	[tilespmem:$0x1FFF0] =	vst v63;
	v62 =	vsel vm0, $0x434E0000, v1;
	v0 =	vsel vm1, $0x433D0000, v0  }
0x51: {  	s9 =	ssub.s32 s5, s9;
	s5 =	sadd.s32 $0xA00, s7;
	s6 =	sadd.s32 s8, s6;
	[tilespmem:$0x1FFE0] =	vst v62;
	v0 =	vsel vm0, $0x433E0000, v0  }
0x52: {  	s7 =	smax.u32 s9, $0x1;
	s8 =	simm.s32 $0x5;
	s9 =	simm.s32 $0xC480;
	[tilespmem:$0x1FFD0] =	vst v0  }
.LBB2_1:
0x53: {  	[tilespmem:s3], [sflag:$0x5] =	stream.linear.gather [hbm4b:s5+s3], $0x80, $0x38;
	[tilespmem:$0x1C180] =	vst v63  }
0x54: {  	_ =	swait.ge [sflag:s8], $0x80  }
0x55: {  	[sflag:s8] =	ssyncset.done $0x0  }
0x56: {  	[sflag:s8] =	ssyncadd.s32 $0xFFFFFF80  }
0x57: {  	v0 =	vld [tilespmem:$0x0];
	_ =	sdelay $0x2  }
0x58: {  	v8 =	vld [tilespmem:$0x1FF30]  }
0x59: {  	v9 =	vld [tilespmem:$0x1FF40]  }
0x5a: {  	v10 =	vld [tilespmem:$0x1FF50];
	v1 =	vbroadcast v0, $0x0;
	v3 =	vbroadcast v0, $0x1  }
0x5b: {  	v11 =	vld [tilespmem:$0x1FF60];
	v4 =	vbroadcast v0, $0x2;
	v5 =	vsub.f32 $0.0e+00, v0;
	v0 =	vbroadcast v0, $0x3  }
0x5c: {  	v12 =	vld [tilespmem:$0x1FF70];
	v2 =	vshrl.u32 v1, $0x10  }
0x5d: {  	v13 =	vld [tilespmem:$0x1FF80];
	v7 =	vshrl.u32 v0, $0x10;
	v2 =	vand.u32 $0x1, v2  }
0x5e: {  	v16 =	vld [tilespmem:$0x1FF90];
	v7 =	vand.u32 $0x1, v7;
	v1 =	vadd.s32 v2, v1;
	v2 =	vshrl.u32 v3, $0x10  }
0x5f: {  	v17 =	vld [tilespmem:$0x1FFA0];
	v0 =	vadd.s32 v7, v0;
	v1 =	vadd.s32 $0x7FFF, v1;
	v2 =	vand.u32 $0x1, v2  }
0x60: {  	v18 =	vld [tilespmem:$0x1FFB0];
	v0 =	vadd.s32 $0x7FFF, v0;
	v2 =	vadd.s32 v2, v3;
	v1 =	vand.u32 $0xFFFF0000, v1  }
0x61: {  	v19 =	vld [tilespmem:$0x1FFC0];
	v3 =	vshrl.u32 v4, $0x10;
	v38 =	vmul.f32 v8, v1;
	v33 =	vmul.f32 v9, v1  }
0x62: {  	v20 =	vld [tilespmem:$0x1FFD0];
	v23 =	vand.u32 $0xFFFF0000, v0;
	v34 =	vmul.f32 v10, v1;
	v31 =	vmul.f32 v11, v1  }
0x63: {  	v21 =	vld [tilespmem:$0x1FFE0];
	v2 =	vadd.s32 $0x7FFF, v2;
	v32 =	vmul.f32 v12, v1;
	v26 =	vmul.f32 v13, v1  }
0x64: {  	v22 =	vld [tilespmem:$0x1FFF0];
	v3 =	vand.u32 $0x1, v3;
	v27 =	vmul.f32 v16, v1;
	v28 =	vmul.f32 v17, v1  }
0x65: {  	v35 =	vmul.f32 v18, v1;
	v3 =	vadd.s32 v3, v4;
	v4 =	vbroadcast v5, $0x4  }
0x66: {  	v36 =	vmul.f32 v19, v1;
	v5 =	vbroadcast v5, $0x5;
	v3 =	vadd.s32 $0x7FFF, v3  }
0x67: {  	v7 =	vld [tilespmem:$0x1FF20];
	v37 =	vmul.f32 v20, v1;
	v25 =	vand.u32 $0xFFFF0000, v3;
	v3 =	vshrl.u32 v4, $0x10  }
0x68: {  	v29 =	vmul.f32 v21, v1;
	v6 =	vshrl.u32 v5, $0x10;
	v3 =	vand.u32 $0x1, v3  }
0x69: {  	v30 =	vmul.f32 v22, v1;
	v6 =	vand.u32 $0x1, v6;
	v3 =	vadd.s32 v3, v4  }
0x6a: {  	v4 =	vadd.s32 v6, v5;
	v6 =	vmov s3;
	v3 =	vadd.s32 $0x7FFF, v3  }
0x6b: {  	v4 =	vadd.s32 $0x7FFF, v4;
	v6 =	vcvt.s32.f32 v6;
	v3 =	vand.u32 $0xFFFF0000, v3  }
0x6c: {  	v24 =	vmul.f32 v7, v1;
	v4 =	vand.u32 $0xFFFF0000, v4;
	v0 =	vmul.f32 v3, v1  }
0x6d: {  	v2 =	vand.u32 $0xFFFF0000, v2;
	v5 =	vmul.f32 v4, v25;
	v6 =	vbroadcast v6, $0x0  }
0x6e: {  	v40 =	vmul.f32 v7, v2;
	v3 =	vmul.f32 v3, v2  }
0x6f: {  	v4 =	vmul.f32 v4, v23;
	v14 =	vadd.f32 v5, v0;
	v0 =	vmul.f32 v25, v6  }
0x70: {  	v41 =	vmul.f32 v8, v2;
	v42 =	vmul.f32 v9, v2  }
0x71: {  	v43 =	vmul.f32 v10, v2;
	v15 =	vadd.f32 v4, v3;
	v1 =	vadd.f32 v0, v24  }
0x72: {  	v11 =	vmul.f32 v11, v2;
	v3 =	vadd.f32 v0, v38;
	v4 =	vadd.f32 v0, v33  }
0x73: {  	v45 =	vmul.f32 v12, v2;
	v5 =	vadd.f32 v0, v34;
	v7 =	vadd.f32 v0, v31  }
0x74: {  	v12 =	vmul.f32 v13, v2;
	v8 =	vadd.f32 v0, v32;
	v9 =	vadd.f32 v0, v26  }
0x75: {  	v16 =	vmul.f32 v16, v2;
	v46 =	vadd.f32 v0, v27;
	v47 =	vadd.f32 v0, v28  }
0x76: {  	v6 =	vmul.f32 v23, v6;
	v48 =	vadd.f32 v0, v35;
	v49 =	vadd.f32 v0, v36  }
0x77: {  	v17 =	vmul.f32 v17, v2;
	v50 =	vadd.f32 v0, v37;
	v51 =	vadd.f32 v0, v29  }
0x78: {  	v18 =	vmul.f32 v18, v2;
	v0 =	vadd.f32 v0, v30;
	v52 =	vadd.f32 v6, v40  }
0x79: {  	v19 =	vmul.f32 v19, v2;
	v53 =	vadd.f32 v6, v41;
	v54 =	vadd.f32 v6, v42  }
0x7a: {  	v20 =	vmul.f32 v20, v2;
	v55 =	vadd.f32 v6, v43;
	v56 =	vadd.f32 v6, v11  }
0x7b: {  	v21 =	vmul.f32 v21, v2;
	v57 =	vadd.f32 v6, v45;
	v58 =	vadd.f32 v6, v12  }
0x7c: {  	v22 =	vmul.f32 v22, v2;
	v59 =	vadd.f32 v6, v16;
	v2 =	vadd.f32 v6, v17  }
0x7d: {  	v60 =	vadd.f32 v6, v18;
	v61 =	vadd.f32 v6, v19  }
0x7e: {  	v62 =	vadd.f32 v6, v20;
	v63 =	vadd.f32 v6, v21  }
0x7f: {  	v6 =	vadd.f32 v6, v22;
	v1 =	vadd.f32 v1, v14  }
0x80: {  	v3 =	vadd.f32 v3, v14;
	v4 =	vadd.f32 v4, v14  }
0x81: {  	v5 =	vadd.f32 v5, v14;
	v7 =	vadd.f32 v7, v14  }
0x82: {  	v8 =	vadd.f32 v8, v14;
	v9 =	vadd.f32 v9, v14  }
0x83: {  	v46 =	vadd.f32 v46, v14;
	v47 =	vadd.f32 v47, v14  }
0x84: {  	v48 =	vadd.f32 v48, v14;
	v49 =	vadd.f32 v49, v14  }
0x85: {  	v50 =	vadd.f32 v50, v14;
	v51 =	vadd.f32 v51, v14  }
0x86: {  	v0 =	vadd.f32 v0, v14;
	v52 =	vadd.f32 v52, v15  }
0x87: {  	v53 =	vadd.f32 v53, v15;
	v54 =	vadd.f32 v54, v15  }
0x88: {  	s19 =	simm.s32 $0x1;
	v55 =	vadd.f32 v55, v15;
	v56 =	vadd.f32 v56, v15  }
0x89: {  	v10 =	vmov s19;
	v57 =	vadd.f32 v57, v15;
	v58 =	vadd.f32 v58, v15  }
0x8a: {  	v10 =	vcvt.s32.f32 v10;
	v59 =	vadd.f32 v59, v15;
	v2 =	vadd.f32 v2, v15  }
0x8b: {  	v60 =	vadd.f32 v60, v15;
	v61 =	vadd.f32 v61, v15  }
0x8c: {  	v10 =	vbroadcast v10, $0x0;
	v62 =	vadd.f32 v62, v15;
	v63 =	vadd.f32 v63, v15  }
0x8d: {  	v6 =	vadd.f32 v6, v15;
	v1 =	vmax.f32 v1, $0.0e+00;
	v3 =	vmax.f32 v3, $0.0e+00  }
0x8e: {  	v4 =	vmax.f32 v4, $0.0e+00;
	v5 =	vmax.f32 v5, $0.0e+00;
	v7 =	vmax.f32 v7, $0.0e+00  }
0x8f: {  	v8 =	vmax.f32 v8, $0.0e+00;
	v9 =	vmax.f32 v9, $0.0e+00;
	v46 =	vmax.f32 v46, $0.0e+00  }
0x90: {  	v47 =	vmax.f32 v47, $0.0e+00;
	v48 =	vmax.f32 v48, $0.0e+00;
	v49 =	vmax.f32 v49, $0.0e+00  }
0x91: {  	v50 =	vmax.f32 v50, $0.0e+00;
	v51 =	vmax.f32 v51, $0.0e+00;
	v0 =	vmax.f32 v0, $0.0e+00  }
0x92: {  	v52 =	vmax.f32 v52, $0.0e+00;
	v53 =	vmax.f32 v53, $0.0e+00;
	v54 =	vmax.f32 v54, $0.0e+00  }
0x93: {  	v55 =	vmax.f32 v55, $0.0e+00;
	v56 =	vmax.f32 v56, $0.0e+00;
	v57 =	vmax.f32 v57, $0.0e+00  }
0x94: {  	v58 =	vmax.f32 v58, $0.0e+00;
	v59 =	vmax.f32 v59, $0.0e+00;
	v2 =	vmax.f32 v2, $0.0e+00  }
0x95: {  	v60 =	vmax.f32 v60, $0.0e+00;
	v61 =	vmax.f32 v61, $0.0e+00;
	v62 =	vmax.f32 v62, $0.0e+00  }
0x96: {  	v63 =	vmax.f32 v63, $0.0e+00;
	v6 =	vmax.f32 v6, $0.0e+00;
	v1 =	vmin.f32 v1, $2.220000000e+02  }
0x97: {  	v3 =	vmin.f32 v3, $2.220000000e+02;
	v4 =	vmin.f32 v4, $2.220000000e+02;
	v5 =	vmin.f32 v5, $2.220000000e+02  }
0x98: {  	v7 =	vmin.f32 v7, $2.220000000e+02;
	v8 =	vmin.f32 v8, $2.220000000e+02;
	v9 =	vmin.f32 v9, $2.220000000e+02  }
0x99: {  	v46 =	vmin.f32 v46, $2.220000000e+02;
	v47 =	vmin.f32 v47, $2.220000000e+02;
	v48 =	vmin.f32 v48, $2.220000000e+02  }
0x9a: {  	v49 =	vmin.f32 v49, $2.220000000e+02;
	v50 =	vmin.f32 v50, $2.220000000e+02;
	v51 =	vmin.f32 v51, $2.220000000e+02  }
0x9b: {  	v0 =	vmin.f32 v0, $2.220000000e+02;
	v52 =	vmin.f32 v52, $2.220000000e+02;
	v1 =	vtrunc.f32 v1  }
0x9c: {  	v53 =	vmin.f32 v53, $2.220000000e+02;
	v3 =	vtrunc.f32 v3;
	v4 =	vtrunc.f32 v4  }
0x9d: {  	v54 =	vmin.f32 v54, $2.220000000e+02;
	v5 =	vtrunc.f32 v5;
	v7 =	vtrunc.f32 v7  }
0x9e: {  	v55 =	vmin.f32 v55, $2.220000000e+02;
	v8 =	vtrunc.f32 v8;
	v9 =	vtrunc.f32 v9  }
0x9f: {  	v56 =	vmin.f32 v56, $2.220000000e+02;
	v46 =	vtrunc.f32 v46;
	v47 =	vtrunc.f32 v47  }
0xa0: {  	v57 =	vmin.f32 v57, $2.220000000e+02;
	v48 =	vtrunc.f32 v48;
	v49 =	vtrunc.f32 v49  }
0xa1: {  	v58 =	vmin.f32 v58, $2.220000000e+02;
	v50 =	vtrunc.f32 v50;
	v51 =	vtrunc.f32 v51  }
0xa2: {  	v59 =	vmin.f32 v59, $2.220000000e+02;
	v0 =	vtrunc.f32 v0;
	v52 =	vtrunc.f32 v52  }
0xa3: {  	v2 =	vmin.f32 v2, $2.220000000e+02;
	v53 =	vtrunc.f32 v53;
	v54 =	vtrunc.f32 v54  }
0xa4: {  	v60 =	vmin.f32 v60, $2.220000000e+02;
	v55 =	vtrunc.f32 v55;
	v56 =	vtrunc.f32 v56  }
0xa5: {  	v61 =	vmin.f32 v61, $2.220000000e+02;
	v57 =	vtrunc.f32 v57;
	v58 =	vtrunc.f32 v58  }
0xa6: {  	v62 =	vmin.f32 v62, $2.220000000e+02;
	v59 =	vtrunc.f32 v59;
	v2 =	vtrunc.f32 v2  }
0xa7: {  	v63 =	vmin.f32 v63, $2.220000000e+02;
	v60 =	vtrunc.f32 v60;
	v61 =	vtrunc.f32 v61  }
0xa8: {  	v6 =	vmin.f32 v6, $2.220000000e+02;
	v62 =	vtrunc.f32 v62;
	v63 =	vtrunc.f32 v63  }
0xa9: {  	v6 =	vtrunc.f32 v6;
	v1 =	vcvt.f32.s32 v1  }
0xaa: {  	v3 =	vcvt.f32.s32 v3;
	v4 =	vcvt.f32.s32 v4  }
0xab: {  	v5 =	vcvt.f32.s32 v5;
	v7 =	vcvt.f32.s32 v7  }
0xac: {  	v8 =	vcvt.f32.s32 v8;
	v9 =	vcvt.f32.s32 v9  }
0xad: {  	v46 =	vcvt.f32.s32 v46;
	v47 =	vcvt.f32.s32 v47  }
0xae: {  	v48 =	vcvt.f32.s32 v48;
	v49 =	vcvt.f32.s32 v49  }
0xaf: {  	v50 =	vcvt.f32.s32 v50;
	v51 =	vcvt.f32.s32 v51  }
0xb0: {  	v0 =	vcvt.f32.s32 v0;
	v52 =	vcvt.f32.s32 v52  }
0xb1: {  	v53 =	vcvt.f32.s32 v53;
	v54 =	vcvt.f32.s32 v54  }
0xb2: {  	v55 =	vcvt.f32.s32 v55;
	v56 =	vcvt.f32.s32 v56  }
0xb3: {  	v57 =	vcvt.f32.s32 v57;
	v58 =	vcvt.f32.s32 v58  }
0xb4: {  	v59 =	vcvt.f32.s32 v59;
	v2 =	vcvt.f32.s32 v2  }
0xb5: {  	v60 =	vcvt.f32.s32 v60;
	v61 =	vcvt.f32.s32 v61  }
0xb6: {  	v62 =	vcvt.f32.s32 v62;
	v63 =	vcvt.f32.s32 v63  }
0xb7: {  	v6 =	vcvt.f32.s32 v6;
	v52 =	vmul.u32 $0xE0, v52;
	v53 =	vmul.u32 $0xE0, v53  }
0xb8: {  	v54 =	vmul.u32 $0xE0, v54;
	v55 =	vmul.u32 $0xE0, v55;
	v56 =	vmul.u32 $0xE0, v56  }
0xb9: {  	v57 =	vmul.u32 $0xE0, v57;
	v58 =	vmul.u32 $0xE0, v58;
	v59 =	vmul.u32 $0xE0, v59  }
0xba: {  	v2 =	vmul.u32 $0xE0, v2;
	v60 =	vmul.u32 $0xE0, v60;
	v61 =	vmul.u32 $0xE0, v61  }
0xbb: {  	v62 =	vmul.u32 $0xE0, v62;
	v63 =	vmul.u32 $0xE0, v63;
	v6 =	vmul.u32 $0xE0, v6  }
0xbc: {  	v1 =	vadd.s32 v1, v52;
	v3 =	vadd.s32 v3, v53;
	v4 =	vadd.s32 v4, v54  }
0xbd: {  	v5 =	vadd.s32 v5, v55;
	v7 =	vadd.s32 v7, v56;
	v8 =	vadd.s32 v8, v57  }
0xbe: {  	v9 =	vadd.s32 v9, v58;
	v52 =	vadd.s32 v46, v59;
	v2 =	vadd.s32 v47, v2  }
0xbf: {  	v53 =	vadd.s32 v48, v60;
	v54 =	vadd.s32 v49, v61;
	v55 =	vadd.s32 v50, v62  }
0xc0: {  	v56 =	vadd.s32 v51, v63;
	v47 =	vmul.f32 v25, v10;
	v0 =	vadd.s32 v0, v6  }
0xc1: {  	v10 =	vmul.f32 v23, v10;
	vm0 =	vgt.s32 v3, $0x0;
	vm1 =	vgt.s32 v4, $0x0  }
0xc2: {  	vm4 =	vgt.s32 v5, $0x0;
	vm5 =	vgt.s32 v7, $0x0;
	v6 =	vadd.f32 v47, v24  }
0xc3: {  	vm6 =	vgt.s32 v8, $0x0;
	v57 =	vadd.f32 v47, v38;
	v58 =	vadd.f32 v47, v34  }
0xc4: {  	vm7 =	vgt.s32 v9, $0x0;
	v59 =	vadd.f32 v47, v31;
	v60 =	vadd.f32 v47, v32  }
0xc5: {  	vm8 =	vgt.s32 v52, $0x0;
	v61 =	vadd.f32 v47, v27;
	v62 =	vadd.f32 v47, v28  }
0xc6: {  	vm9 =	vgt.s32 v1, $0x0;
	v63 =	vadd.f32 v47, v35;
	v13 =	vadd.f32 v47, v30  }
0xc7: {  	vm10 =	vgt.s32 v2, $0x0;
	v49 =	vadd.f32 v10, v40;
	v46 =	vadd.f32 v10, v12  }
0xc8: {  	[tilespmem:$0x1FDB0] =	vst v38;
	v3 =	vnsel vm0, $0x0, v3;
	v48 =	vadd.f32 v10, v18;
	v50 =	vadd.f32 v10, v20  }
0xc9: {  	v51 =	vadd.f32 v10, v21;
	[tilespmem:$0x1FE40] =	vst v3;
	v3 =	vnsel vm1, $0x0, v4;
	v4 =	vnsel vm5, $0x0, v7  }
0xca: {  	v44 =	vmovc v45;
	vm11 =	vgt.s32 v53, $0x0;
	v7 =	vadd.f32 v47, v26;
	[tilespmem:$0x1FE80] =	vst v4;
	v4 =	vadd.f32 v47, v36  }
0xcb: {  	[tilespmem:$0x1FE50] =	vst v3;
	v3 =	vnsel vm4, $0x0, v5;
	v5 =	vadd.f32 v10, v45;
	v45 =	vmovc v12;
	v12 =	vadd.f32 v57, v14  }
0xcc: {  	[tilespmem:$0x1FDC0] =	vst v33;
	vm12 =	vgt.s32 v54, $0x0;
	v58 =	vadd.f32 v58, v14;
	v59 =	vadd.f32 v59, v14  }
0xcd: {  	v60 =	vadd.f32 v60, v14;
	v61 =	vadd.f32 v61, v14;
	[tilespmem:$0x1FE30] =	vst v5;
	v5 =	vnsel vm8, $0x0, v52  }
0xce: {  	[tilespmem:$0x1FD90] =	vst v25;
	v25 =	vmovc v17;
	v52 =	vadd.f32 v10, v17;
	v17 =	vnsel vm9, $0x0, v1;
	v1 =	vadd.f32 v10, v22  }
0xcf: {  	vm13 =	vgt.s32 v55, $0x0;
	v62 =	vadd.f32 v62, v14;
	v63 =	vadd.f32 v63, v14;
	[tilespmem:$0x1FE00] =	vst v4  }
0xd0: {  	vm14 =	vgt.s32 v56, $0x0;
	v13 =	vadd.f32 v13, v14;
	v49 =	vadd.f32 v49, v15;
	[tilespmem:$0x1FE60] =	vst v1;
	v1 =	vld [tilespmem:$0x1FE00]  }
0xd1: {  	[tilespmem:$0x1FDE0] =	vst v31;
	vm15 =	vgt.s32 v0, $0x0;
	v31 =	vmovc v26;
	v46 =	vadd.f32 v46, v15;
	v48 =	vadd.f32 v48, v15  }
0xd2: {  	v38 =	vmovc v30;
	v30 =	vmovc v22;
	v0 =	vnsel vm15, $0x0, v0;
	v50 =	vadd.f32 v50, v15;
	v4 =	vadd.f32 v47, v37  }
0xd3: {  	v26 =	vmovc v18;
	v18 =	vnsel vm10, $0x0, v2;
	v51 =	vadd.f32 v51, v15;
	[tilespmem:$0x1FE70] =	vst v3;
	v3 =	vadd.f32 v47, v33  }
0xd4: {  	v33 =	vmovc v28;
	v28 =	vmovc v20;
	v7 =	vadd.f32 v7, v14;
	v20 =	vnsel vm12, $0x0, v54;
	v22 =	vnsel vm14, $0x0, v56;
	[tilespmem:$0x1FE10] =	vst v4  }
0xd5: {  	v12 =	vmax.f32 v12, $0.0e+00;
	v58 =	vmax.f32 v58, $0.0e+00;
	v57 =	vadd.f32 v1, v14;
	v1 =	vld [tilespmem:$0x1FE10]  }
0xd6: {  	v59 =	vmax.f32 v59, $0.0e+00;
	v60 =	vmax.f32 v60, $0.0e+00;
	v4 =	vnsel vm6, $0x0, v8  }
0xd7: {  	v61 =	vmax.f32 v61, $0.0e+00;
	v62 =	vmax.f32 v62, $0.0e+00;
	[tilespmem:$0x1FE90] =	vst v4;
	v4 =	vadd.f32 v10, v41  }
0xd8: {  	v63 =	vmax.f32 v63, $0.0e+00;
	v13 =	vmax.f32 v13, $0.0e+00;
	v49 =	vmax.f32 v49, $0.0e+00  }
0xd9: {  	v46 =	vmax.f32 v46, $0.0e+00;
	v48 =	vmax.f32 v48, $0.0e+00;
	v50 =	vmax.f32 v50, $0.0e+00;
	[tilespmem:$0x1FE20] =	vst v4  }
0xda: {  	[tilespmem:$0x1FEB0] =	vst v5;
	v5 =	vadd.f32 v6, v14;
	v7 =	vmax.f32 v7, $0.0e+00;
	v6 =	vadd.f32 v1, v14;
	v1 =	vld [tilespmem:$0x1FE20]  }
0xdb: {  	[tilespmem:$0x1FDA0] =	vst v24;
	v39 =	vmovc v40;
	v24 =	vmovc v23;
	v12 =	vmin.f32 v12, $2.220000000e+02;
	v58 =	vmin.f32 v58, $2.220000000e+02;
	v59 =	vmin.f32 v59, $2.220000000e+02  }
0xdc: {  	v40 =	vmovc v41;
	v23 =	vmovc v16;
	v60 =	vmin.f32 v60, $2.220000000e+02;
	v8 =	vadd.f32 v47, v29;
	v47 =	vadd.f32 v10, v16  }
0xdd: {  	[tilespmem:$0x1FED0] =	vst v0;
	v0 =	vld [tilespmem:$0x1FE40];
	v16 =	vadd.f32 v10, v19;
	v41 =	vmovc v42;
	v4 =	vnsel vm7, $0x0, v9;
	v9 =	vadd.f32 v10, v43  }
0xde: {  	[tilespmem:$0x1FEA0] =	vst v4;
	v4 =	vadd.f32 v10, v42;
	v42 =	vmovc v43;
	v43 =	vmov v11;
	v11 =	vadd.f32 v10, v11  }
0xdf: {  	[tilespmem:$0x1FDF0] =	vst v32;
	v32 =	vmovc v27;
	v61 =	vmin.f32 v61, $2.220000000e+02;
	v10 =	vadd.f32 v3, v14;
	v3 =	vadd.f32 v1, v15;
	v1 =	vld [tilespmem:$0x1FE30]  }
0xe0: {  	[tilespmem:$0x1FDD0] =	vst v34;
	v34 =	vmovc v35;
	v35 =	vmovc v36;
	v62 =	vmin.f32 v62, $2.220000000e+02;
	v63 =	vmin.f32 v63, $2.220000000e+02;
	v13 =	vmin.f32 v13, $2.220000000e+02  }
0xe1: {  	v27 =	vmovc v19;
	v36 =	vmovc v37;
	v49 =	vmin.f32 v49, $2.220000000e+02;
	v46 =	vmin.f32 v46, $2.220000000e+02;
	v19 =	vnsel vm11, $0x0, v53  }
0xe2: {  	v37 =	vmovc v29;
	v29 =	vmovc v21;
	v21 =	vnsel vm13, $0x0, v55;
	v53 =	vmin.u32 v0, $0xC31E;
	v0 =	vld [tilespmem:$0x1FE50];
	v5 =	vmax.f32 v5, $0.0e+00  }
0xe3: {  	v52 =	vadd.f32 v52, v15;
	v12 =	vtrunc.f32 v12;
	v5 =	vmin.f32 v5, $2.220000000e+02  }
0xe4: {  	v58 =	vtrunc.f32 v58;
	v5 =	vtrunc.f32 v5;
	v2 =	vadd.f32 v1, v15  }
0xe5: {  	v1 =	vadd.f32 v16, v15;
	v16 =	vtrunc.f32 v46;
	v46 =	vcvt.f32.s32 v5;
	v5 =	vld [tilespmem:$0x1FE90]  }
0xe6: {  	v7 =	vmin.f32 v7, $2.220000000e+02;
	v59 =	vtrunc.f32 v59;
	v60 =	vtrunc.f32 v60  }
0xe7: {  	v61 =	vtrunc.f32 v61;
	v47 =	vadd.f32 v47, v15;
	v56 =	vmin.u32 v0, $0xC31E;
	v0 =	vld [tilespmem:$0x1FE60]  }
0xe8: {  	v62 =	vtrunc.f32 v62;
	v63 =	vtrunc.f32 v63;
	v3 =	vmax.f32 v3, $0.0e+00  }
0xe9: {  	v52 =	vmax.f32 v52, $0.0e+00;
	v47 =	vmax.f32 v47, $0.0e+00;
	v3 =	vmin.f32 v3, $2.220000000e+02  }
0xea: {  	s19 =	simm.s32 $0xF0;
	v55 =	vtrunc.f32 v3;
	v3 =	vmin.f32 v48, $2.220000000e+02;
	[tilespmem:$0x1FEE0] =	vst v16;
	v5 =	vmin.u32 v5, $0xC31E  }
0xeb: {  	v52 =	vmin.f32 v52, $2.220000000e+02;
	v47 =	vmin.f32 v47, $2.220000000e+02;
	v3 =	vtrunc.f32 v3;
	[tilespmem:s19+$0xFFFFFFE0] =	vst v5;
	v5 =	vld [tilespmem:$0x1FEA0]  }
0xec: {  	v0 =	vadd.f32 v0, v15;
	v16 =	vtrunc.f32 v47;
	[tilespmem:$0x1FF10] =	vst v3;
	v2 =	vmax.f32 v2, $0.0e+00  }
0xed: {  	v13 =	vtrunc.f32 v13;
	[tilespmem:$0x1FEF0] =	vst v16;
	v16 =	vtrunc.f32 v52;
	v2 =	vmin.f32 v2, $2.220000000e+02  }
0xee: {  	v0 =	vmax.f32 v0, $0.0e+00;
	v1 =	vmax.f32 v1, $0.0e+00;
	[tilespmem:$0x1FF00] =	vst v16;
	v2 =	vtrunc.f32 v2  }
0xef: {  	v3 =	vmin.f32 v0, $2.220000000e+02;
	v1 =	vmin.f32 v1, $2.220000000e+02;
	v16 =	vld [tilespmem:$0x1FE80];
	[tilespmem:$0x1FEC0] =	vst v2;
	v2 =	vmin.f32 v50, $2.220000000e+02  }
0xf0: {  	v0 =	vtrunc.f32 v1;
	v1 =	vtrunc.f32 v2;
	v2 =	vld [tilespmem:$0x1FE70];
	v5 =	vmin.u32 v5, $0xC31E  }
0xf1: {  	v51 =	vmax.f32 v51, $0.0e+00;
	v54 =	vtrunc.f32 v49;
	v7 =	vtrunc.f32 v7;
	[tilespmem:s19+$0xFFFFFFF0] =	vst v5;
	v5 =	vld [tilespmem:$0x1FEB0]  }
0xf2: {  	v51 =	vmin.f32 v51, $2.220000000e+02;
	v58 =	vcvt.f32.s32 v58;
	v49 =	vcvt.f32.s32 v60  }
0xf3: {  	v60 =	vcvt.f32.s32 v61;
	v61 =	vcvt.f32.s32 v62;
	[tilespmem:s19+$0xFFFFFFA0] =	vst v53;
	v9 =	vadd.f32 v9, v15  }
0xf4: {  	v62 =	vcvt.f32.s32 v63;
	v4 =	vadd.f32 v4, v15;
	[tilespmem:s19+$0xFFFFFFB0] =	vst v56;
	v56 =	vmin.u32 v16, $0xC31E  }
0xf5: {  	v8 =	vadd.f32 v8, v14;
	v9 =	vmax.f32 v9, $0.0e+00;
	[tilespmem:s19+$0xFFFFFFD0] =	vst v56;
	v53 =	vmin.u32 v2, $0xC31E  }
0xf6: {  	v4 =	vmax.f32 v4, $0.0e+00;
	v9 =	vmin.f32 v9, $2.220000000e+02;
	[tilespmem:s19+$0xFFFFFFC0] =	vst v53;
	v5 =	vmin.u32 v5, $0xC31E  }
0xf7: {  	v4 =	vmin.f32 v4, $2.220000000e+02;
	v6 =	vmax.f32 v6, $0.0e+00;
	[tilespmem:s19+$0x0] =	vst v5;
	v5 =	vmin.u32 v17, $0xC31E  }
0xf8: {  	s20 =	sand.u32 $0xFFE0, s3;
	v9 =	vtrunc.f32 v9;
	v6 =	vmin.f32 v6, $2.220000000e+02;
	[tilespmem:s19+$0xFFFFFF90] =	vst v5;
	v5 =	vmin.u32 v18, $0xC31E  }
0xf9: {  	v4 =	vtrunc.f32 v4;
	v6 =	vtrunc.f32 v6;
	[tilespmem:s20+$0x100] =	vst v5;
	v5 =	vmin.u32 v19, $0xC31E  }
0xfa: {  	v2 =	vtrunc.f32 v51;
	v51 =	vcvt.f32.s32 v7;
	v7 =	vmin.u32 v22, $0xC31E;
	[tilespmem:s19+$0x20] =	vst v5  }
0xfb: {  	v8 =	vmax.f32 v8, $0.0e+00;
	v5 =	vcvt.f32.s32 v54;
	v54 =	vcvt.f32.s32 v55;
	[tilespmem:s19+$0x50] =	vst v7;
	v7 =	vld [tilespmem:$0x1FED0]  }
0xfc: {  	v8 =	vmin.f32 v8, $2.220000000e+02;
	v55 =	vcvt.f32.s32 v4;
	v4 =	vcvt.f32.s32 v9;
	v9 =	vld [tilespmem:$0x1FEF0]  }
0xfd: {  	v11 =	vadd.f32 v11, v15;
	v52 =	vcvt.f32.s32 v6;
	v6 =	vmin.u32 v20, $0xC31E  }
0xfe: {  	v10 =	vmax.f32 v10, $0.0e+00;
	v57 =	vmax.f32 v57, $0.0e+00;
	[tilespmem:s19+$0x30] =	vst v6;
	v6 =	vmin.u32 v21, $0xC31E  }
0xff: {  	v8 =	vtrunc.f32 v8;
	v10 =	vmin.f32 v10, $2.220000000e+02;
	v57 =	vmin.f32 v57, $2.220000000e+02;
	[tilespmem:s19+$0x40] =	vst v6;
	v6 =	vld [tilespmem:$0x1FEC0]  }
0x100: {  	v57 =	vtrunc.f32 v57;
	v53 =	vcvt.f32.s32 v8;
	v8 =	vmin.u32 v7, $0xC31E;
	v7 =	vld [tilespmem:$0x1FEE0]  }
0x101: {  	v11 =	vmax.f32 v11, $0.0e+00;
	v63 =	vcvt.f32.s32 v57;
	v57 =	vcvt.f32.s32 v9;
	v9 =	vld [tilespmem:$0x1FF10]  }
0x102: {  	v59 =	vcvt.f32.s32 v59;
	v10 =	vtrunc.f32 v10;
	v11 =	vmin.f32 v11, $2.220000000e+02;
	[tilespmem:s19+$0x60] =	vst v8;
	v8 =	vld [tilespmem:$0x1FF00]  }
0x103: {  	v11 =	vtrunc.f32 v11;
	v48 =	vcvt.f32.s32 v10  }
0x104: {  	v47 =	vcvt.f32.s32 v12;
	v3 =	vtrunc.f32 v3  }
0x105: {  	v50 =	vcvt.f32.s32 v13;
	v56 =	vcvt.f32.s32 v11  }
0x106: {  	v6 =	vcvt.f32.s32 v6;
	v7 =	vcvt.f32.s32 v7  }
0x107: {  	s21 =	simm.s32 $0x2;
	s20 =	simm.s32 $0x0;
	v9 =	vcvt.f32.s32 v9;
	v8 =	vcvt.f32.s32 v8  }
.LBB2_2:
0x108: {  	v0 =	vcvt.f32.s32 v0;
	v1 =	vcvt.f32.s32 v1  }
0x109: {  	v2 =	vcvt.f32.s32 v2;
	v3 =	vcvt.f32.s32 v3  }
0x10a: {  	v5 =	vmul.u32 $0xE0, v5;
	v11 =	vmul.u32 $0xE0, v54;
	v12 =	vmul.u32 $0xE0, v55  }
0x10b: {  	v4 =	vmul.u32 $0xE0, v4;
	v13 =	vmul.u32 $0xE0, v56;
	v6 =	vmul.u32 $0xE0, v6  }
0x10c: {  	v7 =	vmul.u32 $0xE0, v7;
	v57 =	vmul.u32 $0xE0, v57;
	v8 =	vmul.u32 $0xE0, v8  }
0x10d: {  	v9 =	vmul.u32 $0xE0, v9;
	v0 =	vmul.u32 $0xE0, v0;
	v1 =	vmul.u32 $0xE0, v1  }
0x10e: {  	v2 =	vmul.u32 $0xE0, v2;
	v3 =	vmul.u32 $0xE0, v3;
	v5 =	vadd.s32 v46, v5  }
0x10f: {  	v11 =	vadd.s32 v47, v11;
	v12 =	vadd.s32 v48, v12;
	v4 =	vadd.s32 v58, v4  }
0x110: {  	v13 =	vadd.s32 v59, v13;
	v6 =	vadd.s32 v49, v6;
	v7 =	vadd.s32 v51, v7  }
0x111: {  	v60 =	vadd.s32 v60, v57;
	v8 =	vadd.s32 v61, v8;
	v0 =	vadd.s32 v63, v0  }
0x112: {  	vm0 =	vgt.s32 v11, $0x0;
	v1 =	vadd.s32 v52, v1;
	v2 =	vadd.s32 v53, v2  }
0x113: {  	vm4 =	vgt.s32 v12, $0x0;
	v3 =	vadd.s32 v50, v3;
	v11 =	vnsel vm0, $0x0, v11  }
0x114: {  	s19 =	sadd.s32 $0xE0, s19;
	vm5 =	vgt.s32 v4, $0x0;
	v12 =	vnsel vm4, $0x0, v12;
	v11 =	vmin.u32 v11, $0xC31E  }
0x115: {  	vm7 =	vgt.s32 v6, $0x0;
	v4 =	vnsel vm5, $0x0, v4;
	v12 =	vmin.u32 v12, $0xC31E;
	[tilespmem:s19+$0xFFFFFFA0] =	vst v11  }
0x116: {  	vm6 =	vgt.s32 v13, $0x0;
	v6 =	vnsel vm7, $0x0, v6;
	v4 =	vmin.u32 v4, $0xC31E;
	[tilespmem:s19+$0xFFFFFFB0] =	vst v12  }
0x117: {  	vm8 =	vgt.s32 v7, $0x0;
	v11 =	vnsel vm6, $0x0, v13;
	[tilespmem:s19+$0xFFFFFFC0] =	vst v4;
	v4 =	vmin.u32 v6, $0xC31E  }
0x118: {  	vm9 =	vgt.s32 v60, $0x0;
	v6 =	vnsel vm8, $0x0, v7;
	v11 =	vmin.u32 v11, $0xC31E;
	[tilespmem:s19+$0xFFFFFFE0] =	vst v4  }
0x119: {  	vm1 =	vgt.s32 v5, $0x0;
	v7 =	vnsel vm9, $0x0, v60;
	v6 =	vmin.u32 v6, $0xC31E;
	[tilespmem:s19+$0xFFFFFFD0] =	vst v11  }
0x11a: {  	vm10 =	vgt.s32 v8, $0x0;
	v4 =	vnsel vm1, $0x0, v5;
	v5 =	vmin.u32 v7, $0xC31E;
	[tilespmem:s19+$0xFFFFFFF0] =	vst v6  }
0x11b: {  	s20 =	sadd.s32 $0xE0, s20;
	vm12 =	vgt.s32 v0, $0x0;
	v4 =	vmin.u32 v4, $0xC31E;
	v6 =	vnsel vm10, $0x0, v8;
	[tilespmem:s19+$0x0] =	vst v5  }
0x11c: {  	s22 =	sand.u32 $0xFFE0, s20;
	vm13 =	vgt.s32 v1, $0x0;
	v0 =	vnsel vm12, $0x0, v0;
	v5 =	vmin.u32 v6, $0xC31E;
	[tilespmem:s19+$0xFFFFFF90] =	vst v4  }
0x11d: {  	vm15 =	vgt.s32 v3, $0x0;
	v1 =	vnsel vm13, $0x0, v1;
	v0 =	vmin.u32 v0, $0xC31E;
	[tilespmem:s22+$0x100] =	vst v5  }
0x11e: {  	vm14 =	vgt.s32 v2, $0x0;
	v3 =	vnsel vm15, $0x0, v3;
	v1 =	vmin.u32 v1, $0xC31E;
	[tilespmem:s19+$0x30] =	vst v0  }
0x11f: {  	v9 =	vadd.s32 v62, v9;
	v2 =	vnsel vm14, $0x0, v2;
	v5 =	vld [tilespmem:$0x1FDD0];
	[tilespmem:s19+$0x40] =	vst v1;
	v1 =	vmin.u32 v3, $0xC31E  }
0x120: {  	v10 =	vmov s21;
	vm11 =	vgt.s32 v9, $0x0;
	v2 =	vmin.u32 v2, $0xC31E;
	[tilespmem:s19+$0x60] =	vst v1;
	v1 =	vld [tilespmem:$0x1FD90]  }
0x121: {  	v6 =	vnsel vm11, $0x0, v9;
	v0 =	vcvt.s32.f32 v10;
	[tilespmem:s19+$0x50] =	vst v2;
	v2 =	vld [tilespmem:$0x1FDA0]  }
0x122: {  	v4 =	vmin.u32 v6, $0xC31E;
	v3 =	vld [tilespmem:$0x1FDB0]  }
0x123: {  	[tilespmem:s19+$0x20] =	vst v4;
	v4 =	vld [tilespmem:$0x1FDC0];
	v0 =	vbroadcast v0, $0x0  }
0x124: {  	v6 =	vld [tilespmem:$0x1FDE0]  }
0x125: {  	v7 =	vld [tilespmem:$0x1FDF0];
	v1 =	vmul.f32 v1, v0;
	_ =	sdelay $0x1  }
0x126: {  	v2 =	vadd.f32 v1, v2  }
0x127: {  	v3 =	vadd.f32 v1, v3;
	v4 =	vadd.f32 v1, v4  }
0x128: {  	v5 =	vadd.f32 v1, v5;
	v6 =	vadd.f32 v1, v6  }
0x129: {  	v7 =	vadd.f32 v1, v7;
	v8 =	vadd.f32 v1, v31  }
0x12a: {  	v9 =	vadd.f32 v1, v32;
	v10 =	vadd.f32 v1, v33  }
0x12b: {  	v0 =	vmul.f32 v24, v0;
	v11 =	vadd.f32 v1, v34;
	v12 =	vadd.f32 v1, v35  }
0x12c: {  	v13 =	vadd.f32 v1, v36;
	v46 =	vadd.f32 v1, v37  }
0x12d: {  	v1 =	vadd.f32 v1, v38;
	v47 =	vadd.f32 v0, v39  }
0x12e: {  	v48 =	vadd.f32 v0, v40;
	v49 =	vadd.f32 v0, v41  }
0x12f: {  	v50 =	vadd.f32 v0, v42;
	v51 =	vadd.f32 v0, v43  }
0x130: {  	v52 =	vadd.f32 v0, v44;
	v53 =	vadd.f32 v0, v45  }
0x131: {  	v62 =	vadd.f32 v0, v23;
	v63 =	vadd.f32 v0, v25  }
0x132: {  	v18 =	vadd.f32 v0, v26;
	v19 =	vadd.f32 v0, v27  }
0x133: {  	v60 =	vadd.f32 v0, v28;
	v61 =	vadd.f32 v0, v29  }
0x134: {  	v0 =	vadd.f32 v0, v30;
	v2 =	vadd.f32 v2, v14  }
0x135: {  	v3 =	vadd.f32 v3, v14;
	v4 =	vadd.f32 v4, v14  }
0x136: {  	v5 =	vadd.f32 v5, v14;
	v6 =	vadd.f32 v6, v14  }
0x137: {  	v7 =	vadd.f32 v7, v14;
	v8 =	vadd.f32 v8, v14  }
0x138: {  	v9 =	vadd.f32 v9, v14;
	v10 =	vadd.f32 v10, v14  }
0x139: {  	v11 =	vadd.f32 v11, v14;
	v12 =	vadd.f32 v12, v14  }
0x13a: {  	v13 =	vadd.f32 v13, v14;
	v46 =	vadd.f32 v46, v14  }
0x13b: {  	v1 =	vadd.f32 v1, v14;
	v47 =	vadd.f32 v47, v15  }
0x13c: {  	v48 =	vadd.f32 v48, v15;
	v49 =	vadd.f32 v49, v15  }
0x13d: {  	v50 =	vadd.f32 v50, v15;
	v51 =	vadd.f32 v51, v15  }
0x13e: {  	v52 =	vadd.f32 v52, v15;
	v53 =	vadd.f32 v53, v15  }
0x13f: {  	v54 =	vadd.f32 v62, v15;
	v55 =	vadd.f32 v63, v15  }
0x140: {  	v56 =	vadd.f32 v18, v15;
	v57 =	vadd.f32 v19, v15  }
0x141: {  	v58 =	vadd.f32 v60, v15;
	v59 =	vadd.f32 v61, v15  }
0x142: {  	v2 =	vmax.f32 v2, $0.0e+00;
	v3 =	vmax.f32 v3, $0.0e+00;
	v4 =	vmax.f32 v4, $0.0e+00  }
0x143: {  	v5 =	vmax.f32 v5, $0.0e+00;
	v6 =	vmax.f32 v6, $0.0e+00;
	v7 =	vmax.f32 v7, $0.0e+00  }
0x144: {  	v8 =	vmax.f32 v8, $0.0e+00;
	v9 =	vmax.f32 v9, $0.0e+00;
	v10 =	vmax.f32 v10, $0.0e+00  }
0x145: {  	v11 =	vmax.f32 v11, $0.0e+00;
	v12 =	vmax.f32 v12, $0.0e+00;
	v13 =	vmax.f32 v13, $0.0e+00  }
0x146: {  	v46 =	vmax.f32 v46, $0.0e+00;
	v1 =	vmax.f32 v1, $0.0e+00;
	v47 =	vmax.f32 v47, $0.0e+00  }
0x147: {  	v48 =	vmax.f32 v48, $0.0e+00;
	v49 =	vmax.f32 v49, $0.0e+00;
	v50 =	vmax.f32 v50, $0.0e+00  }
0x148: {  	v51 =	vmax.f32 v51, $0.0e+00;
	v52 =	vmax.f32 v52, $0.0e+00;
	v53 =	vmax.f32 v53, $0.0e+00  }
0x149: {  	v54 =	vmax.f32 v54, $0.0e+00;
	v55 =	vmax.f32 v55, $0.0e+00;
	v56 =	vmax.f32 v56, $0.0e+00  }
0x14a: {  	v57 =	vmax.f32 v57, $0.0e+00;
	v2 =	vmin.f32 v2, $2.220000000e+02;
	v3 =	vmin.f32 v3, $2.220000000e+02  }
0x14b: {  	v4 =	vmin.f32 v4, $2.220000000e+02;
	v5 =	vmin.f32 v5, $2.220000000e+02;
	v6 =	vmin.f32 v6, $2.220000000e+02  }
0x14c: {  	v7 =	vmin.f32 v7, $2.220000000e+02;
	v8 =	vmin.f32 v8, $2.220000000e+02;
	v9 =	vmin.f32 v9, $2.220000000e+02  }
0x14d: {  	v10 =	vmin.f32 v10, $2.220000000e+02;
	v11 =	vmin.f32 v11, $2.220000000e+02;
	v12 =	vmin.f32 v12, $2.220000000e+02  }
0x14e: {  	v13 =	vmin.f32 v13, $2.220000000e+02;
	v46 =	vmin.f32 v46, $2.220000000e+02;
	v1 =	vmin.f32 v1, $2.220000000e+02  }
0x14f: {  	v47 =	vmin.f32 v47, $2.220000000e+02;
	v60 =	vtrunc.f32 v2;
	v61 =	vtrunc.f32 v3  }
0x150: {  	v48 =	vmin.f32 v48, $2.220000000e+02;
	v4 =	vtrunc.f32 v4;
	v5 =	vtrunc.f32 v5  }
0x151: {  	v62 =	vmin.f32 v53, $2.220000000e+02;
	v6 =	vtrunc.f32 v6;
	v7 =	vtrunc.f32 v7  }
0x152: {  	v63 =	vmin.f32 v54, $2.220000000e+02;
	v8 =	vtrunc.f32 v8;
	v9 =	vtrunc.f32 v9  }
0x153: {  	v2 =	vmin.f32 v49, $2.220000000e+02;
	v10 =	vtrunc.f32 v10;
	v11 =	vtrunc.f32 v11  }
0x154: {  	v3 =	vmin.f32 v50, $2.220000000e+02;
	v12 =	vtrunc.f32 v12;
	v13 =	vtrunc.f32 v13  }
0x155: {  	v49 =	vmin.f32 v51, $2.220000000e+02;
	v53 =	vtrunc.f32 v46;
	v54 =	vtrunc.f32 v1  }
0x156: {  	v1 =	vmin.f32 v55, $2.220000000e+02;
	v55 =	vtrunc.f32 v47;
	v16 =	vtrunc.f32 v48  }
0x157: {  	v50 =	vmin.f32 v52, $2.220000000e+02;
	v19 =	vtrunc.f32 v62;
	v20 =	vtrunc.f32 v63  }
0x158: {  	v48 =	vmin.f32 v56, $2.220000000e+02;
	v56 =	vtrunc.f32 v2;
	v17 =	vtrunc.f32 v3  }
0x159: {  	v2 =	vmin.f32 v57, $2.220000000e+02;
	v57 =	vtrunc.f32 v49;
	v18 =	vtrunc.f32 v50  }
0x15a: {  	v58 =	vmax.f32 v58, $0.0e+00;
	v21 =	vtrunc.f32 v1;
	v22 =	vtrunc.f32 v48  }
0x15b: {  	v59 =	vmax.f32 v59, $0.0e+00;
	v46 =	vcvt.f32.s32 v60;
	v47 =	vcvt.f32.s32 v61  }
0x15c: {  	v3 =	vmin.f32 v58, $2.220000000e+02;
	v48 =	vcvt.f32.s32 v4;
	v58 =	vcvt.f32.s32 v5  }
0x15d: {  	v62 =	vmin.f32 v59, $2.220000000e+02;
	v59 =	vcvt.f32.s32 v6;
	v49 =	vcvt.f32.s32 v7  }
0x15e: {  	v51 =	vcvt.f32.s32 v8;
	v60 =	vcvt.f32.s32 v9  }
0x15f: {  	v0 =	vadd.f32 v0, v15;
	v61 =	vcvt.f32.s32 v10;
	v52 =	vcvt.f32.s32 v13  }
0x160: {  	v53 =	vcvt.f32.s32 v53;
	v50 =	vcvt.f32.s32 v54  }
0x161: {  	v0 =	vmax.f32 v0, $0.0e+00;
	v5 =	vcvt.f32.s32 v55;
	v54 =	vcvt.f32.s32 v16  }
0x162: {  	v63 =	vmin.f32 v0, $2.220000000e+02;
	v7 =	vcvt.f32.s32 v19;
	v0 =	vtrunc.f32 v2  }
0x163: {  	p0 =	sne.s32 s21, $0xDF;
	v1 =	vtrunc.f32 v3;
	v2 =	vtrunc.f32 v62  }
.Ltmp0:
0x164: {  	v3 =	vtrunc.f32 v63;
	v62 =	vcvt.f32.s32 v11;
	(pc) =	sbr.rel @p0 .LBB2_2-.Ltmp0, $4  }
0x165: {  	v63 =	vcvt.f32.s32 v12;
	v55 =	vcvt.f32.s32 v56  }
0x166: {  	v4 =	vcvt.f32.s32 v17;
	v56 =	vcvt.f32.s32 v57  }
0x167: {  	v6 =	vcvt.f32.s32 v18;
	v57 =	vcvt.f32.s32 v20  }
0x168: {  	s21 =	sadd.s32 $0x1, s21;
	v8 =	vcvt.f32.s32 v21;
	v9 =	vcvt.f32.s32 v22  }
0x169: {  	v0 =	vcvt.f32.s32 v0;
	v1 =	vcvt.f32.s32 v1;
	v5 =	vmul.u32 $0xE0, v5  }
0x16a: {  	v2 =	vcvt.f32.s32 v2;
	v3 =	vcvt.f32.s32 v3;
	v10 =	vmul.u32 $0xE0, v54  }
0x16b: {  	v11 =	vmul.u32 $0xE0, v55;
	v4 =	vmul.u32 $0xE0, v4;
	v12 =	vmul.u32 $0xE0, v56  }
0x16c: {  	v6 =	vmul.u32 $0xE0, v6;
	v7 =	vmul.u32 $0xE0, v7;
	v13 =	vmul.u32 $0xE0, v57  }
0x16d: {  	v8 =	vmul.u32 $0xE0, v8;
	v9 =	vmul.u32 $0xE0, v9;
	v0 =	vmul.u32 $0xE0, v0  }
0x16e: {  	v1 =	vmul.u32 $0xE0, v1;
	v2 =	vmul.u32 $0xE0, v2;
	v5 =	vadd.s32 v46, v5  }
0x16f: {  	v10 =	vadd.s32 v47, v10;
	v3 =	vmul.u32 $0xE0, v3;
	v11 =	vadd.s32 v48, v11  }
0x170: {  	v4 =	vadd.s32 v58, v4;
	v12 =	vadd.s32 v59, v12;
	v6 =	vadd.s32 v49, v6  }
0x171: {  	v7 =	vadd.s32 v51, v7;
	v13 =	vadd.s32 v60, v13;
	v51 =	vmax.f32 v14, $0.0e+00  }
0x172: {  	v8 =	vadd.s32 v61, v8;
	v9 =	vadd.s32 v62, v9;
	vm0 =	vgt.s32 v10, $0x0  }
0x173: {  	vm4 =	vgt.s32 v11, $0x0;
	vm5 =	vgt.s32 v4, $0x0;
	vm1 =	vgt.s32 v12, $0x0  }
0x174: {  	vm6 =	vgt.s32 v6, $0x0;
	vm7 =	vgt.s32 v7, $0x0;
	vm8 =	vgt.s32 v13, $0x0  }
0x175: {  	vm9 =	vgt.s32 v5, $0x0;
	v0 =	vadd.s32 v63, v0;
	v1 =	vadd.s32 v52, v1  }
0x176: {  	v2 =	vadd.s32 v53, v2;
	v10 =	vnsel vm0, $0x0, v10;
	v3 =	vadd.s32 v50, v3  }
0x177: {  	v11 =	vnsel vm4, $0x0, v11;
	v4 =	vnsel vm5, $0x0, v4;
	v12 =	vnsel vm1, $0x0, v12  }
0x178: {  	v6 =	vnsel vm6, $0x0, v6;
	v7 =	vnsel vm7, $0x0, v7;
	v13 =	vnsel vm8, $0x0, v13  }
0x179: {  	s19 =	sadd.s32 $0xE0, s19;
	v5 =	vnsel vm9, $0x0, v5;
	vm10 =	vgt.s32 v8, $0x0;
	v10 =	vmin.u32 v10, $0xC31E  }
0x17a: {  	v53 =	vmin.f32 v51, $2.220000000e+02;
	vm11 =	vgt.s32 v9, $0x0;
	v11 =	vmin.u32 v11, $0xC31E;
	[tilespmem:s19+$0xFFFFFFA0] =	vst v10  }
0x17b: {  	v4 =	vmin.u32 v4, $0xC31E;
	v12 =	vmin.u32 v12, $0xC31E;
	v6 =	vmin.u32 v6, $0xC31E;
	[tilespmem:s19+$0xFFFFFFB0] =	vst v11  }
0x17c: {  	v7 =	vmin.u32 v7, $0xC31E;
	v50 =	vmin.u32 v13, $0xC31E;
	v13 =	vmax.f32 v15, $0.0e+00;
	[tilespmem:s19+$0xFFFFFFC0] =	vst v4  }
0x17d: {  	v52 =	vmin.u32 v5, $0xC31E;
	v54 =	vmin.f32 v13, $2.220000000e+02;
	[tilespmem:s19+$0xFFFFFFD0] =	vst v12;
	v12 =	vtrunc.f32 v53  }
0x17e: {  	v8 =	vnsel vm10, $0x0, v8;
	[tilespmem:s19+$0xFFFFFFE0] =	vst v6;
	v13 =	vtrunc.f32 v54;
	v55 =	vcvt.f32.s32 v12  }
0x17f: {  	v57 =	vnsel vm11, $0x0, v9;
	vm12 =	vgt.s32 v0, $0x0;
	[tilespmem:s19+$0xFFFFFFF0] =	vst v7;
	v12 =	vcvt.f32.s32 v13  }
0x180: {  	s20 =	sadd.s32 $0xE0, s20;
	vm13 =	vgt.s32 v1, $0x0;
	vm14 =	vgt.s32 v2, $0x0;
	[tilespmem:s19+$0x0] =	vst v50;
	v6 =	vcvt.s32.f32 v55  }
0x181: {  	s20 =	sand.u32 $0xFFE0, s20;
	vm15 =	vgt.s32 v3, $0x0;
	v56 =	vmin.u32 v8, $0xC31E;
	[tilespmem:s19+$0xFFFFFF90] =	vst v52;
	v58 =	vcvt.s32.f32 v12  }
0x182: {  	v59 =	vmin.u32 v57, $0xC31E;
	v0 =	vnsel vm12, $0x0, v0;
	[tilespmem:s20+$0x100] =	vst v56;
	v5 =	vsub.f32 v53, v6  }
0x183: {  	v1 =	vnsel vm13, $0x0, v1;
	v0 =	vmin.u32 v0, $0xC31E;
	[tilespmem:s19+$0x20] =	vst v59;
	v60 =	vsub.f32 v54, v58  }
0x184: {  	v2 =	vnsel vm14, $0x0, v2;
	v1 =	vmin.u32 v1, $0xC31E;
	[tilespmem:s19+$0x30] =	vst v0;
	v61 =	vsub.f32 $1.000000000e+00, v5  }
0x185: {  	v3 =	vnsel vm15, $0x0, v3;
	v2 =	vmin.u32 v2, $0xC31E;
	[tilespmem:s19+$0x40] =	vst v1;
	v62 =	vsub.f32 $1.000000000e+00, v60  }
0x186: {  	v63 =	vmin.u32 v3, $0xC31E;
	[tilespmem:s19+$0x50] =	vst v2;
	v17 =	vmul.f32 v60, v5;
	v16 =	vmul.f32 v61, v60  }
0x187: {  	s20 =	simm.s32 $0x0;
	[tilespmem:s19+$0x60] =	vst v63;
	s19 =	simm.s32 $0x0;
	v14 =	vmul.f32 v62, v61;
	v15 =	vmul.f32 v62, v5  }
.LBB2_4:
0x188: {  	s21 =	sadd.s32 s20, s6  }
0x189: {  	s21 =	smul.u32 $0xC400, s21;
	_ =	sdelay $0x1  }
0x18a: {  	s21 =	sshrl.u32 s21, $0x3  }
0x18b: {  	s22 =	sadd.s32 s0, s21  }
0x18c: {  	[tilespmem:s9], [sflag:$0x5] =	stream.linear.gather [hbm4b:s22+s19], $0xC400, $0x38;
	[tilespmem:$0x1C180] =	vst v63  }
0x18d: {  	_ =	swait.ge [sflag:s8], $0xC400  }
0x18e: {  	[sflag:s8] =	ssyncset.done $0x0  }
0x18f: {  	s22 =	simm.s32 $0x0;
	[sflag:s8] =	ssyncadd.s32 $0xFFFF3C00  }
0x190: {  	v19 =	vld [tilespmem:s22+$0xC5B1]  }
0x191: {  	v0 =	vld [tilespmem:s22+$0xC590]  }
0x192: {  	v21 =	vld [tilespmem:s22+$0xC561]  }
0x193: {  	v18 =	vld [tilespmem:s22+$0xC5D1]  }
0x194: {  	v1 =	vld [tilespmem:s22+$0xC581]  }
0x195: {  	v2 =	vld [tilespmem:s22+$0xC580]  }
0x196: {  	v3 =	vld [tilespmem:s22+$0xC570]  }
0x197: {  	v20 =	vld [tilespmem:s22+$0xC5D0]  }
0x198: {  	v4 =	vld [tilespmem:s22+$0xC4A0]  }
0x199: {  	v5 =	vld [tilespmem:s22+$0xC560]  }
0x19a: {  	v6 =	vld [tilespmem:s22+$0xC4F1]  }
0x19b: {  	v7 =	vld [tilespmem:s22+$0xC491]  }
0x19c: {  	v8 =	vld [tilespmem:s22+$0xC4C1]  }
0x19d: {  	v9 =	vld [tilespmem:s22+$0xC4D1]  }
0x19e: {  	v10 =	vld [tilespmem:s22+$0xC4A1]  }
0x19f: {  	v11 =	vld [tilespmem:s22+$0xC4C0]  }
0x1a0: {  	v12 =	vld [tilespmem:s22+$0xC490]  }
0x1a1: {  	v13 =	vld [tilespmem:s22+$0xC4B1]  }
0x1a2: {  	v22 =	vld [tilespmem:s22+$0xC481]  }
0x1a3: {  	v26 =	vld [tilespmem:s22+$0xC4F0];
	v24 =	vmul.f32 v8, v15;
	v4 =	vmul.f32 v4, v14  }
0x1a4: {  	v30 =	vld [tilespmem:s22+$0xC4D0];
	v23 =	vmul.f32 v9, v15;
	v9 =	vmul.f32 v10, v15  }
0x1a5: {  	v8 =	vld [tilespmem:s22+$0xC5A0];
	v6 =	vmul.f32 v6, v15;
	v25 =	vmul.f32 v5, v16  }
0x1a6: {  	v10 =	vld [tilespmem:s22+$0xC4B0];
	v31 =	vmul.f32 v3, v16;
	v3 =	vmul.f32 v1, v17  }
0x1a7: {  	v5 =	vld [tilespmem:s22+$0xC480];
	v2 =	vmul.f32 v2, v16;
	v32 =	vmul.f32 v22, v15;
	v1 =	vadd.f32 v9, v4  }
0x1a8: {  	v22 =	vmul.f32 v0, v16;
	v9 =	vmul.f32 v13, v15;
	v13 =	vld [tilespmem:s22+$0xC4E0]  }
0x1a9: {  	v33 =	vld [tilespmem:s22+$0xC571];
	v7 =	vmul.f32 v7, v15;
	v4 =	vmul.f32 v11, v14;
	v0 =	vadd.f32 v2, v1  }
0x1aa: {  	v28 =	vld [tilespmem:s22+$0xC5C0];
	v1 =	vmul.f32 v8, v16;
	v8 =	vmul.f32 v12, v14  }
0x1ab: {  	v27 =	vld [tilespmem:s22+$0xC5B0];
	v2 =	vmul.f32 v26, v14;
	v12 =	vadd.f32 v3, v0;
	v0 =	vmul.f32 v10, v14  }
0x1ac: {  	v29 =	vld [tilespmem:s22+$0xC5A1];
	v10 =	vmul.f32 v5, v14;
	v5 =	vmul.f32 v30, v14;
	v7 =	vadd.f32 v7, v8  }
0x1ad: {  	v30 =	vld [tilespmem:s22+$0xC4E1];
	v3 =	vadd.f32 v6, v2;
	v26 =	vmul.f32 v13, v14;
	v0 =	vadd.f32 v9, v0  }
0x1ae: {  	s23 =	simm.s32 $0x200;
	v2 =	vld [tilespmem:s22+$0xC5C1];
	v8 =	vmul.f32 v33, v17;
	[tilespmem:s22+$0xC4A0] =	vst v12;
	v6 =	vadd.f32 v32, v10;
	v7 =	vadd.f32 v31, v7  }
.LBB2_5:
0x1af: {  	s24 =	sshra.s32 s23, $0x2;
	p0 =	sne.s32 s23, $0x30E00;
	s23 =	sadd.s32 $0x200, s23;
	v9 =	vld [tilespmem:s22+$0xC591];
	v10 =	vmul.f32 v21, v17;
	v4 =	vadd.f32 v24, v4;
	v11 =	vmul.f32 v28, v16  }
0x1b0: {  	v5 =	vadd.f32 v23, v5;
	v12 =	vld [tilespmem:s24+$0xC5B1];
	v7 =	vadd.f32 v8, v7;
	v8 =	vmul.f32 v27, v16  }
0x1b1: {  	v6 =	vadd.f32 v25, v6;
	v13 =	vld [tilespmem:s24+$0xC590];
	v1 =	vadd.f32 v1, v4;
	v4 =	vmul.f32 v29, v17  }
0x1b2: {  	v21 =	vld [tilespmem:s24+$0xC561];
	v5 =	vadd.f32 v8, v5;
	v8 =	vmul.f32 v19, v17;
	v23 =	vmul.f32 v30, v15;
	[tilespmem:s22+$0xC490] =	vst v7  }
0x1b3: {  	v6 =	vadd.f32 v10, v6;
	v7 =	vld [tilespmem:s24+$0xC5D1];
	v1 =	vadd.f32 v4, v1;
	v4 =	vmul.f32 v20, v16  }
0x1b4: {  	v10 =	vld [tilespmem:s24+$0xC581];
	v5 =	vadd.f32 v8, v5;
	v8 =	vadd.f32 v23, v26  }
0x1b5: {  	v26 =	vld [tilespmem:s24+$0xC580];
	v3 =	vadd.f32 v4, v3;
	v4 =	vmul.f32 v18, v17;
	[tilespmem:s22+$0xC4C0] =	vst v1;
	v19 =	vmov v12  }
0x1b6: {  	v2 =	vmul.f32 v2, v17;
	v1 =	vld [tilespmem:s24+$0xC570];
	v8 =	vadd.f32 v11, v8;
	[tilespmem:s22+$0xC480] =	vst v6  }
0x1b7: {  	v0 =	vadd.f32 v22, v0;
	v6 =	vmul.f32 v9, v17;
	v20 =	vld [tilespmem:s24+$0xC5D0];
	v3 =	vadd.f32 v4, v3;
	[tilespmem:s22+$0xC4D0] =	vst v5  }
0x1b8: {  	v4 =	vld [tilespmem:s24+$0xC4A0];
	v2 =	vadd.f32 v2, v8;
	v18 =	vmov v7  }
0x1b9: {  	v0 =	vadd.f32 v6, v0;
	v5 =	vld [tilespmem:s24+$0xC560];
	[tilespmem:s22+$0xC4F0] =	vst v3  }
0x1ba: {  	v3 =	vld [tilespmem:s24+$0xC4F1];
	[tilespmem:s22+$0xC4E0] =	vst v2  }
0x1bb: {  	v2 =	vld [tilespmem:s24+$0xC491];
	[tilespmem:s22+$0xC4B0] =	vst v0;
	s22 =	smov.u32 s24  }
0x1bc: {  	v0 =	vld [tilespmem:s22+$0xC4C1]  }
0x1bd: {  	v6 =	vld [tilespmem:s22+$0xC4D1]  }
0x1be: {  	v7 =	vld [tilespmem:s22+$0xC4A1]  }
0x1bf: {  	v8 =	vld [tilespmem:s22+$0xC4C0]  }
0x1c0: {  	v9 =	vld [tilespmem:s22+$0xC490]  }
0x1c1: {  	v11 =	vld [tilespmem:s22+$0xC4B1];
	v24 =	vmul.f32 v0, v15  }
0x1c2: {  	v4 =	vmul.f32 v4, v14;
	v0 =	vld [tilespmem:s22+$0xC4F0];
	v23 =	vmul.f32 v6, v15  }
0x1c3: {  	v6 =	vld [tilespmem:s22+$0xC481];
	v7 =	vmul.f32 v7, v15  }
0x1c4: {  	v3 =	vmul.f32 v3, v15;
	v12 =	vld [tilespmem:s22+$0xC5A0]  }
0x1c5: {  	v25 =	vmul.f32 v5, v16;
	v29 =	vld [tilespmem:s22+$0xC4B0]  }
0x1c6: {  	v10 =	vmul.f32 v10, v17;
	v31 =	vmul.f32 v1, v16;
	v5 =	vld [tilespmem:s22+$0xC480]  }
0x1c7: {  	v1 =	vadd.f32 v7, v4;
	v4 =	vmul.f32 v26, v16;
	v7 =	vmul.f32 v11, v15;
	v30 =	vld [tilespmem:s22+$0xC4D0]  }
0x1c8: {  	v22 =	vmul.f32 v13, v16;
	v11 =	vld [tilespmem:s22+$0xC4E0];
	v6 =	vmul.f32 v6, v15  }
0x1c9: {  	v4 =	vadd.f32 v4, v1;
	v13 =	vld [tilespmem:s22+$0xC571];
	v1 =	vmul.f32 v12, v16;
	v12 =	vmul.f32 v0, v14  }
.Ltmp1:
0x1ca: {  	v2 =	vmul.f32 v2, v15;
	v0 =	vmul.f32 v9, v14;
	v28 =	vld [tilespmem:s22+$0xC5C0];
	(pc) =	sbr.rel @p0 .LBB2_5-.Ltmp1, $4  }
0x1cb: {  	v9 =	vadd.f32 v10, v4;
	v4 =	vmul.f32 v8, v14;
	v10 =	vmul.f32 v29, v14;
	v27 =	vld [tilespmem:s22+$0xC5B0]  }
0x1cc: {  	v8 =	vmul.f32 v5, v14;
	v32 =	vadd.f32 v2, v0;
	v29 =	vld [tilespmem:s22+$0xC5A1];
	v5 =	vmul.f32 v30, v14  }
0x1cd: {  	v3 =	vadd.f32 v3, v12;
	v0 =	vadd.f32 v7, v10;
	v30 =	vld [tilespmem:s22+$0xC4E1];
	v26 =	vmul.f32 v11, v14;
	[tilespmem:s22+$0xC4A0] =	vst v9  }
0x1ce: {  	v6 =	vadd.f32 v6, v8;
	v7 =	vadd.f32 v31, v32;
	v2 =	vld [tilespmem:s22+$0xC5C1];
	v8 =	vmul.f32 v13, v17  }
0x1cf: {  	_ = 	snop  }
0x1d0: {  	v9 =	vmul.f32 v21, v17;
	v4 =	vadd.f32 v24, v4;
	v10 =	vmul.f32 v28, v16  }
0x1d1: {  	v5 =	vadd.f32 v23, v5;
	v7 =	vadd.f32 v8, v7;
	v56 =	vmul.f32 v27, v16  }
0x1d2: {  	v11 =	vld [tilespmem:s22+$0xC591];
	v1 =	vadd.f32 v1, v4;
	v4 =	vmul.f32 v29, v17;
	v12 =	vmul.f32 v30, v15  }
0x1d3: {  	v57 =	vmul.f32 v20, v16;
	v6 =	vadd.f32 v25, v6;
	v5 =	vadd.f32 v56, v5  }
0x1d4: {  	v13 =	vmul.f32 v19, v17;
	v1 =	vadd.f32 v4, v1;
	v4 =	vadd.f32 v12, v26  }
0x1d5: {  	v3 =	vadd.f32 v57, v3;
	[tilespmem:s22+$0xC490] =	vst v7;
	v6 =	vadd.f32 v9, v6;
	v7 =	vmul.f32 v18, v17  }
0x1d6: {  	v2 =	vmul.f32 v2, v17;
	v5 =	vadd.f32 v13, v5;
	[tilespmem:s22+$0xC4C0] =	vst v1;
	v1 =	vadd.f32 v10, v4  }
0x1d7: {  	v0 =	vadd.f32 v22, v0;
	[tilespmem:s22+$0xC480] =	vst v6;
	v3 =	vadd.f32 v7, v3;
	v4 =	vmul.f32 v11, v17  }
0x1d8: {  	[tilespmem:s22+$0xC4D0] =	vst v5;
	v1 =	vadd.f32 v2, v1  }
0x1d9: {  	[tilespmem:s22+$0xC4F0] =	vst v3;
	v0 =	vadd.f32 v4, v0  }
0x1da: {  	[tilespmem:s22+$0xC4E0] =	vst v1  }
0x1db: {  	[tilespmem:s22+$0xC4B0] =	vst v0;
	s22 =	simm.s32 $0xF0  }
0x1dc: {  	v4 =	vld [tilespmem:s22+$0xFFFFFFE0]  }
0x1dd: {  	v5 =	vld [tilespmem:s22+$0xFFFFFFF0]  }
0x1de: {  	v0 =	vld [tilespmem:s22+$0x50]  }
0x1df: {  	v6 =	vld [tilespmem:s22+$0x0]  }
0x1e0: {  	v7 =	vld [tilespmem:s22+$0xFFFFFFA0]  }
0x1e1: {  	v1 =	vld [tilespmem:s22+$0xFFFFFFC0]  }
0x1e2: {  	v58 =	vld [tilespmem:s22+$0x20]  }
0x1e3: {  	v3 =	vld [tilespmem:s22+$0x30]  }
0x1e4: {  	v2 =	vld [tilespmem:s22+$0x60]  }
0x1e5: {  	v59 =	vld [tilespmem:s22+$0x40]  }
0x1e6: {  	s23 =	simm.s32 $0x0;
	v60 =	vld [tilespmem:s22+$0xFFFFFFB0]  }
0x1e7: {  	s26 =	sand.u32 $0xFE0, s23;
	v61 =	vld [tilespmem:s22+$0xFFFFFF90]  }
0x1e8: {  	v12 =	vld [tilespmem:s26+$0x100]  }
0x1e9: {  	v20 =	vld [tilespmem:s22+$0xFFFFFFD0]  }
0x1ea: {  	v0 =	vld.idx.msk [tilespmem:v0+s9+$0x0], $0xffff  }
0x1eb: {  	v13 =	vld.idx.msk [tilespmem:v1+s9+$0x0], $0xffff  }
0x1ec: {  	v1 =	vld.idx.msk [tilespmem:v2+s9+$0x0], $0xffff  }
0x1ed: {  	v2 =	vld.idx.msk [tilespmem:v59+s9+$0x0], $0xffff  }
0x1ee: {  	v3 =	vld.idx.msk [tilespmem:v3+s9+$0x0], $0xffff  }
0x1ef: {  	v18 =	vld.idx.msk [tilespmem:v58+s9+$0x0], $0xffff  }
0x1f0: {  	v19 =	vld.idx.msk [tilespmem:v12+s9+$0x0], $0xffff  }
0x1f1: {  	v5 =	vld.idx.msk [tilespmem:v5+s9+$0x0], $0xffff  }
0x1f2: {  	v62 =	vld.idx.msk [tilespmem:v4+s9+$0x0], $0xffff  }
0x1f3: {  	v63 =	vld.idx.msk [tilespmem:v20+s9+$0x0], $0xffff  }
0x1f4: {  	v6 =	vld.idx.msk [tilespmem:v6+s9+$0x0], $0xffff  }
0x1f5: {  	v10 =	vld.idx.msk [tilespmem:v60+s9+$0x0], $0xffff  }
0x1f6: {  	s23 =	simm.s32 $0x189F0;
	v4 =	vld.idx.msk [tilespmem:v61+s9+$0x0], $0xffff  }
0x1f7: {  	v7 =	vld.idx.msk [tilespmem:v7+s9+$0x0], $0xffff;
	[tilespmem:s23+$0xFFFFFFE0] =	vst v62  }
0x1f8: {  	[tilespmem:s23+$0xFFFFFFF0] =	vst v5  }
0x1f9: {  	[tilespmem:s23+$0xFFFFFFD0] =	vst v63  }
0x1fa: {  	[tilespmem:s23+$0xFFFFFFC0] =	vst v13  }
0x1fb: {  	[tilespmem:s23+$0xFFFFFFB0] =	vst v10  }
0x1fc: {  	[tilespmem:s23+$0xFFFFFFA0] =	vst v7  }
0x1fd: {  	s24 =	simm.s32 $0xE0;
	s25 =	simm.s32 $0x189F0;
	[tilespmem:s23+$0x0] =	vst v6  }
.LBB2_7:
0x1fe: {  	p0 =	sne.s32 s24, $0xD20;
	[tilespmem:s23+$0xFFFFFF90] =	vst v4;
	s25 =	sadd.s32 $0xE0, s25;
	s22 =	sadd.s32 $0xE0, s22  }
0x1ff: {  	[tilespmem:s26+$0x18A00] =	vst v19;
	s26 =	smov.u32 s24;
	s24 =	sadd.s32 $0xE0, s24  }
0x200: {  	[tilespmem:s23+$0x20] =	vst v18  }
0x201: {  	[tilespmem:s23+$0x30] =	vst v3  }
0x202: {  	[tilespmem:s23+$0x40] =	vst v2  }
0x203: {  	[tilespmem:s23+$0x50] =	vst v0  }
0x204: {  	[tilespmem:s23+$0x60] =	vst v1;
	s23 =	smov.u32 s25  }
0x205: {  	v4 =	vld [tilespmem:s22+$0xFFFFFFE0]  }
0x206: {  	v5 =	vld [tilespmem:s22+$0xFFFFFFF0]  }
0x207: {  	v0 =	vld [tilespmem:s22+$0x50]  }
0x208: {  	v6 =	vld [tilespmem:s22+$0x0]  }
0x209: {  	v7 =	vld [tilespmem:s22+$0xFFFFFFA0]  }
0x20a: {  	v1 =	vld [tilespmem:s22+$0xFFFFFFC0]  }
0x20b: {  	v8 =	vld [tilespmem:s22+$0x20]  }
0x20c: {  	v3 =	vld [tilespmem:s22+$0x30]  }
0x20d: {  	v2 =	vld [tilespmem:s22+$0x60]  }
0x20e: {  	v9 =	vld [tilespmem:s22+$0x40]  }
0x20f: {  	s26 =	sand.u32 $0xFE0, s26;
	v10 =	vld [tilespmem:s22+$0xFFFFFFB0]  }
0x210: {  	v11 =	vld [tilespmem:s22+$0xFFFFFF90]  }
0x211: {  	v12 =	vld [tilespmem:s26+$0x100]  }
0x212: {  	v0 =	vld.idx.msk [tilespmem:v0+s9+$0x0], $0xffff  }
0x213: {  	v13 =	vld.idx.msk [tilespmem:v1+s9+$0x0], $0xffff  }
0x214: {  	v20 =	vld [tilespmem:s22+$0xFFFFFFD0]  }
0x215: {  	v1 =	vld.idx.msk [tilespmem:v2+s9+$0x0], $0xffff  }
0x216: {  	v2 =	vld.idx.msk [tilespmem:v9+s9+$0x0], $0xffff  }
0x217: {  	v3 =	vld.idx.msk [tilespmem:v3+s9+$0x0], $0xffff  }
0x218: {  	v18 =	vld.idx.msk [tilespmem:v8+s9+$0x0], $0xffff  }
0x219: {  	v19 =	vld.idx.msk [tilespmem:v12+s9+$0x0], $0xffff  }
0x21a: {  	v5 =	vld.idx.msk [tilespmem:v5+s9+$0x0], $0xffff  }
0x21b: {  	v8 =	vld.idx.msk [tilespmem:v4+s9+$0x0], $0xffff  }
0x21c: {  	v9 =	vld.idx.msk [tilespmem:v20+s9+$0x0], $0xffff  }
0x21d: {  	v6 =	vld.idx.msk [tilespmem:v6+s9+$0x0], $0xffff  }
0x21e: {  	v10 =	vld.idx.msk [tilespmem:v10+s9+$0x0], $0xffff  }
0x21f: {  	v4 =	vld.idx.msk [tilespmem:v11+s9+$0x0], $0xffff  }
0x220: {  	v7 =	vld.idx.msk [tilespmem:v7+s9+$0x0], $0xffff  }
0x221: {  	[tilespmem:s25+$0xFFFFFFE0] =	vst v8  }
0x222: {  	[tilespmem:s25+$0xFFFFFFF0] =	vst v5  }
.Ltmp2:
0x223: {  	[tilespmem:s25+$0xFFFFFFD0] =	vst v9;
	(pc) =	sbr.rel @p0 .LBB2_7-.Ltmp2, $4  }
0x224: {  	[tilespmem:s25+$0xFFFFFFC0] =	vst v13  }
0x225: {  	[tilespmem:s25+$0xFFFFFFB0] =	vst v10  }
0x226: {  	[tilespmem:s25+$0xFFFFFFA0] =	vst v7  }
0x227: {  	[tilespmem:s25+$0x0] =	vst v6  }
0x228: {  	[tilespmem:s23+$0xFFFFFF90] =	vst v4  }
0x229: {  	[tilespmem:s26+$0x18A00] =	vst v19  }
0x22a: {  	[tilespmem:s23+$0x20] =	vst v18  }
0x22b: {  	[tilespmem:s23+$0x30] =	vst v3  }
0x22c: {  	[tilespmem:s23+$0x40] =	vst v2  }
0x22d: {  	[tilespmem:s23+$0x50] =	vst v0  }
0x22e: {  	s21 =	sadd.s32 s4, s21;
	s31 =	simm.s32 $0x0;
	s22 =	simm.s32 $0xF50;
	[tilespmem:s23+$0x60] =	vst v1  }
0x22f: {  	[hbm4b:s21+s31] =	stream.linear.scatter [tilespmem:s10], [sflag:$0x1], $0xE00, $0x38;
	[tilespmem:$0x1C180] =	vst v63  }
0x230: {  	v4 =	vld [tilespmem:s22+$0xFFFFFF80]  }
0x231: {  	v5 =	vld [tilespmem:s22+$0xFFFFFF40]  }
0x232: {  	v6 =	vld [tilespmem:s22+$0xFFFFFF50]  }
0x233: {  	v0 =	vld [tilespmem:s22+$0x0]  }
0x234: {  	v2 =	vld [tilespmem:s22+$0xFFFFFFE0]  }
0x235: {  	v1 =	vld [tilespmem:s22+$0xFFFFFFF0]  }
0x236: {  	v7 =	vld [tilespmem:s22+$0xFFFFFF70]  }
0x237: {  	v3 =	vld [tilespmem:s22+$0xFFFFFFD0]  }
0x238: {  	v8 =	vld [tilespmem:s22+$0xFFFFFFC0]  }
0x239: {  	v9 =	vld [tilespmem:s22+$0xFFFFFFA0]  }
0x23a: {  	v10 =	vld [tilespmem:s22+$0xFFFFFF90]  }
0x23b: {  	s26 =	sand.u32 $0xFE0, s31;
	v11 =	vld [tilespmem:s22+$0xFFFFFF60]  }
0x23c: {  	v12 =	vld [tilespmem:s26+$0xF00]  }
0x23d: {  	v0 =	vld.idx.msk [tilespmem:v0+s9+$0x0], $0xffff  }
0x23e: {  	v1 =	vld.idx.msk [tilespmem:v1+s9+$0x0], $0xffff  }
0x23f: {  	v2 =	vld.idx.msk [tilespmem:v2+s9+$0x0], $0xffff  }
0x240: {  	v3 =	vld.idx.msk [tilespmem:v3+s9+$0x0], $0xffff  }
0x241: {  	v18 =	vld.idx.msk [tilespmem:v8+s9+$0x0], $0xffff  }
0x242: {  	v8 =	vld [tilespmem:s26+$0xE80]  }
0x243: {  	v19 =	vld.idx.msk [tilespmem:v4+s9+$0x0], $0xffff  }
0x244: {  	v13 =	vld.idx.msk [tilespmem:v7+s9+$0x0], $0xffff  }
0x245: {  	v11 =	vld.idx.msk [tilespmem:v11+s9+$0x0], $0xffff  }
0x246: {  	v6 =	vld.idx.msk [tilespmem:v6+s9+$0x0], $0xffff  }
0x247: {  	v9 =	vld.idx.msk [tilespmem:v9+s9+$0x0], $0xffff  }
0x248: {  	v20 =	vld.idx.msk [tilespmem:v5+s9+$0x0], $0xffff  }
0x249: {  	v5 =	vld.idx.msk [tilespmem:v12+s9+$0x0], $0xffff  }
0x24a: {  	s23 =	simm.s32 $0x197F0;
	v7 =	vld.idx.msk [tilespmem:v10+s9+$0x0], $0xffff  }
0x24b: {  	v4 =	vld.idx.msk [tilespmem:v8+s9+$0x0], $0xffff;
	[tilespmem:s23+$0xFFFFFFD0] =	vst v13  }
0x24c: {  	[tilespmem:s23+$0xFFFFFFC0] =	vst v11  }
0x24d: {  	[tilespmem:s23+$0x0] =	vst v9  }
0x24e: {  	s24 =	simm.s32 $0xE0;
	s25 =	simm.s32 $0x197F0;
	[tilespmem:s23+$0xFFFFFFA0] =	vst v20  }
.LBB2_9:
0x24f: {  	p0 =	sne.s32 s24, $0xD20;
	[tilespmem:s23+$0xFFFFFFB0] =	vst v6;
	s22 =	sadd.s32 $0xE0, s22;
	s25 =	sadd.s32 $0xE0, s25  }
0x250: {  	s28 =	smov.u32 s24;
	s24 =	sadd.s32 $0xE0, s24;
	[tilespmem:s23+$0xFFFFFFE0] =	vst v19  }
0x251: {  	[tilespmem:s23+$0xFFFFFFF0] =	vst v7  }
0x252: {  	[tilespmem:s23+$0xFFFFFF90] =	vst v4  }
0x253: {  	[tilespmem:s26+$0x19800] =	vst v5  }
0x254: {  	[tilespmem:s23+$0x20] =	vst v18  }
0x255: {  	[tilespmem:s23+$0x30] =	vst v3  }
0x256: {  	[tilespmem:s23+$0x40] =	vst v2  }
0x257: {  	[tilespmem:s23+$0x50] =	vst v1  }
0x258: {  	[tilespmem:s23+$0x60] =	vst v0;
	s23 =	smov.u32 s25  }
0x259: {  	v4 =	vld [tilespmem:s22+$0xFFFFFF80]  }
0x25a: {  	v5 =	vld [tilespmem:s22+$0xFFFFFF40]  }
0x25b: {  	v6 =	vld [tilespmem:s22+$0xFFFFFF50]  }
0x25c: {  	v0 =	vld [tilespmem:s22+$0x0]  }
0x25d: {  	v2 =	vld [tilespmem:s22+$0xFFFFFFE0]  }
0x25e: {  	v1 =	vld [tilespmem:s22+$0xFFFFFFF0]  }
0x25f: {  	v7 =	vld [tilespmem:s22+$0xFFFFFF70]  }
0x260: {  	v3 =	vld [tilespmem:s22+$0xFFFFFFD0]  }
0x261: {  	v8 =	vld [tilespmem:s22+$0xFFFFFFC0]  }
0x262: {  	v9 =	vld [tilespmem:s22+$0xFFFFFFA0]  }
0x263: {  	v10 =	vld [tilespmem:s22+$0xFFFFFF90]  }
0x264: {  	v0 =	vld.idx.msk [tilespmem:v0+s9+$0x0], $0xffff  }
0x265: {  	v11 =	vld [tilespmem:s22+$0xFFFFFF60]  }
0x266: {  	v1 =	vld.idx.msk [tilespmem:v1+s9+$0x0], $0xffff  }
0x267: {  	v2 =	vld.idx.msk [tilespmem:v2+s9+$0x0], $0xffff  }
0x268: {  	s26 =	sand.u32 $0xFE0, s28;
	v3 =	vld.idx.msk [tilespmem:v3+s9+$0x0], $0xffff  }
0x269: {  	v18 =	vld.idx.msk [tilespmem:v8+s9+$0x0], $0xffff  }
0x26a: {  	v8 =	vld [tilespmem:s26+$0xE80]  }
0x26b: {  	v12 =	vld [tilespmem:s26+$0xF00]  }
0x26c: {  	v19 =	vld.idx.msk [tilespmem:v4+s9+$0x0], $0xffff  }
0x26d: {  	v13 =	vld.idx.msk [tilespmem:v7+s9+$0x0], $0xffff  }
0x26e: {  	v11 =	vld.idx.msk [tilespmem:v11+s9+$0x0], $0xffff  }
0x26f: {  	v6 =	vld.idx.msk [tilespmem:v6+s9+$0x0], $0xffff  }
0x270: {  	v9 =	vld.idx.msk [tilespmem:v9+s9+$0x0], $0xffff  }
0x271: {  	v20 =	vld.idx.msk [tilespmem:v5+s9+$0x0], $0xffff  }
0x272: {  	v4 =	vld.idx.msk [tilespmem:v8+s9+$0x0], $0xffff  }
0x273: {  	v5 =	vld.idx.msk [tilespmem:v12+s9+$0x0], $0xffff  }
.Ltmp3:
0x274: {  	v7 =	vld.idx.msk [tilespmem:v10+s9+$0x0], $0xffff;
	(pc) =	sbr.rel @p0 .LBB2_9-.Ltmp3, $4  }
0x275: {  	[tilespmem:s25+$0xFFFFFFD0] =	vst v13  }
0x276: {  	[tilespmem:s25+$0xFFFFFFC0] =	vst v11  }
0x277: {  	[tilespmem:s25+$0x0] =	vst v9  }
0x278: {  	[tilespmem:s25+$0xFFFFFFA0] =	vst v20  }
0x279: {  	[tilespmem:s23+$0xFFFFFFB0] =	vst v6  }
0x27a: {  	[tilespmem:s23+$0xFFFFFFE0] =	vst v19  }
0x27b: {  	[tilespmem:s23+$0xFFFFFFF0] =	vst v7  }
0x27c: {  	[tilespmem:s23+$0xFFFFFF90] =	vst v4  }
0x27d: {  	[tilespmem:s26+$0x19800] =	vst v5  }
0x27e: {  	[tilespmem:s23+$0x20] =	vst v18  }
0x27f: {  	[tilespmem:s23+$0x30] =	vst v3  }
0x280: {  	[tilespmem:s23+$0x40] =	vst v2  }
0x281: {  	[tilespmem:s23+$0x50] =	vst v1  }
0x282: {  	s22 =	sadd.s32 $0x1C0, s21;
	s31 =	simm.s32 $0x0;
	[tilespmem:s23+$0x60] =	vst v0  }
0x283: {  	[hbm4b:s22+s31] =	stream.linear.scatter [tilespmem:s11], [sflag:$0x2], $0xE00, $0x38;
	[tilespmem:$0x1C180] =	vst v63  }
0x284: {  	s22 =	simm.s32 $0x1D50  }
0x285: {  	v4 =	vld [tilespmem:s22+$0xFFFFFF80]  }
0x286: {  	v5 =	vld [tilespmem:s22+$0xFFFFFF40]  }
0x287: {  	v6 =	vld [tilespmem:s22+$0xFFFFFF50]  }
0x288: {  	v0 =	vld [tilespmem:s22+$0x0]  }
0x289: {  	v2 =	vld [tilespmem:s22+$0xFFFFFFE0]  }
0x28a: {  	v1 =	vld [tilespmem:s22+$0xFFFFFFF0]  }
0x28b: {  	v7 =	vld [tilespmem:s22+$0xFFFFFF70]  }
0x28c: {  	v3 =	vld [tilespmem:s22+$0xFFFFFFD0]  }
0x28d: {  	v8 =	vld [tilespmem:s22+$0xFFFFFFC0]  }
0x28e: {  	v9 =	vld [tilespmem:s22+$0xFFFFFFA0]  }
0x28f: {  	v10 =	vld [tilespmem:s22+$0xFFFFFF90]  }
0x290: {  	s26 =	sand.u32 $0xFE0, s31;
	v11 =	vld [tilespmem:s22+$0xFFFFFF60]  }
0x291: {  	v12 =	vld [tilespmem:s26+$0x1D00]  }
0x292: {  	v0 =	vld.idx.msk [tilespmem:v0+s9+$0x0], $0xffff  }
0x293: {  	v1 =	vld.idx.msk [tilespmem:v1+s9+$0x0], $0xffff  }
0x294: {  	v2 =	vld.idx.msk [tilespmem:v2+s9+$0x0], $0xffff  }
0x295: {  	v3 =	vld.idx.msk [tilespmem:v3+s9+$0x0], $0xffff  }
0x296: {  	v18 =	vld.idx.msk [tilespmem:v8+s9+$0x0], $0xffff  }
0x297: {  	v8 =	vld [tilespmem:s26+$0x1C80]  }
0x298: {  	v19 =	vld.idx.msk [tilespmem:v4+s9+$0x0], $0xffff  }
0x299: {  	v13 =	vld.idx.msk [tilespmem:v7+s9+$0x0], $0xffff  }
0x29a: {  	v11 =	vld.idx.msk [tilespmem:v11+s9+$0x0], $0xffff  }
0x29b: {  	v6 =	vld.idx.msk [tilespmem:v6+s9+$0x0], $0xffff  }
0x29c: {  	v9 =	vld.idx.msk [tilespmem:v9+s9+$0x0], $0xffff  }
0x29d: {  	v20 =	vld.idx.msk [tilespmem:v5+s9+$0x0], $0xffff  }
0x29e: {  	v5 =	vld.idx.msk [tilespmem:v12+s9+$0x0], $0xffff  }
0x29f: {  	s23 =	simm.s32 $0x1A5F0;
	v7 =	vld.idx.msk [tilespmem:v10+s9+$0x0], $0xffff  }
0x2a0: {  	v4 =	vld.idx.msk [tilespmem:v8+s9+$0x0], $0xffff;
	[tilespmem:s23+$0xFFFFFFD0] =	vst v13  }
0x2a1: {  	[tilespmem:s23+$0xFFFFFFC0] =	vst v11  }
0x2a2: {  	[tilespmem:s23+$0x0] =	vst v9  }
0x2a3: {  	s24 =	simm.s32 $0xE0;
	s25 =	simm.s32 $0x1A5F0;
	[tilespmem:s23+$0xFFFFFFA0] =	vst v20  }
.LBB2_11:
0x2a4: {  	p0 =	sne.s32 s24, $0xD20;
	[tilespmem:s23+$0xFFFFFFB0] =	vst v6;
	s22 =	sadd.s32 $0xE0, s22;
	s25 =	sadd.s32 $0xE0, s25  }
0x2a5: {  	s28 =	smov.u32 s24;
	s24 =	sadd.s32 $0xE0, s24;
	[tilespmem:s23+$0xFFFFFFE0] =	vst v19  }
0x2a6: {  	[tilespmem:s23+$0xFFFFFFF0] =	vst v7  }
0x2a7: {  	[tilespmem:s23+$0xFFFFFF90] =	vst v4  }
0x2a8: {  	[tilespmem:s26+$0x1A600] =	vst v5  }
0x2a9: {  	[tilespmem:s23+$0x20] =	vst v18  }
0x2aa: {  	[tilespmem:s23+$0x30] =	vst v3  }
0x2ab: {  	[tilespmem:s23+$0x40] =	vst v2  }
0x2ac: {  	[tilespmem:s23+$0x50] =	vst v1  }
0x2ad: {  	[tilespmem:s23+$0x60] =	vst v0;
	s23 =	smov.u32 s25  }
0x2ae: {  	v4 =	vld [tilespmem:s22+$0xFFFFFF80]  }
0x2af: {  	v5 =	vld [tilespmem:s22+$0xFFFFFF40]  }
0x2b0: {  	v6 =	vld [tilespmem:s22+$0xFFFFFF50]  }
0x2b1: {  	v0 =	vld [tilespmem:s22+$0x0]  }
0x2b2: {  	v2 =	vld [tilespmem:s22+$0xFFFFFFE0]  }
0x2b3: {  	v1 =	vld [tilespmem:s22+$0xFFFFFFF0]  }
0x2b4: {  	v7 =	vld [tilespmem:s22+$0xFFFFFF70]  }
0x2b5: {  	v3 =	vld [tilespmem:s22+$0xFFFFFFD0]  }
0x2b6: {  	v8 =	vld [tilespmem:s22+$0xFFFFFFC0]  }
0x2b7: {  	v9 =	vld [tilespmem:s22+$0xFFFFFFA0]  }
0x2b8: {  	v10 =	vld [tilespmem:s22+$0xFFFFFF90]  }
0x2b9: {  	v0 =	vld.idx.msk [tilespmem:v0+s9+$0x0], $0xffff  }
0x2ba: {  	v11 =	vld [tilespmem:s22+$0xFFFFFF60]  }
0x2bb: {  	v1 =	vld.idx.msk [tilespmem:v1+s9+$0x0], $0xffff  }
0x2bc: {  	v2 =	vld.idx.msk [tilespmem:v2+s9+$0x0], $0xffff  }
0x2bd: {  	s26 =	sand.u32 $0xFE0, s28;
	v3 =	vld.idx.msk [tilespmem:v3+s9+$0x0], $0xffff  }
0x2be: {  	v18 =	vld.idx.msk [tilespmem:v8+s9+$0x0], $0xffff  }
0x2bf: {  	v8 =	vld [tilespmem:s26+$0x1C80]  }
0x2c0: {  	v12 =	vld [tilespmem:s26+$0x1D00]  }
0x2c1: {  	v19 =	vld.idx.msk [tilespmem:v4+s9+$0x0], $0xffff  }
0x2c2: {  	v13 =	vld.idx.msk [tilespmem:v7+s9+$0x0], $0xffff  }
0x2c3: {  	v11 =	vld.idx.msk [tilespmem:v11+s9+$0x0], $0xffff  }
0x2c4: {  	v6 =	vld.idx.msk [tilespmem:v6+s9+$0x0], $0xffff  }
0x2c5: {  	v9 =	vld.idx.msk [tilespmem:v9+s9+$0x0], $0xffff  }
0x2c6: {  	v20 =	vld.idx.msk [tilespmem:v5+s9+$0x0], $0xffff  }
0x2c7: {  	v4 =	vld.idx.msk [tilespmem:v8+s9+$0x0], $0xffff  }
0x2c8: {  	v5 =	vld.idx.msk [tilespmem:v12+s9+$0x0], $0xffff  }
.Ltmp4:
0x2c9: {  	v7 =	vld.idx.msk [tilespmem:v10+s9+$0x0], $0xffff;
	(pc) =	sbr.rel @p0 .LBB2_11-.Ltmp4, $4  }
0x2ca: {  	[tilespmem:s25+$0xFFFFFFD0] =	vst v13  }
0x2cb: {  	[tilespmem:s25+$0xFFFFFFC0] =	vst v11  }
0x2cc: {  	[tilespmem:s25+$0x0] =	vst v9  }
0x2cd: {  	[tilespmem:s25+$0xFFFFFFA0] =	vst v20  }
0x2ce: {  	[tilespmem:s23+$0xFFFFFFB0] =	vst v6  }
0x2cf: {  	[tilespmem:s23+$0xFFFFFFE0] =	vst v19  }
0x2d0: {  	[tilespmem:s23+$0xFFFFFFF0] =	vst v7  }
0x2d1: {  	[tilespmem:s23+$0xFFFFFF90] =	vst v4  }
0x2d2: {  	[tilespmem:s26+$0x1A600] =	vst v5  }
0x2d3: {  	[tilespmem:s23+$0x20] =	vst v18  }
0x2d4: {  	[tilespmem:s23+$0x30] =	vst v3  }
0x2d5: {  	[tilespmem:s23+$0x40] =	vst v2  }
0x2d6: {  	[tilespmem:s23+$0x50] =	vst v1  }
0x2d7: {  	s22 =	sadd.s32 $0x380, s21;
	s31 =	simm.s32 $0x0;
	[tilespmem:s23+$0x60] =	vst v0  }
0x2d8: {  	[hbm4b:s22+s31] =	stream.linear.scatter [tilespmem:s12], [sflag:$0x3], $0xE00, $0x38;
	[tilespmem:$0x1C180] =	vst v63  }
0x2d9: {  	s22 =	simm.s32 $0x2B50  }
0x2da: {  	v4 =	vld [tilespmem:s22+$0xFFFFFF80]  }
0x2db: {  	v5 =	vld [tilespmem:s22+$0xFFFFFF40]  }
0x2dc: {  	v6 =	vld [tilespmem:s22+$0xFFFFFF50]  }
0x2dd: {  	v0 =	vld [tilespmem:s22+$0x0]  }
0x2de: {  	v2 =	vld [tilespmem:s22+$0xFFFFFFE0]  }
0x2df: {  	v1 =	vld [tilespmem:s22+$0xFFFFFFF0]  }
0x2e0: {  	v7 =	vld [tilespmem:s22+$0xFFFFFF70]  }
0x2e1: {  	v3 =	vld [tilespmem:s22+$0xFFFFFFD0]  }
0x2e2: {  	v8 =	vld [tilespmem:s22+$0xFFFFFFC0]  }
0x2e3: {  	v9 =	vld [tilespmem:s22+$0xFFFFFFA0]  }
0x2e4: {  	v10 =	vld [tilespmem:s22+$0xFFFFFF90]  }
0x2e5: {  	s26 =	sand.u32 $0xFE0, s31;
	v11 =	vld [tilespmem:s22+$0xFFFFFF60]  }
0x2e6: {  	v12 =	vld [tilespmem:s26+$0x2B00]  }
0x2e7: {  	v0 =	vld.idx.msk [tilespmem:v0+s9+$0x0], $0xffff  }
0x2e8: {  	v1 =	vld.idx.msk [tilespmem:v1+s9+$0x0], $0xffff  }
0x2e9: {  	v2 =	vld.idx.msk [tilespmem:v2+s9+$0x0], $0xffff  }
0x2ea: {  	v3 =	vld.idx.msk [tilespmem:v3+s9+$0x0], $0xffff  }
0x2eb: {  	v18 =	vld.idx.msk [tilespmem:v8+s9+$0x0], $0xffff  }
0x2ec: {  	v8 =	vld [tilespmem:s26+$0x2A80]  }
0x2ed: {  	v19 =	vld.idx.msk [tilespmem:v4+s9+$0x0], $0xffff  }
0x2ee: {  	v13 =	vld.idx.msk [tilespmem:v7+s9+$0x0], $0xffff  }
0x2ef: {  	v11 =	vld.idx.msk [tilespmem:v11+s9+$0x0], $0xffff  }
0x2f0: {  	v6 =	vld.idx.msk [tilespmem:v6+s9+$0x0], $0xffff  }
0x2f1: {  	v9 =	vld.idx.msk [tilespmem:v9+s9+$0x0], $0xffff  }
0x2f2: {  	v20 =	vld.idx.msk [tilespmem:v5+s9+$0x0], $0xffff  }
0x2f3: {  	v5 =	vld.idx.msk [tilespmem:v12+s9+$0x0], $0xffff  }
0x2f4: {  	s23 =	simm.s32 $0x1B3F0;
	v7 =	vld.idx.msk [tilespmem:v10+s9+$0x0], $0xffff  }
0x2f5: {  	v4 =	vld.idx.msk [tilespmem:v8+s9+$0x0], $0xffff;
	[tilespmem:s23+$0xFFFFFFD0] =	vst v13  }
0x2f6: {  	[tilespmem:s23+$0xFFFFFFC0] =	vst v11  }
0x2f7: {  	[tilespmem:s23+$0x0] =	vst v9  }
0x2f8: {  	s24 =	simm.s32 $0xE0;
	s25 =	simm.s32 $0x1B3F0;
	[tilespmem:s23+$0xFFFFFFA0] =	vst v20  }
.LBB2_13:
0x2f9: {  	p0 =	sne.s32 s24, $0xD20;
	[tilespmem:s23+$0xFFFFFFB0] =	vst v6;
	s22 =	sadd.s32 $0xE0, s22;
	s25 =	sadd.s32 $0xE0, s25  }
0x2fa: {  	s28 =	smov.u32 s24;
	s24 =	sadd.s32 $0xE0, s24;
	[tilespmem:s23+$0xFFFFFFE0] =	vst v19  }
0x2fb: {  	[tilespmem:s23+$0xFFFFFFF0] =	vst v7  }
0x2fc: {  	[tilespmem:s23+$0xFFFFFF90] =	vst v4  }
0x2fd: {  	[tilespmem:s26+$0x1B400] =	vst v5  }
0x2fe: {  	[tilespmem:s23+$0x20] =	vst v18  }
0x2ff: {  	[tilespmem:s23+$0x30] =	vst v3  }
0x300: {  	[tilespmem:s23+$0x40] =	vst v2  }
0x301: {  	[tilespmem:s23+$0x50] =	vst v1  }
0x302: {  	[tilespmem:s23+$0x60] =	vst v0;
	s23 =	smov.u32 s25  }
0x303: {  	v4 =	vld [tilespmem:s22+$0xFFFFFF80]  }
0x304: {  	v5 =	vld [tilespmem:s22+$0xFFFFFF40]  }
0x305: {  	v6 =	vld [tilespmem:s22+$0xFFFFFF50]  }
0x306: {  	v0 =	vld [tilespmem:s22+$0x0]  }
0x307: {  	v2 =	vld [tilespmem:s22+$0xFFFFFFE0]  }
0x308: {  	v1 =	vld [tilespmem:s22+$0xFFFFFFF0]  }
0x309: {  	v7 =	vld [tilespmem:s22+$0xFFFFFF70]  }
0x30a: {  	v3 =	vld [tilespmem:s22+$0xFFFFFFD0]  }
0x30b: {  	v8 =	vld [tilespmem:s22+$0xFFFFFFC0]  }
0x30c: {  	v9 =	vld [tilespmem:s22+$0xFFFFFFA0]  }
0x30d: {  	v10 =	vld [tilespmem:s22+$0xFFFFFF90]  }
0x30e: {  	v0 =	vld.idx.msk [tilespmem:v0+s9+$0x0], $0xffff  }
0x30f: {  	v11 =	vld [tilespmem:s22+$0xFFFFFF60]  }
0x310: {  	v1 =	vld.idx.msk [tilespmem:v1+s9+$0x0], $0xffff  }
0x311: {  	v2 =	vld.idx.msk [tilespmem:v2+s9+$0x0], $0xffff  }
0x312: {  	s26 =	sand.u32 $0xFE0, s28;
	v3 =	vld.idx.msk [tilespmem:v3+s9+$0x0], $0xffff  }
0x313: {  	v18 =	vld.idx.msk [tilespmem:v8+s9+$0x0], $0xffff  }
0x314: {  	v8 =	vld [tilespmem:s26+$0x2A80]  }
0x315: {  	v12 =	vld [tilespmem:s26+$0x2B00]  }
0x316: {  	v19 =	vld.idx.msk [tilespmem:v4+s9+$0x0], $0xffff  }
0x317: {  	v13 =	vld.idx.msk [tilespmem:v7+s9+$0x0], $0xffff  }
0x318: {  	v11 =	vld.idx.msk [tilespmem:v11+s9+$0x0], $0xffff  }
0x319: {  	v6 =	vld.idx.msk [tilespmem:v6+s9+$0x0], $0xffff  }
0x31a: {  	v9 =	vld.idx.msk [tilespmem:v9+s9+$0x0], $0xffff  }
0x31b: {  	v20 =	vld.idx.msk [tilespmem:v5+s9+$0x0], $0xffff  }
0x31c: {  	v4 =	vld.idx.msk [tilespmem:v8+s9+$0x0], $0xffff  }
0x31d: {  	v5 =	vld.idx.msk [tilespmem:v12+s9+$0x0], $0xffff  }
.Ltmp5:
0x31e: {  	v7 =	vld.idx.msk [tilespmem:v10+s9+$0x0], $0xffff;
	(pc) =	sbr.rel @p0 .LBB2_13-.Ltmp5, $4  }
0x31f: {  	[tilespmem:s25+$0xFFFFFFD0] =	vst v13  }
0x320: {  	[tilespmem:s25+$0xFFFFFFC0] =	vst v11  }
0x321: {  	[tilespmem:s25+$0x0] =	vst v9  }
0x322: {  	[tilespmem:s25+$0xFFFFFFA0] =	vst v20  }
0x323: {  	[tilespmem:s23+$0xFFFFFFB0] =	vst v6  }
0x324: {  	[tilespmem:s23+$0xFFFFFFE0] =	vst v19  }
0x325: {  	[tilespmem:s23+$0xFFFFFFF0] =	vst v7  }
0x326: {  	[tilespmem:s23+$0xFFFFFF90] =	vst v4  }
0x327: {  	[tilespmem:s26+$0x1B400] =	vst v5  }
0x328: {  	[tilespmem:s23+$0x20] =	vst v18  }
0x329: {  	[tilespmem:s23+$0x30] =	vst v3  }
0x32a: {  	[tilespmem:s23+$0x40] =	vst v2  }
0x32b: {  	[tilespmem:s23+$0x50] =	vst v1  }
0x32c: {  	s22 =	sadd.s32 $0x540, s21;
	s31 =	simm.s32 $0x0;
	[tilespmem:s23+$0x60] =	vst v0  }
0x32d: {  	[hbm4b:s22+s31] =	stream.linear.scatter [tilespmem:s13], [sflag:$0x4], $0xE00, $0x38;
	[tilespmem:$0x1C180] =	vst v63  }
0x32e: {  	_ =	swait.ge [sflag:s14], $0xE00  }
0x32f: {  	[sflag:s14] =	ssyncset.done $0x0  }
0x330: {  	s22 =	simm.s32 $0x3950;
	[sflag:s14] =	ssyncadd.s32 $0xFFFFF200  }
0x331: {  	v4 =	vld [tilespmem:s22+$0xFFFFFF80]  }
0x332: {  	v5 =	vld [tilespmem:s22+$0xFFFFFF40]  }
0x333: {  	v6 =	vld [tilespmem:s22+$0xFFFFFF50]  }
0x334: {  	v0 =	vld [tilespmem:s22+$0x0]  }
0x335: {  	v2 =	vld [tilespmem:s22+$0xFFFFFFE0]  }
0x336: {  	v1 =	vld [tilespmem:s22+$0xFFFFFFF0]  }
0x337: {  	v7 =	vld [tilespmem:s22+$0xFFFFFF70]  }
0x338: {  	v3 =	vld [tilespmem:s22+$0xFFFFFFD0]  }
0x339: {  	v8 =	vld [tilespmem:s22+$0xFFFFFFC0]  }
0x33a: {  	v9 =	vld [tilespmem:s22+$0xFFFFFFA0]  }
0x33b: {  	v10 =	vld [tilespmem:s22+$0xFFFFFF90]  }
0x33c: {  	s26 =	sand.u32 $0xFE0, s31;
	v11 =	vld [tilespmem:s22+$0xFFFFFF60]  }
0x33d: {  	v12 =	vld [tilespmem:s26+$0x3900]  }
0x33e: {  	v0 =	vld.idx.msk [tilespmem:v0+s9+$0x0], $0xffff  }
0x33f: {  	v1 =	vld.idx.msk [tilespmem:v1+s9+$0x0], $0xffff  }
0x340: {  	v2 =	vld.idx.msk [tilespmem:v2+s9+$0x0], $0xffff  }
0x341: {  	v3 =	vld.idx.msk [tilespmem:v3+s9+$0x0], $0xffff  }
0x342: {  	v18 =	vld.idx.msk [tilespmem:v8+s9+$0x0], $0xffff  }
0x343: {  	v8 =	vld [tilespmem:s26+$0x3880]  }
0x344: {  	v19 =	vld.idx.msk [tilespmem:v4+s9+$0x0], $0xffff  }
0x345: {  	v13 =	vld.idx.msk [tilespmem:v7+s9+$0x0], $0xffff  }
0x346: {  	v11 =	vld.idx.msk [tilespmem:v11+s9+$0x0], $0xffff  }
0x347: {  	v6 =	vld.idx.msk [tilespmem:v6+s9+$0x0], $0xffff  }
0x348: {  	v9 =	vld.idx.msk [tilespmem:v9+s9+$0x0], $0xffff  }
0x349: {  	v20 =	vld.idx.msk [tilespmem:v5+s9+$0x0], $0xffff  }
0x34a: {  	v5 =	vld.idx.msk [tilespmem:v12+s9+$0x0], $0xffff  }
0x34b: {  	s23 =	simm.s32 $0x189F0;
	v7 =	vld.idx.msk [tilespmem:v10+s9+$0x0], $0xffff  }
0x34c: {  	v4 =	vld.idx.msk [tilespmem:v8+s9+$0x0], $0xffff;
	[tilespmem:s23+$0xFFFFFFD0] =	vst v13  }
0x34d: {  	[tilespmem:s23+$0xFFFFFFC0] =	vst v11  }
0x34e: {  	[tilespmem:s23+$0x0] =	vst v9  }
0x34f: {  	s24 =	simm.s32 $0xE0;
	s25 =	simm.s32 $0x189F0;
	[tilespmem:s23+$0xFFFFFFA0] =	vst v20  }
.LBB2_15:
0x350: {  	p0 =	sne.s32 s24, $0xD20;
	[tilespmem:s23+$0xFFFFFFB0] =	vst v6;
	s22 =	sadd.s32 $0xE0, s22;
	s25 =	sadd.s32 $0xE0, s25  }
0x351: {  	s28 =	smov.u32 s24;
	s24 =	sadd.s32 $0xE0, s24;
	[tilespmem:s23+$0xFFFFFFE0] =	vst v19  }
0x352: {  	[tilespmem:s23+$0xFFFFFFF0] =	vst v7  }
0x353: {  	[tilespmem:s23+$0xFFFFFF90] =	vst v4  }
0x354: {  	[tilespmem:s26+$0x18A00] =	vst v5  }
0x355: {  	[tilespmem:s23+$0x20] =	vst v18  }
0x356: {  	[tilespmem:s23+$0x30] =	vst v3  }
0x357: {  	[tilespmem:s23+$0x40] =	vst v2  }
0x358: {  	[tilespmem:s23+$0x50] =	vst v1  }
0x359: {  	[tilespmem:s23+$0x60] =	vst v0;
	s23 =	smov.u32 s25  }
0x35a: {  	v4 =	vld [tilespmem:s22+$0xFFFFFF80]  }
0x35b: {  	v5 =	vld [tilespmem:s22+$0xFFFFFF40]  }
0x35c: {  	v6 =	vld [tilespmem:s22+$0xFFFFFF50]  }
0x35d: {  	v0 =	vld [tilespmem:s22+$0x0]  }
0x35e: {  	v2 =	vld [tilespmem:s22+$0xFFFFFFE0]  }
0x35f: {  	v1 =	vld [tilespmem:s22+$0xFFFFFFF0]  }
0x360: {  	v7 =	vld [tilespmem:s22+$0xFFFFFF70]  }
0x361: {  	v3 =	vld [tilespmem:s22+$0xFFFFFFD0]  }
0x362: {  	v8 =	vld [tilespmem:s22+$0xFFFFFFC0]  }
0x363: {  	v9 =	vld [tilespmem:s22+$0xFFFFFFA0]  }
0x364: {  	v10 =	vld [tilespmem:s22+$0xFFFFFF90]  }
0x365: {  	v0 =	vld.idx.msk [tilespmem:v0+s9+$0x0], $0xffff  }
0x366: {  	v11 =	vld [tilespmem:s22+$0xFFFFFF60]  }
0x367: {  	v1 =	vld.idx.msk [tilespmem:v1+s9+$0x0], $0xffff  }
0x368: {  	v2 =	vld.idx.msk [tilespmem:v2+s9+$0x0], $0xffff  }
0x369: {  	s26 =	sand.u32 $0xFE0, s28;
	v3 =	vld.idx.msk [tilespmem:v3+s9+$0x0], $0xffff  }
0x36a: {  	v18 =	vld.idx.msk [tilespmem:v8+s9+$0x0], $0xffff  }
0x36b: {  	v8 =	vld [tilespmem:s26+$0x3880]  }
0x36c: {  	v12 =	vld [tilespmem:s26+$0x3900]  }
0x36d: {  	v19 =	vld.idx.msk [tilespmem:v4+s9+$0x0], $0xffff  }
0x36e: {  	v13 =	vld.idx.msk [tilespmem:v7+s9+$0x0], $0xffff  }
0x36f: {  	v11 =	vld.idx.msk [tilespmem:v11+s9+$0x0], $0xffff  }
0x370: {  	v6 =	vld.idx.msk [tilespmem:v6+s9+$0x0], $0xffff  }
0x371: {  	v9 =	vld.idx.msk [tilespmem:v9+s9+$0x0], $0xffff  }
0x372: {  	v20 =	vld.idx.msk [tilespmem:v5+s9+$0x0], $0xffff  }
0x373: {  	v4 =	vld.idx.msk [tilespmem:v8+s9+$0x0], $0xffff  }
0x374: {  	v5 =	vld.idx.msk [tilespmem:v12+s9+$0x0], $0xffff  }
.Ltmp6:
0x375: {  	v7 =	vld.idx.msk [tilespmem:v10+s9+$0x0], $0xffff;
	(pc) =	sbr.rel @p0 .LBB2_15-.Ltmp6, $4  }
0x376: {  	[tilespmem:s25+$0xFFFFFFD0] =	vst v13  }
0x377: {  	[tilespmem:s25+$0xFFFFFFC0] =	vst v11  }
0x378: {  	[tilespmem:s25+$0x0] =	vst v9  }
0x379: {  	[tilespmem:s25+$0xFFFFFFA0] =	vst v20  }
0x37a: {  	[tilespmem:s23+$0xFFFFFFB0] =	vst v6  }
0x37b: {  	[tilespmem:s23+$0xFFFFFFE0] =	vst v19  }
0x37c: {  	[tilespmem:s23+$0xFFFFFFF0] =	vst v7  }
0x37d: {  	[tilespmem:s23+$0xFFFFFF90] =	vst v4  }
0x37e: {  	[tilespmem:s26+$0x18A00] =	vst v5  }
0x37f: {  	[tilespmem:s23+$0x20] =	vst v18  }
0x380: {  	[tilespmem:s23+$0x30] =	vst v3  }
0x381: {  	[tilespmem:s23+$0x40] =	vst v2  }
0x382: {  	[tilespmem:s23+$0x50] =	vst v1  }
0x383: {  	s22 =	sadd.s32 $0x700, s21;
	s24 =	simm.s32 $0x0;
	[tilespmem:s23+$0x60] =	vst v0  }
0x384: {  	[hbm4b:s22+s24] =	stream.linear.scatter [tilespmem:s10], [sflag:$0x1], $0xE00, $0x38;
	[tilespmem:$0x1C180] =	vst v63  }
0x385: {  	_ =	swait.ge [sflag:s15], $0xE00  }
0x386: {  	[sflag:s15] =	ssyncset.done $0x0  }
0x387: {  	s22 =	simm.s32 $0x0;
	[sflag:s15] =	ssyncadd.s32 $0xFFFFF200  }
0x388: {  	v1 =	vld [tilespmem:s22+$0x4750]  }
0x389: {  	v2 =	vld [tilespmem:s22+$0x4740]  }
0x38a: {  	v0 =	vld [tilespmem:s22+$0x4730]  }
0x38b: {  	v19 =	vld [tilespmem:s22+$0x4720]  }
0x38c: {  	v3 =	vld [tilespmem:s22+$0x4710]  }
0x38d: {  	s23 =	sand.u32 $0xFE0, s24;
	v8 =	vld [tilespmem:s22+$0x46F0]  }
0x38e: {  	v21 =	vld [tilespmem:s23+$0x4680]  }
0x38f: {  	v9 =	vld [tilespmem:s22+$0x46D0]  }
0x390: {  	v7 =	vld [tilespmem:s22+$0x46E0]  }
0x391: {  	v5 =	vld [tilespmem:s22+$0x46C0]  }
0x392: {  	v6 =	vld [tilespmem:s22+$0x46B0]  }
0x393: {  	v4 =	vld [tilespmem:s22+$0x4690]  }
0x394: {  	v22 =	vld [tilespmem:s22+$0x46A0]  }
0x395: {  	v18 =	vld.idx.msk [tilespmem:v8+s9+$0x0], $0xffff  }
0x396: {  	v0 =	vld.idx.msk [tilespmem:v0+s9+$0x0], $0xffff  }
0x397: {  	s25 =	simm.s32 $0x380;
	v20 =	vld.idx.msk [tilespmem:v9+s9+$0x0], $0xffff  }
.LBB2_17:
0x398: {  	p0 =	sne.s32 s25, $0x3480  }
0x399: {  	v7 =	vld.idx.msk [tilespmem:v7+s9+$0x0], $0xffff;
	s24 =	sadd.s32 $0xE0, s24;
	s26 =	smov.u32 s25;
	s25 =	sadd.s32 $0x380, s25  }
0x39a: {  	v5 =	vld.idx.msk [tilespmem:v5+s9+$0x0], $0xffff  }
0x39b: {  	v6 =	vld.idx.msk [tilespmem:v6+s9+$0x0], $0xffff  }
0x39c: {  	v8 =	vld [tilespmem:s23+$0x4700]  }
0x39d: {  	v9 =	vld.idx.msk [tilespmem:v21+s9+$0x0], $0xffff  }
0x39e: {  	v10 =	vld.idx.msk [tilespmem:v19+s9+$0x0], $0xffff  }
0x39f: {  	v4 =	vld.idx.msk [tilespmem:v4+s9+$0x0], $0xffff  }
0x3a0: {  	v11 =	vld.idx.msk [tilespmem:v1+s9+$0x0], $0xffff  }
0x3a1: {  	v12 =	vld.idx.msk [tilespmem:v2+s9+$0x0], $0xffff  }
0x3a2: {  	v2 =	vld.idx.msk [tilespmem:v3+s9+$0x0], $0xffff  }
0x3a3: {  	v1 =	vld.idx.msk [tilespmem:v22+s9+$0x0], $0xffff  }
0x3a4: {  	v3 =	vld.idx.msk [tilespmem:v8+s9+$0x0], $0xffff  }
0x3a5: {  	[tilespmem:s22+$0x19780] =	vst v9  }
0x3a6: {  	[tilespmem:s22+$0x19790] =	vst v4  }
0x3a7: {  	[tilespmem:s22+$0x197D0] =	vst v20  }
0x3a8: {  	[tilespmem:s22+$0x197C0] =	vst v5  }
0x3a9: {  	[tilespmem:s22+$0x197A0] =	vst v1  }
0x3aa: {  	[tilespmem:s22+$0x197E0] =	vst v7  }
0x3ab: {  	[tilespmem:s22+$0x197F0] =	vst v18  }
0x3ac: {  	[tilespmem:s22+$0x197B0] =	vst v6  }
0x3ad: {  	s26 =	sshra.s32 s26, $0x2;
	[tilespmem:s23+$0x19800] =	vst v3;
	s23 =	sand.u32 $0xFE0, s24  }
0x3ae: {  	v1 =	vld [tilespmem:s26+$0x4750];
	[tilespmem:s22+$0x19810] =	vst v2  }
0x3af: {  	v2 =	vld [tilespmem:s26+$0x4740];
	[tilespmem:s22+$0x19820] =	vst v10  }
0x3b0: {  	v8 =	vld [tilespmem:s26+$0x4730];
	[tilespmem:s22+$0x19830] =	vst v0  }
0x3b1: {  	v19 =	vld [tilespmem:s26+$0x4720];
	[tilespmem:s22+$0x19840] =	vst v12  }
0x3b2: {  	v3 =	vld [tilespmem:s26+$0x4710];
	[tilespmem:s22+$0x19850] =	vst v11;
	s22 =	smov.u32 s26  }
0x3b3: {  	v0 =	vld [tilespmem:s22+$0x46F0]  }
0x3b4: {  	v21 =	vld [tilespmem:s23+$0x4680]  }
0x3b5: {  	v9 =	vld [tilespmem:s22+$0x46D0]  }
0x3b6: {  	v7 =	vld [tilespmem:s22+$0x46E0]  }
0x3b7: {  	v5 =	vld [tilespmem:s22+$0x46C0]  }
0x3b8: {  	v6 =	vld [tilespmem:s22+$0x46B0]  }
.Ltmp7:
0x3b9: {  	v4 =	vld [tilespmem:s22+$0x4690];
	(pc) =	sbr.rel @p0 .LBB2_17-.Ltmp7, $4  }
0x3ba: {  	v22 =	vld [tilespmem:s22+$0x46A0]  }
0x3bb: {  	v18 =	vld.idx.msk [tilespmem:v0+s9+$0x0], $0xffff  }
0x3bc: {  	v0 =	vld.idx.msk [tilespmem:v8+s9+$0x0], $0xffff  }
0x3bd: {  	v20 =	vld.idx.msk [tilespmem:v9+s9+$0x0], $0xffff  }
0x3be: {  	_ =	sdelay $0x3  }
0x3bf: {  	v7 =	vld.idx.msk [tilespmem:v7+s9+$0x0], $0xffff  }
0x3c0: {  	v5 =	vld.idx.msk [tilespmem:v5+s9+$0x0], $0xffff  }
0x3c1: {  	v6 =	vld.idx.msk [tilespmem:v6+s9+$0x0], $0xffff  }
0x3c2: {  	v8 =	vld [tilespmem:s23+$0x4700]  }
0x3c3: {  	v9 =	vld.idx.msk [tilespmem:v21+s9+$0x0], $0xffff  }
0x3c4: {  	v10 =	vld.idx.msk [tilespmem:v19+s9+$0x0], $0xffff  }
0x3c5: {  	v4 =	vld.idx.msk [tilespmem:v4+s9+$0x0], $0xffff  }
0x3c6: {  	v1 =	vld.idx.msk [tilespmem:v1+s9+$0x0], $0xffff  }
0x3c7: {  	v2 =	vld.idx.msk [tilespmem:v2+s9+$0x0], $0xffff  }
0x3c8: {  	v3 =	vld.idx.msk [tilespmem:v3+s9+$0x0], $0xffff  }
0x3c9: {  	v11 =	vld.idx.msk [tilespmem:v22+s9+$0x0], $0xffff  }
0x3ca: {  	v8 =	vld.idx.msk [tilespmem:v8+s9+$0x0], $0xffff;
	[tilespmem:s22+$0x19780] =	vst v9  }
0x3cb: {  	[tilespmem:s22+$0x19790] =	vst v4  }
0x3cc: {  	[tilespmem:s22+$0x197D0] =	vst v20  }
0x3cd: {  	[tilespmem:s22+$0x197C0] =	vst v5  }
0x3ce: {  	[tilespmem:s22+$0x197A0] =	vst v11  }
0x3cf: {  	[tilespmem:s22+$0x197E0] =	vst v7  }
0x3d0: {  	[tilespmem:s22+$0x197F0] =	vst v18  }
0x3d1: {  	[tilespmem:s22+$0x197B0] =	vst v6  }
0x3d2: {  	[tilespmem:s23+$0x19800] =	vst v8  }
0x3d3: {  	[tilespmem:s22+$0x19810] =	vst v3  }
0x3d4: {  	[tilespmem:s22+$0x19820] =	vst v10  }
0x3d5: {  	[tilespmem:s22+$0x19830] =	vst v0  }
0x3d6: {  	[tilespmem:s22+$0x19840] =	vst v2  }
0x3d7: {  	s31 =	sadd.s32 $0x8C0, s21;
	s24 =	simm.s32 $0x0;
	[tilespmem:s22+$0x19850] =	vst v1  }
0x3d8: {  	[hbm4b:s31+s24] =	stream.linear.scatter [tilespmem:s11], [sflag:$0x2], $0xE00, $0x38;
	[tilespmem:$0x1C180] =	vst v63  }
0x3d9: {  	_ =	swait.ge [sflag:s16], $0xE00  }
0x3da: {  	[sflag:s16] =	ssyncset.done $0x0  }
0x3db: {  	s22 =	simm.s32 $0x0;
	[sflag:s16] =	ssyncadd.s32 $0xFFFFF200  }
0x3dc: {  	v1 =	vld [tilespmem:s22+$0x5550]  }
0x3dd: {  	v2 =	vld [tilespmem:s22+$0x5540]  }
0x3de: {  	v0 =	vld [tilespmem:s22+$0x5530]  }
0x3df: {  	v19 =	vld [tilespmem:s22+$0x5520]  }
0x3e0: {  	v3 =	vld [tilespmem:s22+$0x5510]  }
0x3e1: {  	s23 =	sand.u32 $0xFE0, s24;
	v8 =	vld [tilespmem:s22+$0x54F0]  }
0x3e2: {  	v21 =	vld [tilespmem:s23+$0x5480]  }
0x3e3: {  	v63 =	vld [tilespmem:s22+$0x54D0]  }
0x3e4: {  	v7 =	vld [tilespmem:s22+$0x54E0]  }
0x3e5: {  	v5 =	vld [tilespmem:s22+$0x54C0]  }
0x3e6: {  	v6 =	vld [tilespmem:s22+$0x54B0]  }
0x3e7: {  	v4 =	vld [tilespmem:s22+$0x5490]  }
0x3e8: {  	v22 =	vld [tilespmem:s22+$0x54A0]  }
0x3e9: {  	v18 =	vld.idx.msk [tilespmem:v8+s9+$0x0], $0xffff  }
0x3ea: {  	v0 =	vld.idx.msk [tilespmem:v0+s9+$0x0], $0xffff  }
0x3eb: {  	s25 =	simm.s32 $0x380;
	v20 =	vld.idx.msk [tilespmem:v63+s9+$0x0], $0xffff  }
.LBB2_19:
0x3ec: {  	p0 =	sne.s32 s25, $0x3480  }
0x3ed: {  	v7 =	vld.idx.msk [tilespmem:v7+s9+$0x0], $0xffff;
	s24 =	sadd.s32 $0xE0, s24;
	s26 =	smov.u32 s25;
	s25 =	sadd.s32 $0x380, s25  }
0x3ee: {  	v5 =	vld.idx.msk [tilespmem:v5+s9+$0x0], $0xffff  }
0x3ef: {  	v6 =	vld.idx.msk [tilespmem:v6+s9+$0x0], $0xffff  }
0x3f0: {  	v8 =	vld [tilespmem:s23+$0x5500]  }
0x3f1: {  	v9 =	vld.idx.msk [tilespmem:v21+s9+$0x0], $0xffff  }
0x3f2: {  	v10 =	vld.idx.msk [tilespmem:v19+s9+$0x0], $0xffff  }
0x3f3: {  	v4 =	vld.idx.msk [tilespmem:v4+s9+$0x0], $0xffff  }
0x3f4: {  	v11 =	vld.idx.msk [tilespmem:v1+s9+$0x0], $0xffff  }
0x3f5: {  	v12 =	vld.idx.msk [tilespmem:v2+s9+$0x0], $0xffff  }
0x3f6: {  	v2 =	vld.idx.msk [tilespmem:v3+s9+$0x0], $0xffff  }
0x3f7: {  	v1 =	vld.idx.msk [tilespmem:v22+s9+$0x0], $0xffff  }
0x3f8: {  	v3 =	vld.idx.msk [tilespmem:v8+s9+$0x0], $0xffff  }
0x3f9: {  	[tilespmem:s22+$0x1A580] =	vst v9  }
0x3fa: {  	[tilespmem:s22+$0x1A590] =	vst v4  }
0x3fb: {  	[tilespmem:s22+$0x1A5D0] =	vst v20  }
0x3fc: {  	[tilespmem:s22+$0x1A5C0] =	vst v5  }
0x3fd: {  	[tilespmem:s22+$0x1A5A0] =	vst v1  }
0x3fe: {  	[tilespmem:s22+$0x1A5E0] =	vst v7  }
0x3ff: {  	[tilespmem:s22+$0x1A5F0] =	vst v18  }
0x400: {  	[tilespmem:s22+$0x1A5B0] =	vst v6  }
0x401: {  	s26 =	sshra.s32 s26, $0x2;
	[tilespmem:s23+$0x1A600] =	vst v3;
	s23 =	sand.u32 $0xFE0, s24  }
0x402: {  	v1 =	vld [tilespmem:s26+$0x5550];
	[tilespmem:s22+$0x1A610] =	vst v2  }
0x403: {  	v2 =	vld [tilespmem:s26+$0x5540];
	[tilespmem:s22+$0x1A620] =	vst v10  }
0x404: {  	v8 =	vld [tilespmem:s26+$0x5530];
	[tilespmem:s22+$0x1A630] =	vst v0  }
0x405: {  	v19 =	vld [tilespmem:s26+$0x5520];
	[tilespmem:s22+$0x1A640] =	vst v12  }
0x406: {  	v3 =	vld [tilespmem:s26+$0x5510];
	[tilespmem:s22+$0x1A650] =	vst v11;
	s22 =	smov.u32 s26  }
0x407: {  	v0 =	vld [tilespmem:s22+$0x54F0]  }
0x408: {  	v21 =	vld [tilespmem:s23+$0x5480]  }
0x409: {  	v9 =	vld [tilespmem:s22+$0x54D0]  }
0x40a: {  	v7 =	vld [tilespmem:s22+$0x54E0]  }
0x40b: {  	v5 =	vld [tilespmem:s22+$0x54C0]  }
0x40c: {  	v6 =	vld [tilespmem:s22+$0x54B0]  }
.Ltmp8:
0x40d: {  	v4 =	vld [tilespmem:s22+$0x5490];
	(pc) =	sbr.rel @p0 .LBB2_19-.Ltmp8, $4  }
0x40e: {  	v22 =	vld [tilespmem:s22+$0x54A0]  }
0x40f: {  	v18 =	vld.idx.msk [tilespmem:v0+s9+$0x0], $0xffff  }
0x410: {  	v0 =	vld.idx.msk [tilespmem:v8+s9+$0x0], $0xffff  }
0x411: {  	v20 =	vld.idx.msk [tilespmem:v9+s9+$0x0], $0xffff  }
0x412: {  	_ =	sdelay $0x3  }
0x413: {  	v7 =	vld.idx.msk [tilespmem:v7+s9+$0x0], $0xffff  }
0x414: {  	v5 =	vld.idx.msk [tilespmem:v5+s9+$0x0], $0xffff  }
0x415: {  	v6 =	vld.idx.msk [tilespmem:v6+s9+$0x0], $0xffff  }
0x416: {  	v8 =	vld [tilespmem:s23+$0x5500]  }
0x417: {  	v9 =	vld.idx.msk [tilespmem:v21+s9+$0x0], $0xffff  }
0x418: {  	v10 =	vld.idx.msk [tilespmem:v19+s9+$0x0], $0xffff  }
0x419: {  	v4 =	vld.idx.msk [tilespmem:v4+s9+$0x0], $0xffff  }
0x41a: {  	v1 =	vld.idx.msk [tilespmem:v1+s9+$0x0], $0xffff  }
0x41b: {  	v2 =	vld.idx.msk [tilespmem:v2+s9+$0x0], $0xffff  }
0x41c: {  	v3 =	vld.idx.msk [tilespmem:v3+s9+$0x0], $0xffff  }
0x41d: {  	v11 =	vld.idx.msk [tilespmem:v22+s9+$0x0], $0xffff  }
0x41e: {  	v8 =	vld.idx.msk [tilespmem:v8+s9+$0x0], $0xffff;
	[tilespmem:s22+$0x1A580] =	vst v9  }
0x41f: {  	[tilespmem:s22+$0x1A590] =	vst v4  }
0x420: {  	[tilespmem:s22+$0x1A5D0] =	vst v20  }
0x421: {  	[tilespmem:s22+$0x1A5C0] =	vst v5  }
0x422: {  	[tilespmem:s22+$0x1A5A0] =	vst v11  }
0x423: {  	[tilespmem:s22+$0x1A5E0] =	vst v7  }
0x424: {  	[tilespmem:s22+$0x1A5F0] =	vst v18  }
0x425: {  	[tilespmem:s22+$0x1A5B0] =	vst v6  }
0x426: {  	[tilespmem:s23+$0x1A600] =	vst v8  }
0x427: {  	[tilespmem:s22+$0x1A610] =	vst v3  }
0x428: {  	[tilespmem:s22+$0x1A620] =	vst v10  }
0x429: {  	[tilespmem:s22+$0x1A630] =	vst v0  }
0x42a: {  	[tilespmem:s22+$0x1A640] =	vst v2  }
0x42b: {  	s31 =	sadd.s32 $0xA80, s21;
	s24 =	simm.s32 $0x0;
	[tilespmem:s22+$0x1A650] =	vst v1  }
0x42c: {  	[hbm4b:s31+s24] =	stream.linear.scatter [tilespmem:s12], [sflag:$0x3], $0xE00, $0x38;
	[tilespmem:$0x1C180] =	vst v63  }
0x42d: {  	_ =	swait.ge [sflag:s17], $0xE00  }
0x42e: {  	[sflag:s17] =	ssyncset.done $0x0  }
0x42f: {  	s22 =	simm.s32 $0x0;
	[sflag:s17] =	ssyncadd.s32 $0xFFFFF200  }
0x430: {  	v1 =	vld [tilespmem:s22+$0x6350]  }
0x431: {  	v2 =	vld [tilespmem:s22+$0x6340]  }
0x432: {  	v0 =	vld [tilespmem:s22+$0x6330]  }
0x433: {  	v19 =	vld [tilespmem:s22+$0x6320]  }
0x434: {  	v3 =	vld [tilespmem:s22+$0x6310]  }
0x435: {  	s23 =	sand.u32 $0xFE0, s24;
	v8 =	vld [tilespmem:s22+$0x62F0]  }
0x436: {  	v21 =	vld [tilespmem:s23+$0x6280]  }
0x437: {  	v63 =	vld [tilespmem:s22+$0x62D0]  }
0x438: {  	v7 =	vld [tilespmem:s22+$0x62E0]  }
0x439: {  	v5 =	vld [tilespmem:s22+$0x62C0]  }
0x43a: {  	v6 =	vld [tilespmem:s22+$0x62B0]  }
0x43b: {  	v4 =	vld [tilespmem:s22+$0x6290]  }
0x43c: {  	v22 =	vld [tilespmem:s22+$0x62A0]  }
0x43d: {  	v18 =	vld.idx.msk [tilespmem:v8+s9+$0x0], $0xffff  }
0x43e: {  	v0 =	vld.idx.msk [tilespmem:v0+s9+$0x0], $0xffff  }
0x43f: {  	s25 =	simm.s32 $0x380;
	v20 =	vld.idx.msk [tilespmem:v63+s9+$0x0], $0xffff  }
.LBB2_21:
0x440: {  	p0 =	sne.s32 s25, $0x3480  }
0x441: {  	v7 =	vld.idx.msk [tilespmem:v7+s9+$0x0], $0xffff;
	s24 =	sadd.s32 $0xE0, s24;
	s26 =	smov.u32 s25;
	s25 =	sadd.s32 $0x380, s25  }
0x442: {  	v5 =	vld.idx.msk [tilespmem:v5+s9+$0x0], $0xffff  }
0x443: {  	v6 =	vld.idx.msk [tilespmem:v6+s9+$0x0], $0xffff  }
0x444: {  	v8 =	vld [tilespmem:s23+$0x6300]  }
0x445: {  	v9 =	vld.idx.msk [tilespmem:v21+s9+$0x0], $0xffff  }
0x446: {  	v10 =	vld.idx.msk [tilespmem:v19+s9+$0x0], $0xffff  }
0x447: {  	v4 =	vld.idx.msk [tilespmem:v4+s9+$0x0], $0xffff  }
0x448: {  	v11 =	vld.idx.msk [tilespmem:v1+s9+$0x0], $0xffff  }
0x449: {  	v12 =	vld.idx.msk [tilespmem:v2+s9+$0x0], $0xffff  }
0x44a: {  	v2 =	vld.idx.msk [tilespmem:v3+s9+$0x0], $0xffff  }
0x44b: {  	v1 =	vld.idx.msk [tilespmem:v22+s9+$0x0], $0xffff  }
0x44c: {  	v3 =	vld.idx.msk [tilespmem:v8+s9+$0x0], $0xffff  }
0x44d: {  	[tilespmem:s22+$0x1B380] =	vst v9  }
0x44e: {  	[tilespmem:s22+$0x1B390] =	vst v4  }
0x44f: {  	[tilespmem:s22+$0x1B3D0] =	vst v20  }
0x450: {  	[tilespmem:s22+$0x1B3C0] =	vst v5  }
0x451: {  	[tilespmem:s22+$0x1B3A0] =	vst v1  }
0x452: {  	[tilespmem:s22+$0x1B3E0] =	vst v7  }
0x453: {  	[tilespmem:s22+$0x1B3F0] =	vst v18  }
0x454: {  	[tilespmem:s22+$0x1B3B0] =	vst v6  }
0x455: {  	s26 =	sshra.s32 s26, $0x2;
	[tilespmem:s23+$0x1B400] =	vst v3;
	s23 =	sand.u32 $0xFE0, s24  }
0x456: {  	v1 =	vld [tilespmem:s26+$0x6350];
	[tilespmem:s22+$0x1B410] =	vst v2  }
0x457: {  	v2 =	vld [tilespmem:s26+$0x6340];
	[tilespmem:s22+$0x1B420] =	vst v10  }
0x458: {  	v8 =	vld [tilespmem:s26+$0x6330];
	[tilespmem:s22+$0x1B430] =	vst v0  }
0x459: {  	v19 =	vld [tilespmem:s26+$0x6320];
	[tilespmem:s22+$0x1B440] =	vst v12  }
0x45a: {  	v3 =	vld [tilespmem:s26+$0x6310];
	[tilespmem:s22+$0x1B450] =	vst v11;
	s22 =	smov.u32 s26  }
0x45b: {  	v0 =	vld [tilespmem:s22+$0x62F0]  }
0x45c: {  	v21 =	vld [tilespmem:s23+$0x6280]  }
0x45d: {  	v9 =	vld [tilespmem:s22+$0x62D0]  }
0x45e: {  	v7 =	vld [tilespmem:s22+$0x62E0]  }
0x45f: {  	v5 =	vld [tilespmem:s22+$0x62C0]  }
0x460: {  	v6 =	vld [tilespmem:s22+$0x62B0]  }
.Ltmp9:
0x461: {  	v4 =	vld [tilespmem:s22+$0x6290];
	(pc) =	sbr.rel @p0 .LBB2_21-.Ltmp9, $4  }
0x462: {  	v22 =	vld [tilespmem:s22+$0x62A0]  }
0x463: {  	v18 =	vld.idx.msk [tilespmem:v0+s9+$0x0], $0xffff  }
0x464: {  	v0 =	vld.idx.msk [tilespmem:v8+s9+$0x0], $0xffff  }
0x465: {  	v20 =	vld.idx.msk [tilespmem:v9+s9+$0x0], $0xffff  }
0x466: {  	_ =	sdelay $0x3  }
0x467: {  	v7 =	vld.idx.msk [tilespmem:v7+s9+$0x0], $0xffff  }
0x468: {  	v5 =	vld.idx.msk [tilespmem:v5+s9+$0x0], $0xffff  }
0x469: {  	v6 =	vld.idx.msk [tilespmem:v6+s9+$0x0], $0xffff  }
0x46a: {  	v8 =	vld [tilespmem:s23+$0x6300]  }
0x46b: {  	v9 =	vld.idx.msk [tilespmem:v21+s9+$0x0], $0xffff  }
0x46c: {  	v10 =	vld.idx.msk [tilespmem:v19+s9+$0x0], $0xffff  }
0x46d: {  	v4 =	vld.idx.msk [tilespmem:v4+s9+$0x0], $0xffff  }
0x46e: {  	v1 =	vld.idx.msk [tilespmem:v1+s9+$0x0], $0xffff  }
0x46f: {  	v2 =	vld.idx.msk [tilespmem:v2+s9+$0x0], $0xffff  }
0x470: {  	v3 =	vld.idx.msk [tilespmem:v3+s9+$0x0], $0xffff  }
0x471: {  	v11 =	vld.idx.msk [tilespmem:v22+s9+$0x0], $0xffff  }
0x472: {  	v8 =	vld.idx.msk [tilespmem:v8+s9+$0x0], $0xffff;
	[tilespmem:s22+$0x1B380] =	vst v9  }
0x473: {  	[tilespmem:s22+$0x1B390] =	vst v4  }
0x474: {  	[tilespmem:s22+$0x1B3D0] =	vst v20  }
0x475: {  	[tilespmem:s22+$0x1B3C0] =	vst v5  }
0x476: {  	[tilespmem:s22+$0x1B3A0] =	vst v11  }
0x477: {  	[tilespmem:s22+$0x1B3E0] =	vst v7  }
0x478: {  	[tilespmem:s22+$0x1B3F0] =	vst v18  }
0x479: {  	[tilespmem:s22+$0x1B3B0] =	vst v6  }
0x47a: {  	[tilespmem:s23+$0x1B400] =	vst v8  }
0x47b: {  	[tilespmem:s22+$0x1B410] =	vst v3  }
0x47c: {  	[tilespmem:s22+$0x1B420] =	vst v10  }
0x47d: {  	[tilespmem:s22+$0x1B430] =	vst v0  }
0x47e: {  	[tilespmem:s22+$0x1B440] =	vst v2  }
0x47f: {  	s31 =	sadd.s32 $0xC40, s21;
	s24 =	simm.s32 $0x0;
	[tilespmem:s22+$0x1B450] =	vst v1  }
0x480: {  	[hbm4b:s31+s24] =	stream.linear.scatter [tilespmem:s13], [sflag:$0x4], $0xE00, $0x38;
	[tilespmem:$0x1C180] =	vst v63  }
0x481: {  	_ =	swait.ge [sflag:s14], $0xE00  }
0x482: {  	[sflag:s14] =	ssyncset.done $0x0  }
0x483: {  	s22 =	simm.s32 $0x0;
	[sflag:s14] =	ssyncadd.s32 $0xFFFFF200  }
0x484: {  	v1 =	vld [tilespmem:s22+$0x7150]  }
0x485: {  	v2 =	vld [tilespmem:s22+$0x7140]  }
0x486: {  	v0 =	vld [tilespmem:s22+$0x7130]  }
0x487: {  	v19 =	vld [tilespmem:s22+$0x7120]  }
0x488: {  	v3 =	vld [tilespmem:s22+$0x7110]  }
0x489: {  	s23 =	sand.u32 $0xFE0, s24;
	v8 =	vld [tilespmem:s22+$0x70F0]  }
0x48a: {  	v21 =	vld [tilespmem:s23+$0x7080]  }
0x48b: {  	v63 =	vld [tilespmem:s22+$0x70D0]  }
0x48c: {  	v7 =	vld [tilespmem:s22+$0x70E0]  }
0x48d: {  	v5 =	vld [tilespmem:s22+$0x70C0]  }
0x48e: {  	v6 =	vld [tilespmem:s22+$0x70B0]  }
0x48f: {  	v4 =	vld [tilespmem:s22+$0x7090]  }
0x490: {  	v22 =	vld [tilespmem:s22+$0x70A0]  }
0x491: {  	v18 =	vld.idx.msk [tilespmem:v8+s9+$0x0], $0xffff  }
0x492: {  	v0 =	vld.idx.msk [tilespmem:v0+s9+$0x0], $0xffff  }
0x493: {  	s25 =	simm.s32 $0x380;
	v20 =	vld.idx.msk [tilespmem:v63+s9+$0x0], $0xffff  }
.LBB2_23:
0x494: {  	p0 =	sne.s32 s25, $0x3480  }
0x495: {  	v7 =	vld.idx.msk [tilespmem:v7+s9+$0x0], $0xffff;
	s24 =	sadd.s32 $0xE0, s24;
	s26 =	smov.u32 s25;
	s25 =	sadd.s32 $0x380, s25  }
0x496: {  	v5 =	vld.idx.msk [tilespmem:v5+s9+$0x0], $0xffff  }
0x497: {  	v6 =	vld.idx.msk [tilespmem:v6+s9+$0x0], $0xffff  }
0x498: {  	v8 =	vld [tilespmem:s23+$0x7100]  }
0x499: {  	v9 =	vld.idx.msk [tilespmem:v21+s9+$0x0], $0xffff  }
0x49a: {  	v10 =	vld.idx.msk [tilespmem:v19+s9+$0x0], $0xffff  }
0x49b: {  	v4 =	vld.idx.msk [tilespmem:v4+s9+$0x0], $0xffff  }
0x49c: {  	v11 =	vld.idx.msk [tilespmem:v1+s9+$0x0], $0xffff  }
0x49d: {  	v12 =	vld.idx.msk [tilespmem:v2+s9+$0x0], $0xffff  }
0x49e: {  	v2 =	vld.idx.msk [tilespmem:v3+s9+$0x0], $0xffff  }
0x49f: {  	v1 =	vld.idx.msk [tilespmem:v22+s9+$0x0], $0xffff  }
0x4a0: {  	v3 =	vld.idx.msk [tilespmem:v8+s9+$0x0], $0xffff  }
0x4a1: {  	[tilespmem:s22+$0x18980] =	vst v9  }
0x4a2: {  	[tilespmem:s22+$0x18990] =	vst v4  }
0x4a3: {  	[tilespmem:s22+$0x189D0] =	vst v20  }
0x4a4: {  	[tilespmem:s22+$0x189C0] =	vst v5  }
0x4a5: {  	[tilespmem:s22+$0x189A0] =	vst v1  }
0x4a6: {  	[tilespmem:s22+$0x189E0] =	vst v7  }
0x4a7: {  	[tilespmem:s22+$0x189F0] =	vst v18  }
0x4a8: {  	[tilespmem:s22+$0x189B0] =	vst v6  }
0x4a9: {  	s26 =	sshra.s32 s26, $0x2;
	[tilespmem:s23+$0x18A00] =	vst v3;
	s23 =	sand.u32 $0xFE0, s24  }
0x4aa: {  	v1 =	vld [tilespmem:s26+$0x7150];
	[tilespmem:s22+$0x18A10] =	vst v2  }
0x4ab: {  	v2 =	vld [tilespmem:s26+$0x7140];
	[tilespmem:s22+$0x18A20] =	vst v10  }
0x4ac: {  	v8 =	vld [tilespmem:s26+$0x7130];
	[tilespmem:s22+$0x18A30] =	vst v0  }
0x4ad: {  	v19 =	vld [tilespmem:s26+$0x7120];
	[tilespmem:s22+$0x18A40] =	vst v12  }
0x4ae: {  	v3 =	vld [tilespmem:s26+$0x7110];
	[tilespmem:s22+$0x18A50] =	vst v11;
	s22 =	smov.u32 s26  }
0x4af: {  	v0 =	vld [tilespmem:s22+$0x70F0]  }
0x4b0: {  	v21 =	vld [tilespmem:s23+$0x7080]  }
0x4b1: {  	v9 =	vld [tilespmem:s22+$0x70D0]  }
0x4b2: {  	v7 =	vld [tilespmem:s22+$0x70E0]  }
0x4b3: {  	v5 =	vld [tilespmem:s22+$0x70C0]  }
0x4b4: {  	v6 =	vld [tilespmem:s22+$0x70B0]  }
.Ltmp10:
0x4b5: {  	v4 =	vld [tilespmem:s22+$0x7090];
	(pc) =	sbr.rel @p0 .LBB2_23-.Ltmp10, $4  }
0x4b6: {  	v22 =	vld [tilespmem:s22+$0x70A0]  }
0x4b7: {  	v18 =	vld.idx.msk [tilespmem:v0+s9+$0x0], $0xffff  }
0x4b8: {  	v0 =	vld.idx.msk [tilespmem:v8+s9+$0x0], $0xffff  }
0x4b9: {  	v20 =	vld.idx.msk [tilespmem:v9+s9+$0x0], $0xffff  }
0x4ba: {  	_ =	sdelay $0x3  }
0x4bb: {  	v7 =	vld.idx.msk [tilespmem:v7+s9+$0x0], $0xffff  }
0x4bc: {  	v5 =	vld.idx.msk [tilespmem:v5+s9+$0x0], $0xffff  }
0x4bd: {  	v6 =	vld.idx.msk [tilespmem:v6+s9+$0x0], $0xffff  }
0x4be: {  	v8 =	vld [tilespmem:s23+$0x7100]  }
0x4bf: {  	v9 =	vld.idx.msk [tilespmem:v21+s9+$0x0], $0xffff  }
0x4c0: {  	v10 =	vld.idx.msk [tilespmem:v19+s9+$0x0], $0xffff  }
0x4c1: {  	v4 =	vld.idx.msk [tilespmem:v4+s9+$0x0], $0xffff  }
0x4c2: {  	v1 =	vld.idx.msk [tilespmem:v1+s9+$0x0], $0xffff  }
0x4c3: {  	v2 =	vld.idx.msk [tilespmem:v2+s9+$0x0], $0xffff  }
0x4c4: {  	v3 =	vld.idx.msk [tilespmem:v3+s9+$0x0], $0xffff  }
0x4c5: {  	v11 =	vld.idx.msk [tilespmem:v22+s9+$0x0], $0xffff  }
0x4c6: {  	v8 =	vld.idx.msk [tilespmem:v8+s9+$0x0], $0xffff;
	[tilespmem:s22+$0x18980] =	vst v9  }
0x4c7: {  	[tilespmem:s22+$0x18990] =	vst v4  }
0x4c8: {  	[tilespmem:s22+$0x189D0] =	vst v20  }
0x4c9: {  	[tilespmem:s22+$0x189C0] =	vst v5  }
0x4ca: {  	[tilespmem:s22+$0x189A0] =	vst v11  }
0x4cb: {  	[tilespmem:s22+$0x189E0] =	vst v7  }
0x4cc: {  	[tilespmem:s22+$0x189F0] =	vst v18  }
0x4cd: {  	[tilespmem:s22+$0x189B0] =	vst v6  }
0x4ce: {  	[tilespmem:s23+$0x18A00] =	vst v8  }
0x4cf: {  	[tilespmem:s22+$0x18A10] =	vst v3  }
0x4d0: {  	[tilespmem:s22+$0x18A20] =	vst v10  }
0x4d1: {  	[tilespmem:s22+$0x18A30] =	vst v0  }
0x4d2: {  	[tilespmem:s22+$0x18A40] =	vst v2  }
0x4d3: {  	s31 =	sadd.s32 $0xE00, s21;
	s24 =	simm.s32 $0x0;
	[tilespmem:s22+$0x18A50] =	vst v1  }
0x4d4: {  	[hbm4b:s31+s24] =	stream.linear.scatter [tilespmem:s10], [sflag:$0x1], $0xE00, $0x38;
	[tilespmem:$0x1C180] =	vst v63  }
0x4d5: {  	_ =	swait.ge [sflag:s15], $0xE00  }
0x4d6: {  	[sflag:s15] =	ssyncset.done $0x0  }
0x4d7: {  	s22 =	simm.s32 $0x0;
	[sflag:s15] =	ssyncadd.s32 $0xFFFFF200  }
0x4d8: {  	v1 =	vld [tilespmem:s22+$0x7F50]  }
0x4d9: {  	v2 =	vld [tilespmem:s22+$0x7F40]  }
0x4da: {  	v0 =	vld [tilespmem:s22+$0x7F30]  }
0x4db: {  	v19 =	vld [tilespmem:s22+$0x7F20]  }
0x4dc: {  	v3 =	vld [tilespmem:s22+$0x7F10]  }
0x4dd: {  	s23 =	sand.u32 $0xFE0, s24;
	v8 =	vld [tilespmem:s22+$0x7EF0]  }
0x4de: {  	v21 =	vld [tilespmem:s23+$0x7E80]  }
0x4df: {  	v63 =	vld [tilespmem:s22+$0x7ED0]  }
0x4e0: {  	v7 =	vld [tilespmem:s22+$0x7EE0]  }
0x4e1: {  	v5 =	vld [tilespmem:s22+$0x7EC0]  }
0x4e2: {  	v6 =	vld [tilespmem:s22+$0x7EB0]  }
0x4e3: {  	v4 =	vld [tilespmem:s22+$0x7E90]  }
0x4e4: {  	v22 =	vld [tilespmem:s22+$0x7EA0]  }
0x4e5: {  	v18 =	vld.idx.msk [tilespmem:v8+s9+$0x0], $0xffff  }
0x4e6: {  	v0 =	vld.idx.msk [tilespmem:v0+s9+$0x0], $0xffff  }
0x4e7: {  	s25 =	simm.s32 $0x380;
	v20 =	vld.idx.msk [tilespmem:v63+s9+$0x0], $0xffff  }
.LBB2_25:
0x4e8: {  	p0 =	sne.s32 s25, $0x3480  }
0x4e9: {  	v7 =	vld.idx.msk [tilespmem:v7+s9+$0x0], $0xffff;
	s24 =	sadd.s32 $0xE0, s24;
	s26 =	smov.u32 s25;
	s25 =	sadd.s32 $0x380, s25  }
0x4ea: {  	v5 =	vld.idx.msk [tilespmem:v5+s9+$0x0], $0xffff  }
0x4eb: {  	v6 =	vld.idx.msk [tilespmem:v6+s9+$0x0], $0xffff  }
0x4ec: {  	v8 =	vld [tilespmem:s23+$0x7F00]  }
0x4ed: {  	v9 =	vld.idx.msk [tilespmem:v21+s9+$0x0], $0xffff  }
0x4ee: {  	v10 =	vld.idx.msk [tilespmem:v19+s9+$0x0], $0xffff  }
0x4ef: {  	v4 =	vld.idx.msk [tilespmem:v4+s9+$0x0], $0xffff  }
0x4f0: {  	v11 =	vld.idx.msk [tilespmem:v1+s9+$0x0], $0xffff  }
0x4f1: {  	v12 =	vld.idx.msk [tilespmem:v2+s9+$0x0], $0xffff  }
0x4f2: {  	v2 =	vld.idx.msk [tilespmem:v3+s9+$0x0], $0xffff  }
0x4f3: {  	v1 =	vld.idx.msk [tilespmem:v22+s9+$0x0], $0xffff  }
0x4f4: {  	v3 =	vld.idx.msk [tilespmem:v8+s9+$0x0], $0xffff  }
0x4f5: {  	[tilespmem:s22+$0x19780] =	vst v9  }
0x4f6: {  	[tilespmem:s22+$0x19790] =	vst v4  }
0x4f7: {  	[tilespmem:s22+$0x197D0] =	vst v20  }
0x4f8: {  	[tilespmem:s22+$0x197C0] =	vst v5  }
0x4f9: {  	[tilespmem:s22+$0x197A0] =	vst v1  }
0x4fa: {  	[tilespmem:s22+$0x197E0] =	vst v7  }
0x4fb: {  	[tilespmem:s22+$0x197F0] =	vst v18  }
0x4fc: {  	[tilespmem:s22+$0x197B0] =	vst v6  }
0x4fd: {  	s26 =	sshra.s32 s26, $0x2;
	[tilespmem:s23+$0x19800] =	vst v3;
	s23 =	sand.u32 $0xFE0, s24  }
0x4fe: {  	v1 =	vld [tilespmem:s26+$0x7F50];
	[tilespmem:s22+$0x19810] =	vst v2  }
0x4ff: {  	v2 =	vld [tilespmem:s26+$0x7F40];
	[tilespmem:s22+$0x19820] =	vst v10  }
0x500: {  	v8 =	vld [tilespmem:s26+$0x7F30];
	[tilespmem:s22+$0x19830] =	vst v0  }
0x501: {  	v19 =	vld [tilespmem:s26+$0x7F20];
	[tilespmem:s22+$0x19840] =	vst v12  }
0x502: {  	v3 =	vld [tilespmem:s26+$0x7F10];
	[tilespmem:s22+$0x19850] =	vst v11;
	s22 =	smov.u32 s26  }
0x503: {  	v0 =	vld [tilespmem:s22+$0x7EF0]  }
0x504: {  	v21 =	vld [tilespmem:s23+$0x7E80]  }
0x505: {  	v9 =	vld [tilespmem:s22+$0x7ED0]  }
0x506: {  	v7 =	vld [tilespmem:s22+$0x7EE0]  }
0x507: {  	v5 =	vld [tilespmem:s22+$0x7EC0]  }
0x508: {  	v6 =	vld [tilespmem:s22+$0x7EB0]  }
.Ltmp11:
0x509: {  	v4 =	vld [tilespmem:s22+$0x7E90];
	(pc) =	sbr.rel @p0 .LBB2_25-.Ltmp11, $4  }
0x50a: {  	v22 =	vld [tilespmem:s22+$0x7EA0]  }
0x50b: {  	v18 =	vld.idx.msk [tilespmem:v0+s9+$0x0], $0xffff  }
0x50c: {  	v0 =	vld.idx.msk [tilespmem:v8+s9+$0x0], $0xffff  }
0x50d: {  	v20 =	vld.idx.msk [tilespmem:v9+s9+$0x0], $0xffff  }
0x50e: {  	_ =	sdelay $0x3  }
0x50f: {  	v7 =	vld.idx.msk [tilespmem:v7+s9+$0x0], $0xffff  }
0x510: {  	v5 =	vld.idx.msk [tilespmem:v5+s9+$0x0], $0xffff  }
0x511: {  	v6 =	vld.idx.msk [tilespmem:v6+s9+$0x0], $0xffff  }
0x512: {  	v8 =	vld [tilespmem:s23+$0x7F00]  }
0x513: {  	v9 =	vld.idx.msk [tilespmem:v21+s9+$0x0], $0xffff  }
0x514: {  	v10 =	vld.idx.msk [tilespmem:v19+s9+$0x0], $0xffff  }
0x515: {  	v4 =	vld.idx.msk [tilespmem:v4+s9+$0x0], $0xffff  }
0x516: {  	v1 =	vld.idx.msk [tilespmem:v1+s9+$0x0], $0xffff  }
0x517: {  	v2 =	vld.idx.msk [tilespmem:v2+s9+$0x0], $0xffff  }
0x518: {  	v3 =	vld.idx.msk [tilespmem:v3+s9+$0x0], $0xffff  }
0x519: {  	v11 =	vld.idx.msk [tilespmem:v22+s9+$0x0], $0xffff  }
0x51a: {  	v8 =	vld.idx.msk [tilespmem:v8+s9+$0x0], $0xffff;
	[tilespmem:s22+$0x19780] =	vst v9  }
0x51b: {  	[tilespmem:s22+$0x19790] =	vst v4  }
0x51c: {  	[tilespmem:s22+$0x197D0] =	vst v20  }
0x51d: {  	[tilespmem:s22+$0x197C0] =	vst v5  }
0x51e: {  	[tilespmem:s22+$0x197A0] =	vst v11  }
0x51f: {  	[tilespmem:s22+$0x197E0] =	vst v7  }
0x520: {  	[tilespmem:s22+$0x197F0] =	vst v18  }
0x521: {  	[tilespmem:s22+$0x197B0] =	vst v6  }
0x522: {  	[tilespmem:s23+$0x19800] =	vst v8  }
0x523: {  	[tilespmem:s22+$0x19810] =	vst v3  }
0x524: {  	[tilespmem:s22+$0x19820] =	vst v10  }
0x525: {  	[tilespmem:s22+$0x19830] =	vst v0  }
0x526: {  	[tilespmem:s22+$0x19840] =	vst v2  }
0x527: {  	s31 =	sadd.s32 $0xFC0, s21;
	s24 =	simm.s32 $0x0;
	[tilespmem:s22+$0x19850] =	vst v1  }
0x528: {  	[hbm4b:s31+s24] =	stream.linear.scatter [tilespmem:s11], [sflag:$0x2], $0xE00, $0x38;
	[tilespmem:$0x1C180] =	vst v63  }
0x529: {  	_ =	swait.ge [sflag:s16], $0xE00  }
0x52a: {  	[sflag:s16] =	ssyncset.done $0x0  }
0x52b: {  	s22 =	simm.s32 $0x0;
	[sflag:s16] =	ssyncadd.s32 $0xFFFFF200  }
0x52c: {  	v1 =	vld [tilespmem:s22+$0x8D50]  }
0x52d: {  	v2 =	vld [tilespmem:s22+$0x8D40]  }
0x52e: {  	v0 =	vld [tilespmem:s22+$0x8D30]  }
0x52f: {  	v19 =	vld [tilespmem:s22+$0x8D20]  }
0x530: {  	v3 =	vld [tilespmem:s22+$0x8D10]  }
0x531: {  	s23 =	sand.u32 $0xFE0, s24;
	v8 =	vld [tilespmem:s22+$0x8CF0]  }
0x532: {  	v21 =	vld [tilespmem:s23+$0x8C80]  }
0x533: {  	v63 =	vld [tilespmem:s22+$0x8CD0]  }
0x534: {  	v7 =	vld [tilespmem:s22+$0x8CE0]  }
0x535: {  	v5 =	vld [tilespmem:s22+$0x8CC0]  }
0x536: {  	v6 =	vld [tilespmem:s22+$0x8CB0]  }
0x537: {  	v4 =	vld [tilespmem:s22+$0x8C90]  }
0x538: {  	v22 =	vld [tilespmem:s22+$0x8CA0]  }
0x539: {  	v18 =	vld.idx.msk [tilespmem:v8+s9+$0x0], $0xffff  }
0x53a: {  	v0 =	vld.idx.msk [tilespmem:v0+s9+$0x0], $0xffff  }
0x53b: {  	s25 =	simm.s32 $0x380;
	v20 =	vld.idx.msk [tilespmem:v63+s9+$0x0], $0xffff  }
.LBB2_27:
0x53c: {  	p0 =	sne.s32 s25, $0x3480  }
0x53d: {  	v7 =	vld.idx.msk [tilespmem:v7+s9+$0x0], $0xffff;
	s24 =	sadd.s32 $0xE0, s24;
	s26 =	smov.u32 s25;
	s25 =	sadd.s32 $0x380, s25  }
0x53e: {  	v5 =	vld.idx.msk [tilespmem:v5+s9+$0x0], $0xffff  }
0x53f: {  	v6 =	vld.idx.msk [tilespmem:v6+s9+$0x0], $0xffff  }
0x540: {  	v8 =	vld [tilespmem:s23+$0x8D00]  }
0x541: {  	v9 =	vld.idx.msk [tilespmem:v21+s9+$0x0], $0xffff  }
0x542: {  	v10 =	vld.idx.msk [tilespmem:v19+s9+$0x0], $0xffff  }
0x543: {  	v4 =	vld.idx.msk [tilespmem:v4+s9+$0x0], $0xffff  }
0x544: {  	v11 =	vld.idx.msk [tilespmem:v1+s9+$0x0], $0xffff  }
0x545: {  	v12 =	vld.idx.msk [tilespmem:v2+s9+$0x0], $0xffff  }
0x546: {  	v2 =	vld.idx.msk [tilespmem:v3+s9+$0x0], $0xffff  }
0x547: {  	v1 =	vld.idx.msk [tilespmem:v22+s9+$0x0], $0xffff  }
0x548: {  	v3 =	vld.idx.msk [tilespmem:v8+s9+$0x0], $0xffff  }
0x549: {  	[tilespmem:s22+$0x1A580] =	vst v9  }
0x54a: {  	[tilespmem:s22+$0x1A590] =	vst v4  }
0x54b: {  	[tilespmem:s22+$0x1A5D0] =	vst v20  }
0x54c: {  	[tilespmem:s22+$0x1A5C0] =	vst v5  }
0x54d: {  	[tilespmem:s22+$0x1A5A0] =	vst v1  }
0x54e: {  	[tilespmem:s22+$0x1A5E0] =	vst v7  }
0x54f: {  	[tilespmem:s22+$0x1A5F0] =	vst v18  }
0x550: {  	[tilespmem:s22+$0x1A5B0] =	vst v6  }
0x551: {  	s26 =	sshra.s32 s26, $0x2;
	[tilespmem:s23+$0x1A600] =	vst v3;
	s23 =	sand.u32 $0xFE0, s24  }
0x552: {  	v1 =	vld [tilespmem:s26+$0x8D50];
	[tilespmem:s22+$0x1A610] =	vst v2  }
0x553: {  	v2 =	vld [tilespmem:s26+$0x8D40];
	[tilespmem:s22+$0x1A620] =	vst v10  }
0x554: {  	v8 =	vld [tilespmem:s26+$0x8D30];
	[tilespmem:s22+$0x1A630] =	vst v0  }
0x555: {  	v19 =	vld [tilespmem:s26+$0x8D20];
	[tilespmem:s22+$0x1A640] =	vst v12  }
0x556: {  	v3 =	vld [tilespmem:s26+$0x8D10];
	[tilespmem:s22+$0x1A650] =	vst v11;
	s22 =	smov.u32 s26  }
0x557: {  	v0 =	vld [tilespmem:s22+$0x8CF0]  }
0x558: {  	v21 =	vld [tilespmem:s23+$0x8C80]  }
0x559: {  	v9 =	vld [tilespmem:s22+$0x8CD0]  }
0x55a: {  	v7 =	vld [tilespmem:s22+$0x8CE0]  }
0x55b: {  	v5 =	vld [tilespmem:s22+$0x8CC0]  }
0x55c: {  	v6 =	vld [tilespmem:s22+$0x8CB0]  }
.Ltmp12:
0x55d: {  	v4 =	vld [tilespmem:s22+$0x8C90];
	(pc) =	sbr.rel @p0 .LBB2_27-.Ltmp12, $4  }
0x55e: {  	v22 =	vld [tilespmem:s22+$0x8CA0]  }
0x55f: {  	v18 =	vld.idx.msk [tilespmem:v0+s9+$0x0], $0xffff  }
0x560: {  	v0 =	vld.idx.msk [tilespmem:v8+s9+$0x0], $0xffff  }
0x561: {  	v20 =	vld.idx.msk [tilespmem:v9+s9+$0x0], $0xffff  }
0x562: {  	_ =	sdelay $0x3  }
0x563: {  	v7 =	vld.idx.msk [tilespmem:v7+s9+$0x0], $0xffff  }
0x564: {  	v5 =	vld.idx.msk [tilespmem:v5+s9+$0x0], $0xffff  }
0x565: {  	v6 =	vld.idx.msk [tilespmem:v6+s9+$0x0], $0xffff  }
0x566: {  	v8 =	vld [tilespmem:s23+$0x8D00]  }
0x567: {  	v9 =	vld.idx.msk [tilespmem:v21+s9+$0x0], $0xffff  }
0x568: {  	v10 =	vld.idx.msk [tilespmem:v19+s9+$0x0], $0xffff  }
0x569: {  	v4 =	vld.idx.msk [tilespmem:v4+s9+$0x0], $0xffff  }
0x56a: {  	v1 =	vld.idx.msk [tilespmem:v1+s9+$0x0], $0xffff  }
0x56b: {  	v2 =	vld.idx.msk [tilespmem:v2+s9+$0x0], $0xffff  }
0x56c: {  	v3 =	vld.idx.msk [tilespmem:v3+s9+$0x0], $0xffff  }
0x56d: {  	v11 =	vld.idx.msk [tilespmem:v22+s9+$0x0], $0xffff  }
0x56e: {  	v8 =	vld.idx.msk [tilespmem:v8+s9+$0x0], $0xffff;
	[tilespmem:s22+$0x1A580] =	vst v9  }
0x56f: {  	[tilespmem:s22+$0x1A590] =	vst v4  }
0x570: {  	[tilespmem:s22+$0x1A5D0] =	vst v20  }
0x571: {  	[tilespmem:s22+$0x1A5C0] =	vst v5  }
0x572: {  	[tilespmem:s22+$0x1A5A0] =	vst v11  }
0x573: {  	[tilespmem:s22+$0x1A5E0] =	vst v7  }
0x574: {  	[tilespmem:s22+$0x1A5F0] =	vst v18  }
0x575: {  	[tilespmem:s22+$0x1A5B0] =	vst v6  }
0x576: {  	[tilespmem:s23+$0x1A600] =	vst v8  }
0x577: {  	[tilespmem:s22+$0x1A610] =	vst v3  }
0x578: {  	[tilespmem:s22+$0x1A620] =	vst v10  }
0x579: {  	[tilespmem:s22+$0x1A630] =	vst v0  }
0x57a: {  	[tilespmem:s22+$0x1A640] =	vst v2  }
0x57b: {  	s31 =	sadd.s32 $0x1180, s21;
	s24 =	simm.s32 $0x0;
	[tilespmem:s22+$0x1A650] =	vst v1  }
0x57c: {  	[hbm4b:s31+s24] =	stream.linear.scatter [tilespmem:s12], [sflag:$0x3], $0xE00, $0x38;
	[tilespmem:$0x1C180] =	vst v63  }
0x57d: {  	_ =	swait.ge [sflag:s17], $0xE00  }
0x57e: {  	[sflag:s17] =	ssyncset.done $0x0  }
0x57f: {  	s22 =	simm.s32 $0x0;
	[sflag:s17] =	ssyncadd.s32 $0xFFFFF200  }
0x580: {  	v1 =	vld [tilespmem:s22+$0x9B50]  }
0x581: {  	v2 =	vld [tilespmem:s22+$0x9B40]  }
0x582: {  	v0 =	vld [tilespmem:s22+$0x9B30]  }
0x583: {  	v19 =	vld [tilespmem:s22+$0x9B20]  }
0x584: {  	v3 =	vld [tilespmem:s22+$0x9B10]  }
0x585: {  	s23 =	sand.u32 $0xFE0, s24;
	v8 =	vld [tilespmem:s22+$0x9AF0]  }
0x586: {  	v21 =	vld [tilespmem:s23+$0x9A80]  }
0x587: {  	v63 =	vld [tilespmem:s22+$0x9AD0]  }
0x588: {  	v7 =	vld [tilespmem:s22+$0x9AE0]  }
0x589: {  	v5 =	vld [tilespmem:s22+$0x9AC0]  }
0x58a: {  	v6 =	vld [tilespmem:s22+$0x9AB0]  }
0x58b: {  	v4 =	vld [tilespmem:s22+$0x9A90]  }
0x58c: {  	v22 =	vld [tilespmem:s22+$0x9AA0]  }
0x58d: {  	v18 =	vld.idx.msk [tilespmem:v8+s9+$0x0], $0xffff  }
0x58e: {  	v0 =	vld.idx.msk [tilespmem:v0+s9+$0x0], $0xffff  }
0x58f: {  	s25 =	simm.s32 $0x380;
	v20 =	vld.idx.msk [tilespmem:v63+s9+$0x0], $0xffff  }
.LBB2_29:
0x590: {  	p0 =	sne.s32 s25, $0x3480  }
0x591: {  	v7 =	vld.idx.msk [tilespmem:v7+s9+$0x0], $0xffff;
	s24 =	sadd.s32 $0xE0, s24;
	s26 =	smov.u32 s25;
	s25 =	sadd.s32 $0x380, s25  }
0x592: {  	v5 =	vld.idx.msk [tilespmem:v5+s9+$0x0], $0xffff  }
0x593: {  	v6 =	vld.idx.msk [tilespmem:v6+s9+$0x0], $0xffff  }
0x594: {  	v8 =	vld [tilespmem:s23+$0x9B00]  }
0x595: {  	v9 =	vld.idx.msk [tilespmem:v21+s9+$0x0], $0xffff  }
0x596: {  	v10 =	vld.idx.msk [tilespmem:v19+s9+$0x0], $0xffff  }
0x597: {  	v4 =	vld.idx.msk [tilespmem:v4+s9+$0x0], $0xffff  }
0x598: {  	v11 =	vld.idx.msk [tilespmem:v1+s9+$0x0], $0xffff  }
0x599: {  	v12 =	vld.idx.msk [tilespmem:v2+s9+$0x0], $0xffff  }
0x59a: {  	v2 =	vld.idx.msk [tilespmem:v3+s9+$0x0], $0xffff  }
0x59b: {  	v1 =	vld.idx.msk [tilespmem:v22+s9+$0x0], $0xffff  }
0x59c: {  	v3 =	vld.idx.msk [tilespmem:v8+s9+$0x0], $0xffff  }
0x59d: {  	[tilespmem:s22+$0x1B380] =	vst v9  }
0x59e: {  	[tilespmem:s22+$0x1B390] =	vst v4  }
0x59f: {  	[tilespmem:s22+$0x1B3D0] =	vst v20  }
0x5a0: {  	[tilespmem:s22+$0x1B3C0] =	vst v5  }
0x5a1: {  	[tilespmem:s22+$0x1B3A0] =	vst v1  }
0x5a2: {  	[tilespmem:s22+$0x1B3E0] =	vst v7  }
0x5a3: {  	[tilespmem:s22+$0x1B3F0] =	vst v18  }
0x5a4: {  	[tilespmem:s22+$0x1B3B0] =	vst v6  }
0x5a5: {  	s26 =	sshra.s32 s26, $0x2;
	[tilespmem:s23+$0x1B400] =	vst v3;
	s23 =	sand.u32 $0xFE0, s24  }
0x5a6: {  	v1 =	vld [tilespmem:s26+$0x9B50];
	[tilespmem:s22+$0x1B410] =	vst v2  }
0x5a7: {  	v2 =	vld [tilespmem:s26+$0x9B40];
	[tilespmem:s22+$0x1B420] =	vst v10  }
0x5a8: {  	v8 =	vld [tilespmem:s26+$0x9B30];
	[tilespmem:s22+$0x1B430] =	vst v0  }
0x5a9: {  	v19 =	vld [tilespmem:s26+$0x9B20];
	[tilespmem:s22+$0x1B440] =	vst v12  }
0x5aa: {  	v3 =	vld [tilespmem:s26+$0x9B10];
	[tilespmem:s22+$0x1B450] =	vst v11;
	s22 =	smov.u32 s26  }
0x5ab: {  	v0 =	vld [tilespmem:s22+$0x9AF0]  }
0x5ac: {  	v21 =	vld [tilespmem:s23+$0x9A80]  }
0x5ad: {  	v9 =	vld [tilespmem:s22+$0x9AD0]  }
0x5ae: {  	v7 =	vld [tilespmem:s22+$0x9AE0]  }
0x5af: {  	v5 =	vld [tilespmem:s22+$0x9AC0]  }
0x5b0: {  	v6 =	vld [tilespmem:s22+$0x9AB0]  }
.Ltmp13:
0x5b1: {  	v4 =	vld [tilespmem:s22+$0x9A90];
	(pc) =	sbr.rel @p0 .LBB2_29-.Ltmp13, $4  }
0x5b2: {  	v22 =	vld [tilespmem:s22+$0x9AA0]  }
0x5b3: {  	v18 =	vld.idx.msk [tilespmem:v0+s9+$0x0], $0xffff  }
0x5b4: {  	v0 =	vld.idx.msk [tilespmem:v8+s9+$0x0], $0xffff  }
0x5b5: {  	v20 =	vld.idx.msk [tilespmem:v9+s9+$0x0], $0xffff  }
0x5b6: {  	_ =	sdelay $0x3  }
0x5b7: {  	v7 =	vld.idx.msk [tilespmem:v7+s9+$0x0], $0xffff  }
0x5b8: {  	v5 =	vld.idx.msk [tilespmem:v5+s9+$0x0], $0xffff  }
0x5b9: {  	v6 =	vld.idx.msk [tilespmem:v6+s9+$0x0], $0xffff  }
0x5ba: {  	v8 =	vld [tilespmem:s23+$0x9B00]  }
0x5bb: {  	v9 =	vld.idx.msk [tilespmem:v21+s9+$0x0], $0xffff  }
0x5bc: {  	v10 =	vld.idx.msk [tilespmem:v19+s9+$0x0], $0xffff  }
0x5bd: {  	v4 =	vld.idx.msk [tilespmem:v4+s9+$0x0], $0xffff  }
0x5be: {  	v1 =	vld.idx.msk [tilespmem:v1+s9+$0x0], $0xffff  }
0x5bf: {  	v2 =	vld.idx.msk [tilespmem:v2+s9+$0x0], $0xffff  }
0x5c0: {  	v3 =	vld.idx.msk [tilespmem:v3+s9+$0x0], $0xffff  }
0x5c1: {  	v11 =	vld.idx.msk [tilespmem:v22+s9+$0x0], $0xffff  }
0x5c2: {  	v8 =	vld.idx.msk [tilespmem:v8+s9+$0x0], $0xffff;
	[tilespmem:s22+$0x1B380] =	vst v9  }
0x5c3: {  	[tilespmem:s22+$0x1B390] =	vst v4  }
0x5c4: {  	[tilespmem:s22+$0x1B3D0] =	vst v20  }
0x5c5: {  	[tilespmem:s22+$0x1B3C0] =	vst v5  }
0x5c6: {  	[tilespmem:s22+$0x1B3A0] =	vst v11  }
0x5c7: {  	[tilespmem:s22+$0x1B3E0] =	vst v7  }
0x5c8: {  	[tilespmem:s22+$0x1B3F0] =	vst v18  }
0x5c9: {  	[tilespmem:s22+$0x1B3B0] =	vst v6  }
0x5ca: {  	[tilespmem:s23+$0x1B400] =	vst v8  }
0x5cb: {  	[tilespmem:s22+$0x1B410] =	vst v3  }
0x5cc: {  	[tilespmem:s22+$0x1B420] =	vst v10  }
0x5cd: {  	[tilespmem:s22+$0x1B430] =	vst v0  }
0x5ce: {  	[tilespmem:s22+$0x1B440] =	vst v2  }
0x5cf: {  	s31 =	sadd.s32 $0x1340, s21;
	s24 =	simm.s32 $0x0;
	[tilespmem:s22+$0x1B450] =	vst v1  }
0x5d0: {  	[hbm4b:s31+s24] =	stream.linear.scatter [tilespmem:s13], [sflag:$0x4], $0xE00, $0x38;
	[tilespmem:$0x1C180] =	vst v63  }
0x5d1: {  	_ =	swait.ge [sflag:s14], $0xE00  }
0x5d2: {  	[sflag:s14] =	ssyncset.done $0x0  }
0x5d3: {  	s22 =	simm.s32 $0x0;
	[sflag:s14] =	ssyncadd.s32 $0xFFFFF200  }
0x5d4: {  	v1 =	vld [tilespmem:s22+$0xA950]  }
0x5d5: {  	v2 =	vld [tilespmem:s22+$0xA940]  }
0x5d6: {  	v0 =	vld [tilespmem:s22+$0xA930]  }
0x5d7: {  	v19 =	vld [tilespmem:s22+$0xA920]  }
0x5d8: {  	v3 =	vld [tilespmem:s22+$0xA910]  }
0x5d9: {  	s23 =	sand.u32 $0xFE0, s24;
	v8 =	vld [tilespmem:s22+$0xA8F0]  }
0x5da: {  	v21 =	vld [tilespmem:s23+$0xA880]  }
0x5db: {  	v63 =	vld [tilespmem:s22+$0xA8D0]  }
0x5dc: {  	v7 =	vld [tilespmem:s22+$0xA8E0]  }
0x5dd: {  	v5 =	vld [tilespmem:s22+$0xA8C0]  }
0x5de: {  	v6 =	vld [tilespmem:s22+$0xA8B0]  }
0x5df: {  	v4 =	vld [tilespmem:s22+$0xA890]  }
0x5e0: {  	v22 =	vld [tilespmem:s22+$0xA8A0]  }
0x5e1: {  	v18 =	vld.idx.msk [tilespmem:v8+s9+$0x0], $0xffff  }
0x5e2: {  	v0 =	vld.idx.msk [tilespmem:v0+s9+$0x0], $0xffff  }
0x5e3: {  	s25 =	simm.s32 $0x380;
	v20 =	vld.idx.msk [tilespmem:v63+s9+$0x0], $0xffff  }
.LBB2_31:
0x5e4: {  	p0 =	sne.s32 s25, $0x3480  }
0x5e5: {  	v7 =	vld.idx.msk [tilespmem:v7+s9+$0x0], $0xffff;
	s24 =	sadd.s32 $0xE0, s24;
	s26 =	smov.u32 s25;
	s25 =	sadd.s32 $0x380, s25  }
0x5e6: {  	v5 =	vld.idx.msk [tilespmem:v5+s9+$0x0], $0xffff  }
0x5e7: {  	v6 =	vld.idx.msk [tilespmem:v6+s9+$0x0], $0xffff  }
0x5e8: {  	v8 =	vld [tilespmem:s23+$0xA900]  }
0x5e9: {  	v9 =	vld.idx.msk [tilespmem:v21+s9+$0x0], $0xffff  }
0x5ea: {  	v10 =	vld.idx.msk [tilespmem:v19+s9+$0x0], $0xffff  }
0x5eb: {  	v4 =	vld.idx.msk [tilespmem:v4+s9+$0x0], $0xffff  }
0x5ec: {  	v11 =	vld.idx.msk [tilespmem:v1+s9+$0x0], $0xffff  }
0x5ed: {  	v12 =	vld.idx.msk [tilespmem:v2+s9+$0x0], $0xffff  }
0x5ee: {  	v2 =	vld.idx.msk [tilespmem:v3+s9+$0x0], $0xffff  }
0x5ef: {  	v1 =	vld.idx.msk [tilespmem:v22+s9+$0x0], $0xffff  }
0x5f0: {  	v3 =	vld.idx.msk [tilespmem:v8+s9+$0x0], $0xffff  }
0x5f1: {  	[tilespmem:s22+$0x18980] =	vst v9  }
0x5f2: {  	[tilespmem:s22+$0x18990] =	vst v4  }
0x5f3: {  	[tilespmem:s22+$0x189D0] =	vst v20  }
0x5f4: {  	[tilespmem:s22+$0x189C0] =	vst v5  }
0x5f5: {  	[tilespmem:s22+$0x189A0] =	vst v1  }
0x5f6: {  	[tilespmem:s22+$0x189E0] =	vst v7  }
0x5f7: {  	[tilespmem:s22+$0x189F0] =	vst v18  }
0x5f8: {  	[tilespmem:s22+$0x189B0] =	vst v6  }
0x5f9: {  	s26 =	sshra.s32 s26, $0x2;
	[tilespmem:s23+$0x18A00] =	vst v3;
	s23 =	sand.u32 $0xFE0, s24  }
0x5fa: {  	v1 =	vld [tilespmem:s26+$0xA950];
	[tilespmem:s22+$0x18A10] =	vst v2  }
0x5fb: {  	v2 =	vld [tilespmem:s26+$0xA940];
	[tilespmem:s22+$0x18A20] =	vst v10  }
0x5fc: {  	v8 =	vld [tilespmem:s26+$0xA930];
	[tilespmem:s22+$0x18A30] =	vst v0  }
0x5fd: {  	v19 =	vld [tilespmem:s26+$0xA920];
	[tilespmem:s22+$0x18A40] =	vst v12  }
0x5fe: {  	v3 =	vld [tilespmem:s26+$0xA910];
	[tilespmem:s22+$0x18A50] =	vst v11;
	s22 =	smov.u32 s26  }
0x5ff: {  	v0 =	vld [tilespmem:s22+$0xA8F0]  }
0x600: {  	v21 =	vld [tilespmem:s23+$0xA880]  }
0x601: {  	v9 =	vld [tilespmem:s22+$0xA8D0]  }
0x602: {  	v7 =	vld [tilespmem:s22+$0xA8E0]  }
0x603: {  	v5 =	vld [tilespmem:s22+$0xA8C0]  }
0x604: {  	v6 =	vld [tilespmem:s22+$0xA8B0]  }
.Ltmp14:
0x605: {  	v4 =	vld [tilespmem:s22+$0xA890];
	(pc) =	sbr.rel @p0 .LBB2_31-.Ltmp14, $4  }
0x606: {  	v22 =	vld [tilespmem:s22+$0xA8A0]  }
0x607: {  	v18 =	vld.idx.msk [tilespmem:v0+s9+$0x0], $0xffff  }
0x608: {  	v0 =	vld.idx.msk [tilespmem:v8+s9+$0x0], $0xffff  }
0x609: {  	v20 =	vld.idx.msk [tilespmem:v9+s9+$0x0], $0xffff  }
0x60a: {  	_ =	sdelay $0x3  }
0x60b: {  	v7 =	vld.idx.msk [tilespmem:v7+s9+$0x0], $0xffff  }
0x60c: {  	v5 =	vld.idx.msk [tilespmem:v5+s9+$0x0], $0xffff  }
0x60d: {  	v6 =	vld.idx.msk [tilespmem:v6+s9+$0x0], $0xffff  }
0x60e: {  	v8 =	vld [tilespmem:s23+$0xA900]  }
0x60f: {  	v9 =	vld.idx.msk [tilespmem:v21+s9+$0x0], $0xffff  }
0x610: {  	v10 =	vld.idx.msk [tilespmem:v19+s9+$0x0], $0xffff  }
0x611: {  	v4 =	vld.idx.msk [tilespmem:v4+s9+$0x0], $0xffff  }
0x612: {  	v1 =	vld.idx.msk [tilespmem:v1+s9+$0x0], $0xffff  }
0x613: {  	v2 =	vld.idx.msk [tilespmem:v2+s9+$0x0], $0xffff  }
0x614: {  	v3 =	vld.idx.msk [tilespmem:v3+s9+$0x0], $0xffff  }
0x615: {  	v11 =	vld.idx.msk [tilespmem:v22+s9+$0x0], $0xffff  }
0x616: {  	v8 =	vld.idx.msk [tilespmem:v8+s9+$0x0], $0xffff;
	[tilespmem:s22+$0x18980] =	vst v9  }
0x617: {  	[tilespmem:s22+$0x18990] =	vst v4  }
0x618: {  	[tilespmem:s22+$0x189D0] =	vst v20  }
0x619: {  	[tilespmem:s22+$0x189C0] =	vst v5  }
0x61a: {  	[tilespmem:s22+$0x189A0] =	vst v11  }
0x61b: {  	[tilespmem:s22+$0x189E0] =	vst v7  }
0x61c: {  	[tilespmem:s22+$0x189F0] =	vst v18  }
0x61d: {  	[tilespmem:s22+$0x189B0] =	vst v6  }
0x61e: {  	[tilespmem:s23+$0x18A00] =	vst v8  }
0x61f: {  	[tilespmem:s22+$0x18A10] =	vst v3  }
0x620: {  	[tilespmem:s22+$0x18A20] =	vst v10  }
0x621: {  	[tilespmem:s22+$0x18A30] =	vst v0  }
0x622: {  	[tilespmem:s22+$0x18A40] =	vst v2  }
0x623: {  	s31 =	sadd.s32 $0x1500, s21;
	s24 =	simm.s32 $0x0;
	[tilespmem:s22+$0x18A50] =	vst v1  }
0x624: {  	[hbm4b:s31+s24] =	stream.linear.scatter [tilespmem:s10], [sflag:$0x1], $0xE00, $0x38;
	[tilespmem:$0x1C180] =	vst v63  }
0x625: {  	_ =	swait.ge [sflag:s15], $0xE00  }
0x626: {  	[sflag:s15] =	ssyncset.done $0x0  }
0x627: {  	s22 =	simm.s32 $0x0;
	[sflag:s15] =	ssyncadd.s32 $0xFFFFF200  }
0x628: {  	v1 =	vld [tilespmem:s22+$0xB750]  }
0x629: {  	v2 =	vld [tilespmem:s22+$0xB740]  }
0x62a: {  	v0 =	vld [tilespmem:s22+$0xB730]  }
0x62b: {  	v19 =	vld [tilespmem:s22+$0xB720]  }
0x62c: {  	v3 =	vld [tilespmem:s22+$0xB710]  }
0x62d: {  	s23 =	sand.u32 $0xFE0, s24;
	v8 =	vld [tilespmem:s22+$0xB6F0]  }
0x62e: {  	v21 =	vld [tilespmem:s23+$0xB680]  }
0x62f: {  	v63 =	vld [tilespmem:s22+$0xB6D0]  }
0x630: {  	v7 =	vld [tilespmem:s22+$0xB6E0]  }
0x631: {  	v5 =	vld [tilespmem:s22+$0xB6C0]  }
0x632: {  	v6 =	vld [tilespmem:s22+$0xB6B0]  }
0x633: {  	v4 =	vld [tilespmem:s22+$0xB690]  }
0x634: {  	v22 =	vld [tilespmem:s22+$0xB6A0]  }
0x635: {  	v18 =	vld.idx.msk [tilespmem:v8+s9+$0x0], $0xffff  }
0x636: {  	v0 =	vld.idx.msk [tilespmem:v0+s9+$0x0], $0xffff  }
0x637: {  	s25 =	simm.s32 $0x380;
	v20 =	vld.idx.msk [tilespmem:v63+s9+$0x0], $0xffff  }
.LBB2_33:
0x638: {  	p0 =	sne.s32 s25, $0x3480  }
0x639: {  	v7 =	vld.idx.msk [tilespmem:v7+s9+$0x0], $0xffff;
	s24 =	sadd.s32 $0xE0, s24;
	s26 =	smov.u32 s25;
	s25 =	sadd.s32 $0x380, s25  }
0x63a: {  	v5 =	vld.idx.msk [tilespmem:v5+s9+$0x0], $0xffff  }
0x63b: {  	v6 =	vld.idx.msk [tilespmem:v6+s9+$0x0], $0xffff  }
0x63c: {  	v8 =	vld [tilespmem:s23+$0xB700]  }
0x63d: {  	v9 =	vld.idx.msk [tilespmem:v21+s9+$0x0], $0xffff  }
0x63e: {  	v10 =	vld.idx.msk [tilespmem:v19+s9+$0x0], $0xffff  }
0x63f: {  	v4 =	vld.idx.msk [tilespmem:v4+s9+$0x0], $0xffff  }
0x640: {  	v11 =	vld.idx.msk [tilespmem:v1+s9+$0x0], $0xffff  }
0x641: {  	v12 =	vld.idx.msk [tilespmem:v2+s9+$0x0], $0xffff  }
0x642: {  	v2 =	vld.idx.msk [tilespmem:v3+s9+$0x0], $0xffff  }
0x643: {  	v1 =	vld.idx.msk [tilespmem:v22+s9+$0x0], $0xffff  }
0x644: {  	v3 =	vld.idx.msk [tilespmem:v8+s9+$0x0], $0xffff  }
0x645: {  	[tilespmem:s22+$0x19780] =	vst v9  }
0x646: {  	[tilespmem:s22+$0x19790] =	vst v4  }
0x647: {  	[tilespmem:s22+$0x197D0] =	vst v20  }
0x648: {  	[tilespmem:s22+$0x197C0] =	vst v5  }
0x649: {  	[tilespmem:s22+$0x197A0] =	vst v1  }
0x64a: {  	[tilespmem:s22+$0x197E0] =	vst v7  }
0x64b: {  	[tilespmem:s22+$0x197F0] =	vst v18  }
0x64c: {  	[tilespmem:s22+$0x197B0] =	vst v6  }
0x64d: {  	s26 =	sshra.s32 s26, $0x2;
	[tilespmem:s23+$0x19800] =	vst v3;
	s23 =	sand.u32 $0xFE0, s24  }
0x64e: {  	v1 =	vld [tilespmem:s26+$0xB750];
	[tilespmem:s22+$0x19810] =	vst v2  }
0x64f: {  	v2 =	vld [tilespmem:s26+$0xB740];
	[tilespmem:s22+$0x19820] =	vst v10  }
0x650: {  	v8 =	vld [tilespmem:s26+$0xB730];
	[tilespmem:s22+$0x19830] =	vst v0  }
0x651: {  	v19 =	vld [tilespmem:s26+$0xB720];
	[tilespmem:s22+$0x19840] =	vst v12  }
0x652: {  	v3 =	vld [tilespmem:s26+$0xB710];
	[tilespmem:s22+$0x19850] =	vst v11;
	s22 =	smov.u32 s26  }
0x653: {  	v0 =	vld [tilespmem:s22+$0xB6F0]  }
0x654: {  	v21 =	vld [tilespmem:s23+$0xB680]  }
0x655: {  	v9 =	vld [tilespmem:s22+$0xB6D0]  }
0x656: {  	v7 =	vld [tilespmem:s22+$0xB6E0]  }
0x657: {  	v5 =	vld [tilespmem:s22+$0xB6C0]  }
0x658: {  	v6 =	vld [tilespmem:s22+$0xB6B0]  }
.Ltmp15:
0x659: {  	v4 =	vld [tilespmem:s22+$0xB690];
	(pc) =	sbr.rel @p0 .LBB2_33-.Ltmp15, $4  }
0x65a: {  	v22 =	vld [tilespmem:s22+$0xB6A0]  }
0x65b: {  	v18 =	vld.idx.msk [tilespmem:v0+s9+$0x0], $0xffff  }
0x65c: {  	v0 =	vld.idx.msk [tilespmem:v8+s9+$0x0], $0xffff  }
0x65d: {  	v20 =	vld.idx.msk [tilespmem:v9+s9+$0x0], $0xffff  }
0x65e: {  	_ =	sdelay $0x3  }
0x65f: {  	v7 =	vld.idx.msk [tilespmem:v7+s9+$0x0], $0xffff  }
0x660: {  	v5 =	vld.idx.msk [tilespmem:v5+s9+$0x0], $0xffff  }
0x661: {  	v6 =	vld.idx.msk [tilespmem:v6+s9+$0x0], $0xffff  }
0x662: {  	v8 =	vld [tilespmem:s23+$0xB700]  }
0x663: {  	v9 =	vld.idx.msk [tilespmem:v21+s9+$0x0], $0xffff  }
0x664: {  	v10 =	vld.idx.msk [tilespmem:v19+s9+$0x0], $0xffff  }
0x665: {  	v4 =	vld.idx.msk [tilespmem:v4+s9+$0x0], $0xffff  }
0x666: {  	v1 =	vld.idx.msk [tilespmem:v1+s9+$0x0], $0xffff  }
0x667: {  	v2 =	vld.idx.msk [tilespmem:v2+s9+$0x0], $0xffff  }
0x668: {  	v3 =	vld.idx.msk [tilespmem:v3+s9+$0x0], $0xffff  }
0x669: {  	v11 =	vld.idx.msk [tilespmem:v22+s9+$0x0], $0xffff  }
0x66a: {  	v8 =	vld.idx.msk [tilespmem:v8+s9+$0x0], $0xffff;
	[tilespmem:s22+$0x19780] =	vst v9  }
0x66b: {  	[tilespmem:s22+$0x19790] =	vst v4  }
0x66c: {  	[tilespmem:s22+$0x197D0] =	vst v20  }
0x66d: {  	[tilespmem:s22+$0x197C0] =	vst v5  }
0x66e: {  	[tilespmem:s22+$0x197A0] =	vst v11  }
0x66f: {  	[tilespmem:s22+$0x197E0] =	vst v7  }
0x670: {  	[tilespmem:s22+$0x197F0] =	vst v18  }
0x671: {  	[tilespmem:s22+$0x197B0] =	vst v6  }
0x672: {  	[tilespmem:s23+$0x19800] =	vst v8  }
0x673: {  	[tilespmem:s22+$0x19810] =	vst v3  }
0x674: {  	[tilespmem:s22+$0x19820] =	vst v10  }
0x675: {  	[tilespmem:s22+$0x19830] =	vst v0  }
0x676: {  	[tilespmem:s22+$0x19840] =	vst v2  }
0x677: {  	s21 =	sadd.s32 $0x16C0, s21;
	[tilespmem:s22+$0x19850] =	vst v1  }
0x678: {  	[hbm4b:s21+s3] =	stream.linear.scatter [tilespmem:s11], [sflag:$0x2], $0xE00, $0x38;
	[tilespmem:$0x1C180] =	vst v63  }
0x679: {  	_ =	swait.ge [sflag:s14], $0xE00  }
0x67a: {  	[sflag:s14] =	ssyncset.done $0x0  }
0x67b: {  	[sflag:s14] =	ssyncadd.s32 $0xFFFFF200  }
0x67c: {  	_ =	swait.ge [sflag:s15], $0xE00  }
0x67d: {  	[sflag:s15] =	ssyncset.done $0x0  }
0x67e: {  	s20 =	sadd.s32 $0x1, s20;
	[sflag:s15] =	ssyncadd.s32 $0xFFFFF200  }
0x67f: {  	p0 =	sne.s32 s20, $0x18;
	_ =	swait.ge [sflag:s16], $0xE00  }
.Ltmp16:
0x680: {  	[sflag:s16] =	ssyncset.done $0x0;
	(pc) =	sbr.rel @p0 .LBB2_4-.Ltmp16, $4  }
0x681: {  	[sflag:s16] =	ssyncadd.s32 $0xFFFFF200  }
0x682: {  	_ =	swait.ge [sflag:s17], $0xE00  }
0x683: {  	[sflag:s17] =	ssyncset.done $0x0  }
0x684: {  	[sflag:s17] =	ssyncadd.s32 $0xFFFFF200  }
0x685: {  	s18 =	sadd.s32 $0x1, s18  }
0x686: {  	p0 =	sne.s32 s18, s7  }
.Ltmp17:
0x687: {  	_ = 	snop;
	(pc) =	sbr.rel @p0 .LBB2_1-.Ltmp17, $1  }
0x688: {  	_ =	sdelay $0x3  }
0x689: {  	_ =	sfence.sel $0x180000  }
0x68a: {  	[bflag:$0x0] =	sbarrier.arrive $0xFFFF  }
0x68b: {  	p0 =	sne.s32 s2, $0x0;
	_ =	strace $0x90000047  }
0x68c: {  	s0 =	sadd.s32 @!p0 $0x100000, s1;
	[bflag:$0x2] =	sbarrier.arrive $0xFFFF  }
0x68d: {  	[sflag:s0] =	ssyncadd.tile.s32 @!p0 $0x1;
	_ =	shalt  }
.Lfunc_end2:
_tile_overlayer_lowered:
.L_overlay_start_2:
0x68e: {  	(tag) =	ssettag $0x2  }
0x68f: {  	s0 =	rddreg [dreg:$0x0];
	s2 =	stileid.u32  }
0x690: {  	s1 =	rddreg [dreg:$0x1];
	p0 =	sne.s32 s2, $0x0  }
0x691: {  	s3 =	rddreg [dreg:$0x2];
	[bflag:$0x3] =	sbarrier.arrive $0xFFFF;
	s2 =	simm.s32 @!p0 $0x1C05  }
0x692: {  	[timem:s3], [sflag:s2] =	dma.local @!p0 [hbm:s0], s1  }
0x693: {  	s0 =	simm.s32 @!p0 $0x5  }
0x694: {  	_ =	swait.ge @!p0 [sflag:s0], s1  }
0x695: {  	s1 =	ssub.s32 @!p0 $0x0, s1;
	[sflag:s0] =	ssyncset.done @!p0 $0x0  }
0x696: {  	[sflag:s0] =	ssyncadd.s32 @!p0 s1  }
0x697: {  	[bflag:$0x3] =	sbarrier.arrive $0xFFFF  }
0x698: {  	_ =	shalt  }

</sc_bundles>
